<compile_context>
chip_gen: v7x
topology: tpu7x:2x2x1
jax: 0.10.2.dev20260603
libtpu: 0.0.44.dev20260713+nightly
codegen_flags: <defaults>
</compile_context>

<pallas_src>
import functools

import jax
import jax.numpy as jnp
from jax import lax
from jax.experimental import pallas as pl
from jax.experimental.pallas import tpu as pltpu
from jax.experimental.pallas import tpu_sc as plsc

B, C, M, W = 16, 4, 32, 16
D_MODEL = 256
D_K = 64
N = B * C * M
TOK = N * W

NC, NS = 2, 16
NW = NC * NS
CHUNK = 64
NBUF = 5


def _sc_gather(table, ids, num_cores=NC):
  ntok = ids.shape[0]
  nw = num_cores * NS
  tpw = ntok // nw
  cpw = tpw // CHUNK
  mesh = plsc.VectorSubcoreMesh(core_axis_name="c", subcore_axis_name="s",
                                num_cores=num_cores)

  @functools.partial(
      pl.kernel,
      mesh=mesh,
      out_type=jax.ShapeDtypeStruct((ntok, D_MODEL), jnp.float32),
      scratch_types=[
          pltpu.VMEM((tpw,), jnp.int32),
          pltpu.VMEM((NBUF, CHUNK, D_MODEL), jnp.float32),
      ] + [pltpu.SemaphoreType.DMA] * (2 * NBUF),
  )
  def gather_kernel(table_hbm, ids_hbm, out_hbm, idx_v, rows_v, *sems):
    CPW = cpw
    wid = lax.axis_index("s") * num_cores + lax.axis_index("c")
    base = wid * tpw
    pltpu.sync_copy(ids_hbm.at[pl.ds(base, tpw)], idx_v)
    gsems = list(sems[:NBUF])
    wsems = list(sems[NBUF:])

    def gstart(g):
      b = g % NBUF
      return pltpu.async_copy(
          table_hbm.at[idx_v.at[pl.ds(g * CHUNK, CHUNK)]],
          rows_v.at[b], gsems[b])

    gh = [None] * CPW
    wh = [None] * CPW
    for g in range(min(NBUF, CPW)):
      gh[g] = gstart(g)
    for g in range(CPW):
      b = g % NBUF
      gh[g].wait()
      wh[g] = pltpu.async_copy(
          rows_v.at[b], out_hbm.at[pl.ds(base + g * CHUNK, CHUNK)], wsems[b])
      if g + NBUF < CPW:
        wh[g].wait()
        gh[g + NBUF] = gstart(g + NBUF)
    for g in range(max(0, CPW - NBUF), CPW):
      wh[g].wait()

  return gather_kernel(table, ids)


NPB = N // B


BPG = 4


def _tc_body(bags_ref, h_ref, wp_ref, bp_ref, wq_ref, bq_ref, v_ref,
             lens_ref, szs_ref, out_ref):
  flat = bags_ref[...]
  pre = jnp.dot(flat.astype(jnp.bfloat16), wp_ref[...].astype(jnp.bfloat16),
                preferred_element_type=jnp.float32) + bp_ref[...]
  tpb = W * NPB
  for bb in range(BPG):
    q = jnp.dot(h_ref[bb], wq_ref[...],
                preferred_element_type=jnp.float32) + bq_ref[...]
    e = jnp.dot(jnp.tanh(pre[bb * tpb:(bb + 1) * tpb] + q), v_ref[...],
                preferred_element_type=jnp.float32)
    p = jnp.exp(e)
    lens = lens_ref[bb * NPB:(bb + 1) * NPB]
    ps = []
    denom = None
    for w in range(W):
      pw = p[w * NPB:(w + 1) * NPB] * (lens > float(w)).astype(jnp.float32)
      ps.append(pw)
      denom = pw if w == 0 else denom + pw
    mpos = lax.broadcasted_iota(jnp.int32, (NPB, 1), 0) % M
    nmask = (mpos.astype(jnp.float32) < szs_ref[bb * NPB:(bb + 1) * NPB]
             ).astype(jnp.float32)
    scale = nmask / denom
    base = bb * tpb
    ctx = ps[0] * scale * flat[base:base + NPB]
    for w in range(1, W):
      ctx = ctx + (ps[w] * scale) * flat[base + w * NPB:base + (w + 1) * NPB]
    out_ref[bb * NPB:(bb + 1) * NPB, :] = ctx


def _tc_attention(bags_t, hidden, W_pre, b_pre, W_q, b_q, v_att,
                  lens_node, sizes_node, off_b, ctx_init=None):
  nb = bags_t.shape[0] // (W * NPB)
  in_specs = [
      pl.BlockSpec((BPG * W * NPB, D_MODEL), lambda i: (i, 0)),
      pl.BlockSpec((BPG, 1, D_MODEL), lambda i: (i + off_b, 0, 0)),
      pl.BlockSpec((D_MODEL, D_K), lambda i: (0, 0)),
      pl.BlockSpec((1, D_K), lambda i: (0, 0)),
      pl.BlockSpec((D_MODEL, D_K), lambda i: (0, 0)),
      pl.BlockSpec((1, D_K), lambda i: (0, 0)),
      pl.BlockSpec((D_K, 1), lambda i: (0, 0)),
      pl.BlockSpec((BPG * NPB, 1), lambda i: (i + off_b, 0)),
      pl.BlockSpec((BPG * NPB, 1), lambda i: (i + off_b, 0)),
  ]
  args = [bags_t, hidden, W_pre, b_pre, W_q, b_q, v_att,
          lens_node, sizes_node]
  body = _tc_body
  aliases = {}
  if ctx_init is not None:
    in_specs.append(pl.BlockSpec(memory_space=pltpu.MemorySpace.HBM))
    args.append(ctx_init)
    aliases = {9: 0}
    body = lambda *refs: _tc_body(*refs[:9], refs[10])
  return pl.pallas_call(
      body,
      grid=(nb // BPG,),
      in_specs=in_specs,
      out_specs=pl.BlockSpec((BPG * NPB, D_MODEL), lambda i: (i + off_b, 0)),
      out_shape=jax.ShapeDtypeStruct((N, D_MODEL), jnp.float32),
      input_output_aliases=aliases,
  )(*args)


NSPLIT = 2


def kernel(con_hidden, emb_table, W_pre, b_pre, W_q, b_q, v_att,
           token_ids, node_lengths, node_sizes):
  hidden = jnp.concatenate([con_hidden[0], con_hidden[1]], axis=1)
  ids3 = token_ids.reshape(B, NPB, W).swapaxes(1, 2)
  lens_node = node_lengths.astype(jnp.float32).reshape(N, 1)
  sizes_node = jnp.repeat(node_sizes, M).astype(jnp.float32).reshape(N, 1)
  h3 = hidden.reshape(B, 1, D_MODEL)
  bp2, bq2, v2 = b_pre.reshape(1, D_K), b_q.reshape(1, D_K), v_att.reshape(D_K, 1)
  nh = N // NSPLIT
  bh = B // NSPLIT
  bags = [
      _sc_gather(emb_table, ids3[k * bh:(k + 1) * bh].reshape(bh * W * NPB))
      for k in range(NSPLIT)
  ]
  ctx = None
  for k in range(NSPLIT):
    ctx = _tc_attention(bags[k], h3, W_pre, bp2, W_q, bq2, v2,
                        lens_node, sizes_node,
                        off_b=k * (bh // BPG), ctx_init=ctx)
  return (ctx.reshape(B, C, M, D_MODEL), hidden)

# --- scband reference (transcript-rebuilt; emitter-appended) ---
"""Pipeline reference for scband-encoder-transformer-35631048688190 (READ-ONLY COPY).

The authoritative reference and input builder live on the scoring server;
editing this copy changes nothing except your own understanding.
"""

import jax, jax.numpy as jnp
import numpy as np

B, C, M, W = 16, 4, 32, 16
D_MODEL = 256
D_K = 64
N_VOCAB = 100000


def setup_inputs(seed: int = 0) -> dict:
    key = jax.random.key(seed)
    ks = jax.random.split(key, 10)
    con_hidden = jax.random.normal(ks[0], (2, B, D_MODEL // 2), dtype=jnp.float32)
    token_ids = jax.random.randint(ks[1], (B, C, M, W), 0, N_VOCAB, dtype=jnp.int32)
    node_lengths = jax.random.randint(ks[2], (B * C * M,), 1, W + 1, dtype=jnp.int32)
    node_sizes = jax.random.randint(ks[3], (B * C,), 1, M + 1, dtype=jnp.int32)
    emb_table = jax.random.normal(ks[4], (N_VOCAB, D_MODEL), dtype=jnp.float32) * 0.02
    emb_table = emb_table.at[0].set(0.0)  # padding_idx = Constants.PAD = 0
    W_pre = jax.random.normal(ks[5], (D_MODEL, D_K), dtype=jnp.float32) * 0.05
    b_pre = jnp.zeros((D_K,), dtype=jnp.float32)
    W_q = jax.random.normal(ks[6], (D_MODEL, D_K), dtype=jnp.float32) * 0.05
    b_q = jnp.zeros((D_K,), dtype=jnp.float32)
    v_att = jax.random.normal(ks[7], (D_K,), dtype=jnp.float32) * 0.05
    return {
        'con_hidden': con_hidden,
        'emb_table': emb_table,
        'W_pre': W_pre,
        'b_pre': b_pre,
        'W_q': W_q,
        'b_q': b_q,
        'v_att': v_att,
        'token_ids': token_ids,
        'node_lengths': node_lengths,
        'node_sizes': node_sizes,
    }


def reference(con_hidden, emb_table, W_pre, b_pre, W_q, b_q, v_att, token_ids, node_lengths, node_sizes):
    # hidden = cat(bidirectional hidden states) -> [B, d_model]
    hidden = jnp.concatenate([con_hidden[0], con_hidden[1]], axis=1)
    N = B * C * M
    ids = token_ids.reshape(N, W)
    # word embedding gather (padding rows already zero in the table)
    bags = jnp.take(emb_table, ids, axis=0)  # [N, W, d_model]
    # zero-pad beyond each node's word length (mirrors pad() filling with zeros)
    wmask = jnp.arange(W)[None, :] < node_lengths[:, None]  # [N, W]
    bags = bags * wmask[..., None].astype(bags.dtype)
    # every node of sample b attends with root query hidden[b]
    roots = jnp.broadcast_to(hidden[:, None, None, :], (B, C, M, D_MODEL)).reshape(N, D_MODEL)
    # ConcatAttention: score = v^T tanh(W_pre*ctx + W_q*q)
    pre = bags @ W_pre + b_pre  # [N, W, d_k]
    qproj = roots @ W_q + b_q  # [N, d_k]
    energy = jnp.tanh(pre + qproj[:, None, :]) @ v_att  # [N, W]
    energy = jnp.where(wmask, energy, -1e9)
    attn = jax.nn.softmax(energy, axis=-1)
    context = jnp.sum(attn[..., None] * bags, axis=1)  # [N, d_model]
    # repack contexts into [B, max_cross, max_node_size, d_word_vec] padded with PAD=0
    sizes = node_sizes.reshape(B, C)
    nmask = (jnp.arange(M)[None, None, :] < sizes[:, :, None]).astype(context.dtype)  # [B, C, M]
    cross_bags_out = context.reshape(B, C, M, D_MODEL) * nmask[..., None]
    return (cross_bags_out, hidden)

if __name__ == "__main__":
    import jax
    _d = setup_inputs()
    print(jax.jit(kernel)(*tuple(_d.values())))

</pallas_src>

<mosaic_0001>
#map = affine_map<(d0, d1) -> (0, 0)>
#map1 = affine_map<(d0, d1) -> (0)>
module attributes {stable_mosaic.version = 14 : i64} {
  func.func @gather_kernel(%arg0: i32, %arg1: i32, %arg2: memref<100000x256xf32, #tpu.memory_space<hbm>>, %arg3: memref<16384xi32, #tpu.memory_space<hbm>>, %arg4: memref<16384x256xf32, #tpu.memory_space<hbm>>, %arg5: memref<512xi32, #tpu.memory_space<vmem>>, %arg6: memref<5x64x256xf32, #tpu.memory_space<vmem>>, %arg7: memref<!tpu.dma_semaphore, #tpu.memory_space<semaphore_mem>>, %arg8: memref<!tpu.dma_semaphore, #tpu.memory_space<semaphore_mem>>, %arg9: memref<!tpu.dma_semaphore, #tpu.memory_space<semaphore_mem>>, %arg10: memref<!tpu.dma_semaphore, #tpu.memory_space<semaphore_mem>>, %arg11: memref<!tpu.dma_semaphore, #tpu.memory_space<semaphore_mem>>, %arg12: memref<!tpu.dma_semaphore, #tpu.memory_space<semaphore_mem>>, %arg13: memref<!tpu.dma_semaphore, #tpu.memory_space<semaphore_mem>>, %arg14: memref<!tpu.dma_semaphore, #tpu.memory_space<semaphore_mem>>, %arg15: memref<!tpu.dma_semaphore, #tpu.memory_space<semaphore_mem>>, %arg16: memref<!tpu.dma_semaphore, #tpu.memory_space<semaphore_mem>>) attributes {dimension_semantics = [#tpu.dimension_semantics<core_parallel>, #tpu.dimension_semantics<subcore_parallel>], iteration_bounds = array<i64: 2, 16>, scalar_prefetch = 0 : i64, scratch_operands = 12 : i64, tpu.core_type = #tpu.core_type<sc_vector_subcore>, window_params = [{transform_indices = #map}, {transform_indices = #map1}, {transform_indices = #map}]} {
    %mul3A = arith.constant 2 : i32
    %mul3A_0 = arith.muli %arg1, %mul3A : i32
    %add3A = arith.addi %mul3A_0, %arg0 : i32
    %mul3A_1 = arith.constant 512 : i32
    %mul3A_2 = arith.muli %add3A, %mul3A_1 : i32
    "tpu.region"() ({
      %run_scoped3A = tpu.sem_alloc : memref<!tpu.dma_semaphore, #tpu.memory_space<semaphore_mem>>
      %dma_start3A_385 = tpu.memref_slice %arg3[%mul3A_2] : memref<16384xi32, #tpu.memory_space<hbm>> -> memref<512xi32, #tpu.memory_space<hbm>>
      %dma_start3A_386 = tpu.memref_slice %arg3[%mul3A_2] : memref<16384xi32, #tpu.memory_space<hbm>> -> memref<512xi32, #tpu.memory_space<hbm>>
      tpu.enqueue_dma source(%dma_start3A_386 : memref<512xi32, #tpu.memory_space<hbm>>) target(%arg5 : memref<512xi32, #tpu.memory_space<vmem>>) target_semaphore(%run_scoped3A : memref<!tpu.dma_semaphore, #tpu.memory_space<semaphore_mem>>)
      %dma_wait3A_387 = tpu.memref_slice %arg3[%mul3A_2] : memref<16384xi32, #tpu.memory_space<hbm>> -> memref<512xi32, #tpu.memory_space<hbm>>
      %dma_wait3A_388 = tpu.memref_slice %arg3[%mul3A_2] : memref<16384xi32, #tpu.memory_space<hbm>> -> memref<512xi32, #tpu.memory_space<hbm>>
      tpu.wait_dma2 semaphore(%run_scoped3A : memref<!tpu.dma_semaphore, #tpu.memory_space<semaphore_mem>>) src(%dma_wait3A_388 : memref<512xi32, #tpu.memory_space<hbm>>) dst(%arg5 : memref<512xi32, #tpu.memory_space<vmem>>)
      tpu.yield
    }) : () -> ()
    %dma_start3A = arith.constant 0 : i32
    %dma_start3A_3 = arith.constant 0 : i32
    %dma_start3A_4 = arith.constant 0 : i32
    %dma_start3A_5 = tpu.memref_slice %arg6[%dma_start3A, %dma_start3A_3, %dma_start3A_4] : memref<5x64x256xf32, #tpu.memory_space<vmem>> -> memref<1x64x256xf32, #tpu.memory_space<vmem>>
    %dma_start3A_6 = tpu.memref_squeeze %dma_start3A_5 : memref<1x64x256xf32, #tpu.memory_space<vmem>> -> memref<64x256xf32, #tpu.memory_space<vmem>>
    %dma_start3A_7 = arith.constant 0 : i32
    %dma_start3A_8 = tpu.memref_slice %arg5[%dma_start3A_7] : memref<512xi32, #tpu.memory_space<vmem>> -> memref<64xi32, #tpu.memory_space<vmem>>
    %dma_start3A_9 = arith.constant 0 : i32
    %dma_start3A_10 = arith.constant 0 : i32
    %dma_start3A_11 = tpu.memref_slice %arg2[%dma_start3A_9, %dma_start3A_10] : memref<100000x256xf32, #tpu.memory_space<hbm>> -> memref<100000x256xf32, #tpu.memory_space<hbm>>
    tpu.enqueue_indirect_dma source(%dma_start3A_11 : memref<100000x256xf32, #tpu.memory_space<hbm>>) target(%dma_start3A_6 : memref<64x256xf32, #tpu.memory_space<vmem>>) offsets(%dma_start3A_8 : memref<64xi32, #tpu.memory_space<vmem>>) semaphore(%arg7 : memref<!tpu.dma_semaphore, #tpu.memory_space<semaphore_mem>>)
    %dma_start3A_12 = arith.constant 1 : i32
    %dma_start3A_13 = arith.constant 0 : i32
    %dma_start3A_14 = arith.constant 0 : i32
    %dma_start3A_15 = tpu.memref_slice %arg6[%dma_start3A_12, %dma_start3A_13, %dma_start3A_14] : memref<5x64x256xf32, #tpu.memory_space<vmem>> -> memref<1x64x256xf32, #tpu.memory_space<vmem>>
    %dma_start3A_16 = tpu.memref_squeeze %dma_start3A_15 : memref<1x64x256xf32, #tpu.memory_space<vmem>> -> memref<64x256xf32, #tpu.memory_space<vmem>>
    %dma_start3A_17 = arith.constant 64 : i32
    %dma_start3A_18 = tpu.memref_slice %arg5[%dma_start3A_17] : memref<512xi32, #tpu.memory_space<vmem>> -> memref<64xi32, #tpu.memory_space<vmem>>
    %dma_start3A_19 = arith.constant 0 : i32
    %dma_start3A_20 = arith.constant 0 : i32
    %dma_start3A_21 = tpu.memref_slice %arg2[%dma_start3A_19, %dma_start3A_20] : memref<100000x256xf32, #tpu.memory_space<hbm>> -> memref<100000x256xf32, #tpu.memory_space<hbm>>
    tpu.enqueue_indirect_dma source(%dma_start3A_21 : memref<100000x256xf32, #tpu.memory_space<hbm>>) target(%dma_start3A_16 : memref<64x256xf32, #tpu.memory_space<vmem>>) offsets(%dma_start3A_18 : memref<64xi32, #tpu.memory_space<vmem>>) semaphore(%arg8 : memref<!tpu.dma_semaphore, #tpu.memory_space<semaphore_mem>>)
    %dma_start3A_22 = arith.constant 2 : i32
    %dma_start3A_23 = arith.constant 0 : i32
    %dma_start3A_24 = arith.constant 0 : i32
    %dma_start3A_25 = tpu.memref_slice %arg6[%dma_start3A_22, %dma_start3A_23, %dma_start3A_24] : memref<5x64x256xf32, #tpu.memory_space<vmem>> -> memref<1x64x256xf32, #tpu.memory_space<vmem>>
    %dma_start3A_26 = tpu.memref_squeeze %dma_start3A_25 : memref<1x64x256xf32, #tpu.memory_space<vmem>> -> memref<64x256xf32, #tpu.memory_space<vmem>>
    %dma_start3A_27 = arith.constant 128 : i32
    %dma_start3A_28 = tpu.memref_slice %arg5[%dma_start3A_27] : memref<512xi32, #tpu.memory_space<vmem>> -> memref<64xi32, #tpu.memory_space<vmem>>
    %dma_start3A_29 = arith.constant 0 : i32
    %dma_start3A_30 = arith.constant 0 : i32
    %dma_start3A_31 = tpu.memref_slice %arg2[%dma_start3A_29, %dma_start3A_30] : memref<100000x256xf32, #tpu.memory_space<hbm>> -> memref<100000x256xf32, #tpu.memory_space<hbm>>
    tpu.enqueue_indirect_dma source(%dma_start3A_31 : memref<100000x256xf32, #tpu.memory_space<hbm>>) target(%dma_start3A_26 : memref<64x256xf32, #tpu.memory_space<vmem>>) offsets(%dma_start3A_28 : memref<64xi32, #tpu.memory_space<vmem>>) semaphore(%arg9 : memref<!tpu.dma_semaphore, #tpu.memory_space<semaphore_mem>>)
    %dma_start3A_32 = arith.constant 3 : i32
    %dma_start3A_33 = arith.constant 0 : i32
    %dma_start3A_34 = arith.constant 0 : i32
    %dma_start3A_35 = tpu.memref_slice %arg6[%dma_start3A_32, %dma_start3A_33, %dma_start3A_34] : memref<5x64x256xf32, #tpu.memory_space<vmem>> -> memref<1x64x256xf32, #tpu.memory_space<vmem>>
    %dma_start3A_36 = tpu.memref_squeeze %dma_start3A_35 : memref<1x64x256xf32, #tpu.memory_space<vmem>> -> memref<64x256xf32, #tpu.memory_space<vmem>>
    %dma_start3A_37 = arith.constant 192 : i32
    %dma_start3A_38 = tpu.memref_slice %arg5[%dma_start3A_37] : memref<512xi32, #tpu.memory_space<vmem>> -> memref<64xi32, #tpu.memory_space<vmem>>
    %dma_start3A_39 = arith.constant 0 : i32
    %dma_start3A_40 = arith.constant 0 : i32
    %dma_start3A_41 = tpu.memref_slice %arg2[%dma_start3A_39, %dma_start3A_40] : memref<100000x256xf32, #tpu.memory_space<hbm>> -> memref<100000x256xf32, #tpu.memory_space<hbm>>
    tpu.enqueue_indirect_dma source(%dma_start3A_41 : memref<100000x256xf32, #tpu.memory_space<hbm>>) target(%dma_start3A_36 : memref<64x256xf32, #tpu.memory_space<vmem>>) offsets(%dma_start3A_38 : memref<64xi32, #tpu.memory_space<vmem>>) semaphore(%arg10 : memref<!tpu.dma_semaphore, #tpu.memory_space<semaphore_mem>>)
    %dma_start3A_42 = arith.constant 4 : i32
    %dma_start3A_43 = arith.constant 0 : i32
    %dma_start3A_44 = arith.constant 0 : i32
    %dma_start3A_45 = tpu.memref_slice %arg6[%dma_start3A_42, %dma_start3A_43, %dma_start3A_44] : memref<5x64x256xf32, #tpu.memory_space<vmem>> -> memref<1x64x256xf32, #tpu.memory_space<vmem>>
    %dma_start3A_46 = tpu.memref_squeeze %dma_start3A_45 : memref<1x64x256xf32, #tpu.memory_space<vmem>> -> memref<64x256xf32, #tpu.memory_space<vmem>>
    %dma_start3A_47 = arith.constant 256 : i32
    %dma_start3A_48 = tpu.memref_slice %arg5[%dma_start3A_47] : memref<512xi32, #tpu.memory_space<vmem>> -> memref<64xi32, #tpu.memory_space<vmem>>
    %dma_start3A_49 = arith.constant 0 : i32
    %dma_start3A_50 = arith.constant 0 : i32
    %dma_start3A_51 = tpu.memref_slice %arg2[%dma_start3A_49, %dma_start3A_50] : memref<100000x256xf32, #tpu.memory_space<hbm>> -> memref<100000x256xf32, #tpu.memory_space<hbm>>
    tpu.enqueue_indirect_dma source(%dma_start3A_51 : memref<100000x256xf32, #tpu.memory_space<hbm>>) target(%dma_start3A_46 : memref<64x256xf32, #tpu.memory_space<vmem>>) offsets(%dma_start3A_48 : memref<64xi32, #tpu.memory_space<vmem>>) semaphore(%arg11 : memref<!tpu.dma_semaphore, #tpu.memory_space<semaphore_mem>>)
    %dma_wait3A = arith.constant 0 : i32
    %dma_wait3A_52 = arith.constant 0 : i32
    %dma_wait3A_53 = arith.constant 0 : i32
    %dma_wait3A_54 = tpu.memref_slice %arg6[%dma_wait3A, %dma_wait3A_52, %dma_wait3A_53] : memref<5x64x256xf32, #tpu.memory_space<vmem>> -> memref<1x64x256xf32, #tpu.memory_space<vmem>>
    %dma_wait3A_55 = tpu.memref_squeeze %dma_wait3A_54 : memref<1x64x256xf32, #tpu.memory_space<vmem>> -> memref<64x256xf32, #tpu.memory_space<vmem>>
    %dma_wait3A_56 = arith.constant 0 : i32
    %dma_wait3A_57 = tpu.memref_slice %arg5[%dma_wait3A_56] : memref<512xi32, #tpu.memory_space<vmem>> -> memref<64xi32, #tpu.memory_space<vmem>>
    %dma_wait3A_58 = arith.constant 0 : i32
    %dma_wait3A_59 = arith.constant 0 : i32
    %dma_wait3A_60 = tpu.memref_slice %arg2[%dma_wait3A_58, %dma_wait3A_59] : memref<100000x256xf32, #tpu.memory_space<hbm>> -> memref<100000x256xf32, #tpu.memory_space<hbm>>
    tpu.wait_indirect_dma semaphore(%arg7 : memref<!tpu.dma_semaphore, #tpu.memory_space<semaphore_mem>>) src(%dma_wait3A_60 : memref<100000x256xf32, #tpu.memory_space<hbm>>) dst(%dma_wait3A_55 : memref<64x256xf32, #tpu.memory_space<vmem>>)
    %add3A_61 = arith.constant 0 : i32
    %add3A_62 = arith.addi %mul3A_2, %add3A_61 : i32
    %dma_start3A_63 = arith.constant 0 : i32
    %dma_start3A_64 = arith.constant 0 : i32
    %dma_start3A_65 = arith.constant 0 : i32
    %dma_start3A_66 = tpu.memref_slice %arg6[%dma_start3A_63, %dma_start3A_64, %dma_start3A_65] : memref<5x64x256xf32, #tpu.memory_space<vmem>> -> memref<1x64x256xf32, #tpu.memory_space<vmem>>
    %dma_start3A_67 = tpu.memref_squeeze %dma_start3A_66 : memref<1x64x256xf32, #tpu.memory_space<vmem>> -> memref<64x256xf32, #tpu.memory_space<vmem>>
    %dma_start3A_68 = arith.constant 0 : i32
    %dma_start3A_69 = tpu.memref_slice %arg4[%add3A_62, %dma_start3A_68] : memref<16384x256xf32, #tpu.memory_space<hbm>> -> memref<64x256xf32, #tpu.memory_space<hbm>>
    %dma_start3A_70 = arith.constant 0 : i32
    %dma_start3A_71 = tpu.memref_slice %arg4[%add3A_62, %dma_start3A_70] : memref<16384x256xf32, #tpu.memory_space<hbm>> -> memref<64x256xf32, #tpu.memory_space<hbm>>
    %dma_start3A_72 = arith.constant 0 : i32
    %dma_start3A_73 = arith.constant 0 : i32
    %dma_start3A_74 = tpu.memref_slice %arg6[%dma_start3A_63, %dma_start3A_72, %dma_start3A_73] : memref<5x64x256xf32, #tpu.memory_space<vmem>> -> memref<1x64x256xf32, #tpu.memory_space<vmem>>
    %dma_start3A_75 = tpu.memref_squeeze %dma_start3A_74 : memref<1x64x256xf32, #tpu.memory_space<vmem>> -> memref<64x256xf32, #tpu.memory_space<vmem>>
    tpu.enqueue_dma source(%dma_start3A_75 : memref<64x256xf32, #tpu.memory_space<vmem>>) target(%dma_start3A_71 : memref<64x256xf32, #tpu.memory_space<hbm>>) target_semaphore(%arg12 : memref<!tpu.dma_semaphore, #tpu.memory_space<semaphore_mem>>)
    %dma_wait3A_76 = arith.constant 0 : i32
    %dma_wait3A_77 = arith.constant 0 : i32
    %dma_wait3A_78 = arith.constant 0 : i32
    %dma_wait3A_79 = tpu.memref_slice %arg6[%dma_wait3A_76, %dma_wait3A_77, %dma_wait3A_78] : memref<5x64x256xf32, #tpu.memory_space<vmem>> -> memref<1x64x256xf32, #tpu.memory_space<vmem>>
    %dma_wait3A_80 = tpu.memref_squeeze %dma_wait3A_79 : memref<1x64x256xf32, #tpu.memory_space<vmem>> -> memref<64x256xf32, #tpu.memory_space<vmem>>
    %dma_wait3A_81 = arith.constant 0 : i32
    %dma_wait3A_82 = tpu.memref_slice %arg4[%add3A_62, %dma_wait3A_81] : memref<16384x256xf32, #tpu.memory_space<hbm>> -> memref<64x256xf32, #tpu.memory_space<hbm>>
    %dma_wait3A_83 = arith.constant 0 : i32
    %dma_wait3A_84 = tpu.memref_slice %arg4[%add3A_62, %dma_wait3A_83] : memref<16384x256xf32, #tpu.memory_space<hbm>> -> memref<64x256xf32, #tpu.memory_space<hbm>>
    %dma_wait3A_85 = arith.constant 0 : i32
    %dma_wait3A_86 = arith.constant 0 : i32
    %dma_wait3A_87 = tpu.memref_slice %arg6[%dma_wait3A_76, %dma_wait3A_85, %dma_wait3A_86] : memref<5x64x256xf32, #tpu.memory_space<vmem>> -> memref<1x64x256xf32, #tpu.memory_space<vmem>>
    %dma_wait3A_88 = tpu.memref_squeeze %dma_wait3A_87 : memref<1x64x256xf32, #tpu.memory_space<vmem>> -> memref<64x256xf32, #tpu.memory_space<vmem>>
    tpu.wait_dma2 semaphore(%arg12 : memref<!tpu.dma_semaphore, #tpu.memory_space<semaphore_mem>>) src(%dma_wait3A_88 : memref<64x256xf32, #tpu.memory_space<vmem>>) dst(%dma_wait3A_84 : memref<64x256xf32, #tpu.memory_space<hbm>>)
    %dma_start3A_89 = arith.constant 0 : i32
    %dma_start3A_90 = arith.constant 0 : i32
    %dma_start3A_91 = arith.constant 0 : i32
    %dma_start3A_92 = tpu.memref_slice %arg6[%dma_start3A_89, %dma_start3A_90, %dma_start3A_91] : memref<5x64x256xf32, #tpu.memory_space<vmem>> -> memref<1x64x256xf32, #tpu.memory_space<vmem>>
    %dma_start3A_93 = tpu.memref_squeeze %dma_start3A_92 : memref<1x64x256xf32, #tpu.memory_space<vmem>> -> memref<64x256xf32, #tpu.memory_space<vmem>>
    %dma_start3A_94 = arith.constant 320 : i32
    %dma_start3A_95 = tpu.memref_slice %arg5[%dma_start3A_94] : memref<512xi32, #tpu.memory_space<vmem>> -> memref<64xi32, #tpu.memory_space<vmem>>
    %dma_start3A_96 = arith.constant 0 : i32
    %dma_start3A_97 = arith.constant 0 : i32
    %dma_start3A_98 = tpu.memref_slice %arg2[%dma_start3A_96, %dma_start3A_97] : memref<100000x256xf32, #tpu.memory_space<hbm>> -> memref<100000x256xf32, #tpu.memory_space<hbm>>
    tpu.enqueue_indirect_dma source(%dma_start3A_98 : memref<100000x256xf32, #tpu.memory_space<hbm>>) target(%dma_start3A_93 : memref<64x256xf32, #tpu.memory_space<vmem>>) offsets(%dma_start3A_95 : memref<64xi32, #tpu.memory_space<vmem>>) semaphore(%arg7 : memref<!tpu.dma_semaphore, #tpu.memory_space<semaphore_mem>>)
    %dma_wait3A_99 = arith.constant 1 : i32
    %dma_wait3A_100 = arith.constant 0 : i32
    %dma_wait3A_101 = arith.constant 0 : i32
    %dma_wait3A_102 = tpu.memref_slice %arg6[%dma_wait3A_99, %dma_wait3A_100, %dma_wait3A_101] : memref<5x64x256xf32, #tpu.memory_space<vmem>> -> memref<1x64x256xf32, #tpu.memory_space<vmem>>
    %dma_wait3A_103 = tpu.memref_squeeze %dma_wait3A_102 : memref<1x64x256xf32, #tpu.memory_space<vmem>> -> memref<64x256xf32, #tpu.memory_space<vmem>>
    %dma_wait3A_104 = arith.constant 64 : i32
    %dma_wait3A_105 = tpu.memref_slice %arg5[%dma_wait3A_104] : memref<512xi32, #tpu.memory_space<vmem>> -> memref<64xi32, #tpu.memory_space<vmem>>
    %dma_wait3A_106 = arith.constant 0 : i32
    %dma_wait3A_107 = arith.constant 0 : i32
    %dma_wait3A_108 = tpu.memref_slice %arg2[%dma_wait3A_106, %dma_wait3A_107] : memref<100000x256xf32, #tpu.memory_space<hbm>> -> memref<100000x256xf32, #tpu.memory_space<hbm>>
    tpu.wait_indirect_dma semaphore(%arg8 : memref<!tpu.dma_semaphore, #tpu.memory_space<semaphore_mem>>) src(%dma_wait3A_108 : memref<100000x256xf32, #tpu.memory_space<hbm>>) dst(%dma_wait3A_103 : memref<64x256xf32, #tpu.memory_space<vmem>>)
    %add3A_109 = arith.constant 64 : i32
    %add3A_110 = arith.addi %mul3A_2, %add3A_109 : i32
    %dma_start3A_111 = arith.constant 1 : i32
    %dma_start3A_112 = arith.constant 0 : i32
    %dma_start3A_113 = arith.constant 0 : i32
    %dma_start3A_114 = tpu.memref_slice %arg6[%dma_start3A_111, %dma_start3A_112, %dma_start3A_113] : memref<5x64x256xf32, #tpu.memory_space<vmem>> -> memref<1x64x256xf32, #tpu.memory_space<vmem>>
    %dma_start3A_115 = tpu.memref_squeeze %dma_start3A_114 : memref<1x64x256xf32, #tpu.memory_space<vmem>> -> memref<64x256xf32, #tpu.memory_space<vmem>>
    %dma_start3A_116 = arith.constant 0 : i32
    %dma_start3A_117 = tpu.memref_slice %arg4[%add3A_110, %dma_start3A_116] : memref<16384x256xf32, #tpu.memory_space<hbm>> -> memref<64x256xf32, #tpu.memory_space<hbm>>
    %dma_start3A_118 = arith.constant 0 : i32
    %dma_start3A_119 = tpu.memref_slice %arg4[%add3A_110, %dma_start3A_118] : memref<16384x256xf32, #tpu.memory_space<hbm>> -> memref<64x256xf32, #tpu.memory_space<hbm>>
    %dma_start3A_120 = arith.constant 0 : i32
    %dma_start3A_121 = arith.constant 0 : i32
    %dma_start3A_122 = tpu.memref_slice %arg6[%dma_start3A_111, %dma_start3A_120, %dma_start3A_121] : memref<5x64x256xf32, #tpu.memory_space<vmem>> -> memref<1x64x256xf32, #tpu.memory_space<vmem>>
    %dma_start3A_123 = tpu.memref_squeeze %dma_start3A_122 : memref<1x64x256xf32, #tpu.memory_space<vmem>> -> memref<64x256xf32, #tpu.memory_space<vmem>>
    tpu.enqueue_dma source(%dma_start3A_123 : memref<64x256xf32, #tpu.memory_space<vmem>>) target(%dma_start3A_119 : memref<64x256xf32, #tpu.memory_space<hbm>>) target_semaphore(%arg13 : memref<!tpu.dma_semaphore, #tpu.memory_space<semaphore_mem>>)
    %dma_wait3A_124 = arith.constant 1 : i32
    %dma_wait3A_125 = arith.constant 0 : i32
    %dma_wait3A_126 = arith.constant 0 : i32
    %dma_wait3A_127 = tpu.memref_slice %arg6[%dma_wait3A_124, %dma_wait3A_125, %dma_wait3A_126] : memref<5x64x256xf32, #tpu.memory_space<vmem>> -> memref<1x64x256xf32, #tpu.memory_space<vmem>>
    %dma_wait3A_128 = tpu.memref_squeeze %dma_wait3A_127 : memref<1x64x256xf32, #tpu.memory_space<vmem>> -> memref<64x256xf32, #tpu.memory_space<vmem>>
    %dma_wait3A_129 = arith.constant 0 : i32
    %dma_wait3A_130 = tpu.memref_slice %arg4[%add3A_110, %dma_wait3A_129] : memref<16384x256xf32, #tpu.memory_space<hbm>> -> memref<64x256xf32, #tpu.memory_space<hbm>>
    %dma_wait3A_131 = arith.constant 0 : i32
    %dma_wait3A_132 = tpu.memref_slice %arg4[%add3A_110, %dma_wait3A_131] : memref<16384x256xf32, #tpu.memory_space<hbm>> -> memref<64x256xf32, #tpu.memory_space<hbm>>
    %dma_wait3A_133 = arith.constant 0 : i32
    %dma_wait3A_134 = arith.constant 0 : i32
    %dma_wait3A_135 = tpu.memref_slice %arg6[%dma_wait3A_124, %dma_wait3A_133, %dma_wait3A_134] : memref<5x64x256xf32, #tpu.memory_space<vmem>> -> memref<1x64x256xf32, #tpu.memory_space<vmem>>
    %dma_wait3A_136 = tpu.memref_squeeze %dma_wait3A_135 : memref<1x64x256xf32, #tpu.memory_space<vmem>> -> memref<64x256xf32, #tpu.memory_space<vmem>>
    tpu.wait_dma2 semaphore(%arg13 : memref<!tpu.dma_semaphore, #tpu.memory_space<semaphore_mem>>) src(%dma_wait3A_136 : memref<64x256xf32, #tpu.memory_space<vmem>>) dst(%dma_wait3A_132 : memref<64x256xf32, #tpu.memory_space<hbm>>)
    %dma_start3A_137 = arith.constant 1 : i32
    %dma_start3A_138 = arith.constant 0 : i32
    %dma_start3A_139 = arith.constant 0 : i32
    %dma_start3A_140 = tpu.memref_slice %arg6[%dma_start3A_137, %dma_start3A_138, %dma_start3A_139] : memref<5x64x256xf32, #tpu.memory_space<vmem>> -> memref<1x64x256xf32, #tpu.memory_space<vmem>>
    %dma_start3A_141 = tpu.memref_squeeze %dma_start3A_140 : memref<1x64x256xf32, #tpu.memory_space<vmem>> -> memref<64x256xf32, #tpu.memory_space<vmem>>
    %dma_start3A_142 = arith.constant 384 : i32
    %dma_start3A_143 = tpu.memref_slice %arg5[%dma_start3A_142] : memref<512xi32, #tpu.memory_space<vmem>> -> memref<64xi32, #tpu.memory_space<vmem>>
    %dma_start3A_144 = arith.constant 0 : i32
    %dma_start3A_145 = arith.constant 0 : i32
    %dma_start3A_146 = tpu.memref_slice %arg2[%dma_start3A_144, %dma_start3A_145] : memref<100000x256xf32, #tpu.memory_space<hbm>> -> memref<100000x256xf32, #tpu.memory_space<hbm>>
    tpu.enqueue_indirect_dma source(%dma_start3A_146 : memref<100000x256xf32, #tpu.memory_space<hbm>>) target(%dma_start3A_141 : memref<64x256xf32, #tpu.memory_space<vmem>>) offsets(%dma_start3A_143 : memref<64xi32, #tpu.memory_space<vmem>>) semaphore(%arg8 : memref<!tpu.dma_semaphore, #tpu.memory_space<semaphore_mem>>)
    %dma_wait3A_147 = arith.constant 2 : i32
    %dma_wait3A_148 = arith.constant 0 : i32
    %dma_wait3A_149 = arith.constant 0 : i32
    %dma_wait3A_150 = tpu.memref_slice %arg6[%dma_wait3A_147, %dma_wait3A_148, %dma_wait3A_149] : memref<5x64x256xf32, #tpu.memory_space<vmem>> -> memref<1x64x256xf32, #tpu.memory_space<vmem>>
    %dma_wait3A_151 = tpu.memref_squeeze %dma_wait3A_150 : memref<1x64x256xf32, #tpu.memory_space<vmem>> -> memref<64x256xf32, #tpu.memory_space<vmem>>
    %dma_wait3A_152 = arith.constant 128 : i32
    %dma_wait3A_153 = tpu.memref_slice %arg5[%dma_wait3A_152] : memref<512xi32, #tpu.memory_space<vmem>> -> memref<64xi32, #tpu.memory_space<vmem>>
    %dma_wait3A_154 = arith.constant 0 : i32
    %dma_wait3A_155 = arith.constant 0 : i32
    %dma_wait3A_156 = tpu.memref_slice %arg2[%dma_wait3A_154, %dma_wait3A_155] : memref<100000x256xf32, #tpu.memory_space<hbm>> -> memref<100000x256xf32, #tpu.memory_space<hbm>>
    tpu.wait_indirect_dma semaphore(%arg9 : memref<!tpu.dma_semaphore, #tpu.memory_space<semaphore_mem>>) src(%dma_wait3A_156 : memref<100000x256xf32, #tpu.memory_space<hbm>>) dst(%dma_wait3A_151 : memref<64x256xf32, #tpu.memory_space<vmem>>)
    %add3A_157 = arith.constant 128 : i32
    %add3A_158 = arith.addi %mul3A_2, %add3A_157 : i32
    %dma_start3A_159 = arith.constant 2 : i32
    %dma_start3A_160 = arith.constant 0 : i32
    %dma_start3A_161 = arith.constant 0 : i32
    %dma_start3A_162 = tpu.memref_slice %arg6[%dma_start3A_159, %dma_start3A_160, %dma_start3A_161] : memref<5x64x256xf32, #tpu.memory_space<vmem>> -> memref<1x64x256xf32, #tpu.memory_space<vmem>>
    %dma_start3A_163 = tpu.memref_squeeze %dma_start3A_162 : memref<1x64x256xf32, #tpu.memory_space<vmem>> -> memref<64x256xf32, #tpu.memory_space<vmem>>
    %dma_start3A_164 = arith.constant 0 : i32
    %dma_start3A_165 = tpu.memref_slice %arg4[%add3A_158, %dma_start3A_164] : memref<16384x256xf32, #tpu.memory_space<hbm>> -> memref<64x256xf32, #tpu.memory_space<hbm>>
    %dma_start3A_166 = arith.constant 0 : i32
    %dma_start3A_167 = tpu.memref_slice %arg4[%add3A_158, %dma_start3A_166] : memref<16384x256xf32, #tpu.memory_space<hbm>> -> memref<64x256xf32, #tpu.memory_space<hbm>>
    %dma_start3A_168 = arith.constant 0 : i32
    %dma_start3A_169 = arith.constant 0 : i32
    %dma_start3A_170 = tpu.memref_slice %arg6[%dma_start3A_159, %dma_start3A_168, %dma_start3A_169] : memref<5x64x256xf32, #tpu.memory_space<vmem>> -> memref<1x64x256xf32, #tpu.memory_space<vmem>>
    %dma_start3A_171 = tpu.memref_squeeze %dma_start3A_170 : memref<1x64x256xf32, #tpu.memory_space<vmem>> -> memref<64x256xf32, #tpu.memory_space<vmem>>
    tpu.enqueue_dma source(%dma_start3A_171 : memref<64x256xf32, #tpu.memory_space<vmem>>) target(%dma_start3A_167 : memref<64x256xf32, #tpu.memory_space<hbm>>) target_semaphore(%arg14 : memref<!tpu.dma_semaphore, #tpu.memory_space<semaphore_mem>>)
    %dma_wait3A_172 = arith.constant 2 : i32
    %dma_wait3A_173 = arith.constant 0 : i32
    %dma_wait3A_174 = arith.constant 0 : i32
    %dma_wait3A_175 = tpu.memref_slice %arg6[%dma_wait3A_172, %dma_wait3A_173, %dma_wait3A_174] : memref<5x64x256xf32, #tpu.memory_space<vmem>> -> memref<1x64x256xf32, #tpu.memory_space<vmem>>
    %dma_wait3A_176 = tpu.memref_squeeze %dma_wait3A_175 : memref<1x64x256xf32, #tpu.memory_space<vmem>> -> memref<64x256xf32, #tpu.memory_space<vmem>>
    %dma_wait3A_177 = arith.constant 0 : i32
    %dma_wait3A_178 = tpu.memref_slice %arg4[%add3A_158, %dma_wait3A_177] : memref<16384x256xf32, #tpu.memory_space<hbm>> -> memref<64x256xf32, #tpu.memory_space<hbm>>
    %dma_wait3A_179 = arith.constant 0 : i32
    %dma_wait3A_180 = tpu.memref_slice %arg4[%add3A_158, %dma_wait3A_179] : memref<16384x256xf32, #tpu.memory_space<hbm>> -> memref<64x256xf32, #tpu.memory_space<hbm>>
    %dma_wait3A_181 = arith.constant 0 : i32
    %dma_wait3A_182 = arith.constant 0 : i32
    %dma_wait3A_183 = tpu.memref_slice %arg6[%dma_wait3A_172, %dma_wait3A_181, %dma_wait3A_182] : memref<5x64x256xf32, #tpu.memory_space<vmem>> -> memref<1x64x256xf32, #tpu.memory_space<vmem>>
    %dma_wait3A_184 = tpu.memref_squeeze %dma_wait3A_183 : memref<1x64x256xf32, #tpu.memory_space<vmem>> -> memref<64x256xf32, #tpu.memory_space<vmem>>
    tpu.wait_dma2 semaphore(%arg14 : memref<!tpu.dma_semaphore, #tpu.memory_space<semaphore_mem>>) src(%dma_wait3A_184 : memref<64x256xf32, #tpu.memory_space<vmem>>) dst(%dma_wait3A_180 : memref<64x256xf32, #tpu.memory_space<hbm>>)
    %dma_start3A_185 = arith.constant 2 : i32
    %dma_start3A_186 = arith.constant 0 : i32
    %dma_start3A_187 = arith.constant 0 : i32
    %dma_start3A_188 = tpu.memref_slice %arg6[%dma_start3A_185, %dma_start3A_186, %dma_start3A_187] : memref<5x64x256xf32, #tpu.memory_space<vmem>> -> memref<1x64x256xf32, #tpu.memory_space<vmem>>
    %dma_start3A_189 = tpu.memref_squeeze %dma_start3A_188 : memref<1x64x256xf32, #tpu.memory_space<vmem>> -> memref<64x256xf32, #tpu.memory_space<vmem>>
    %dma_start3A_190 = arith.constant 448 : i32
    %dma_start3A_191 = tpu.memref_slice %arg5[%dma_start3A_190] : memref<512xi32, #tpu.memory_space<vmem>> -> memref<64xi32, #tpu.memory_space<vmem>>
    %dma_start3A_192 = arith.constant 0 : i32
    %dma_start3A_193 = arith.constant 0 : i32
    %dma_start3A_194 = tpu.memref_slice %arg2[%dma_start3A_192, %dma_start3A_193] : memref<100000x256xf32, #tpu.memory_space<hbm>> -> memref<100000x256xf32, #tpu.memory_space<hbm>>
    tpu.enqueue_indirect_dma source(%dma_start3A_194 : memref<100000x256xf32, #tpu.memory_space<hbm>>) target(%dma_start3A_189 : memref<64x256xf32, #tpu.memory_space<vmem>>) offsets(%dma_start3A_191 : memref<64xi32, #tpu.memory_space<vmem>>) semaphore(%arg9 : memref<!tpu.dma_semaphore, #tpu.memory_space<semaphore_mem>>)
    %dma_wait3A_195 = arith.constant 3 : i32
    %dma_wait3A_196 = arith.constant 0 : i32
    %dma_wait3A_197 = arith.constant 0 : i32
    %dma_wait3A_198 = tpu.memref_slice %arg6[%dma_wait3A_195, %dma_wait3A_196, %dma_wait3A_197] : memref<5x64x256xf32, #tpu.memory_space<vmem>> -> memref<1x64x256xf32, #tpu.memory_space<vmem>>
    %dma_wait3A_199 = tpu.memref_squeeze %dma_wait3A_198 : memref<1x64x256xf32, #tpu.memory_space<vmem>> -> memref<64x256xf32, #tpu.memory_space<vmem>>
    %dma_wait3A_200 = arith.constant 192 : i32
    %dma_wait3A_201 = tpu.memref_slice %arg5[%dma_wait3A_200] : memref<512xi32, #tpu.memory_space<vmem>> -> memref<64xi32, #tpu.memory_space<vmem>>
    %dma_wait3A_202 = arith.constant 0 : i32
    %dma_wait3A_203 = arith.constant 0 : i32
    %dma_wait3A_204 = tpu.memref_slice %arg2[%dma_wait3A_202, %dma_wait3A_203] : memref<100000x256xf32, #tpu.memory_space<hbm>> -> memref<100000x256xf32, #tpu.memory_space<hbm>>
    tpu.wait_indirect_dma semaphore(%arg10 : memref<!tpu.dma_semaphore, #tpu.memory_space<semaphore_mem>>) src(%dma_wait3A_204 : memref<100000x256xf32, #tpu.memory_space<hbm>>) dst(%dma_wait3A_199 : memref<64x256xf32, #tpu.memory_space<vmem>>)
    %add3A_205 = arith.constant 192 : i32
    %add3A_206 = arith.addi %mul3A_2, %add3A_205 : i32
    %dma_start3A_207 = arith.constant 3 : i32
    %dma_start3A_208 = arith.constant 0 : i32
    %dma_start3A_209 = arith.constant 0 : i32
    %dma_start3A_210 = tpu.memref_slice %arg6[%dma_start3A_207, %dma_start3A_208, %dma_start3A_209] : memref<5x64x256xf32, #tpu.memory_space<vmem>> -> memref<1x64x256xf32, #tpu.memory_space<vmem>>
    %dma_start3A_211 = tpu.memref_squeeze %dma_start3A_210 : memref<1x64x256xf32, #tpu.memory_space<vmem>> -> memref<64x256xf32, #tpu.memory_space<vmem>>
    %dma_start3A_212 = arith.constant 0 : i32
    %dma_start3A_213 = tpu.memref_slice %arg4[%add3A_206, %dma_start3A_212] : memref<16384x256xf32, #tpu.memory_space<hbm>> -> memref<64x256xf32, #tpu.memory_space<hbm>>
    %dma_start3A_214 = arith.constant 0 : i32
    %dma_start3A_215 = tpu.memref_slice %arg4[%add3A_206, %dma_start3A_214] : memref<16384x256xf32, #tpu.memory_space<hbm>> -> memref<64x256xf32, #tpu.memory_space<hbm>>
    %dma_start3A_216 = arith.constant 0 : i32
    %dma_start3A_217 = arith.constant 0 : i32
    %dma_start3A_218 = tpu.memref_slice %arg6[%dma_start3A_207, %dma_start3A_216, %dma_start3A_217] : memref<5x64x256xf32, #tpu.memory_space<vmem>> -> memref<1x64x256xf32, #tpu.memory_space<vmem>>
    %dma_start3A_219 = tpu.memref_squeeze %dma_start3A_218 : memref<1x64x256xf32, #tpu.memory_space<vmem>> -> memref<64x256xf32, #tpu.memory_space<vmem>>
    tpu.enqueue_dma source(%dma_start3A_219 : memref<64x256xf32, #tpu.memory_space<vmem>>) target(%dma_start3A_215 : memref<64x256xf32, #tpu.memory_space<hbm>>) target_semaphore(%arg15 : memref<!tpu.dma_semaphore, #tpu.memory_space<semaphore_mem>>)
    %dma_wait3A_220 = arith.constant 4 : i32
    %dma_wait3A_221 = arith.constant 0 : i32
    %dma_wait3A_222 = arith.constant 0 : i32
    %dma_wait3A_223 = tpu.memref_slice %arg6[%dma_wait3A_220, %dma_wait3A_221, %dma_wait3A_222] : memref<5x64x256xf32, #tpu.memory_space<vmem>> -> memref<1x64x256xf32, #tpu.memory_space<vmem>>
    %dma_wait3A_224 = tpu.memref_squeeze %dma_wait3A_223 : memref<1x64x256xf32, #tpu.memory_space<vmem>> -> memref<64x256xf32, #tpu.memory_space<vmem>>
    %dma_wait3A_225 = arith.constant 256 : i32
    %dma_wait3A_226 = tpu.memref_slice %arg5[%dma_wait3A_225] : memref<512xi32, #tpu.memory_space<vmem>> -> memref<64xi32, #tpu.memory_space<vmem>>
    %dma_wait3A_227 = arith.constant 0 : i32
    %dma_wait3A_228 = arith.constant 0 : i32
    %dma_wait3A_229 = tpu.memref_slice %arg2[%dma_wait3A_227, %dma_wait3A_228] : memref<100000x256xf32, #tpu.memory_space<hbm>> -> memref<100000x256xf32, #tpu.memory_space<hbm>>
    tpu.wait_indirect_dma semaphore(%arg11 : memref<!tpu.dma_semaphore, #tpu.memory_space<semaphore_mem>>) src(%dma_wait3A_229 : memref<100000x256xf32, #tpu.memory_space<hbm>>) dst(%dma_wait3A_224 : memref<64x256xf32, #tpu.memory_space<vmem>>)
    %add3A_230 = arith.constant 256 : i32
    %add3A_231 = arith.addi %mul3A_2, %add3A_230 : i32
    %dma_start3A_232 = arith.constant 4 : i32
    %dma_start3A_233 = arith.constant 0 : i32
    %dma_start3A_234 = arith.constant 0 : i32
    %dma_start3A_235 = tpu.memref_slice %arg6[%dma_start3A_232, %dma_start3A_233, %dma_start3A_234] : memref<5x64x256xf32, #tpu.memory_space<vmem>> -> memref<1x64x256xf32, #tpu.memory_space<vmem>>
    %dma_start3A_236 = tpu.memref_squeeze %dma_start3A_235 : memref<1x64x256xf32, #tpu.memory_space<vmem>> -> memref<64x256xf32, #tpu.memory_space<vmem>>
    %dma_start3A_237 = arith.constant 0 : i32
    %dma_start3A_238 = tpu.memref_slice %arg4[%add3A_231, %dma_start3A_237] : memref<16384x256xf32, #tpu.memory_space<hbm>> -> memref<64x256xf32, #tpu.memory_space<hbm>>
    %dma_start3A_239 = arith.constant 0 : i32
    %dma_start3A_240 = tpu.memref_slice %arg4[%add3A_231, %dma_start3A_239] : memref<16384x256xf32, #tpu.memory_space<hbm>> -> memref<64x256xf32, #tpu.memory_space<hbm>>
    %dma_start3A_241 = arith.constant 0 : i32
    %dma_start3A_242 = arith.constant 0 : i32
    %dma_start3A_243 = tpu.memref_slice %arg6[%dma_start3A_232, %dma_start3A_241, %dma_start3A_242] : memref<5x64x256xf32, #tpu.memory_space<vmem>> -> memref<1x64x256xf32, #tpu.memory_space<vmem>>
    %dma_start3A_244 = tpu.memref_squeeze %dma_start3A_243 : memref<1x64x256xf32, #tpu.memory_space<vmem>> -> memref<64x256xf32, #tpu.memory_space<vmem>>
    tpu.enqueue_dma source(%dma_start3A_244 : memref<64x256xf32, #tpu.memory_space<vmem>>) target(%dma_start3A_240 : memref<64x256xf32, #tpu.memory_space<hbm>>) target_semaphore(%arg16 : memref<!tpu.dma_semaphore, #tpu.memory_space<semaphore_mem>>)
    %dma_wait3A_245 = arith.constant 0 : i32
    %dma_wait3A_246 = arith.constant 0 : i32
    %dma_wait3A_247 = arith.constant 0 : i32
    %dma_wait3A_248 = tpu.memref_slice %arg6[%dma_wait3A_245, %dma_wait3A_246, %dma_wait3A_247] : memref<5x64x256xf32, #tpu.memory_space<vmem>> -> memref<1x64x256xf32, #tpu.memory_space<vmem>>
    %dma_wait3A_249 = tpu.memref_squeeze %dma_wait3A_248 : memref<1x64x256xf32, #tpu.memory_space<vmem>> -> memref<64x256xf32, #tpu.memory_space<vmem>>
    %dma_wait3A_250 = arith.constant 320 : i32
    %dma_wait3A_251 = tpu.memref_slice %arg5[%dma_wait3A_250] : memref<512xi32, #tpu.memory_space<vmem>> -> memref<64xi32, #tpu.memory_space<vmem>>
    %dma_wait3A_252 = arith.constant 0 : i32
    %dma_wait3A_253 = arith.constant 0 : i32
    %dma_wait3A_254 = tpu.memref_slice %arg2[%dma_wait3A_252, %dma_wait3A_253] : memref<100000x256xf32, #tpu.memory_space<hbm>> -> memref<100000x256xf32, #tpu.memory_space<hbm>>
    tpu.wait_indirect_dma semaphore(%arg7 : memref<!tpu.dma_semaphore, #tpu.memory_space<semaphore_mem>>) src(%dma_wait3A_254 : memref<100000x256xf32, #tpu.memory_space<hbm>>) dst(%dma_wait3A_249 : memref<64x256xf32, #tpu.memory_space<vmem>>)
    %add3A_255 = arith.constant 320 : i32
    %add3A_256 = arith.addi %mul3A_2, %add3A_255 : i32
    %dma_start3A_257 = arith.constant 0 : i32
    %dma_start3A_258 = arith.constant 0 : i32
    %dma_start3A_259 = arith.constant 0 : i32
    %dma_start3A_260 = tpu.memref_slice %arg6[%dma_start3A_257, %dma_start3A_258, %dma_start3A_259] : memref<5x64x256xf32, #tpu.memory_space<vmem>> -> memref<1x64x256xf32, #tpu.memory_space<vmem>>
    %dma_start3A_261 = tpu.memref_squeeze %dma_start3A_260 : memref<1x64x256xf32, #tpu.memory_space<vmem>> -> memref<64x256xf32, #tpu.memory_space<vmem>>
    %dma_start3A_262 = arith.constant 0 : i32
    %dma_start3A_263 = tpu.memref_slice %arg4[%add3A_256, %dma_start3A_262] : memref<16384x256xf32, #tpu.memory_space<hbm>> -> memref<64x256xf32, #tpu.memory_space<hbm>>
    %dma_start3A_264 = arith.constant 0 : i32
    %dma_start3A_265 = tpu.memref_slice %arg4[%add3A_256, %dma_start3A_264] : memref<16384x256xf32, #tpu.memory_space<hbm>> -> memref<64x256xf32, #tpu.memory_space<hbm>>
    %dma_start3A_266 = arith.constant 0 : i32
    %dma_start3A_267 = arith.constant 0 : i32
    %dma_start3A_268 = tpu.memref_slice %arg6[%dma_start3A_257, %dma_start3A_266, %dma_start3A_267] : memref<5x64x256xf32, #tpu.memory_space<vmem>> -> memref<1x64x256xf32, #tpu.memory_space<vmem>>
    %dma_start3A_269 = tpu.memref_squeeze %dma_start3A_268 : memref<1x64x256xf32, #tpu.memory_space<vmem>> -> memref<64x256xf32, #tpu.memory_space<vmem>>
    tpu.enqueue_dma source(%dma_start3A_269 : memref<64x256xf32, #tpu.memory_space<vmem>>) target(%dma_start3A_265 : memref<64x256xf32, #tpu.memory_space<hbm>>) target_semaphore(%arg12 : memref<!tpu.dma_semaphore, #tpu.memory_space<semaphore_mem>>)
    %dma_wait3A_270 = arith.constant 1 : i32
    %dma_wait3A_271 = arith.constant 0 : i32
    %dma_wait3A_272 = arith.constant 0 : i32
    %dma_wait3A_273 = tpu.memref_slice %arg6[%dma_wait3A_270, %dma_wait3A_271, %dma_wait3A_272] : memref<5x64x256xf32, #tpu.memory_space<vmem>> -> memref<1x64x256xf32, #tpu.memory_space<vmem>>
    %dma_wait3A_274 = tpu.memref_squeeze %dma_wait3A_273 : memref<1x64x256xf32, #tpu.memory_space<vmem>> -> memref<64x256xf32, #tpu.memory_space<vmem>>
    %dma_wait3A_275 = arith.constant 384 : i32
    %dma_wait3A_276 = tpu.memref_slice %arg5[%dma_wait3A_275] : memref<512xi32, #tpu.memory_space<vmem>> -> memref<64xi32, #tpu.memory_space<vmem>>
    %dma_wait3A_277 = arith.constant 0 : i32
    %dma_wait3A_278 = arith.constant 0 : i32
    %dma_wait3A_279 = tpu.memref_slice %arg2[%dma_wait3A_277, %dma_wait3A_278] : memref<100000x256xf32, #tpu.memory_space<hbm>> -> memref<100000x256xf32, #tpu.memory_space<hbm>>
    tpu.wait_indirect_dma semaphore(%arg8 : memref<!tpu.dma_semaphore, #tpu.memory_space<semaphore_mem>>) src(%dma_wait3A_279 : memref<100000x256xf32, #tpu.memory_space<hbm>>) dst(%dma_wait3A_274 : memref<64x256xf32, #tpu.memory_space<vmem>>)
    %add3A_280 = arith.constant 384 : i32
    %add3A_281 = arith.addi %mul3A_2, %add3A_280 : i32
    %dma_start3A_282 = arith.constant 1 : i32
    %dma_start3A_283 = arith.constant 0 : i32
    %dma_start3A_284 = arith.constant 0 : i32
    %dma_start3A_285 = tpu.memref_slice %arg6[%dma_start3A_282, %dma_start3A_283, %dma_start3A_284] : memref<5x64x256xf32, #tpu.memory_space<vmem>> -> memref<1x64x256xf32, #tpu.memory_space<vmem>>
    %dma_start3A_286 = tpu.memref_squeeze %dma_start3A_285 : memref<1x64x256xf32, #tpu.memory_space<vmem>> -> memref<64x256xf32, #tpu.memory_space<vmem>>
    %dma_start3A_287 = arith.constant 0 : i32
    %dma_start3A_288 = tpu.memref_slice %arg4[%add3A_281, %dma_start3A_287] : memref<16384x256xf32, #tpu.memory_space<hbm>> -> memref<64x256xf32, #tpu.memory_space<hbm>>
    %dma_start3A_289 = arith.constant 0 : i32
    %dma_start3A_290 = tpu.memref_slice %arg4[%add3A_281, %dma_start3A_289] : memref<16384x256xf32, #tpu.memory_space<hbm>> -> memref<64x256xf32, #tpu.memory_space<hbm>>
    %dma_start3A_291 = arith.constant 0 : i32
    %dma_start3A_292 = arith.constant 0 : i32
    %dma_start3A_293 = tpu.memref_slice %arg6[%dma_start3A_282, %dma_start3A_291, %dma_start3A_292] : memref<5x64x256xf32, #tpu.memory_space<vmem>> -> memref<1x64x256xf32, #tpu.memory_space<vmem>>
    %dma_start3A_294 = tpu.memref_squeeze %dma_start3A_293 : memref<1x64x256xf32, #tpu.memory_space<vmem>> -> memref<64x256xf32, #tpu.memory_space<vmem>>
    tpu.enqueue_dma source(%dma_start3A_294 : memref<64x256xf32, #tpu.memory_space<vmem>>) target(%dma_start3A_290 : memref<64x256xf32, #tpu.memory_space<hbm>>) target_semaphore(%arg13 : memref<!tpu.dma_semaphore, #tpu.memory_space<semaphore_mem>>)
    %dma_wait3A_295 = arith.constant 2 : i32
    %dma_wait3A_296 = arith.constant 0 : i32
    %dma_wait3A_297 = arith.constant 0 : i32
    %dma_wait3A_298 = tpu.memref_slice %arg6[%dma_wait3A_295, %dma_wait3A_296, %dma_wait3A_297] : memref<5x64x256xf32, #tpu.memory_space<vmem>> -> memref<1x64x256xf32, #tpu.memory_space<vmem>>
    %dma_wait3A_299 = tpu.memref_squeeze %dma_wait3A_298 : memref<1x64x256xf32, #tpu.memory_space<vmem>> -> memref<64x256xf32, #tpu.memory_space<vmem>>
    %dma_wait3A_300 = arith.constant 448 : i32
    %dma_wait3A_301 = tpu.memref_slice %arg5[%dma_wait3A_300] : memref<512xi32, #tpu.memory_space<vmem>> -> memref<64xi32, #tpu.memory_space<vmem>>
    %dma_wait3A_302 = arith.constant 0 : i32
    %dma_wait3A_303 = arith.constant 0 : i32
    %dma_wait3A_304 = tpu.memref_slice %arg2[%dma_wait3A_302, %dma_wait3A_303] : memref<100000x256xf32, #tpu.memory_space<hbm>> -> memref<100000x256xf32, #tpu.memory_space<hbm>>
    tpu.wait_indirect_dma semaphore(%arg9 : memref<!tpu.dma_semaphore, #tpu.memory_space<semaphore_mem>>) src(%dma_wait3A_304 : memref<100000x256xf32, #tpu.memory_space<hbm>>) dst(%dma_wait3A_299 : memref<64x256xf32, #tpu.memory_space<vmem>>)
    %add3A_305 = arith.constant 448 : i32
    %add3A_306 = arith.addi %mul3A_2, %add3A_305 : i32
    %dma_start3A_307 = arith.constant 2 : i32
    %dma_start3A_308 = arith.constant 0 : i32
    %dma_start3A_309 = arith.constant 0 : i32
    %dma_start3A_310 = tpu.memref_slice %arg6[%dma_start3A_307, %dma_start3A_308, %dma_start3A_309] : memref<5x64x256xf32, #tpu.memory_space<vmem>> -> memref<1x64x256xf32, #tpu.memory_space<vmem>>
    %dma_start3A_311 = tpu.memref_squeeze %dma_start3A_310 : memref<1x64x256xf32, #tpu.memory_space<vmem>> -> memref<64x256xf32, #tpu.memory_space<vmem>>
    %dma_start3A_312 = arith.constant 0 : i32
    %dma_start3A_313 = tpu.memref_slice %arg4[%add3A_306, %dma_start3A_312] : memref<16384x256xf32, #tpu.memory_space<hbm>> -> memref<64x256xf32, #tpu.memory_space<hbm>>
    %dma_start3A_314 = arith.constant 0 : i32
    %dma_start3A_315 = tpu.memref_slice %arg4[%add3A_306, %dma_start3A_314] : memref<16384x256xf32, #tpu.memory_space<hbm>> -> memref<64x256xf32, #tpu.memory_space<hbm>>
    %dma_start3A_316 = arith.constant 0 : i32
    %dma_start3A_317 = arith.constant 0 : i32
    %dma_start3A_318 = tpu.memref_slice %arg6[%dma_start3A_307, %dma_start3A_316, %dma_start3A_317] : memref<5x64x256xf32, #tpu.memory_space<vmem>> -> memref<1x64x256xf32, #tpu.memory_space<vmem>>
    %dma_start3A_319 = tpu.memref_squeeze %dma_start3A_318 : memref<1x64x256xf32, #tpu.memory_space<vmem>> -> memref<64x256xf32, #tpu.memory_space<vmem>>
    tpu.enqueue_dma source(%dma_start3A_319 : memref<64x256xf32, #tpu.memory_space<vmem>>) target(%dma_start3A_315 : memref<64x256xf32, #tpu.memory_space<hbm>>) target_semaphore(%arg14 : memref<!tpu.dma_semaphore, #tpu.memory_space<semaphore_mem>>)
    %dma_wait3A_320 = arith.constant 3 : i32
    %dma_wait3A_321 = arith.constant 0 : i32
    %dma_wait3A_322 = arith.constant 0 : i32
    %dma_wait3A_323 = tpu.memref_slice %arg6[%dma_wait3A_320, %dma_wait3A_321, %dma_wait3A_322] : memref<5x64x256xf32, #tpu.memory_space<vmem>> -> memref<1x64x256xf32, #tpu.memory_space<vmem>>
    %dma_wait3A_324 = tpu.memref_squeeze %dma_wait3A_323 : memref<1x64x256xf32, #tpu.memory_space<vmem>> -> memref<64x256xf32, #tpu.memory_space<vmem>>
    %dma_wait3A_325 = arith.constant 0 : i32
    %dma_wait3A_326 = tpu.memref_slice %arg4[%add3A_206, %dma_wait3A_325] : memref<16384x256xf32, #tpu.memory_space<hbm>> -> memref<64x256xf32, #tpu.memory_space<hbm>>
    %dma_wait3A_327 = arith.constant 0 : i32
    %dma_wait3A_328 = tpu.memref_slice %arg4[%add3A_206, %dma_wait3A_327] : memref<16384x256xf32, #tpu.memory_space<hbm>> -> memref<64x256xf32, #tpu.memory_space<hbm>>
    %dma_wait3A_329 = arith.constant 0 : i32
    %dma_wait3A_330 = arith.constant 0 : i32
    %dma_wait3A_331 = tpu.memref_slice %arg6[%dma_wait3A_320, %dma_wait3A_329, %dma_wait3A_330] : memref<5x64x256xf32, #tpu.memory_space<vmem>> -> memref<1x64x256xf32, #tpu.memory_space<vmem>>
    %dma_wait3A_332 = tpu.memref_squeeze %dma_wait3A_331 : memref<1x64x256xf32, #tpu.memory_space<vmem>> -> memref<64x256xf32, #tpu.memory_space<vmem>>
    tpu.wait_dma2 semaphore(%arg15 : memref<!tpu.dma_semaphore, #tpu.memory_space<semaphore_mem>>) src(%dma_wait3A_332 : memref<64x256xf32, #tpu.memory_space<vmem>>) dst(%dma_wait3A_328 : memref<64x256xf32, #tpu.memory_space<hbm>>)
    %dma_wait3A_333 = arith.constant 4 : i32
    %dma_wait3A_334 = arith.constant 0 : i32
    %dma_wait3A_335 = arith.constant 0 : i32
    %dma_wait3A_336 = tpu.memref_slice %arg6[%dma_wait3A_333, %dma_wait3A_334, %dma_wait3A_335] : memref<5x64x256xf32, #tpu.memory_space<vmem>> -> memref<1x64x256xf32, #tpu.memory_space<vmem>>
    %dma_wait3A_337 = tpu.memref_squeeze %dma_wait3A_336 : memref<1x64x256xf32, #tpu.memory_space<vmem>> -> memref<64x256xf32, #tpu.memory_space<vmem>>
    %dma_wait3A_338 = arith.constant 0 : i32
    %dma_wait3A_339 = tpu.memref_slice %arg4[%add3A_231, %dma_wait3A_338] : memref<16384x256xf32, #tpu.memory_space<hbm>> -> memref<64x256xf32, #tpu.memory_space<hbm>>
    %dma_wait3A_340 = arith.constant 0 : i32
    %dma_wait3A_341 = tpu.memref_slice %arg4[%add3A_231, %dma_wait3A_340] : memref<16384x256xf32, #tpu.memory_space<hbm>> -> memref<64x256xf32, #tpu.memory_space<hbm>>
    %dma_wait3A_342 = arith.constant 0 : i32
    %dma_wait3A_343 = arith.constant 0 : i32
    %dma_wait3A_344 = tpu.memref_slice %arg6[%dma_wait3A_333, %dma_wait3A_342, %dma_wait3A_343] : memref<5x64x256xf32, #tpu.memory_space<vmem>> -> memref<1x64x256xf32, #tpu.memory_space<vmem>>
    %dma_wait3A_345 = tpu.memref_squeeze %dma_wait3A_344 : memref<1x64x256xf32, #tpu.memory_space<vmem>> -> memref<64x256xf32, #tpu.memory_space<vmem>>
    tpu.wait_dma2 semaphore(%arg16 : memref<!tpu.dma_semaphore, #tpu.memory_space<semaphore_mem>>) src(%dma_wait3A_345 : memref<64x256xf32, #tpu.memory_space<vmem>>) dst(%dma_wait3A_341 : memref<64x256xf32, #tpu.memory_space<hbm>>)
    %dma_wait3A_346 = arith.constant 0 : i32
    %dma_wait3A_347 = arith.constant 0 : i32
    %dma_wait3A_348 = arith.constant 0 : i32
    %dma_wait3A_349 = tpu.memref_slice %arg6[%dma_wait3A_346, %dma_wait3A_347, %dma_wait3A_348] : memref<5x64x256xf32, #tpu.memory_space<vmem>> -> memref<1x64x256xf32, #tpu.memory_space<vmem>>
    %dma_wait3A_350 = tpu.memref_squeeze %dma_wait3A_349 : memref<1x64x256xf32, #tpu.memory_space<vmem>> -> memref<64x256xf32, #tpu.memory_space<vmem>>
    %dma_wait3A_351 = arith.constant 0 : i32
    %dma_wait3A_352 = tpu.memref_slice %arg4[%add3A_256, %dma_wait3A_351] : memref<16384x256xf32, #tpu.memory_space<hbm>> -> memref<64x256xf32, #tpu.memory_space<hbm>>
    %dma_wait3A_353 = arith.constant 0 : i32
    %dma_wait3A_354 = tpu.memref_slice %arg4[%add3A_256, %dma_wait3A_353] : memref<16384x256xf32, #tpu.memory_space<hbm>> -> memref<64x256xf32, #tpu.memory_space<hbm>>
    %dma_wait3A_355 = arith.constant 0 : i32
    %dma_wait3A_356 = arith.constant 0 : i32
    %dma_wait3A_357 = tpu.memref_slice %arg6[%dma_wait3A_346, %dma_wait3A_355, %dma_wait3A_356] : memref<5x64x256xf32, #tpu.memory_space<vmem>> -> memref<1x64x256xf32, #tpu.memory_space<vmem>>
    %dma_wait3A_358 = tpu.memref_squeeze %dma_wait3A_357 : memref<1x64x256xf32, #tpu.memory_space<vmem>> -> memref<64x256xf32, #tpu.memory_space<vmem>>
    tpu.wait_dma2 semaphore(%arg12 : memref<!tpu.dma_semaphore, #tpu.memory_space<semaphore_mem>>) src(%dma_wait3A_358 : memref<64x256xf32, #tpu.memory_space<vmem>>) dst(%dma_wait3A_354 : memref<64x256xf32, #tpu.memory_space<hbm>>)
    %dma_wait3A_359 = arith.constant 1 : i32
    %dma_wait3A_360 = arith.constant 0 : i32
    %dma_wait3A_361 = arith.constant 0 : i32
    %dma_wait3A_362 = tpu.memref_slice %arg6[%dma_wait3A_359, %dma_wait3A_360, %dma_wait3A_361] : memref<5x64x256xf32, #tpu.memory_space<vmem>> -> memref<1x64x256xf32, #tpu.memory_space<vmem>>
    %dma_wait3A_363 = tpu.memref_squeeze %dma_wait3A_362 : memref<1x64x256xf32, #tpu.memory_space<vmem>> -> memref<64x256xf32, #tpu.memory_space<vmem>>
    %dma_wait3A_364 = arith.constant 0 : i32
    %dma_wait3A_365 = tpu.memref_slice %arg4[%add3A_281, %dma_wait3A_364] : memref<16384x256xf32, #tpu.memory_space<hbm>> -> memref<64x256xf32, #tpu.memory_space<hbm>>
    %dma_wait3A_366 = arith.constant 0 : i32
    %dma_wait3A_367 = tpu.memref_slice %arg4[%add3A_281, %dma_wait3A_366] : memref<16384x256xf32, #tpu.memory_space<hbm>> -> memref<64x256xf32, #tpu.memory_space<hbm>>
    %dma_wait3A_368 = arith.constant 0 : i32
    %dma_wait3A_369 = arith.constant 0 : i32
    %dma_wait3A_370 = tpu.memref_slice %arg6[%dma_wait3A_359, %dma_wait3A_368, %dma_wait3A_369] : memref<5x64x256xf32, #tpu.memory_space<vmem>> -> memref<1x64x256xf32, #tpu.memory_space<vmem>>
    %dma_wait3A_371 = tpu.memref_squeeze %dma_wait3A_370 : memref<1x64x256xf32, #tpu.memory_space<vmem>> -> memref<64x256xf32, #tpu.memory_space<vmem>>
    tpu.wait_dma2 semaphore(%arg13 : memref<!tpu.dma_semaphore, #tpu.memory_space<semaphore_mem>>) src(%dma_wait3A_371 : memref<64x256xf32, #tpu.memory_space<vmem>>) dst(%dma_wait3A_367 : memref<64x256xf32, #tpu.memory_space<hbm>>)
    %dma_wait3A_372 = arith.constant 2 : i32
    %dma_wait3A_373 = arith.constant 0 : i32
    %dma_wait3A_374 = arith.constant 0 : i32
    %dma_wait3A_375 = tpu.memref_slice %arg6[%dma_wait3A_372, %dma_wait3A_373, %dma_wait3A_374] : memref<5x64x256xf32, #tpu.memory_space<vmem>> -> memref<1x64x256xf32, #tpu.memory_space<vmem>>
    %dma_wait3A_376 = tpu.memref_squeeze %dma_wait3A_375 : memref<1x64x256xf32, #tpu.memory_space<vmem>> -> memref<64x256xf32, #tpu.memory_space<vmem>>
    %dma_wait3A_377 = arith.constant 0 : i32
    %dma_wait3A_378 = tpu.memref_slice %arg4[%add3A_306, %dma_wait3A_377] : memref<16384x256xf32, #tpu.memory_space<hbm>> -> memref<64x256xf32, #tpu.memory_space<hbm>>
    %dma_wait3A_379 = arith.constant 0 : i32
    %dma_wait3A_380 = tpu.memref_slice %arg4[%add3A_306, %dma_wait3A_379] : memref<16384x256xf32, #tpu.memory_space<hbm>> -> memref<64x256xf32, #tpu.memory_space<hbm>>
    %dma_wait3A_381 = arith.constant 0 : i32
    %dma_wait3A_382 = arith.constant 0 : i32
    %dma_wait3A_383 = tpu.memref_slice %arg6[%dma_wait3A_372, %dma_wait3A_381, %dma_wait3A_382] : memref<5x64x256xf32, #tpu.memory_space<vmem>> -> memref<1x64x256xf32, #tpu.memory_space<vmem>>
    %dma_wait3A_384 = tpu.memref_squeeze %dma_wait3A_383 : memref<1x64x256xf32, #tpu.memory_space<vmem>> -> memref<64x256xf32, #tpu.memory_space<vmem>>
    tpu.wait_dma2 semaphore(%arg14 : memref<!tpu.dma_semaphore, #tpu.memory_space<semaphore_mem>>) src(%dma_wait3A_384 : memref<64x256xf32, #tpu.memory_space<vmem>>) dst(%dma_wait3A_380 : memref<64x256xf32, #tpu.memory_space<hbm>>)
    return
  }
}

#map = affine_map<(d0, d1) -> (0, 0)>
#map1 = affine_map<(d0, d1) -> (0)>
module attributes {stable_mosaic.version = 14 : i64} {
  func.func @gather_kernel(%arg0: i32, %arg1: i32, %arg2: memref<100000x256xf32, #tpu.memory_space<hbm>>, %arg3: memref<16384xi32, #tpu.memory_space<hbm>>, %arg4: memref<16384x256xf32, #tpu.memory_space<hbm>>, %arg5: memref<512xi32, #tpu.memory_space<vmem>>, %arg6: memref<5x64x256xf32, #tpu.memory_space<vmem>>, %arg7: memref<!tpu.dma_semaphore, #tpu.memory_space<semaphore_mem>>, %arg8: memref<!tpu.dma_semaphore, #tpu.memory_space<semaphore_mem>>, %arg9: memref<!tpu.dma_semaphore, #tpu.memory_space<semaphore_mem>>, %arg10: memref<!tpu.dma_semaphore, #tpu.memory_space<semaphore_mem>>, %arg11: memref<!tpu.dma_semaphore, #tpu.memory_space<semaphore_mem>>, %arg12: memref<!tpu.dma_semaphore, #tpu.memory_space<semaphore_mem>>, %arg13: memref<!tpu.dma_semaphore, #tpu.memory_space<semaphore_mem>>, %arg14: memref<!tpu.dma_semaphore, #tpu.memory_space<semaphore_mem>>, %arg15: memref<!tpu.dma_semaphore, #tpu.memory_space<semaphore_mem>>, %arg16: memref<!tpu.dma_semaphore, #tpu.memory_space<semaphore_mem>>) attributes {dimension_semantics = [#tpu.dimension_semantics<core_parallel>, #tpu.dimension_semantics<subcore_parallel>], iteration_bounds = array<i64: 2, 16>, scalar_prefetch = 0 : i64, scratch_operands = 12 : i64, tpu.core_type = #tpu.core_type<sc_vector_subcore>, window_params = [{transform_indices = #map}, {transform_indices = #map1}, {transform_indices = #map}]} {
    %mul3A = arith.constant 2 : i32
    %mul3A_0 = arith.muli %arg1, %mul3A : i32
    %add3A = arith.addi %mul3A_0, %arg0 : i32
    %mul3A_1 = arith.constant 512 : i32
    %mul3A_2 = arith.muli %add3A, %mul3A_1 : i32
    "tpu.region"() ({
      %run_scoped3A = tpu.sem_alloc : memref<!tpu.dma_semaphore, #tpu.memory_space<semaphore_mem>>
      %dma_start3A_385 = tpu.memref_slice %arg3[%mul3A_2] : memref<16384xi32, #tpu.memory_space<hbm>> -> memref<512xi32, #tpu.memory_space<hbm>>
      %dma_start3A_386 = tpu.memref_slice %arg3[%mul3A_2] : memref<16384xi32, #tpu.memory_space<hbm>> -> memref<512xi32, #tpu.memory_space<hbm>>
      tpu.enqueue_dma source(%dma_start3A_386 : memref<512xi32, #tpu.memory_space<hbm>>) target(%arg5 : memref<512xi32, #tpu.memory_space<vmem>>) target_semaphore(%run_scoped3A : memref<!tpu.dma_semaphore, #tpu.memory_space<semaphore_mem>>)
      %dma_wait3A_387 = tpu.memref_slice %arg3[%mul3A_2] : memref<16384xi32, #tpu.memory_space<hbm>> -> memref<512xi32, #tpu.memory_space<hbm>>
      %dma_wait3A_388 = tpu.memref_slice %arg3[%mul3A_2] : memref<16384xi32, #tpu.memory_space<hbm>> -> memref<512xi32, #tpu.memory_space<hbm>>
      tpu.wait_dma2 semaphore(%run_scoped3A : memref<!tpu.dma_semaphore, #tpu.memory_space<semaphore_mem>>) src(%dma_wait3A_388 : memref<512xi32, #tpu.memory_space<hbm>>) dst(%arg5 : memref<512xi32, #tpu.memory_space<vmem>>)
      tpu.yield
    }) : () -> ()
    %dma_start3A = arith.constant 0 : i32
    %dma_start3A_3 = arith.constant 0 : i32
    %dma_start3A_4 = arith.constant 0 : i32
    %dma_start3A_5 = tpu.memref_slice %arg6[%dma_start3A, %dma_start3A_3, %dma_start3A_4] : memref<5x64x256xf32, #tpu.memory_space<vmem>> -> memref<1x64x256xf32, #tpu.memory_space<vmem>>
    %dma_start3A_6 = tpu.memref_squeeze %dma_start3A_5 : memref<1x64x256xf32, #tpu.memory_space<vmem>> -> memref<64x256xf32, #tpu.memory_space<vmem>>
    %dma_start3A_7 = arith.constant 0 : i32
    %dma_start3A_8 = tpu.memref_slice %arg5[%dma_start3A_7] : memref<512xi32, #tpu.memory_space<vmem>> -> memref<64xi32, #tpu.memory_space<vmem>>
    %dma_start3A_9 = arith.constant 0 : i32
    %dma_start3A_10 = arith.constant 0 : i32
    %dma_start3A_11 = tpu.memref_slice %arg2[%dma_start3A_9, %dma_start3A_10] : memref<100000x256xf32, #tpu.memory_space<hbm>> -> memref<100000x256xf32, #tpu.memory_space<hbm>>
    tpu.enqueue_indirect_dma source(%dma_start3A_11 : memref<100000x256xf32, #tpu.memory_space<hbm>>) target(%dma_start3A_6 : memref<64x256xf32, #tpu.memory_space<vmem>>) offsets(%dma_start3A_8 : memref<64xi32, #tpu.memory_space<vmem>>) semaphore(%arg7 : memref<!tpu.dma_semaphore, #tpu.memory_space<semaphore_mem>>)
    %dma_start3A_12 = arith.constant 1 : i32
    %dma_start3A_13 = arith.constant 0 : i32
    %dma_start3A_14 = arith.constant 0 : i32
    %dma_start3A_15 = tpu.memref_slice %arg6[%dma_start3A_12, %dma_start3A_13, %dma_start3A_14] : memref<5x64x256xf32, #tpu.memory_space<vmem>> -> memref<1x64x256xf32, #tpu.memory_space<vmem>>
    %dma_start3A_16 = tpu.memref_squeeze %dma_start3A_15 : memref<1x64x256xf32, #tpu.memory_space<vmem>> -> memref<64x256xf32, #tpu.memory_space<vmem>>
    %dma_start3A_17 = arith.constant 64 : i32
    %dma_start3A_18 = tpu.memref_slice %arg5[%dma_start3A_17] : memref<512xi32, #tpu.memory_space<vmem>> -> memref<64xi32, #tpu.memory_space<vmem>>
    %dma_start3A_19 = arith.constant 0 : i32
    %dma_start3A_20 = arith.constant 0 : i32
    %dma_start3A_21 = tpu.memref_slice %arg2[%dma_start3A_19, %dma_start3A_20] : memref<100000x256xf32, #tpu.memory_space<hbm>> -> memref<100000x256xf32, #tpu.memory_space<hbm>>
    tpu.enqueue_indirect_dma source(%dma_start3A_21 : memref<100000x256xf32, #tpu.memory_space<hbm>>) target(%dma_start3A_16 : memref<64x256xf32, #tpu.memory_space<vmem>>) offsets(%dma_start3A_18 : memref<64xi32, #tpu.memory_space<vmem>>) semaphore(%arg8 : memref<!tpu.dma_semaphore, #tpu.memory_space<semaphore_mem>>)
    %dma_start3A_22 = arith.constant 2 : i32
    %dma_start3A_23 = arith.constant 0 : i32
    %dma_start3A_24 = arith.constant 0 : i32
    %dma_start3A_25 = tpu.memref_slice %arg6[%dma_start3A_22, %dma_start3A_23, %dma_start3A_24] : memref<5x64x256xf32, #tpu.memory_space<vmem>> -> memref<1x64x256xf32, #tpu.memory_space<vmem>>
    %dma_start3A_26 = tpu.memref_squeeze %dma_start3A_25 : memref<1x64x256xf32, #tpu.memory_space<vmem>> -> memref<64x256xf32, #tpu.memory_space<vmem>>
    %dma_start3A_27 = arith.constant 128 : i32
    %dma_start3A_28 = tpu.memref_slice %arg5[%dma_start3A_27] : memref<512xi32, #tpu.memory_space<vmem>> -> memref<64xi32, #tpu.memory_space<vmem>>
    %dma_start3A_29 = arith.constant 0 : i32
    %dma_start3A_30 = arith.constant 0 : i32
    %dma_start3A_31 = tpu.memref_slice %arg2[%dma_start3A_29, %dma_start3A_30] : memref<100000x256xf32, #tpu.memory_space<hbm>> -> memref<100000x256xf32, #tpu.memory_space<hbm>>
    tpu.enqueue_indirect_dma source(%dma_start3A_31 : memref<100000x256xf32, #tpu.memory_space<hbm>>) target(%dma_start3A_26 : memref<64x256xf32, #tpu.memory_space<vmem>>) offsets(%dma_start3A_28 : memref<64xi32, #tpu.memory_space<vmem>>) semaphore(%arg9 : memref<!tpu.dma_semaphore, #tpu.memory_space<semaphore_mem>>)
    %dma_start3A_32 = arith.constant 3 : i32
    %dma_start3A_33 = arith.constant 0 : i32
    %dma_start3A_34 = arith.constant 0 : i32
    %dma_start3A_35 = tpu.memref_slice %arg6[%dma_start3A_32, %dma_start3A_33, %dma_start3A_34] : memref<5x64x256xf32, #tpu.memory_space<vmem>> -> memref<1x64x256xf32, #tpu.memory_space<vmem>>
    %dma_start3A_36 = tpu.memref_squeeze %dma_start3A_35 : memref<1x64x256xf32, #tpu.memory_space<vmem>> -> memref<64x256xf32, #tpu.memory_space<vmem>>
    %dma_start3A_37 = arith.constant 192 : i32
    %dma_start3A_38 = tpu.memref_slice %arg5[%dma_start3A_37] : memref<512xi32, #tpu.memory_space<vmem>> -> memref<64xi32, #tpu.memory_space<vmem>>
    %dma_start3A_39 = arith.constant 0 : i32
    %dma_start3A_40 = arith.constant 0 : i32
    %dma_start3A_41 = tpu.memref_slice %arg2[%dma_start3A_39, %dma_start3A_40] : memref<100000x256xf32, #tpu.memory_space<hbm>> -> memref<100000x256xf32, #tpu.memory_space<hbm>>
    tpu.enqueue_indirect_dma source(%dma_start3A_41 : memref<100000x256xf32, #tpu.memory_space<hbm>>) target(%dma_start3A_36 : memref<64x256xf32, #tpu.memory_space<vmem>>) offsets(%dma_start3A_38 : memref<64xi32, #tpu.memory_space<vmem>>) semaphore(%arg10 : memref<!tpu.dma_semaphore, #tpu.memory_space<semaphore_mem>>)
    %dma_start3A_42 = arith.constant 4 : i32
    %dma_start3A_43 = arith.constant 0 : i32
    %dma_start3A_44 = arith.constant 0 : i32
    %dma_start3A_45 = tpu.memref_slice %arg6[%dma_start3A_42, %dma_start3A_43, %dma_start3A_44] : memref<5x64x256xf32, #tpu.memory_space<vmem>> -> memref<1x64x256xf32, #tpu.memory_space<vmem>>
    %dma_start3A_46 = tpu.memref_squeeze %dma_start3A_45 : memref<1x64x256xf32, #tpu.memory_space<vmem>> -> memref<64x256xf32, #tpu.memory_space<vmem>>
    %dma_start3A_47 = arith.constant 256 : i32
    %dma_start3A_48 = tpu.memref_slice %arg5[%dma_start3A_47] : memref<512xi32, #tpu.memory_space<vmem>> -> memref<64xi32, #tpu.memory_space<vmem>>
    %dma_start3A_49 = arith.constant 0 : i32
    %dma_start3A_50 = arith.constant 0 : i32
    %dma_start3A_51 = tpu.memref_slice %arg2[%dma_start3A_49, %dma_start3A_50] : memref<100000x256xf32, #tpu.memory_space<hbm>> -> memref<100000x256xf32, #tpu.memory_space<hbm>>
    tpu.enqueue_indirect_dma source(%dma_start3A_51 : memref<100000x256xf32, #tpu.memory_space<hbm>>) target(%dma_start3A_46 : memref<64x256xf32, #tpu.memory_space<vmem>>) offsets(%dma_start3A_48 : memref<64xi32, #tpu.memory_space<vmem>>) semaphore(%arg11 : memref<!tpu.dma_semaphore, #tpu.memory_space<semaphore_mem>>)
    %dma_wait3A = arith.constant 0 : i32
    %dma_wait3A_52 = arith.constant 0 : i32
    %dma_wait3A_53 = arith.constant 0 : i32
    %dma_wait3A_54 = tpu.memref_slice %arg6[%dma_wait3A, %dma_wait3A_52, %dma_wait3A_53] : memref<5x64x256xf32, #tpu.memory_space<vmem>> -> memref<1x64x256xf32, #tpu.memory_space<vmem>>
    %dma_wait3A_55 = tpu.memref_squeeze %dma_wait3A_54 : memref<1x64x256xf32, #tpu.memory_space<vmem>> -> memref<64x256xf32, #tpu.memory_space<vmem>>
    %dma_wait3A_56 = arith.constant 0 : i32
    %dma_wait3A_57 = tpu.memref_slice %arg5[%dma_wait3A_56] : memref<512xi32, #tpu.memory_space<vmem>> -> memref<64xi32, #tpu.memory_space<vmem>>
    %dma_wait3A_58 = arith.constant 0 : i32
    %dma_wait3A_59 = arith.constant 0 : i32
    %dma_wait3A_60 = tpu.memref_slice %arg2[%dma_wait3A_58, %dma_wait3A_59] : memref<100000x256xf32, #tpu.memory_space<hbm>> -> memref<100000x256xf32, #tpu.memory_space<hbm>>
    tpu.wait_indirect_dma semaphore(%arg7 : memref<!tpu.dma_semaphore, #tpu.memory_space<semaphore_mem>>) src(%dma_wait3A_60 : memref<100000x256xf32, #tpu.memory_space<hbm>>) dst(%dma_wait3A_55 : memref<64x256xf32, #tpu.memory_space<vmem>>)
    %add3A_61 = arith.constant 0 : i32
    %add3A_62 = arith.addi %mul3A_2, %add3A_61 : i32
    %dma_start3A_63 = arith.constant 0 : i32
    %dma_start3A_64 = arith.constant 0 : i32
    %dma_start3A_65 = arith.constant 0 : i32
    %dma_start3A_66 = tpu.memref_slice %arg6[%dma_start3A_63, %dma_start3A_64, %dma_start3A_65] : memref<5x64x256xf32, #tpu.memory_space<vmem>> -> memref<1x64x256xf32, #tpu.memory_space<vmem>>
    %dma_start3A_67 = tpu.memref_squeeze %dma_start3A_66 : memref<1x64x256xf32, #tpu.memory_space<vmem>> -> memref<64x256xf32, #tpu.memory_space<vmem>>
    %dma_start3A_68 = arith.constant 0 : i32
    %dma_start3A_69 = tpu.memref_slice %arg4[%add3A_62, %dma_start3A_68] : memref<16384x256xf32, #tpu.memory_space<hbm>> -> memref<64x256xf32, #tpu.memory_space<hbm>>
    %dma_start3A_70 = arith.constant 0 : i32
    %dma_start3A_71 = tpu.memref_slice %arg4[%add3A_62, %dma_start3A_70] : memref<16384x256xf32, #tpu.memory_space<hbm>> -> memref<64x256xf32, #tpu.memory_space<hbm>>
    %dma_start3A_72 = arith.constant 0 : i32
    %dma_start3A_73 = arith.constant 0 : i32
    %dma_start3A_74 = tpu.memref_slice %arg6[%dma_start3A_63, %dma_start3A_72, %dma_start3A_73] : memref<5x64x256xf32, #tpu.memory_space<vmem>> -> memref<1x64x256xf32, #tpu.memory_space<vmem>>
    %dma_start3A_75 = tpu.memref_squeeze %dma_start3A_74 : memref<1x64x256xf32, #tpu.memory_space<vmem>> -> memref<64x256xf32, #tpu.memory_space<vmem>>
    tpu.enqueue_dma source(%dma_start3A_75 : memref<64x256xf32, #tpu.memory_space<vmem>>) target(%dma_start3A_71 : memref<64x256xf32, #tpu.memory_space<hbm>>) target_semaphore(%arg12 : memref<!tpu.dma_semaphore, #tpu.memory_space<semaphore_mem>>)
    %dma_wait3A_76 = arith.constant 0 : i32
    %dma_wait3A_77 = arith.constant 0 : i32
    %dma_wait3A_78 = arith.constant 0 : i32
    %dma_wait3A_79 = tpu.memref_slice %arg6[%dma_wait3A_76, %dma_wait3A_77, %dma_wait3A_78] : memref<5x64x256xf32, #tpu.memory_space<vmem>> -> memref<1x64x256xf32, #tpu.memory_space<vmem>>
    %dma_wait3A_80 = tpu.memref_squeeze %dma_wait3A_79 : memref<1x64x256xf32, #tpu.memory_space<vmem>> -> memref<64x256xf32, #tpu.memory_space<vmem>>
    %dma_wait3A_81 = arith.constant 0 : i32
    %dma_wait3A_82 = tpu.memref_slice %arg4[%add3A_62, %dma_wait3A_81] : memref<16384x256xf32, #tpu.memory_space<hbm>> -> memref<64x256xf32, #tpu.memory_space<hbm>>
    %dma_wait3A_83 = arith.constant 0 : i32
    %dma_wait3A_84 = tpu.memref_slice %arg4[%add3A_62, %dma_wait3A_83] : memref<16384x256xf32, #tpu.memory_space<hbm>> -> memref<64x256xf32, #tpu.memory_space<hbm>>
    %dma_wait3A_85 = arith.constant 0 : i32
    %dma_wait3A_86 = arith.constant 0 : i32
    %dma_wait3A_87 = tpu.memref_slice %arg6[%dma_wait3A_76, %dma_wait3A_85, %dma_wait3A_86] : memref<5x64x256xf32, #tpu.memory_space<vmem>> -> memref<1x64x256xf32, #tpu.memory_space<vmem>>
    %dma_wait3A_88 = tpu.memref_squeeze %dma_wait3A_87 : memref<1x64x256xf32, #tpu.memory_space<vmem>> -> memref<64x256xf32, #tpu.memory_space<vmem>>
    tpu.wait_dma2 semaphore(%arg12 : memref<!tpu.dma_semaphore, #tpu.memory_space<semaphore_mem>>) src(%dma_wait3A_88 : memref<64x256xf32, #tpu.memory_space<vmem>>) dst(%dma_wait3A_84 : memref<64x256xf32, #tpu.memory_space<hbm>>)
    %dma_start3A_89 = arith.constant 0 : i32
    %dma_start3A_90 = arith.constant 0 : i32
    %dma_start3A_91 = arith.constant 0 : i32
    %dma_start3A_92 = tpu.memref_slice %arg6[%dma_start3A_89, %dma_start3A_90, %dma_start3A_91] : memref<5x64x256xf32, #tpu.memory_space<vmem>> -> memref<1x64x256xf32, #tpu.memory_space<vmem>>
    %dma_start3A_93 = tpu.memref_squeeze %dma_start3A_92 : memref<1x64x256xf32, #tpu.memory_space<vmem>> -> memref<64x256xf32, #tpu.memory_space<vmem>>
    %dma_start3A_94 = arith.constant 320 : i32
    %dma_start3A_95 = tpu.memref_slice %arg5[%dma_start3A_94] : memref<512xi32, #tpu.memory_space<vmem>> -> memref<64xi32, #tpu.memory_space<vmem>>
    %dma_start3A_96 = arith.constant 0 : i32
    %dma_start3A_97 = arith.constant 0 : i32
    %dma_start3A_98 = tpu.memref_slice %arg2[%dma_start3A_96, %dma_start3A_97] : memref<100000x256xf32, #tpu.memory_space<hbm>> -> memref<100000x256xf32, #tpu.memory_space<hbm>>
    tpu.enqueue_indirect_dma source(%dma_start3A_98 : memref<100000x256xf32, #tpu.memory_space<hbm>>) target(%dma_start3A_93 : memref<64x256xf32, #tpu.memory_space<vmem>>) offsets(%dma_start3A_95 : memref<64xi32, #tpu.memory_space<vmem>>) semaphore(%arg7 : memref<!tpu.dma_semaphore, #tpu.memory_space<semaphore_mem>>)
    %dma_wait3A_99 = arith.constant 1 : i32
    %dma_wait3A_100 = arith.constant 0 : i32
    %dma_wait3A_101 = arith.constant 0 : i32
    %dma_wait3A_102 = tpu.memref_slice %arg6[%dma_wait3A_99, %dma_wait3A_100, %dma_wait3A_101] : memref<5x64x256xf32, #tpu.memory_space<vmem>> -> memref<1x64x256xf32, #tpu.memory_space<vmem>>
    %dma_wait3A_103 = tpu.memref_squeeze %dma_wait3A_102 : memref<1x64x256xf32, #tpu.memory_space<vmem>> -> memref<64x256xf32, #tpu.memory_space<vmem>>
    %dma_wait3A_104 = arith.constant 64 : i32
    %dma_wait3A_105 = tpu.memref_slice %arg5[%dma_wait3A_104] : memref<512xi32, #tpu.memory_space<vmem>> -> memref<64xi32, #tpu.memory_space<vmem>>
    %dma_wait3A_106 = arith.constant 0 : i32
    %dma_wait3A_107 = arith.constant 0 : i32
    %dma_wait3A_108 = tpu.memref_slice %arg2[%dma_wait3A_106, %dma_wait3A_107] : memref<100000x256xf32, #tpu.memory_space<hbm>> -> memref<100000x256xf32, #tpu.memory_space<hbm>>
    tpu.wait_indirect_dma semaphore(%arg8 : memref<!tpu.dma_semaphore, #tpu.memory_space<semaphore_mem>>) src(%dma_wait3A_108 : memref<100000x256xf32, #tpu.memory_space<hbm>>) dst(%dma_wait3A_103 : memref<64x256xf32, #tpu.memory_space<vmem>>)
    %add3A_109 = arith.constant 64 : i32
    %add3A_110 = arith.addi %mul3A_2, %add3A_109 : i32
    %dma_start3A_111 = arith.constant 1 : i32
    %dma_start3A_112 = arith.constant 0 : i32
    %dma_start3A_113 = arith.constant 0 : i32
    %dma_start3A_114 = tpu.memref_slice %arg6[%dma_start3A_111, %dma_start3A_112, %dma_start3A_113] : memref<5x64x256xf32, #tpu.memory_space<vmem>> -> memref<1x64x256xf32, #tpu.memory_space<vmem>>
    %dma_start3A_115 = tpu.memref_squeeze %dma_start3A_114 : memref<1x64x256xf32, #tpu.memory_space<vmem>> -> memref<64x256xf32, #tpu.memory_space<vmem>>
    %dma_start3A_116 = arith.constant 0 : i32
    %dma_start3A_117 = tpu.memref_slice %arg4[%add3A_110, %dma_start3A_116] : memref<16384x256xf32, #tpu.memory_space<hbm>> -> memref<64x256xf32, #tpu.memory_space<hbm>>
    %dma_start3A_118 = arith.constant 0 : i32
    %dma_start3A_119 = tpu.memref_slice %arg4[%add3A_110, %dma_start3A_118] : memref<16384x256xf32, #tpu.memory_space<hbm>> -> memref<64x256xf32, #tpu.memory_space<hbm>>
    %dma_start3A_120 = arith.constant 0 : i32
    %dma_start3A_121 = arith.constant 0 : i32
    %dma_start3A_122 = tpu.memref_slice %arg6[%dma_start3A_111, %dma_start3A_120, %dma_start3A_121] : memref<5x64x256xf32, #tpu.memory_space<vmem>> -> memref<1x64x256xf32, #tpu.memory_space<vmem>>
    %dma_start3A_123 = tpu.memref_squeeze %dma_start3A_122 : memref<1x64x256xf32, #tpu.memory_space<vmem>> -> memref<64x256xf32, #tpu.memory_space<vmem>>
    tpu.enqueue_dma source(%dma_start3A_123 : memref<64x256xf32, #tpu.memory_space<vmem>>) target(%dma_start3A_119 : memref<64x256xf32, #tpu.memory_space<hbm>>) target_semaphore(%arg13 : memref<!tpu.dma_semaphore, #tpu.memory_space<semaphore_mem>>)
    %dma_wait3A_124 = arith.constant 1 : i32
    %dma_wait3A_125 = arith.constant 0 : i32
    %dma_wait3A_126 = arith.constant 0 : i32
    %dma_wait3A_127 = tpu.memref_slice %arg6[%dma_wait3A_124, %dma_wait3A_125, %dma_wait3A_126] : memref<5x64x256xf32, #tpu.memory_space<vmem>> -> memref<1x64x256xf32, #tpu.memory_space<vmem>>
    %dma_wait3A_128 = tpu.memref_squeeze %dma_wait3A_127 : memref<1x64x256xf32, #tpu.memory_space<vmem>> -> memref<64x256xf32, #tpu.memory_space<vmem>>
    %dma_wait3A_129 = arith.constant 0 : i32
    %dma_wait3A_130 = tpu.memref_slice %arg4[%add3A_110, %dma_wait3A_129] : memref<16384x256xf32, #tpu.memory_space<hbm>> -> memref<64x256xf32, #tpu.memory_space<hbm>>
    %dma_wait3A_131 = arith.constant 0 : i32
    %dma_wait3A_132 = tpu.memref_slice %arg4[%add3A_110, %dma_wait3A_131] : memref<16384x256xf32, #tpu.memory_space<hbm>> -> memref<64x256xf32, #tpu.memory_space<hbm>>
    %dma_wait3A_133 = arith.constant 0 : i32
    %dma_wait3A_134 = arith.constant 0 : i32
    %dma_wait3A_135 = tpu.memref_slice %arg6[%dma_wait3A_124, %dma_wait3A_133, %dma_wait3A_134] : memref<5x64x256xf32, #tpu.memory_space<vmem>> -> memref<1x64x256xf32, #tpu.memory_space<vmem>>
    %dma_wait3A_136 = tpu.memref_squeeze %dma_wait3A_135 : memref<1x64x256xf32, #tpu.memory_space<vmem>> -> memref<64x256xf32, #tpu.memory_space<vmem>>
    tpu.wait_dma2 semaphore(%arg13 : memref<!tpu.dma_semaphore, #tpu.memory_space<semaphore_mem>>) src(%dma_wait3A_136 : memref<64x256xf32, #tpu.memory_space<vmem>>) dst(%dma_wait3A_132 : memref<64x256xf32, #tpu.memory_space<hbm>>)
    %dma_start3A_137 = arith.constant 1 : i32
    %dma_start3A_138 = arith.constant 0 : i32
    %dma_start3A_139 = arith.constant 0 : i32
    %dma_start3A_140 = tpu.memref_slice %arg6[%dma_start3A_137, %dma_start3A_138, %dma_start3A_139] : memref<5x64x256xf32, #tpu.memory_space<vmem>> -> memref<1x64x256xf32, #tpu.memory_space<vmem>>
    %dma_start3A_141 = tpu.memref_squeeze %dma_start3A_140 : memref<1x64x256xf32, #tpu.memory_space<vmem>> -> memref<64x256xf32, #tpu.memory_space<vmem>>
    %dma_start3A_142 = arith.constant 384 : i32
    %dma_start3A_143 = tpu.memref_slice %arg5[%dma_start3A_142] : memref<512xi32, #tpu.memory_space<vmem>> -> memref<64xi32, #tpu.memory_space<vmem>>
    %dma_start3A_144 = arith.constant 0 : i32
    %dma_start3A_145 = arith.constant 0 : i32
    %dma_start3A_146 = tpu.memref_slice %arg2[%dma_start3A_144, %dma_start3A_145] : memref<100000x256xf32, #tpu.memory_space<hbm>> -> memref<100000x256xf32, #tpu.memory_space<hbm>>
    tpu.enqueue_indirect_dma source(%dma_start3A_146 : memref<100000x256xf32, #tpu.memory_space<hbm>>) target(%dma_start3A_141 : memref<64x256xf32, #tpu.memory_space<vmem>>) offsets(%dma_start3A_143 : memref<64xi32, #tpu.memory_space<vmem>>) semaphore(%arg8 : memref<!tpu.dma_semaphore, #tpu.memory_space<semaphore_mem>>)
    %dma_wait3A_147 = arith.constant 2 : i32
    %dma_wait3A_148 = arith.constant 0 : i32
    %dma_wait3A_149 = arith.constant 0 : i32
    %dma_wait3A_150 = tpu.memref_slice %arg6[%dma_wait3A_147, %dma_wait3A_148, %dma_wait3A_149] : memref<5x64x256xf32, #tpu.memory_space<vmem>> -> memref<1x64x256xf32, #tpu.memory_space<vmem>>
    %dma_wait3A_151 = tpu.memref_squeeze %dma_wait3A_150 : memref<1x64x256xf32, #tpu.memory_space<vmem>> -> memref<64x256xf32, #tpu.memory_space<vmem>>
    %dma_wait3A_152 = arith.constant 128 : i32
    %dma_wait3A_153 = tpu.memref_slice %arg5[%dma_wait3A_152] : memref<512xi32, #tpu.memory_space<vmem>> -> memref<64xi32, #tpu.memory_space<vmem>>
    %dma_wait3A_154 = arith.constant 0 : i32
    %dma_wait3A_155 = arith.constant 0 : i32
    %dma_wait3A_156 = tpu.memref_slice %arg2[%dma_wait3A_154, %dma_wait3A_155] : memref<100000x256xf32, #tpu.memory_space<hbm>> -> memref<100000x256xf32, #tpu.memory_space<hbm>>
    tpu.wait_indirect_dma semaphore(%arg9 : memref<!tpu.dma_semaphore, #tpu.memory_space<semaphore_mem>>) src(%dma_wait3A_156 : memref<100000x256xf32, #tpu.memory_space<hbm>>) dst(%dma_wait3A_151 : memref<64x256xf32, #tpu.memory_space<vmem>>)
    %add3A_157 = arith.constant 128 : i32
    %add3A_158 = arith.addi %mul3A_2, %add3A_157 : i32
    %dma_start3A_159 = arith.constant 2 : i32
    %dma_start3A_160 = arith.constant 0 : i32
    %dma_start3A_161 = arith.constant 0 : i32
    %dma_start3A_162 = tpu.memref_slice %arg6[%dma_start3A_159, %dma_start3A_160, %dma_start3A_161] : memref<5x64x256xf32, #tpu.memory_space<vmem>> -> memref<1x64x256xf32, #tpu.memory_space<vmem>>
    %dma_start3A_163 = tpu.memref_squeeze %dma_start3A_162 : memref<1x64x256xf32, #tpu.memory_space<vmem>> -> memref<64x256xf32, #tpu.memory_space<vmem>>
    %dma_start3A_164 = arith.constant 0 : i32
    %dma_start3A_165 = tpu.memref_slice %arg4[%add3A_158, %dma_start3A_164] : memref<16384x256xf32, #tpu.memory_space<hbm>> -> memref<64x256xf32, #tpu.memory_space<hbm>>
    %dma_start3A_166 = arith.constant 0 : i32
    %dma_start3A_167 = tpu.memref_slice %arg4[%add3A_158, %dma_start3A_166] : memref<16384x256xf32, #tpu.memory_space<hbm>> -> memref<64x256xf32, #tpu.memory_space<hbm>>
    %dma_start3A_168 = arith.constant 0 : i32
    %dma_start3A_169 = arith.constant 0 : i32
    %dma_start3A_170 = tpu.memref_slice %arg6[%dma_start3A_159, %dma_start3A_168, %dma_start3A_169] : memref<5x64x256xf32, #tpu.memory_space<vmem>> -> memref<1x64x256xf32, #tpu.memory_space<vmem>>
    %dma_start3A_171 = tpu.memref_squeeze %dma_start3A_170 : memref<1x64x256xf32, #tpu.memory_space<vmem>> -> memref<64x256xf32, #tpu.memory_space<vmem>>
    tpu.enqueue_dma source(%dma_start3A_171 : memref<64x256xf32, #tpu.memory_space<vmem>>) target(%dma_start3A_167 : memref<64x256xf32, #tpu.memory_space<hbm>>) target_semaphore(%arg14 : memref<!tpu.dma_semaphore, #tpu.memory_space<semaphore_mem>>)
    %dma_wait3A_172 = arith.constant 2 : i32
    %dma_wait3A_173 = arith.constant 0 : i32
    %dma_wait3A_174 = arith.constant 0 : i32
    %dma_wait3A_175 = tpu.memref_slice %arg6[%dma_wait3A_172, %dma_wait3A_173, %dma_wait3A_174] : memref<5x64x256xf32, #tpu.memory_space<vmem>> -> memref<1x64x256xf32, #tpu.memory_space<vmem>>
    %dma_wait3A_176 = tpu.memref_squeeze %dma_wait3A_175 : memref<1x64x256xf32, #tpu.memory_space<vmem>> -> memref<64x256xf32, #tpu.memory_space<vmem>>
    %dma_wait3A_177 = arith.constant 0 : i32
    %dma_wait3A_178 = tpu.memref_slice %arg4[%add3A_158, %dma_wait3A_177] : memref<16384x256xf32, #tpu.memory_space<hbm>> -> memref<64x256xf32, #tpu.memory_space<hbm>>
    %dma_wait3A_179 = arith.constant 0 : i32
    %dma_wait3A_180 = tpu.memref_slice %arg4[%add3A_158, %dma_wait3A_179] : memref<16384x256xf32, #tpu.memory_space<hbm>> -> memref<64x256xf32, #tpu.memory_space<hbm>>
    %dma_wait3A_181 = arith.constant 0 : i32
    %dma_wait3A_182 = arith.constant 0 : i32
    %dma_wait3A_183 = tpu.memref_slice %arg6[%dma_wait3A_172, %dma_wait3A_181, %dma_wait3A_182] : memref<5x64x256xf32, #tpu.memory_space<vmem>> -> memref<1x64x256xf32, #tpu.memory_space<vmem>>
    %dma_wait3A_184 = tpu.memref_squeeze %dma_wait3A_183 : memref<1x64x256xf32, #tpu.memory_space<vmem>> -> memref<64x256xf32, #tpu.memory_space<vmem>>
    tpu.wait_dma2 semaphore(%arg14 : memref<!tpu.dma_semaphore, #tpu.memory_space<semaphore_mem>>) src(%dma_wait3A_184 : memref<64x256xf32, #tpu.memory_space<vmem>>) dst(%dma_wait3A_180 : memref<64x256xf32, #tpu.memory_space<hbm>>)
    %dma_start3A_185 = arith.constant 2 : i32
    %dma_start3A_186 = arith.constant 0 : i32
    %dma_start3A_187 = arith.constant 0 : i32
    %dma_start3A_188 = tpu.memref_slice %arg6[%dma_start3A_185, %dma_start3A_186, %dma_start3A_187] : memref<5x64x256xf32, #tpu.memory_space<vmem>> -> memref<1x64x256xf32, #tpu.memory_space<vmem>>
    %dma_start3A_189 = tpu.memref_squeeze %dma_start3A_188 : memref<1x64x256xf32, #tpu.memory_space<vmem>> -> memref<64x256xf32, #tpu.memory_space<vmem>>
    %dma_start3A_190 = arith.constant 448 : i32
    %dma_start3A_191 = tpu.memref_slice %arg5[%dma_start3A_190] : memref<512xi32, #tpu.memory_space<vmem>> -> memref<64xi32, #tpu.memory_space<vmem>>
    %dma_start3A_192 = arith.constant 0 : i32
    %dma_start3A_193 = arith.constant 0 : i32
    %dma_start3A_194 = tpu.memref_slice %arg2[%dma_start3A_192, %dma_start3A_193] : memref<100000x256xf32, #tpu.memory_space<hbm>> -> memref<100000x256xf32, #tpu.memory_space<hbm>>
    tpu.enqueue_indirect_dma source(%dma_start3A_194 : memref<100000x256xf32, #tpu.memory_space<hbm>>) target(%dma_start3A_189 : memref<64x256xf32, #tpu.memory_space<vmem>>) offsets(%dma_start3A_191 : memref<64xi32, #tpu.memory_space<vmem>>) semaphore(%arg9 : memref<!tpu.dma_semaphore, #tpu.memory_space<semaphore_mem>>)
    %dma_wait3A_195 = arith.constant 3 : i32
    %dma_wait3A_196 = arith.constant 0 : i32
    %dma_wait3A_197 = arith.constant 0 : i32
    %dma_wait3A_198 = tpu.memref_slice %arg6[%dma_wait3A_195, %dma_wait3A_196, %dma_wait3A_197] : memref<5x64x256xf32, #tpu.memory_space<vmem>> -> memref<1x64x256xf32, #tpu.memory_space<vmem>>
    %dma_wait3A_199 = tpu.memref_squeeze %dma_wait3A_198 : memref<1x64x256xf32, #tpu.memory_space<vmem>> -> memref<64x256xf32, #tpu.memory_space<vmem>>
    %dma_wait3A_200 = arith.constant 192 : i32
    %dma_wait3A_201 = tpu.memref_slice %arg5[%dma_wait3A_200] : memref<512xi32, #tpu.memory_space<vmem>> -> memref<64xi32, #tpu.memory_space<vmem>>
    %dma_wait3A_202 = arith.constant 0 : i32
    %dma_wait3A_203 = arith.constant 0 : i32
    %dma_wait3A_204 = tpu.memref_slice %arg2[%dma_wait3A_202, %dma_wait3A_203] : memref<100000x256xf32, #tpu.memory_space<hbm>> -> memref<100000x256xf32, #tpu.memory_space<hbm>>
    tpu.wait_indirect_dma semaphore(%arg10 : memref<!tpu.dma_semaphore, #tpu.memory_space<semaphore_mem>>) src(%dma_wait3A_204 : memref<100000x256xf32, #tpu.memory_space<hbm>>) dst(%dma_wait3A_199 : memref<64x256xf32, #tpu.memory_space<vmem>>)
    %add3A_205 = arith.constant 192 : i32
    %add3A_206 = arith.addi %mul3A_2, %add3A_205 : i32
    %dma_start3A_207 = arith.constant 3 : i32
    %dma_start3A_208 = arith.constant 0 : i32
    %dma_start3A_209 = arith.constant 0 : i32
    %dma_start3A_210 = tpu.memref_slice %arg6[%dma_start3A_207, %dma_start3A_208, %dma_start3A_209] : memref<5x64x256xf32, #tpu.memory_space<vmem>> -> memref<1x64x256xf32, #tpu.memory_space<vmem>>
    %dma_start3A_211 = tpu.memref_squeeze %dma_start3A_210 : memref<1x64x256xf32, #tpu.memory_space<vmem>> -> memref<64x256xf32, #tpu.memory_space<vmem>>
    %dma_start3A_212 = arith.constant 0 : i32
    %dma_start3A_213 = tpu.memref_slice %arg4[%add3A_206, %dma_start3A_212] : memref<16384x256xf32, #tpu.memory_space<hbm>> -> memref<64x256xf32, #tpu.memory_space<hbm>>
    %dma_start3A_214 = arith.constant 0 : i32
    %dma_start3A_215 = tpu.memref_slice %arg4[%add3A_206, %dma_start3A_214] : memref<16384x256xf32, #tpu.memory_space<hbm>> -> memref<64x256xf32, #tpu.memory_space<hbm>>
    %dma_start3A_216 = arith.constant 0 : i32
    %dma_start3A_217 = arith.constant 0 : i32
    %dma_start3A_218 = tpu.memref_slice %arg6[%dma_start3A_207, %dma_start3A_216, %dma_start3A_217] : memref<5x64x256xf32, #tpu.memory_space<vmem>> -> memref<1x64x256xf32, #tpu.memory_space<vmem>>
    %dma_start3A_219 = tpu.memref_squeeze %dma_start3A_218 : memref<1x64x256xf32, #tpu.memory_space<vmem>> -> memref<64x256xf32, #tpu.memory_space<vmem>>
    tpu.enqueue_dma source(%dma_start3A_219 : memref<64x256xf32, #tpu.memory_space<vmem>>) target(%dma_start3A_215 : memref<64x256xf32, #tpu.memory_space<hbm>>) target_semaphore(%arg15 : memref<!tpu.dma_semaphore, #tpu.memory_space<semaphore_mem>>)
    %dma_wait3A_220 = arith.constant 4 : i32
    %dma_wait3A_221 = arith.constant 0 : i32
    %dma_wait3A_222 = arith.constant 0 : i32
    %dma_wait3A_223 = tpu.memref_slice %arg6[%dma_wait3A_220, %dma_wait3A_221, %dma_wait3A_222] : memref<5x64x256xf32, #tpu.memory_space<vmem>> -> memref<1x64x256xf32, #tpu.memory_space<vmem>>
    %dma_wait3A_224 = tpu.memref_squeeze %dma_wait3A_223 : memref<1x64x256xf32, #tpu.memory_space<vmem>> -> memref<64x256xf32, #tpu.memory_space<vmem>>
    %dma_wait3A_225 = arith.constant 256 : i32
    %dma_wait3A_226 = tpu.memref_slice %arg5[%dma_wait3A_225] : memref<512xi32, #tpu.memory_space<vmem>> -> memref<64xi32, #tpu.memory_space<vmem>>
    %dma_wait3A_227 = arith.constant 0 : i32
    %dma_wait3A_228 = arith.constant 0 : i32
    %dma_wait3A_229 = tpu.memref_slice %arg2[%dma_wait3A_227, %dma_wait3A_228] : memref<100000x256xf32, #tpu.memory_space<hbm>> -> memref<100000x256xf32, #tpu.memory_space<hbm>>
    tpu.wait_indirect_dma semaphore(%arg11 : memref<!tpu.dma_semaphore, #tpu.memory_space<semaphore_mem>>) src(%dma_wait3A_229 : memref<100000x256xf32, #tpu.memory_space<hbm>>) dst(%dma_wait3A_224 : memref<64x256xf32, #tpu.memory_space<vmem>>)
    %add3A_230 = arith.constant 256 : i32
    %add3A_231 = arith.addi %mul3A_2, %add3A_230 : i32
    %dma_start3A_232 = arith.constant 4 : i32
    %dma_start3A_233 = arith.constant 0 : i32
    %dma_start3A_234 = arith.constant 0 : i32
    %dma_start3A_235 = tpu.memref_slice %arg6[%dma_start3A_232, %dma_start3A_233, %dma_start3A_234] : memref<5x64x256xf32, #tpu.memory_space<vmem>> -> memref<1x64x256xf32, #tpu.memory_space<vmem>>
    %dma_start3A_236 = tpu.memref_squeeze %dma_start3A_235 : memref<1x64x256xf32, #tpu.memory_space<vmem>> -> memref<64x256xf32, #tpu.memory_space<vmem>>
    %dma_start3A_237 = arith.constant 0 : i32
    %dma_start3A_238 = tpu.memref_slice %arg4[%add3A_231, %dma_start3A_237] : memref<16384x256xf32, #tpu.memory_space<hbm>> -> memref<64x256xf32, #tpu.memory_space<hbm>>
    %dma_start3A_239 = arith.constant 0 : i32
    %dma_start3A_240 = tpu.memref_slice %arg4[%add3A_231, %dma_start3A_239] : memref<16384x256xf32, #tpu.memory_space<hbm>> -> memref<64x256xf32, #tpu.memory_space<hbm>>
    %dma_start3A_241 = arith.constant 0 : i32
    %dma_start3A_242 = arith.constant 0 : i32
    %dma_start3A_243 = tpu.memref_slice %arg6[%dma_start3A_232, %dma_start3A_241, %dma_start3A_242] : memref<5x64x256xf32, #tpu.memory_space<vmem>> -> memref<1x64x256xf32, #tpu.memory_space<vmem>>
    %dma_start3A_244 = tpu.memref_squeeze %dma_start3A_243 : memref<1x64x256xf32, #tpu.memory_space<vmem>> -> memref<64x256xf32, #tpu.memory_space<vmem>>
    tpu.enqueue_dma source(%dma_start3A_244 : memref<64x256xf32, #tpu.memory_space<vmem>>) target(%dma_start3A_240 : memref<64x256xf32, #tpu.memory_space<hbm>>) target_semaphore(%arg16 : memref<!tpu.dma_semaphore, #tpu.memory_space<semaphore_mem>>)
    %dma_wait3A_245 = arith.constant 0 : i32
    %dma_wait3A_246 = arith.constant 0 : i32
    %dma_wait3A_247 = arith.constant 0 : i32
    %dma_wait3A_248 = tpu.memref_slice %arg6[%dma_wait3A_245, %dma_wait3A_246, %dma_wait3A_247] : memref<5x64x256xf32, #tpu.memory_space<vmem>> -> memref<1x64x256xf32, #tpu.memory_space<vmem>>
    %dma_wait3A_249 = tpu.memref_squeeze %dma_wait3A_248 : memref<1x64x256xf32, #tpu.memory_space<vmem>> -> memref<64x256xf32, #tpu.memory_space<vmem>>
    %dma_wait3A_250 = arith.constant 320 : i32
    %dma_wait3A_251 = tpu.memref_slice %arg5[%dma_wait3A_250] : memref<512xi32, #tpu.memory_space<vmem>> -> memref<64xi32, #tpu.memory_space<vmem>>
    %dma_wait3A_252 = arith.constant 0 : i32
    %dma_wait3A_253 = arith.constant 0 : i32
    %dma_wait3A_254 = tpu.memref_slice %arg2[%dma_wait3A_252, %dma_wait3A_253] : memref<100000x256xf32, #tpu.memory_space<hbm>> -> memref<100000x256xf32, #tpu.memory_space<hbm>>
    tpu.wait_indirect_dma semaphore(%arg7 : memref<!tpu.dma_semaphore, #tpu.memory_space<semaphore_mem>>) src(%dma_wait3A_254 : memref<100000x256xf32, #tpu.memory_space<hbm>>) dst(%dma_wait3A_249 : memref<64x256xf32, #tpu.memory_space<vmem>>)
    %add3A_255 = arith.constant 320 : i32
    %add3A_256 = arith.addi %mul3A_2, %add3A_255 : i32
    %dma_start3A_257 = arith.constant 0 : i32
    %dma_start3A_258 = arith.constant 0 : i32
    %dma_start3A_259 = arith.constant 0 : i32
    %dma_start3A_260 = tpu.memref_slice %arg6[%dma_start3A_257, %dma_start3A_258, %dma_start3A_259] : memref<5x64x256xf32, #tpu.memory_space<vmem>> -> memref<1x64x256xf32, #tpu.memory_space<vmem>>
    %dma_start3A_261 = tpu.memref_squeeze %dma_start3A_260 : memref<1x64x256xf32, #tpu.memory_space<vmem>> -> memref<64x256xf32, #tpu.memory_space<vmem>>
    %dma_start3A_262 = arith.constant 0 : i32
    %dma_start3A_263 = tpu.memref_slice %arg4[%add3A_256, %dma_start3A_262] : memref<16384x256xf32, #tpu.memory_space<hbm>> -> memref<64x256xf32, #tpu.memory_space<hbm>>
    %dma_start3A_264 = arith.constant 0 : i32
    %dma_start3A_265 = tpu.memref_slice %arg4[%add3A_256, %dma_start3A_264] : memref<16384x256xf32, #tpu.memory_space<hbm>> -> memref<64x256xf32, #tpu.memory_space<hbm>>
    %dma_start3A_266 = arith.constant 0 : i32
    %dma_start3A_267 = arith.constant 0 : i32
    %dma_start3A_268 = tpu.memref_slice %arg6[%dma_start3A_257, %dma_start3A_266, %dma_start3A_267] : memref<5x64x256xf32, #tpu.memory_space<vmem>> -> memref<1x64x256xf32, #tpu.memory_space<vmem>>
    %dma_start3A_269 = tpu.memref_squeeze %dma_start3A_268 : memref<1x64x256xf32, #tpu.memory_space<vmem>> -> memref<64x256xf32, #tpu.memory_space<vmem>>
    tpu.enqueue_dma source(%dma_start3A_269 : memref<64x256xf32, #tpu.memory_space<vmem>>) target(%dma_start3A_265 : memref<64x256xf32, #tpu.memory_space<hbm>>) target_semaphore(%arg12 : memref<!tpu.dma_semaphore, #tpu.memory_space<semaphore_mem>>)
    %dma_wait3A_270 = arith.constant 1 : i32
    %dma_wait3A_271 = arith.constant 0 : i32
    %dma_wait3A_272 = arith.constant 0 : i32
    %dma_wait3A_273 = tpu.memref_slice %arg6[%dma_wait3A_270, %dma_wait3A_271, %dma_wait3A_272] : memref<5x64x256xf32, #tpu.memory_space<vmem>> -> memref<1x64x256xf32, #tpu.memory_space<vmem>>
    %dma_wait3A_274 = tpu.memref_squeeze %dma_wait3A_273 : memref<1x64x256xf32, #tpu.memory_space<vmem>> -> memref<64x256xf32, #tpu.memory_space<vmem>>
    %dma_wait3A_275 = arith.constant 384 : i32
    %dma_wait3A_276 = tpu.memref_slice %arg5[%dma_wait3A_275] : memref<512xi32, #tpu.memory_space<vmem>> -> memref<64xi32, #tpu.memory_space<vmem>>
    %dma_wait3A_277 = arith.constant 0 : i32
    %dma_wait3A_278 = arith.constant 0 : i32
    %dma_wait3A_279 = tpu.memref_slice %arg2[%dma_wait3A_277, %dma_wait3A_278] : memref<100000x256xf32, #tpu.memory_space<hbm>> -> memref<100000x256xf32, #tpu.memory_space<hbm>>
    tpu.wait_indirect_dma semaphore(%arg8 : memref<!tpu.dma_semaphore, #tpu.memory_space<semaphore_mem>>) src(%dma_wait3A_279 : memref<100000x256xf32, #tpu.memory_space<hbm>>) dst(%dma_wait3A_274 : memref<64x256xf32, #tpu.memory_space<vmem>>)
    %add3A_280 = arith.constant 384 : i32
    %add3A_281 = arith.addi %mul3A_2, %add3A_280 : i32
    %dma_start3A_282 = arith.constant 1 : i32
    %dma_start3A_283 = arith.constant 0 : i32
    %dma_start3A_284 = arith.constant 0 : i32
    %dma_start3A_285 = tpu.memref_slice %arg6[%dma_start3A_282, %dma_start3A_283, %dma_start3A_284] : memref<5x64x256xf32, #tpu.memory_space<vmem>> -> memref<1x64x256xf32, #tpu.memory_space<vmem>>
    %dma_start3A_286 = tpu.memref_squeeze %dma_start3A_285 : memref<1x64x256xf32, #tpu.memory_space<vmem>> -> memref<64x256xf32, #tpu.memory_space<vmem>>
    %dma_start3A_287 = arith.constant 0 : i32
    %dma_start3A_288 = tpu.memref_slice %arg4[%add3A_281, %dma_start3A_287] : memref<16384x256xf32, #tpu.memory_space<hbm>> -> memref<64x256xf32, #tpu.memory_space<hbm>>
    %dma_start3A_289 = arith.constant 0 : i32
    %dma_start3A_290 = tpu.memref_slice %arg4[%add3A_281, %dma_start3A_289] : memref<16384x256xf32, #tpu.memory_space<hbm>> -> memref<64x256xf32, #tpu.memory_space<hbm>>
    %dma_start3A_291 = arith.constant 0 : i32
    %dma_start3A_292 = arith.constant 0 : i32
    %dma_start3A_293 = tpu.memref_slice %arg6[%dma_start3A_282, %dma_start3A_291, %dma_start3A_292] : memref<5x64x256xf32, #tpu.memory_space<vmem>> -> memref<1x64x256xf32, #tpu.memory_space<vmem>>
    %dma_start3A_294 = tpu.memref_squeeze %dma_start3A_293 : memref<1x64x256xf32, #tpu.memory_space<vmem>> -> memref<64x256xf32, #tpu.memory_space<vmem>>
    tpu.enqueue_dma source(%dma_start3A_294 : memref<64x256xf32, #tpu.memory_space<vmem>>) target(%dma_start3A_290 : memref<64x256xf32, #tpu.memory_space<hbm>>) target_semaphore(%arg13 : memref<!tpu.dma_semaphore, #tpu.memory_space<semaphore_mem>>)
    %dma_wait3A_295 = arith.constant 2 : i32
    %dma_wait3A_296 = arith.constant 0 : i32
    %dma_wait3A_297 = arith.constant 0 : i32
    %dma_wait3A_298 = tpu.memref_slice %arg6[%dma_wait3A_295, %dma_wait3A_296, %dma_wait3A_297] : memref<5x64x256xf32, #tpu.memory_space<vmem>> -> memref<1x64x256xf32, #tpu.memory_space<vmem>>
    %dma_wait3A_299 = tpu.memref_squeeze %dma_wait3A_298 : memref<1x64x256xf32, #tpu.memory_space<vmem>> -> memref<64x256xf32, #tpu.memory_space<vmem>>
    %dma_wait3A_300 = arith.constant 448 : i32
    %dma_wait3A_301 = tpu.memref_slice %arg5[%dma_wait3A_300] : memref<512xi32, #tpu.memory_space<vmem>> -> memref<64xi32, #tpu.memory_space<vmem>>
    %dma_wait3A_302 = arith.constant 0 : i32
    %dma_wait3A_303 = arith.constant 0 : i32
    %dma_wait3A_304 = tpu.memref_slice %arg2[%dma_wait3A_302, %dma_wait3A_303] : memref<100000x256xf32, #tpu.memory_space<hbm>> -> memref<100000x256xf32, #tpu.memory_space<hbm>>
    tpu.wait_indirect_dma semaphore(%arg9 : memref<!tpu.dma_semaphore, #tpu.memory_space<semaphore_mem>>) src(%dma_wait3A_304 : memref<100000x256xf32, #tpu.memory_space<hbm>>) dst(%dma_wait3A_299 : memref<64x256xf32, #tpu.memory_space<vmem>>)
    %add3A_305 = arith.constant 448 : i32
    %add3A_306 = arith.addi %mul3A_2, %add3A_305 : i32
    %dma_start3A_307 = arith.constant 2 : i32
    %dma_start3A_308 = arith.constant 0 : i32
    %dma_start3A_309 = arith.constant 0 : i32
    %dma_start3A_310 = tpu.memref_slice %arg6[%dma_start3A_307, %dma_start3A_308, %dma_start3A_309] : memref<5x64x256xf32, #tpu.memory_space<vmem>> -> memref<1x64x256xf32, #tpu.memory_space<vmem>>
    %dma_start3A_311 = tpu.memref_squeeze %dma_start3A_310 : memref<1x64x256xf32, #tpu.memory_space<vmem>> -> memref<64x256xf32, #tpu.memory_space<vmem>>
    %dma_start3A_312 = arith.constant 0 : i32
    %dma_start3A_313 = tpu.memref_slice %arg4[%add3A_306, %dma_start3A_312] : memref<16384x256xf32, #tpu.memory_space<hbm>> -> memref<64x256xf32, #tpu.memory_space<hbm>>
    %dma_start3A_314 = arith.constant 0 : i32
    %dma_start3A_315 = tpu.memref_slice %arg4[%add3A_306, %dma_start3A_314] : memref<16384x256xf32, #tpu.memory_space<hbm>> -> memref<64x256xf32, #tpu.memory_space<hbm>>
    %dma_start3A_316 = arith.constant 0 : i32
    %dma_start3A_317 = arith.constant 0 : i32
    %dma_start3A_318 = tpu.memref_slice %arg6[%dma_start3A_307, %dma_start3A_316, %dma_start3A_317] : memref<5x64x256xf32, #tpu.memory_space<vmem>> -> memref<1x64x256xf32, #tpu.memory_space<vmem>>
    %dma_start3A_319 = tpu.memref_squeeze %dma_start3A_318 : memref<1x64x256xf32, #tpu.memory_space<vmem>> -> memref<64x256xf32, #tpu.memory_space<vmem>>
    tpu.enqueue_dma source(%dma_start3A_319 : memref<64x256xf32, #tpu.memory_space<vmem>>) target(%dma_start3A_315 : memref<64x256xf32, #tpu.memory_space<hbm>>) target_semaphore(%arg14 : memref<!tpu.dma_semaphore, #tpu.memory_space<semaphore_mem>>)
    %dma_wait3A_320 = arith.constant 3 : i32
    %dma_wait3A_321 = arith.constant 0 : i32
    %dma_wait3A_322 = arith.constant 0 : i32
    %dma_wait3A_323 = tpu.memref_slice %arg6[%dma_wait3A_320, %dma_wait3A_321, %dma_wait3A_322] : memref<5x64x256xf32, #tpu.memory_space<vmem>> -> memref<1x64x256xf32, #tpu.memory_space<vmem>>
    %dma_wait3A_324 = tpu.memref_squeeze %dma_wait3A_323 : memref<1x64x256xf32, #tpu.memory_space<vmem>> -> memref<64x256xf32, #tpu.memory_space<vmem>>
    %dma_wait3A_325 = arith.constant 0 : i32
    %dma_wait3A_326 = tpu.memref_slice %arg4[%add3A_206, %dma_wait3A_325] : memref<16384x256xf32, #tpu.memory_space<hbm>> -> memref<64x256xf32, #tpu.memory_space<hbm>>
    %dma_wait3A_327 = arith.constant 0 : i32
    %dma_wait3A_328 = tpu.memref_slice %arg4[%add3A_206, %dma_wait3A_327] : memref<16384x256xf32, #tpu.memory_space<hbm>> -> memref<64x256xf32, #tpu.memory_space<hbm>>
    %dma_wait3A_329 = arith.constant 0 : i32
    %dma_wait3A_330 = arith.constant 0 : i32
    %dma_wait3A_331 = tpu.memref_slice %arg6[%dma_wait3A_320, %dma_wait3A_329, %dma_wait3A_330] : memref<5x64x256xf32, #tpu.memory_space<vmem>> -> memref<1x64x256xf32, #tpu.memory_space<vmem>>
    %dma_wait3A_332 = tpu.memref_squeeze %dma_wait3A_331 : memref<1x64x256xf32, #tpu.memory_space<vmem>> -> memref<64x256xf32, #tpu.memory_space<vmem>>
    tpu.wait_dma2 semaphore(%arg15 : memref<!tpu.dma_semaphore, #tpu.memory_space<semaphore_mem>>) src(%dma_wait3A_332 : memref<64x256xf32, #tpu.memory_space<vmem>>) dst(%dma_wait3A_328 : memref<64x256xf32, #tpu.memory_space<hbm>>)
    %dma_wait3A_333 = arith.constant 4 : i32
    %dma_wait3A_334 = arith.constant 0 : i32
    %dma_wait3A_335 = arith.constant 0 : i32
    %dma_wait3A_336 = tpu.memref_slice %arg6[%dma_wait3A_333, %dma_wait3A_334, %dma_wait3A_335] : memref<5x64x256xf32, #tpu.memory_space<vmem>> -> memref<1x64x256xf32, #tpu.memory_space<vmem>>
    %dma_wait3A_337 = tpu.memref_squeeze %dma_wait3A_336 : memref<1x64x256xf32, #tpu.memory_space<vmem>> -> memref<64x256xf32, #tpu.memory_space<vmem>>
    %dma_wait3A_338 = arith.constant 0 : i32
    %dma_wait3A_339 = tpu.memref_slice %arg4[%add3A_231, %dma_wait3A_338] : memref<16384x256xf32, #tpu.memory_space<hbm>> -> memref<64x256xf32, #tpu.memory_space<hbm>>
    %dma_wait3A_340 = arith.constant 0 : i32
    %dma_wait3A_341 = tpu.memref_slice %arg4[%add3A_231, %dma_wait3A_340] : memref<16384x256xf32, #tpu.memory_space<hbm>> -> memref<64x256xf32, #tpu.memory_space<hbm>>
    %dma_wait3A_342 = arith.constant 0 : i32
    %dma_wait3A_343 = arith.constant 0 : i32
    %dma_wait3A_344 = tpu.memref_slice %arg6[%dma_wait3A_333, %dma_wait3A_342, %dma_wait3A_343] : memref<5x64x256xf32, #tpu.memory_space<vmem>> -> memref<1x64x256xf32, #tpu.memory_space<vmem>>
    %dma_wait3A_345 = tpu.memref_squeeze %dma_wait3A_344 : memref<1x64x256xf32, #tpu.memory_space<vmem>> -> memref<64x256xf32, #tpu.memory_space<vmem>>
    tpu.wait_dma2 semaphore(%arg16 : memref<!tpu.dma_semaphore, #tpu.memory_space<semaphore_mem>>) src(%dma_wait3A_345 : memref<64x256xf32, #tpu.memory_space<vmem>>) dst(%dma_wait3A_341 : memref<64x256xf32, #tpu.memory_space<hbm>>)
    %dma_wait3A_346 = arith.constant 0 : i32
    %dma_wait3A_347 = arith.constant 0 : i32
    %dma_wait3A_348 = arith.constant 0 : i32
    %dma_wait3A_349 = tpu.memref_slice %arg6[%dma_wait3A_346, %dma_wait3A_347, %dma_wait3A_348] : memref<5x64x256xf32, #tpu.memory_space<vmem>> -> memref<1x64x256xf32, #tpu.memory_space<vmem>>
    %dma_wait3A_350 = tpu.memref_squeeze %dma_wait3A_349 : memref<1x64x256xf32, #tpu.memory_space<vmem>> -> memref<64x256xf32, #tpu.memory_space<vmem>>
    %dma_wait3A_351 = arith.constant 0 : i32
    %dma_wait3A_352 = tpu.memref_slice %arg4[%add3A_256, %dma_wait3A_351] : memref<16384x256xf32, #tpu.memory_space<hbm>> -> memref<64x256xf32, #tpu.memory_space<hbm>>
    %dma_wait3A_353 = arith.constant 0 : i32
    %dma_wait3A_354 = tpu.memref_slice %arg4[%add3A_256, %dma_wait3A_353] : memref<16384x256xf32, #tpu.memory_space<hbm>> -> memref<64x256xf32, #tpu.memory_space<hbm>>
    %dma_wait3A_355 = arith.constant 0 : i32
    %dma_wait3A_356 = arith.constant 0 : i32
    %dma_wait3A_357 = tpu.memref_slice %arg6[%dma_wait3A_346, %dma_wait3A_355, %dma_wait3A_356] : memref<5x64x256xf32, #tpu.memory_space<vmem>> -> memref<1x64x256xf32, #tpu.memory_space<vmem>>
    %dma_wait3A_358 = tpu.memref_squeeze %dma_wait3A_357 : memref<1x64x256xf32, #tpu.memory_space<vmem>> -> memref<64x256xf32, #tpu.memory_space<vmem>>
    tpu.wait_dma2 semaphore(%arg12 : memref<!tpu.dma_semaphore, #tpu.memory_space<semaphore_mem>>) src(%dma_wait3A_358 : memref<64x256xf32, #tpu.memory_space<vmem>>) dst(%dma_wait3A_354 : memref<64x256xf32, #tpu.memory_space<hbm>>)
    %dma_wait3A_359 = arith.constant 1 : i32
    %dma_wait3A_360 = arith.constant 0 : i32
    %dma_wait3A_361 = arith.constant 0 : i32
    %dma_wait3A_362 = tpu.memref_slice %arg6[%dma_wait3A_359, %dma_wait3A_360, %dma_wait3A_361] : memref<5x64x256xf32, #tpu.memory_space<vmem>> -> memref<1x64x256xf32, #tpu.memory_space<vmem>>
    %dma_wait3A_363 = tpu.memref_squeeze %dma_wait3A_362 : memref<1x64x256xf32, #tpu.memory_space<vmem>> -> memref<64x256xf32, #tpu.memory_space<vmem>>
    %dma_wait3A_364 = arith.constant 0 : i32
    %dma_wait3A_365 = tpu.memref_slice %arg4[%add3A_281, %dma_wait3A_364] : memref<16384x256xf32, #tpu.memory_space<hbm>> -> memref<64x256xf32, #tpu.memory_space<hbm>>
    %dma_wait3A_366 = arith.constant 0 : i32
    %dma_wait3A_367 = tpu.memref_slice %arg4[%add3A_281, %dma_wait3A_366] : memref<16384x256xf32, #tpu.memory_space<hbm>> -> memref<64x256xf32, #tpu.memory_space<hbm>>
    %dma_wait3A_368 = arith.constant 0 : i32
    %dma_wait3A_369 = arith.constant 0 : i32
    %dma_wait3A_370 = tpu.memref_slice %arg6[%dma_wait3A_359, %dma_wait3A_368, %dma_wait3A_369] : memref<5x64x256xf32, #tpu.memory_space<vmem>> -> memref<1x64x256xf32, #tpu.memory_space<vmem>>
    %dma_wait3A_371 = tpu.memref_squeeze %dma_wait3A_370 : memref<1x64x256xf32, #tpu.memory_space<vmem>> -> memref<64x256xf32, #tpu.memory_space<vmem>>
    tpu.wait_dma2 semaphore(%arg13 : memref<!tpu.dma_semaphore, #tpu.memory_space<semaphore_mem>>) src(%dma_wait3A_371 : memref<64x256xf32, #tpu.memory_space<vmem>>) dst(%dma_wait3A_367 : memref<64x256xf32, #tpu.memory_space<hbm>>)
    %dma_wait3A_372 = arith.constant 2 : i32
    %dma_wait3A_373 = arith.constant 0 : i32
    %dma_wait3A_374 = arith.constant 0 : i32
    %dma_wait3A_375 = tpu.memref_slice %arg6[%dma_wait3A_372, %dma_wait3A_373, %dma_wait3A_374] : memref<5x64x256xf32, #tpu.memory_space<vmem>> -> memref<1x64x256xf32, #tpu.memory_space<vmem>>
    %dma_wait3A_376 = tpu.memref_squeeze %dma_wait3A_375 : memref<1x64x256xf32, #tpu.memory_space<vmem>> -> memref<64x256xf32, #tpu.memory_space<vmem>>
    %dma_wait3A_377 = arith.constant 0 : i32
    %dma_wait3A_378 = tpu.memref_slice %arg4[%add3A_306, %dma_wait3A_377] : memref<16384x256xf32, #tpu.memory_space<hbm>> -> memref<64x256xf32, #tpu.memory_space<hbm>>
    %dma_wait3A_379 = arith.constant 0 : i32
    %dma_wait3A_380 = tpu.memref_slice %arg4[%add3A_306, %dma_wait3A_379] : memref<16384x256xf32, #tpu.memory_space<hbm>> -> memref<64x256xf32, #tpu.memory_space<hbm>>
    %dma_wait3A_381 = arith.constant 0 : i32
    %dma_wait3A_382 = arith.constant 0 : i32
    %dma_wait3A_383 = tpu.memref_slice %arg6[%dma_wait3A_372, %dma_wait3A_381, %dma_wait3A_382] : memref<5x64x256xf32, #tpu.memory_space<vmem>> -> memref<1x64x256xf32, #tpu.memory_space<vmem>>
    %dma_wait3A_384 = tpu.memref_squeeze %dma_wait3A_383 : memref<1x64x256xf32, #tpu.memory_space<vmem>> -> memref<64x256xf32, #tpu.memory_space<vmem>>
    tpu.wait_dma2 semaphore(%arg14 : memref<!tpu.dma_semaphore, #tpu.memory_space<semaphore_mem>>) src(%dma_wait3A_384 : memref<64x256xf32, #tpu.memory_space<vmem>>) dst(%dma_wait3A_380 : memref<64x256xf32, #tpu.memory_space<hbm>>)
    return
  }
}

module attributes {stable_mosaic.version = 14 : i64} {
  func.func @_tc_body(%arg0: i32, %arg1: memref<8192x256xf32, #tpu.memory_space<vmem>>, %arg2: memref<4x1x256xf32, #tpu.memory_space<vmem>>, %arg3: memref<256x64xf32, #tpu.memory_space<vmem>>, %arg4: memref<1x64xf32, #tpu.memory_space<vmem>>, %arg5: memref<256x64xf32, #tpu.memory_space<vmem>>, %arg6: memref<1x64xf32, #tpu.memory_space<vmem>>, %arg7: memref<64x1xf32, #tpu.memory_space<vmem>>, %arg8: memref<512x1xf32, #tpu.memory_space<vmem>>, %arg9: memref<512x1xf32, #tpu.memory_space<vmem>>, %arg10: memref<512x256xf32, #tpu.memory_space<vmem>>) attributes {dimension_semantics = [#tpu.dimension_semantics<arbitrary>], iteration_bounds = array<i64: 2>, scalar_prefetch = 0 : i64, scratch_operands = 0 : i64, tpu.core_type = #tpu.core_type<tc>, window_params = [{transform_indices = @transform_0, window_bounds = array<i64: 8192, 256>}, {transform_indices = @transform_1, window_bounds = array<i64: 4, 1, 256>}, {pipeline_mode = #tpu.pipeline_mode<synchronous>, transform_indices = @transform_2, window_bounds = array<i64: 256, 64>}, {pipeline_mode = #tpu.pipeline_mode<synchronous>, transform_indices = @transform_3, window_bounds = array<i64: 1, 64>}, {pipeline_mode = #tpu.pipeline_mode<synchronous>, transform_indices = @transform_4, window_bounds = array<i64: 256, 64>}, {pipeline_mode = #tpu.pipeline_mode<synchronous>, transform_indices = @transform_5, window_bounds = array<i64: 1, 64>}, {pipeline_mode = #tpu.pipeline_mode<synchronous>, transform_indices = @transform_6, window_bounds = array<i64: 64, 1>}, {transform_indices = @transform_7, window_bounds = array<i64: 512, 1>}, {transform_indices = @transform_8, window_bounds = array<i64: 512, 1>}, {transform_indices = @transform_9, window_bounds = array<i64: 512, 256>}]} {
    %get3A = arith.constant 0 : index
    %get3A_0 = arith.constant 0 : index
    %get3A_1 = vector.load %arg1[%get3A, %get3A_0] : memref<8192x256xf32, #tpu.memory_space<vmem>>, vector<8192x256xf32>
    %convert_element_type3A = arith.truncf %get3A_1 : vector<8192x256xf32> to vector<8192x256xbf16>
    %get3A_2 = arith.constant 0 : index
    %get3A_3 = arith.constant 0 : index
    %get3A_4 = vector.load %arg3[%get3A_2, %get3A_3] : memref<256x64xf32, #tpu.memory_space<vmem>>, vector<256x64xf32>
    %convert_element_type3A_5 = arith.truncf %get3A_4 : vector<256x64xf32> to vector<256x64xbf16>
    %dot_general3A = arith.constant dense<0.000000e+00> : vector<8192x64xf32>
    %dot_general3A_6 = tpu.matmul %convert_element_type3A, %convert_element_type3A_5, %dot_general3A {dimension_numbers = #tpu.dot_dimension_numbers<[1], [0], [0], [1], [0, 0, 1, 1], [], []>, transpose_lhs_hint = false} : vector<8192x256xbf16>, vector<256x64xbf16>, vector<8192x64xf32> -> vector<8192x64xf32>
    %get3A_7 = arith.constant 0 : index
    %get3A_8 = arith.constant 0 : index
    %get3A_9 = vector.load %arg4[%get3A_7, %get3A_8] : memref<1x64xf32, #tpu.memory_space<vmem>>, vector<1x64xf32>
    %add3A = vector.broadcast %get3A_9 : vector<1x64xf32> to vector<8192x64xf32>
    %add3A_10 = arith.addf %dot_general3A_6, %add3A : vector<8192x64xf32>
    %get3A_11 = arith.constant 0 : index
    %get3A_12 = arith.constant 0 : index
    %get3A_13 = arith.constant 0 : index
    %get3A_14 = vector.load %arg2[%get3A_11, %get3A_12, %get3A_13] : memref<4x1x256xf32, #tpu.memory_space<vmem>>, vector<1x1x256xf32>
    %get3A_15 = vector.shape_cast %get3A_14 : vector<1x1x256xf32> to vector<1x256xf32>
    %get3A_16 = arith.constant 0 : index
    %get3A_17 = arith.constant 0 : index
    %get3A_18 = vector.load %arg5[%get3A_16, %get3A_17] : memref<256x64xf32, #tpu.memory_space<vmem>>, vector<256x64xf32>
    %dot_general3A_19 = arith.constant dense<0.000000e+00> : vector<1x64xf32>
    %dot_general3A_20 = tpu.matmul %get3A_15, %get3A_18, %dot_general3A_19 {dimension_numbers = #tpu.dot_dimension_numbers<[1], [0], [0], [1], [0, 0, 1, 1], [], []>, transpose_lhs_hint = false} : vector<1x256xf32>, vector<256x64xf32>, vector<1x64xf32> -> vector<1x64xf32>
    %get3A_21 = arith.constant 0 : index
    %get3A_22 = arith.constant 0 : index
    %get3A_23 = vector.load %arg6[%get3A_21, %get3A_22] : memref<1x64xf32, #tpu.memory_space<vmem>>, vector<1x64xf32>
    %add3A_24 = arith.addf %dot_general3A_20, %get3A_23 : vector<1x64xf32>
    %slice3A = vector.extract_strided_slice %add3A_10 {offsets = [0, 0], sizes = [2048, 64], strides = [1, 1]} : vector<8192x64xf32> to vector<2048x64xf32>
    %add3A_25 = vector.broadcast %add3A_24 : vector<1x64xf32> to vector<2048x64xf32>
    %add3A_26 = arith.addf %slice3A, %add3A_25 : vector<2048x64xf32>
    %tanh3A = math.tanh %add3A_26 : vector<2048x64xf32>
    %get3A_27 = arith.constant 0 : index
    %get3A_28 = arith.constant 0 : index
    %get3A_29 = vector.load %arg7[%get3A_27, %get3A_28] : memref<64x1xf32, #tpu.memory_space<vmem>>, vector<64x1xf32>
    %dot_general3A_30 = arith.constant dense<0.000000e+00> : vector<2048x1xf32>
    %dot_general3A_31 = tpu.matmul %tanh3A, %get3A_29, %dot_general3A_30 {dimension_numbers = #tpu.dot_dimension_numbers<[1], [0], [0], [1], [0, 0, 1, 1], [], []>, transpose_lhs_hint = false} : vector<2048x64xf32>, vector<64x1xf32>, vector<2048x1xf32> -> vector<2048x1xf32>
    %exp3A = math.exp %dot_general3A_31 : vector<2048x1xf32>
    %get3A_32 = arith.constant 0 : index
    %get3A_33 = arith.constant 0 : index
    %get3A_34 = vector.load %arg8[%get3A_32, %get3A_33] : memref<512x1xf32, #tpu.memory_space<vmem>>, vector<128x1xf32>
    %slice3A_35 = vector.extract_strided_slice %exp3A {offsets = [0, 0], sizes = [128, 1], strides = [1, 1]} : vector<2048x1xf32> to vector<128x1xf32>
    %gt3A = arith.constant 0.000000e+00 : f32
    %gt3A_36 = vector.broadcast %gt3A : f32 to vector<128x1xf32>
    %gt3A_37 = arith.cmpf ogt, %get3A_34, %gt3A_36 : vector<128x1xf32>
    %convert_element_type3A_38 = arith.extui %gt3A_37 : vector<128x1xi1> to vector<128x1xi32>
    %convert_element_type3A_39 = arith.sitofp %convert_element_type3A_38 : vector<128x1xi32> to vector<128x1xf32>
    %mul3A = arith.mulf %slice3A_35, %convert_element_type3A_39 : vector<128x1xf32>
    %slice3A_40 = vector.extract_strided_slice %exp3A {offsets = [128, 0], sizes = [128, 1], strides = [1, 1]} : vector<2048x1xf32> to vector<128x1xf32>
    %gt3A_41 = arith.constant 1.000000e+00 : f32
    %gt3A_42 = vector.broadcast %gt3A_41 : f32 to vector<128x1xf32>
    %gt3A_43 = arith.cmpf ogt, %get3A_34, %gt3A_42 : vector<128x1xf32>
    %convert_element_type3A_44 = arith.extui %gt3A_43 : vector<128x1xi1> to vector<128x1xi32>
    %convert_element_type3A_45 = arith.sitofp %convert_element_type3A_44 : vector<128x1xi32> to vector<128x1xf32>
    %mul3A_46 = arith.mulf %slice3A_40, %convert_element_type3A_45 : vector<128x1xf32>
    %add3A_47 = arith.addf %mul3A, %mul3A_46 : vector<128x1xf32>
    %slice3A_48 = vector.extract_strided_slice %exp3A {offsets = [256, 0], sizes = [128, 1], strides = [1, 1]} : vector<2048x1xf32> to vector<128x1xf32>
    %gt3A_49 = arith.constant 2.000000e+00 : f32
    %gt3A_50 = vector.broadcast %gt3A_49 : f32 to vector<128x1xf32>
    %gt3A_51 = arith.cmpf ogt, %get3A_34, %gt3A_50 : vector<128x1xf32>
    %convert_element_type3A_52 = arith.extui %gt3A_51 : vector<128x1xi1> to vector<128x1xi32>
    %convert_element_type3A_53 = arith.sitofp %convert_element_type3A_52 : vector<128x1xi32> to vector<128x1xf32>
    %mul3A_54 = arith.mulf %slice3A_48, %convert_element_type3A_53 : vector<128x1xf32>
    %add3A_55 = arith.addf %add3A_47, %mul3A_54 : vector<128x1xf32>
    %slice3A_56 = vector.extract_strided_slice %exp3A {offsets = [384, 0], sizes = [128, 1], strides = [1, 1]} : vector<2048x1xf32> to vector<128x1xf32>
    %gt3A_57 = arith.constant 3.000000e+00 : f32
    %gt3A_58 = vector.broadcast %gt3A_57 : f32 to vector<128x1xf32>
    %gt3A_59 = arith.cmpf ogt, %get3A_34, %gt3A_58 : vector<128x1xf32>
    %convert_element_type3A_60 = arith.extui %gt3A_59 : vector<128x1xi1> to vector<128x1xi32>
    %convert_element_type3A_61 = arith.sitofp %convert_element_type3A_60 : vector<128x1xi32> to vector<128x1xf32>
    %mul3A_62 = arith.mulf %slice3A_56, %convert_element_type3A_61 : vector<128x1xf32>
    %add3A_63 = arith.addf %add3A_55, %mul3A_62 : vector<128x1xf32>
    %slice3A_64 = vector.extract_strided_slice %exp3A {offsets = [512, 0], sizes = [128, 1], strides = [1, 1]} : vector<2048x1xf32> to vector<128x1xf32>
    %gt3A_65 = arith.constant 4.000000e+00 : f32
    %gt3A_66 = vector.broadcast %gt3A_65 : f32 to vector<128x1xf32>
    %gt3A_67 = arith.cmpf ogt, %get3A_34, %gt3A_66 : vector<128x1xf32>
    %convert_element_type3A_68 = arith.extui %gt3A_67 : vector<128x1xi1> to vector<128x1xi32>
    %convert_element_type3A_69 = arith.sitofp %convert_element_type3A_68 : vector<128x1xi32> to vector<128x1xf32>
    %mul3A_70 = arith.mulf %slice3A_64, %convert_element_type3A_69 : vector<128x1xf32>
    %add3A_71 = arith.addf %add3A_63, %mul3A_70 : vector<128x1xf32>
    %slice3A_72 = vector.extract_strided_slice %exp3A {offsets = [640, 0], sizes = [128, 1], strides = [1, 1]} : vector<2048x1xf32> to vector<128x1xf32>
    %gt3A_73 = arith.constant 5.000000e+00 : f32
    %gt3A_74 = vector.broadcast %gt3A_73 : f32 to vector<128x1xf32>
    %gt3A_75 = arith.cmpf ogt, %get3A_34, %gt3A_74 : vector<128x1xf32>
    %convert_element_type3A_76 = arith.extui %gt3A_75 : vector<128x1xi1> to vector<128x1xi32>
    %convert_element_type3A_77 = arith.sitofp %convert_element_type3A_76 : vector<128x1xi32> to vector<128x1xf32>
    %mul3A_78 = arith.mulf %slice3A_72, %convert_element_type3A_77 : vector<128x1xf32>
    %add3A_79 = arith.addf %add3A_71, %mul3A_78 : vector<128x1xf32>
    %slice3A_80 = vector.extract_strided_slice %exp3A {offsets = [768, 0], sizes = [128, 1], strides = [1, 1]} : vector<2048x1xf32> to vector<128x1xf32>
    %gt3A_81 = arith.constant 6.000000e+00 : f32
    %gt3A_82 = vector.broadcast %gt3A_81 : f32 to vector<128x1xf32>
    %gt3A_83 = arith.cmpf ogt, %get3A_34, %gt3A_82 : vector<128x1xf32>
    %convert_element_type3A_84 = arith.extui %gt3A_83 : vector<128x1xi1> to vector<128x1xi32>
    %convert_element_type3A_85 = arith.sitofp %convert_element_type3A_84 : vector<128x1xi32> to vector<128x1xf32>
    %mul3A_86 = arith.mulf %slice3A_80, %convert_element_type3A_85 : vector<128x1xf32>
    %add3A_87 = arith.addf %add3A_79, %mul3A_86 : vector<128x1xf32>
    %slice3A_88 = vector.extract_strided_slice %exp3A {offsets = [896, 0], sizes = [128, 1], strides = [1, 1]} : vector<2048x1xf32> to vector<128x1xf32>
    %gt3A_89 = arith.constant 7.000000e+00 : f32
    %gt3A_90 = vector.broadcast %gt3A_89 : f32 to vector<128x1xf32>
    %gt3A_91 = arith.cmpf ogt, %get3A_34, %gt3A_90 : vector<128x1xf32>
    %convert_element_type3A_92 = arith.extui %gt3A_91 : vector<128x1xi1> to vector<128x1xi32>
    %convert_element_type3A_93 = arith.sitofp %convert_element_type3A_92 : vector<128x1xi32> to vector<128x1xf32>
    %mul3A_94 = arith.mulf %slice3A_88, %convert_element_type3A_93 : vector<128x1xf32>
    %add3A_95 = arith.addf %add3A_87, %mul3A_94 : vector<128x1xf32>
    %slice3A_96 = vector.extract_strided_slice %exp3A {offsets = [1024, 0], sizes = [128, 1], strides = [1, 1]} : vector<2048x1xf32> to vector<128x1xf32>
    %gt3A_97 = arith.constant 8.000000e+00 : f32
    %gt3A_98 = vector.broadcast %gt3A_97 : f32 to vector<128x1xf32>
    %gt3A_99 = arith.cmpf ogt, %get3A_34, %gt3A_98 : vector<128x1xf32>
    %convert_element_type3A_100 = arith.extui %gt3A_99 : vector<128x1xi1> to vector<128x1xi32>
    %convert_element_type3A_101 = arith.sitofp %convert_element_type3A_100 : vector<128x1xi32> to vector<128x1xf32>
    %mul3A_102 = arith.mulf %slice3A_96, %convert_element_type3A_101 : vector<128x1xf32>
    %add3A_103 = arith.addf %add3A_95, %mul3A_102 : vector<128x1xf32>
    %slice3A_104 = vector.extract_strided_slice %exp3A {offsets = [1152, 0], sizes = [128, 1], strides = [1, 1]} : vector<2048x1xf32> to vector<128x1xf32>
    %gt3A_105 = arith.constant 9.000000e+00 : f32
    %gt3A_106 = vector.broadcast %gt3A_105 : f32 to vector<128x1xf32>
    %gt3A_107 = arith.cmpf ogt, %get3A_34, %gt3A_106 : vector<128x1xf32>
    %convert_element_type3A_108 = arith.extui %gt3A_107 : vector<128x1xi1> to vector<128x1xi32>
    %convert_element_type3A_109 = arith.sitofp %convert_element_type3A_108 : vector<128x1xi32> to vector<128x1xf32>
    %mul3A_110 = arith.mulf %slice3A_104, %convert_element_type3A_109 : vector<128x1xf32>
    %add3A_111 = arith.addf %add3A_103, %mul3A_110 : vector<128x1xf32>
    %slice3A_112 = vector.extract_strided_slice %exp3A {offsets = [1280, 0], sizes = [128, 1], strides = [1, 1]} : vector<2048x1xf32> to vector<128x1xf32>
    %gt3A_113 = arith.constant 1.000000e+01 : f32
    %gt3A_114 = vector.broadcast %gt3A_113 : f32 to vector<128x1xf32>
    %gt3A_115 = arith.cmpf ogt, %get3A_34, %gt3A_114 : vector<128x1xf32>
    %convert_element_type3A_116 = arith.extui %gt3A_115 : vector<128x1xi1> to vector<128x1xi32>
    %convert_element_type3A_117 = arith.sitofp %convert_element_type3A_116 : vector<128x1xi32> to vector<128x1xf32>
    %mul3A_118 = arith.mulf %slice3A_112, %convert_element_type3A_117 : vector<128x1xf32>
    %add3A_119 = arith.addf %add3A_111, %mul3A_118 : vector<128x1xf32>
    %slice3A_120 = vector.extract_strided_slice %exp3A {offsets = [1408, 0], sizes = [128, 1], strides = [1, 1]} : vector<2048x1xf32> to vector<128x1xf32>
    %gt3A_121 = arith.constant 1.100000e+01 : f32
    %gt3A_122 = vector.broadcast %gt3A_121 : f32 to vector<128x1xf32>
    %gt3A_123 = arith.cmpf ogt, %get3A_34, %gt3A_122 : vector<128x1xf32>
    %convert_element_type3A_124 = arith.extui %gt3A_123 : vector<128x1xi1> to vector<128x1xi32>
    %convert_element_type3A_125 = arith.sitofp %convert_element_type3A_124 : vector<128x1xi32> to vector<128x1xf32>
    %mul3A_126 = arith.mulf %slice3A_120, %convert_element_type3A_125 : vector<128x1xf32>
    %add3A_127 = arith.addf %add3A_119, %mul3A_126 : vector<128x1xf32>
    %slice3A_128 = vector.extract_strided_slice %exp3A {offsets = [1536, 0], sizes = [128, 1], strides = [1, 1]} : vector<2048x1xf32> to vector<128x1xf32>
    %gt3A_129 = arith.constant 1.200000e+01 : f32
    %gt3A_130 = vector.broadcast %gt3A_129 : f32 to vector<128x1xf32>
    %gt3A_131 = arith.cmpf ogt, %get3A_34, %gt3A_130 : vector<128x1xf32>
    %convert_element_type3A_132 = arith.extui %gt3A_131 : vector<128x1xi1> to vector<128x1xi32>
    %convert_element_type3A_133 = arith.sitofp %convert_element_type3A_132 : vector<128x1xi32> to vector<128x1xf32>
    %mul3A_134 = arith.mulf %slice3A_128, %convert_element_type3A_133 : vector<128x1xf32>
    %add3A_135 = arith.addf %add3A_127, %mul3A_134 : vector<128x1xf32>
    %slice3A_136 = vector.extract_strided_slice %exp3A {offsets = [1664, 0], sizes = [128, 1], strides = [1, 1]} : vector<2048x1xf32> to vector<128x1xf32>
    %gt3A_137 = arith.constant 1.300000e+01 : f32
    %gt3A_138 = vector.broadcast %gt3A_137 : f32 to vector<128x1xf32>
    %gt3A_139 = arith.cmpf ogt, %get3A_34, %gt3A_138 : vector<128x1xf32>
    %convert_element_type3A_140 = arith.extui %gt3A_139 : vector<128x1xi1> to vector<128x1xi32>
    %convert_element_type3A_141 = arith.sitofp %convert_element_type3A_140 : vector<128x1xi32> to vector<128x1xf32>
    %mul3A_142 = arith.mulf %slice3A_136, %convert_element_type3A_141 : vector<128x1xf32>
    %add3A_143 = arith.addf %add3A_135, %mul3A_142 : vector<128x1xf32>
    %slice3A_144 = vector.extract_strided_slice %exp3A {offsets = [1792, 0], sizes = [128, 1], strides = [1, 1]} : vector<2048x1xf32> to vector<128x1xf32>
    %gt3A_145 = arith.constant 1.400000e+01 : f32
    %gt3A_146 = vector.broadcast %gt3A_145 : f32 to vector<128x1xf32>
    %gt3A_147 = arith.cmpf ogt, %get3A_34, %gt3A_146 : vector<128x1xf32>
    %convert_element_type3A_148 = arith.extui %gt3A_147 : vector<128x1xi1> to vector<128x1xi32>
    %convert_element_type3A_149 = arith.sitofp %convert_element_type3A_148 : vector<128x1xi32> to vector<128x1xf32>
    %mul3A_150 = arith.mulf %slice3A_144, %convert_element_type3A_149 : vector<128x1xf32>
    %add3A_151 = arith.addf %add3A_143, %mul3A_150 : vector<128x1xf32>
    %slice3A_152 = vector.extract_strided_slice %exp3A {offsets = [1920, 0], sizes = [128, 1], strides = [1, 1]} : vector<2048x1xf32> to vector<128x1xf32>
    %gt3A_153 = arith.constant 1.500000e+01 : f32
    %gt3A_154 = vector.broadcast %gt3A_153 : f32 to vector<128x1xf32>
    %gt3A_155 = arith.cmpf ogt, %get3A_34, %gt3A_154 : vector<128x1xf32>
    %convert_element_type3A_156 = arith.extui %gt3A_155 : vector<128x1xi1> to vector<128x1xi32>
    %convert_element_type3A_157 = arith.sitofp %convert_element_type3A_156 : vector<128x1xi32> to vector<128x1xf32>
    %mul3A_158 = arith.mulf %slice3A_152, %convert_element_type3A_157 : vector<128x1xf32>
    %add3A_159 = arith.addf %add3A_151, %mul3A_158 : vector<128x1xf32>
    %iota3A = tpu.iota {dimensions = array<i32: 0>} : vector<128x1xi32>
    %jit3A = arith.constant 32 : i32
    %eq3A = arith.constant 0 : i32
    %eq3A_160 = arith.cmpi eq, %jit3A, %eq3A : i32
    %jit3A_161 = arith.constant 1 : i32
    %select_n3A = arith.select %eq3A_160, %jit3A_161, %jit3A : i32
    %rem3A = vector.broadcast %select_n3A : i32 to vector<128x1xi32>
    %rem3A_162 = arith.remsi %iota3A, %rem3A : vector<128x1xi32>
    %ne3A = arith.constant 0 : i32
    %ne3A_163 = vector.broadcast %ne3A : i32 to vector<128x1xi32>
    %ne3A_164 = arith.cmpi ne, %rem3A_162, %ne3A_163 : vector<128x1xi32>
    %lt3A = arith.constant 0 : i32
    %lt3A_165 = vector.broadcast %lt3A : i32 to vector<128x1xi32>
    %lt3A_166 = arith.cmpi slt, %rem3A_162, %lt3A_165 : vector<128x1xi32>
    %lt3A_167 = arith.constant 0 : i32
    %lt3A_168 = arith.cmpi slt, %select_n3A, %lt3A_167 : i32
    %ne3A_169 = vector.broadcast %lt3A_168 : i1 to vector<128x1xi1>
    %ne3A_170 = vector.broadcast %ne3A_169 : vector<128x1xi1> to vector<128x1xi1>
    %ne3A_171 = arith.xori %lt3A_166, %ne3A_170 : vector<128x1xi1>
    %and3A = arith.andi %ne3A_171, %ne3A_164 : vector<128x1xi1>
    %add3A_172 = vector.broadcast %select_n3A : i32 to vector<128x1xi32>
    %add3A_173 = arith.addi %rem3A_162, %add3A_172 : vector<128x1xi32>
    %select_n3A_174 = arith.select %and3A, %add3A_173, %rem3A_162 : vector<128x1xi1>, vector<128x1xi32>
    %convert_element_type3A_175 = arith.sitofp %select_n3A_174 : vector<128x1xi32> to vector<128x1xf32>
    %get3A_176 = arith.constant 0 : index
    %get3A_177 = arith.constant 0 : index
    %get3A_178 = vector.load %arg9[%get3A_176, %get3A_177] : memref<512x1xf32, #tpu.memory_space<vmem>>, vector<128x1xf32>
    %lt3A_179 = arith.cmpf olt, %convert_element_type3A_175, %get3A_178 : vector<128x1xf32>
    %convert_element_type3A_180 = arith.extui %lt3A_179 : vector<128x1xi1> to vector<128x1xi32>
    %convert_element_type3A_181 = arith.sitofp %convert_element_type3A_180 : vector<128x1xi32> to vector<128x1xf32>
    %div3A = arith.divf %convert_element_type3A_181, %add3A_159 : vector<128x1xf32>
    %mul3A_182 = arith.mulf %mul3A, %div3A : vector<128x1xf32>
    %slice3A_183 = vector.extract_strided_slice %get3A_1 {offsets = [0, 0], sizes = [128, 256], strides = [1, 1]} : vector<8192x256xf32> to vector<128x256xf32>
    %mul3A_184 = vector.broadcast %mul3A_182 : vector<128x1xf32> to vector<128x256xf32>
    %mul3A_185 = arith.mulf %mul3A_184, %slice3A_183 : vector<128x256xf32>
    %mul3A_186 = arith.mulf %mul3A_46, %div3A : vector<128x1xf32>
    %slice3A_187 = vector.extract_strided_slice %get3A_1 {offsets = [128, 0], sizes = [128, 256], strides = [1, 1]} : vector<8192x256xf32> to vector<128x256xf32>
    %mul3A_188 = vector.broadcast %mul3A_186 : vector<128x1xf32> to vector<128x256xf32>
    %mul3A_189 = arith.mulf %mul3A_188, %slice3A_187 : vector<128x256xf32>
    %add3A_190 = arith.addf %mul3A_185, %mul3A_189 : vector<128x256xf32>
    %mul3A_191 = arith.mulf %mul3A_54, %div3A : vector<128x1xf32>
    %slice3A_192 = vector.extract_strided_slice %get3A_1 {offsets = [256, 0], sizes = [128, 256], strides = [1, 1]} : vector<8192x256xf32> to vector<128x256xf32>
    %mul3A_193 = vector.broadcast %mul3A_191 : vector<128x1xf32> to vector<128x256xf32>
    %mul3A_194 = arith.mulf %mul3A_193, %slice3A_192 : vector<128x256xf32>
    %add3A_195 = arith.addf %add3A_190, %mul3A_194 : vector<128x256xf32>
    %mul3A_196 = arith.mulf %mul3A_62, %div3A : vector<128x1xf32>
    %slice3A_197 = vector.extract_strided_slice %get3A_1 {offsets = [384, 0], sizes = [128, 256], strides = [1, 1]} : vector<8192x256xf32> to vector<128x256xf32>
    %mul3A_198 = vector.broadcast %mul3A_196 : vector<128x1xf32> to vector<128x256xf32>
    %mul3A_199 = arith.mulf %mul3A_198, %slice3A_197 : vector<128x256xf32>
    %add3A_200 = arith.addf %add3A_195, %mul3A_199 : vector<128x256xf32>
    %mul3A_201 = arith.mulf %mul3A_70, %div3A : vector<128x1xf32>
    %slice3A_202 = vector.extract_strided_slice %get3A_1 {offsets = [512, 0], sizes = [128, 256], strides = [1, 1]} : vector<8192x256xf32> to vector<128x256xf32>
    %mul3A_203 = vector.broadcast %mul3A_201 : vector<128x1xf32> to vector<128x256xf32>
    %mul3A_204 = arith.mulf %mul3A_203, %slice3A_202 : vector<128x256xf32>
    %add3A_205 = arith.addf %add3A_200, %mul3A_204 : vector<128x256xf32>
    %mul3A_206 = arith.mulf %mul3A_78, %div3A : vector<128x1xf32>
    %slice3A_207 = vector.extract_strided_slice %get3A_1 {offsets = [640, 0], sizes = [128, 256], strides = [1, 1]} : vector<8192x256xf32> to vector<128x256xf32>
    %mul3A_208 = vector.broadcast %mul3A_206 : vector<128x1xf32> to vector<128x256xf32>
    %mul3A_209 = arith.mulf %mul3A_208, %slice3A_207 : vector<128x256xf32>
    %add3A_210 = arith.addf %add3A_205, %mul3A_209 : vector<128x256xf32>
    %mul3A_211 = arith.mulf %mul3A_86, %div3A : vector<128x1xf32>
    %slice3A_212 = vector.extract_strided_slice %get3A_1 {offsets = [768, 0], sizes = [128, 256], strides = [1, 1]} : vector<8192x256xf32> to vector<128x256xf32>
    %mul3A_213 = vector.broadcast %mul3A_211 : vector<128x1xf32> to vector<128x256xf32>
    %mul3A_214 = arith.mulf %mul3A_213, %slice3A_212 : vector<128x256xf32>
    %add3A_215 = arith.addf %add3A_210, %mul3A_214 : vector<128x256xf32>
    %mul3A_216 = arith.mulf %mul3A_94, %div3A : vector<128x1xf32>
    %slice3A_217 = vector.extract_strided_slice %get3A_1 {offsets = [896, 0], sizes = [128, 256], strides = [1, 1]} : vector<8192x256xf32> to vector<128x256xf32>
    %mul3A_218 = vector.broadcast %mul3A_216 : vector<128x1xf32> to vector<128x256xf32>
    %mul3A_219 = arith.mulf %mul3A_218, %slice3A_217 : vector<128x256xf32>
    %add3A_220 = arith.addf %add3A_215, %mul3A_219 : vector<128x256xf32>
    %mul3A_221 = arith.mulf %mul3A_102, %div3A : vector<128x1xf32>
    %slice3A_222 = vector.extract_strided_slice %get3A_1 {offsets = [1024, 0], sizes = [128, 256], strides = [1, 1]} : vector<8192x256xf32> to vector<128x256xf32>
    %mul3A_223 = vector.broadcast %mul3A_221 : vector<128x1xf32> to vector<128x256xf32>
    %mul3A_224 = arith.mulf %mul3A_223, %slice3A_222 : vector<128x256xf32>
    %add3A_225 = arith.addf %add3A_220, %mul3A_224 : vector<128x256xf32>
    %mul3A_226 = arith.mulf %mul3A_110, %div3A : vector<128x1xf32>
    %slice3A_227 = vector.extract_strided_slice %get3A_1 {offsets = [1152, 0], sizes = [128, 256], strides = [1, 1]} : vector<8192x256xf32> to vector<128x256xf32>
    %mul3A_228 = vector.broadcast %mul3A_226 : vector<128x1xf32> to vector<128x256xf32>
    %mul3A_229 = arith.mulf %mul3A_228, %slice3A_227 : vector<128x256xf32>
    %add3A_230 = arith.addf %add3A_225, %mul3A_229 : vector<128x256xf32>
    %mul3A_231 = arith.mulf %mul3A_118, %div3A : vector<128x1xf32>
    %slice3A_232 = vector.extract_strided_slice %get3A_1 {offsets = [1280, 0], sizes = [128, 256], strides = [1, 1]} : vector<8192x256xf32> to vector<128x256xf32>
    %mul3A_233 = vector.broadcast %mul3A_231 : vector<128x1xf32> to vector<128x256xf32>
    %mul3A_234 = arith.mulf %mul3A_233, %slice3A_232 : vector<128x256xf32>
    %add3A_235 = arith.addf %add3A_230, %mul3A_234 : vector<128x256xf32>
    %mul3A_236 = arith.mulf %mul3A_126, %div3A : vector<128x1xf32>
    %slice3A_237 = vector.extract_strided_slice %get3A_1 {offsets = [1408, 0], sizes = [128, 256], strides = [1, 1]} : vector<8192x256xf32> to vector<128x256xf32>
    %mul3A_238 = vector.broadcast %mul3A_236 : vector<128x1xf32> to vector<128x256xf32>
    %mul3A_239 = arith.mulf %mul3A_238, %slice3A_237 : vector<128x256xf32>
    %add3A_240 = arith.addf %add3A_235, %mul3A_239 : vector<128x256xf32>
    %mul3A_241 = arith.mulf %mul3A_134, %div3A : vector<128x1xf32>
    %slice3A_242 = vector.extract_strided_slice %get3A_1 {offsets = [1536, 0], sizes = [128, 256], strides = [1, 1]} : vector<8192x256xf32> to vector<128x256xf32>
    %mul3A_243 = vector.broadcast %mul3A_241 : vector<128x1xf32> to vector<128x256xf32>
    %mul3A_244 = arith.mulf %mul3A_243, %slice3A_242 : vector<128x256xf32>
    %add3A_245 = arith.addf %add3A_240, %mul3A_244 : vector<128x256xf32>
    %mul3A_246 = arith.mulf %mul3A_142, %div3A : vector<128x1xf32>
    %slice3A_247 = vector.extract_strided_slice %get3A_1 {offsets = [1664, 0], sizes = [128, 256], strides = [1, 1]} : vector<8192x256xf32> to vector<128x256xf32>
    %mul3A_248 = vector.broadcast %mul3A_246 : vector<128x1xf32> to vector<128x256xf32>
    %mul3A_249 = arith.mulf %mul3A_248, %slice3A_247 : vector<128x256xf32>
    %add3A_250 = arith.addf %add3A_245, %mul3A_249 : vector<128x256xf32>
    %mul3A_251 = arith.mulf %mul3A_150, %div3A : vector<128x1xf32>
    %slice3A_252 = vector.extract_strided_slice %get3A_1 {offsets = [1792, 0], sizes = [128, 256], strides = [1, 1]} : vector<8192x256xf32> to vector<128x256xf32>
    %mul3A_253 = vector.broadcast %mul3A_251 : vector<128x1xf32> to vector<128x256xf32>
    %mul3A_254 = arith.mulf %mul3A_253, %slice3A_252 : vector<128x256xf32>
    %add3A_255 = arith.addf %add3A_250, %mul3A_254 : vector<128x256xf32>
    %mul3A_256 = arith.mulf %mul3A_158, %div3A : vector<128x1xf32>
    %slice3A_257 = vector.extract_strided_slice %get3A_1 {offsets = [1920, 0], sizes = [128, 256], strides = [1, 1]} : vector<8192x256xf32> to vector<128x256xf32>
    %mul3A_258 = vector.broadcast %mul3A_256 : vector<128x1xf32> to vector<128x256xf32>
    %mul3A_259 = arith.mulf %mul3A_258, %slice3A_257 : vector<128x256xf32>
    %add3A_260 = arith.addf %add3A_255, %mul3A_259 : vector<128x256xf32>
    %swap3A = arith.constant 0 : index
    %swap3A_261 = arith.constant 0 : index
    %swap3A_262 = vector.load %arg10[%swap3A, %swap3A_261] : memref<512x256xf32, #tpu.memory_space<vmem>>, vector<128x256xf32>
    tpu.vector_store %arg10[%swap3A, %swap3A_261], %add3A_260 {strides = array<i32>} : memref<512x256xf32, #tpu.memory_space<vmem>>, vector<128x256xf32>,
    %get3A_263 = arith.constant 1 : index
    %get3A_264 = arith.constant 0 : index
    %get3A_265 = arith.constant 0 : index
    %get3A_266 = vector.load %arg2[%get3A_263, %get3A_264, %get3A_265] : memref<4x1x256xf32, #tpu.memory_space<vmem>>, vector<1x1x256xf32>
    %get3A_267 = vector.shape_cast %get3A_266 : vector<1x1x256xf32> to vector<1x256xf32>
    %get3A_268 = arith.constant 0 : index
    %get3A_269 = arith.constant 0 : index
    %get3A_270 = vector.load %arg5[%get3A_268, %get3A_269] : memref<256x64xf32, #tpu.memory_space<vmem>>, vector<256x64xf32>
    %dot_general3A_271 = arith.constant dense<0.000000e+00> : vector<1x64xf32>
    %dot_general3A_272 = tpu.matmul %get3A_267, %get3A_270, %dot_general3A_271 {dimension_numbers = #tpu.dot_dimension_numbers<[1], [0], [0], [1], [0, 0, 1, 1], [], []>, transpose_lhs_hint = false} : vector<1x256xf32>, vector<256x64xf32>, vector<1x64xf32> -> vector<1x64xf32>
    %get3A_273 = arith.constant 0 : index
    %get3A_274 = arith.constant 0 : index
    %get3A_275 = vector.load %arg6[%get3A_273, %get3A_274] : memref<1x64xf32, #tpu.memory_space<vmem>>, vector<1x64xf32>
    %add3A_276 = arith.addf %dot_general3A_272, %get3A_275 : vector<1x64xf32>
    %slice3A_277 = vector.extract_strided_slice %add3A_10 {offsets = [2048, 0], sizes = [2048, 64], strides = [1, 1]} : vector<8192x64xf32> to vector<2048x64xf32>
    %add3A_278 = vector.broadcast %add3A_276 : vector<1x64xf32> to vector<2048x64xf32>
    %add3A_279 = arith.addf %slice3A_277, %add3A_278 : vector<2048x64xf32>
    %tanh3A_280 = math.tanh %add3A_279 : vector<2048x64xf32>
    %get3A_281 = arith.constant 0 : index
    %get3A_282 = arith.constant 0 : index
    %get3A_283 = vector.load %arg7[%get3A_281, %get3A_282] : memref<64x1xf32, #tpu.memory_space<vmem>>, vector<64x1xf32>
    %dot_general3A_284 = arith.constant dense<0.000000e+00> : vector<2048x1xf32>
    %dot_general3A_285 = tpu.matmul %tanh3A_280, %get3A_283, %dot_general3A_284 {dimension_numbers = #tpu.dot_dimension_numbers<[1], [0], [0], [1], [0, 0, 1, 1], [], []>, transpose_lhs_hint = false} : vector<2048x64xf32>, vector<64x1xf32>, vector<2048x1xf32> -> vector<2048x1xf32>
    %exp3A_286 = math.exp %dot_general3A_285 : vector<2048x1xf32>
    %get3A_287 = arith.constant 128 : index
    %get3A_288 = arith.constant 0 : index
    %get3A_289 = vector.load %arg8[%get3A_287, %get3A_288] : memref<512x1xf32, #tpu.memory_space<vmem>>, vector<128x1xf32>
    %slice3A_290 = vector.extract_strided_slice %exp3A_286 {offsets = [0, 0], sizes = [128, 1], strides = [1, 1]} : vector<2048x1xf32> to vector<128x1xf32>
    %gt3A_291 = arith.constant 0.000000e+00 : f32
    %gt3A_292 = vector.broadcast %gt3A_291 : f32 to vector<128x1xf32>
    %gt3A_293 = arith.cmpf ogt, %get3A_289, %gt3A_292 : vector<128x1xf32>
    %convert_element_type3A_294 = arith.extui %gt3A_293 : vector<128x1xi1> to vector<128x1xi32>
    %convert_element_type3A_295 = arith.sitofp %convert_element_type3A_294 : vector<128x1xi32> to vector<128x1xf32>
    %mul3A_296 = arith.mulf %slice3A_290, %convert_element_type3A_295 : vector<128x1xf32>
    %slice3A_297 = vector.extract_strided_slice %exp3A_286 {offsets = [128, 0], sizes = [128, 1], strides = [1, 1]} : vector<2048x1xf32> to vector<128x1xf32>
    %gt3A_298 = arith.constant 1.000000e+00 : f32
    %gt3A_299 = vector.broadcast %gt3A_298 : f32 to vector<128x1xf32>
    %gt3A_300 = arith.cmpf ogt, %get3A_289, %gt3A_299 : vector<128x1xf32>
    %convert_element_type3A_301 = arith.extui %gt3A_300 : vector<128x1xi1> to vector<128x1xi32>
    %convert_element_type3A_302 = arith.sitofp %convert_element_type3A_301 : vector<128x1xi32> to vector<128x1xf32>
    %mul3A_303 = arith.mulf %slice3A_297, %convert_element_type3A_302 : vector<128x1xf32>
    %add3A_304 = arith.addf %mul3A_296, %mul3A_303 : vector<128x1xf32>
    %slice3A_305 = vector.extract_strided_slice %exp3A_286 {offsets = [256, 0], sizes = [128, 1], strides = [1, 1]} : vector<2048x1xf32> to vector<128x1xf32>
    %gt3A_306 = arith.constant 2.000000e+00 : f32
    %gt3A_307 = vector.broadcast %gt3A_306 : f32 to vector<128x1xf32>
    %gt3A_308 = arith.cmpf ogt, %get3A_289, %gt3A_307 : vector<128x1xf32>
    %convert_element_type3A_309 = arith.extui %gt3A_308 : vector<128x1xi1> to vector<128x1xi32>
    %convert_element_type3A_310 = arith.sitofp %convert_element_type3A_309 : vector<128x1xi32> to vector<128x1xf32>
    %mul3A_311 = arith.mulf %slice3A_305, %convert_element_type3A_310 : vector<128x1xf32>
    %add3A_312 = arith.addf %add3A_304, %mul3A_311 : vector<128x1xf32>
    %slice3A_313 = vector.extract_strided_slice %exp3A_286 {offsets = [384, 0], sizes = [128, 1], strides = [1, 1]} : vector<2048x1xf32> to vector<128x1xf32>
    %gt3A_314 = arith.constant 3.000000e+00 : f32
    %gt3A_315 = vector.broadcast %gt3A_314 : f32 to vector<128x1xf32>
    %gt3A_316 = arith.cmpf ogt, %get3A_289, %gt3A_315 : vector<128x1xf32>
    %convert_element_type3A_317 = arith.extui %gt3A_316 : vector<128x1xi1> to vector<128x1xi32>
    %convert_element_type3A_318 = arith.sitofp %convert_element_type3A_317 : vector<128x1xi32> to vector<128x1xf32>
    %mul3A_319 = arith.mulf %slice3A_313, %convert_element_type3A_318 : vector<128x1xf32>
    %add3A_320 = arith.addf %add3A_312, %mul3A_319 : vector<128x1xf32>
    %slice3A_321 = vector.extract_strided_slice %exp3A_286 {offsets = [512, 0], sizes = [128, 1], strides = [1, 1]} : vector<2048x1xf32> to vector<128x1xf32>
    %gt3A_322 = arith.constant 4.000000e+00 : f32
    %gt3A_323 = vector.broadcast %gt3A_322 : f32 to vector<128x1xf32>
    %gt3A_324 = arith.cmpf ogt, %get3A_289, %gt3A_323 : vector<128x1xf32>
    %convert_element_type3A_325 = arith.extui %gt3A_324 : vector<128x1xi1> to vector<128x1xi32>
    %convert_element_type3A_326 = arith.sitofp %convert_element_type3A_325 : vector<128x1xi32> to vector<128x1xf32>
    %mul3A_327 = arith.mulf %slice3A_321, %convert_element_type3A_326 : vector<128x1xf32>
    %add3A_328 = arith.addf %add3A_320, %mul3A_327 : vector<128x1xf32>
    %slice3A_329 = vector.extract_strided_slice %exp3A_286 {offsets = [640, 0], sizes = [128, 1], strides = [1, 1]} : vector<2048x1xf32> to vector<128x1xf32>
    %gt3A_330 = arith.constant 5.000000e+00 : f32
    %gt3A_331 = vector.broadcast %gt3A_330 : f32 to vector<128x1xf32>
    %gt3A_332 = arith.cmpf ogt, %get3A_289, %gt3A_331 : vector<128x1xf32>
    %convert_element_type3A_333 = arith.extui %gt3A_332 : vector<128x1xi1> to vector<128x1xi32>
    %convert_element_type3A_334 = arith.sitofp %convert_element_type3A_333 : vector<128x1xi32> to vector<128x1xf32>
    %mul3A_335 = arith.mulf %slice3A_329, %convert_element_type3A_334 : vector<128x1xf32>
    %add3A_336 = arith.addf %add3A_328, %mul3A_335 : vector<128x1xf32>
    %slice3A_337 = vector.extract_strided_slice %exp3A_286 {offsets = [768, 0], sizes = [128, 1], strides = [1, 1]} : vector<2048x1xf32> to vector<128x1xf32>
    %gt3A_338 = arith.constant 6.000000e+00 : f32
    %gt3A_339 = vector.broadcast %gt3A_338 : f32 to vector<128x1xf32>
    %gt3A_340 = arith.cmpf ogt, %get3A_289, %gt3A_339 : vector<128x1xf32>
    %convert_element_type3A_341 = arith.extui %gt3A_340 : vector<128x1xi1> to vector<128x1xi32>
    %convert_element_type3A_342 = arith.sitofp %convert_element_type3A_341 : vector<128x1xi32> to vector<128x1xf32>
    %mul3A_343 = arith.mulf %slice3A_337, %convert_element_type3A_342 : vector<128x1xf32>
    %add3A_344 = arith.addf %add3A_336, %mul3A_343 : vector<128x1xf32>
    %slice3A_345 = vector.extract_strided_slice %exp3A_286 {offsets = [896, 0], sizes = [128, 1], strides = [1, 1]} : vector<2048x1xf32> to vector<128x1xf32>
    %gt3A_346 = arith.constant 7.000000e+00 : f32
    %gt3A_347 = vector.broadcast %gt3A_346 : f32 to vector<128x1xf32>
    %gt3A_348 = arith.cmpf ogt, %get3A_289, %gt3A_347 : vector<128x1xf32>
    %convert_element_type3A_349 = arith.extui %gt3A_348 : vector<128x1xi1> to vector<128x1xi32>
    %convert_element_type3A_350 = arith.sitofp %convert_element_type3A_349 : vector<128x1xi32> to vector<128x1xf32>
    %mul3A_351 = arith.mulf %slice3A_345, %convert_element_type3A_350 : vector<128x1xf32>
    %add3A_352 = arith.addf %add3A_344, %mul3A_351 : vector<128x1xf32>
    %slice3A_353 = vector.extract_strided_slice %exp3A_286 {offsets = [1024, 0], sizes = [128, 1], strides = [1, 1]} : vector<2048x1xf32> to vector<128x1xf32>
    %gt3A_354 = arith.constant 8.000000e+00 : f32
    %gt3A_355 = vector.broadcast %gt3A_354 : f32 to vector<128x1xf32>
    %gt3A_356 = arith.cmpf ogt, %get3A_289, %gt3A_355 : vector<128x1xf32>
    %convert_element_type3A_357 = arith.extui %gt3A_356 : vector<128x1xi1> to vector<128x1xi32>
    %convert_element_type3A_358 = arith.sitofp %convert_element_type3A_357 : vector<128x1xi32> to vector<128x1xf32>
    %mul3A_359 = arith.mulf %slice3A_353, %convert_element_type3A_358 : vector<128x1xf32>
    %add3A_360 = arith.addf %add3A_352, %mul3A_359 : vector<128x1xf32>
    %slice3A_361 = vector.extract_strided_slice %exp3A_286 {offsets = [1152, 0], sizes = [128, 1], strides = [1, 1]} : vector<2048x1xf32> to vector<128x1xf32>
    %gt3A_362 = arith.constant 9.000000e+00 : f32
    %gt3A_363 = vector.broadcast %gt3A_362 : f32 to vector<128x1xf32>
    %gt3A_364 = arith.cmpf ogt, %get3A_289, %gt3A_363 : vector<128x1xf32>
    %convert_element_type3A_365 = arith.extui %gt3A_364 : vector<128x1xi1> to vector<128x1xi32>
    %convert_element_type3A_366 = arith.sitofp %convert_element_type3A_365 : vector<128x1xi32> to vector<128x1xf32>
    %mul3A_367 = arith.mulf %slice3A_361, %convert_element_type3A_366 : vector<128x1xf32>
    %add3A_368 = arith.addf %add3A_360, %mul3A_367 : vector<128x1xf32>
    %slice3A_369 = vector.extract_strided_slice %exp3A_286 {offsets = [1280, 0], sizes = [128, 1], strides = [1, 1]} : vector<2048x1xf32> to vector<128x1xf32>
    %gt3A_370 = arith.constant 1.000000e+01 : f32
    %gt3A_371 = vector.broadcast %gt3A_370 : f32 to vector<128x1xf32>
    %gt3A_372 = arith.cmpf ogt, %get3A_289, %gt3A_371 : vector<128x1xf32>
    %convert_element_type3A_373 = arith.extui %gt3A_372 : vector<128x1xi1> to vector<128x1xi32>
    %convert_element_type3A_374 = arith.sitofp %convert_element_type3A_373 : vector<128x1xi32> to vector<128x1xf32>
    %mul3A_375 = arith.mulf %slice3A_369, %convert_element_type3A_374 : vector<128x1xf32>
    %add3A_376 = arith.addf %add3A_368, %mul3A_375 : vector<128x1xf32>
    %slice3A_377 = vector.extract_strided_slice %exp3A_286 {offsets = [1408, 0], sizes = [128, 1], strides = [1, 1]} : vector<2048x1xf32> to vector<128x1xf32>
    %gt3A_378 = arith.constant 1.100000e+01 : f32
    %gt3A_379 = vector.broadcast %gt3A_378 : f32 to vector<128x1xf32>
    %gt3A_380 = arith.cmpf ogt, %get3A_289, %gt3A_379 : vector<128x1xf32>
    %convert_element_type3A_381 = arith.extui %gt3A_380 : vector<128x1xi1> to vector<128x1xi32>
    %convert_element_type3A_382 = arith.sitofp %convert_element_type3A_381 : vector<128x1xi32> to vector<128x1xf32>
    %mul3A_383 = arith.mulf %slice3A_377, %convert_element_type3A_382 : vector<128x1xf32>
    %add3A_384 = arith.addf %add3A_376, %mul3A_383 : vector<128x1xf32>
    %slice3A_385 = vector.extract_strided_slice %exp3A_286 {offsets = [1536, 0], sizes = [128, 1], strides = [1, 1]} : vector<2048x1xf32> to vector<128x1xf32>
    %gt3A_386 = arith.constant 1.200000e+01 : f32
    %gt3A_387 = vector.broadcast %gt3A_386 : f32 to vector<128x1xf32>
    %gt3A_388 = arith.cmpf ogt, %get3A_289, %gt3A_387 : vector<128x1xf32>
    %convert_element_type3A_389 = arith.extui %gt3A_388 : vector<128x1xi1> to vector<128x1xi32>
    %convert_element_type3A_390 = arith.sitofp %convert_element_type3A_389 : vector<128x1xi32> to vector<128x1xf32>
    %mul3A_391 = arith.mulf %slice3A_385, %convert_element_type3A_390 : vector<128x1xf32>
    %add3A_392 = arith.addf %add3A_384, %mul3A_391 : vector<128x1xf32>
    %slice3A_393 = vector.extract_strided_slice %exp3A_286 {offsets = [1664, 0], sizes = [128, 1], strides = [1, 1]} : vector<2048x1xf32> to vector<128x1xf32>
    %gt3A_394 = arith.constant 1.300000e+01 : f32
    %gt3A_395 = vector.broadcast %gt3A_394 : f32 to vector<128x1xf32>
    %gt3A_396 = arith.cmpf ogt, %get3A_289, %gt3A_395 : vector<128x1xf32>
    %convert_element_type3A_397 = arith.extui %gt3A_396 : vector<128x1xi1> to vector<128x1xi32>
    %convert_element_type3A_398 = arith.sitofp %convert_element_type3A_397 : vector<128x1xi32> to vector<128x1xf32>
    %mul3A_399 = arith.mulf %slice3A_393, %convert_element_type3A_398 : vector<128x1xf32>
    %add3A_400 = arith.addf %add3A_392, %mul3A_399 : vector<128x1xf32>
    %slice3A_401 = vector.extract_strided_slice %exp3A_286 {offsets = [1792, 0], sizes = [128, 1], strides = [1, 1]} : vector<2048x1xf32> to vector<128x1xf32>
    %gt3A_402 = arith.constant 1.400000e+01 : f32
    %gt3A_403 = vector.broadcast %gt3A_402 : f32 to vector<128x1xf32>
    %gt3A_404 = arith.cmpf ogt, %get3A_289, %gt3A_403 : vector<128x1xf32>
    %convert_element_type3A_405 = arith.extui %gt3A_404 : vector<128x1xi1> to vector<128x1xi32>
    %convert_element_type3A_406 = arith.sitofp %convert_element_type3A_405 : vector<128x1xi32> to vector<128x1xf32>
    %mul3A_407 = arith.mulf %slice3A_401, %convert_element_type3A_406 : vector<128x1xf32>
    %add3A_408 = arith.addf %add3A_400, %mul3A_407 : vector<128x1xf32>
    %slice3A_409 = vector.extract_strided_slice %exp3A_286 {offsets = [1920, 0], sizes = [128, 1], strides = [1, 1]} : vector<2048x1xf32> to vector<128x1xf32>
    %gt3A_410 = arith.constant 1.500000e+01 : f32
    %gt3A_411 = vector.broadcast %gt3A_410 : f32 to vector<128x1xf32>
    %gt3A_412 = arith.cmpf ogt, %get3A_289, %gt3A_411 : vector<128x1xf32>
    %convert_element_type3A_413 = arith.extui %gt3A_412 : vector<128x1xi1> to vector<128x1xi32>
    %convert_element_type3A_414 = arith.sitofp %convert_element_type3A_413 : vector<128x1xi32> to vector<128x1xf32>
    %mul3A_415 = arith.mulf %slice3A_409, %convert_element_type3A_414 : vector<128x1xf32>
    %add3A_416 = arith.addf %add3A_408, %mul3A_415 : vector<128x1xf32>
    %iota3A_417 = tpu.iota {dimensions = array<i32: 0>} : vector<128x1xi32>
    %jit3A_418 = arith.constant 32 : i32
    %eq3A_419 = arith.constant 0 : i32
    %eq3A_420 = arith.cmpi eq, %jit3A_418, %eq3A_419 : i32
    %jit3A_421 = arith.constant 1 : i32
    %select_n3A_422 = arith.select %eq3A_420, %jit3A_421, %jit3A_418 : i32
    %rem3A_423 = vector.broadcast %select_n3A_422 : i32 to vector<128x1xi32>
    %rem3A_424 = arith.remsi %iota3A_417, %rem3A_423 : vector<128x1xi32>
    %ne3A_425 = arith.constant 0 : i32
    %ne3A_426 = vector.broadcast %ne3A_425 : i32 to vector<128x1xi32>
    %ne3A_427 = arith.cmpi ne, %rem3A_424, %ne3A_426 : vector<128x1xi32>
    %lt3A_428 = arith.constant 0 : i32
    %lt3A_429 = vector.broadcast %lt3A_428 : i32 to vector<128x1xi32>
    %lt3A_430 = arith.cmpi slt, %rem3A_424, %lt3A_429 : vector<128x1xi32>
    %lt3A_431 = arith.constant 0 : i32
    %lt3A_432 = arith.cmpi slt, %select_n3A_422, %lt3A_431 : i32
    %ne3A_433 = vector.broadcast %lt3A_432 : i1 to vector<128x1xi1>
    %ne3A_434 = vector.broadcast %ne3A_433 : vector<128x1xi1> to vector<128x1xi1>
    %ne3A_435 = arith.xori %lt3A_430, %ne3A_434 : vector<128x1xi1>
    %and3A_436 = arith.andi %ne3A_435, %ne3A_427 : vector<128x1xi1>
    %add3A_437 = vector.broadcast %select_n3A_422 : i32 to vector<128x1xi32>
    %add3A_438 = arith.addi %rem3A_424, %add3A_437 : vector<128x1xi32>
    %select_n3A_439 = arith.select %and3A_436, %add3A_438, %rem3A_424 : vector<128x1xi1>, vector<128x1xi32>
    %convert_element_type3A_440 = arith.sitofp %select_n3A_439 : vector<128x1xi32> to vector<128x1xf32>
    %get3A_441 = arith.constant 128 : index
    %get3A_442 = arith.constant 0 : index
    %get3A_443 = vector.load %arg9[%get3A_441, %get3A_442] : memref<512x1xf32, #tpu.memory_space<vmem>>, vector<128x1xf32>
    %lt3A_444 = arith.cmpf olt, %convert_element_type3A_440, %get3A_443 : vector<128x1xf32>
    %convert_element_type3A_445 = arith.extui %lt3A_444 : vector<128x1xi1> to vector<128x1xi32>
    %convert_element_type3A_446 = arith.sitofp %convert_element_type3A_445 : vector<128x1xi32> to vector<128x1xf32>
    %div3A_447 = arith.divf %convert_element_type3A_446, %add3A_416 : vector<128x1xf32>
    %mul3A_448 = arith.mulf %mul3A_296, %div3A_447 : vector<128x1xf32>
    %slice3A_449 = vector.extract_strided_slice %get3A_1 {offsets = [2048, 0], sizes = [128, 256], strides = [1, 1]} : vector<8192x256xf32> to vector<128x256xf32>
    %mul3A_450 = vector.broadcast %mul3A_448 : vector<128x1xf32> to vector<128x256xf32>
    %mul3A_451 = arith.mulf %mul3A_450, %slice3A_449 : vector<128x256xf32>
    %mul3A_452 = arith.mulf %mul3A_303, %div3A_447 : vector<128x1xf32>
    %slice3A_453 = vector.extract_strided_slice %get3A_1 {offsets = [2176, 0], sizes = [128, 256], strides = [1, 1]} : vector<8192x256xf32> to vector<128x256xf32>
    %mul3A_454 = vector.broadcast %mul3A_452 : vector<128x1xf32> to vector<128x256xf32>
    %mul3A_455 = arith.mulf %mul3A_454, %slice3A_453 : vector<128x256xf32>
    %add3A_456 = arith.addf %mul3A_451, %mul3A_455 : vector<128x256xf32>
    %mul3A_457 = arith.mulf %mul3A_311, %div3A_447 : vector<128x1xf32>
    %slice3A_458 = vector.extract_strided_slice %get3A_1 {offsets = [2304, 0], sizes = [128, 256], strides = [1, 1]} : vector<8192x256xf32> to vector<128x256xf32>
    %mul3A_459 = vector.broadcast %mul3A_457 : vector<128x1xf32> to vector<128x256xf32>
    %mul3A_460 = arith.mulf %mul3A_459, %slice3A_458 : vector<128x256xf32>
    %add3A_461 = arith.addf %add3A_456, %mul3A_460 : vector<128x256xf32>
    %mul3A_462 = arith.mulf %mul3A_319, %div3A_447 : vector<128x1xf32>
    %slice3A_463 = vector.extract_strided_slice %get3A_1 {offsets = [2432, 0], sizes = [128, 256], strides = [1, 1]} : vector<8192x256xf32> to vector<128x256xf32>
    %mul3A_464 = vector.broadcast %mul3A_462 : vector<128x1xf32> to vector<128x256xf32>
    %mul3A_465 = arith.mulf %mul3A_464, %slice3A_463 : vector<128x256xf32>
    %add3A_466 = arith.addf %add3A_461, %mul3A_465 : vector<128x256xf32>
    %mul3A_467 = arith.mulf %mul3A_327, %div3A_447 : vector<128x1xf32>
    %slice3A_468 = vector.extract_strided_slice %get3A_1 {offsets = [2560, 0], sizes = [128, 256], strides = [1, 1]} : vector<8192x256xf32> to vector<128x256xf32>
    %mul3A_469 = vector.broadcast %mul3A_467 : vector<128x1xf32> to vector<128x256xf32>
    %mul3A_470 = arith.mulf %mul3A_469, %slice3A_468 : vector<128x256xf32>
    %add3A_471 = arith.addf %add3A_466, %mul3A_470 : vector<128x256xf32>
    %mul3A_472 = arith.mulf %mul3A_335, %div3A_447 : vector<128x1xf32>
    %slice3A_473 = vector.extract_strided_slice %get3A_1 {offsets = [2688, 0], sizes = [128, 256], strides = [1, 1]} : vector<8192x256xf32> to vector<128x256xf32>
    %mul3A_474 = vector.broadcast %mul3A_472 : vector<128x1xf32> to vector<128x256xf32>
    %mul3A_475 = arith.mulf %mul3A_474, %slice3A_473 : vector<128x256xf32>
    %add3A_476 = arith.addf %add3A_471, %mul3A_475 : vector<128x256xf32>
    %mul3A_477 = arith.mulf %mul3A_343, %div3A_447 : vector<128x1xf32>
    %slice3A_478 = vector.extract_strided_slice %get3A_1 {offsets = [2816, 0], sizes = [128, 256], strides = [1, 1]} : vector<8192x256xf32> to vector<128x256xf32>
    %mul3A_479 = vector.broadcast %mul3A_477 : vector<128x1xf32> to vector<128x256xf32>
    %mul3A_480 = arith.mulf %mul3A_479, %slice3A_478 : vector<128x256xf32>
    %add3A_481 = arith.addf %add3A_476, %mul3A_480 : vector<128x256xf32>
    %mul3A_482 = arith.mulf %mul3A_351, %div3A_447 : vector<128x1xf32>
    %slice3A_483 = vector.extract_strided_slice %get3A_1 {offsets = [2944, 0], sizes = [128, 256], strides = [1, 1]} : vector<8192x256xf32> to vector<128x256xf32>
    %mul3A_484 = vector.broadcast %mul3A_482 : vector<128x1xf32> to vector<128x256xf32>
    %mul3A_485 = arith.mulf %mul3A_484, %slice3A_483 : vector<128x256xf32>
    %add3A_486 = arith.addf %add3A_481, %mul3A_485 : vector<128x256xf32>
    %mul3A_487 = arith.mulf %mul3A_359, %div3A_447 : vector<128x1xf32>
    %slice3A_488 = vector.extract_strided_slice %get3A_1 {offsets = [3072, 0], sizes = [128, 256], strides = [1, 1]} : vector<8192x256xf32> to vector<128x256xf32>
    %mul3A_489 = vector.broadcast %mul3A_487 : vector<128x1xf32> to vector<128x256xf32>
    %mul3A_490 = arith.mulf %mul3A_489, %slice3A_488 : vector<128x256xf32>
    %add3A_491 = arith.addf %add3A_486, %mul3A_490 : vector<128x256xf32>
    %mul3A_492 = arith.mulf %mul3A_367, %div3A_447 : vector<128x1xf32>
    %slice3A_493 = vector.extract_strided_slice %get3A_1 {offsets = [3200, 0], sizes = [128, 256], strides = [1, 1]} : vector<8192x256xf32> to vector<128x256xf32>
    %mul3A_494 = vector.broadcast %mul3A_492 : vector<128x1xf32> to vector<128x256xf32>
    %mul3A_495 = arith.mulf %mul3A_494, %slice3A_493 : vector<128x256xf32>
    %add3A_496 = arith.addf %add3A_491, %mul3A_495 : vector<128x256xf32>
    %mul3A_497 = arith.mulf %mul3A_375, %div3A_447 : vector<128x1xf32>
    %slice3A_498 = vector.extract_strided_slice %get3A_1 {offsets = [3328, 0], sizes = [128, 256], strides = [1, 1]} : vector<8192x256xf32> to vector<128x256xf32>
    %mul3A_499 = vector.broadcast %mul3A_497 : vector<128x1xf32> to vector<128x256xf32>
    %mul3A_500 = arith.mulf %mul3A_499, %slice3A_498 : vector<128x256xf32>
    %add3A_501 = arith.addf %add3A_496, %mul3A_500 : vector<128x256xf32>
    %mul3A_502 = arith.mulf %mul3A_383, %div3A_447 : vector<128x1xf32>
    %slice3A_503 = vector.extract_strided_slice %get3A_1 {offsets = [3456, 0], sizes = [128, 256], strides = [1, 1]} : vector<8192x256xf32> to vector<128x256xf32>
    %mul3A_504 = vector.broadcast %mul3A_502 : vector<128x1xf32> to vector<128x256xf32>
    %mul3A_505 = arith.mulf %mul3A_504, %slice3A_503 : vector<128x256xf32>
    %add3A_506 = arith.addf %add3A_501, %mul3A_505 : vector<128x256xf32>
    %mul3A_507 = arith.mulf %mul3A_391, %div3A_447 : vector<128x1xf32>
    %slice3A_508 = vector.extract_strided_slice %get3A_1 {offsets = [3584, 0], sizes = [128, 256], strides = [1, 1]} : vector<8192x256xf32> to vector<128x256xf32>
    %mul3A_509 = vector.broadcast %mul3A_507 : vector<128x1xf32> to vector<128x256xf32>
    %mul3A_510 = arith.mulf %mul3A_509, %slice3A_508 : vector<128x256xf32>
    %add3A_511 = arith.addf %add3A_506, %mul3A_510 : vector<128x256xf32>
    %mul3A_512 = arith.mulf %mul3A_399, %div3A_447 : vector<128x1xf32>
    %slice3A_513 = vector.extract_strided_slice %get3A_1 {offsets = [3712, 0], sizes = [128, 256], strides = [1, 1]} : vector<8192x256xf32> to vector<128x256xf32>
    %mul3A_514 = vector.broadcast %mul3A_512 : vector<128x1xf32> to vector<128x256xf32>
    %mul3A_515 = arith.mulf %mul3A_514, %slice3A_513 : vector<128x256xf32>
    %add3A_516 = arith.addf %add3A_511, %mul3A_515 : vector<128x256xf32>
    %mul3A_517 = arith.mulf %mul3A_407, %div3A_447 : vector<128x1xf32>
    %slice3A_518 = vector.extract_strided_slice %get3A_1 {offsets = [3840, 0], sizes = [128, 256], strides = [1, 1]} : vector<8192x256xf32> to vector<128x256xf32>
    %mul3A_519 = vector.broadcast %mul3A_517 : vector<128x1xf32> to vector<128x256xf32>
    %mul3A_520 = arith.mulf %mul3A_519, %slice3A_518 : vector<128x256xf32>
    %add3A_521 = arith.addf %add3A_516, %mul3A_520 : vector<128x256xf32>
    %mul3A_522 = arith.mulf %mul3A_415, %div3A_447 : vector<128x1xf32>
    %slice3A_523 = vector.extract_strided_slice %get3A_1 {offsets = [3968, 0], sizes = [128, 256], strides = [1, 1]} : vector<8192x256xf32> to vector<128x256xf32>
    %mul3A_524 = vector.broadcast %mul3A_522 : vector<128x1xf32> to vector<128x256xf32>
    %mul3A_525 = arith.mulf %mul3A_524, %slice3A_523 : vector<128x256xf32>
    %add3A_526 = arith.addf %add3A_521, %mul3A_525 : vector<128x256xf32>
    %swap3A_527 = arith.constant 128 : index
    %swap3A_528 = arith.constant 0 : index
    %swap3A_529 = vector.load %arg10[%swap3A_527, %swap3A_528] : memref<512x256xf32, #tpu.memory_space<vmem>>, vector<128x256xf32>
    tpu.vector_store %arg10[%swap3A_527, %swap3A_528], %add3A_526 {strides = array<i32>} : memref<512x256xf32, #tpu.memory_space<vmem>>, vector<128x256xf32>,
    %get3A_530 = arith.constant 2 : index
    %get3A_531 = arith.constant 0 : index
    %get3A_532 = arith.constant 0 : index
    %get3A_533 = vector.load %arg2[%get3A_530, %get3A_531, %get3A_532] : memref<4x1x256xf32, #tpu.memory_space<vmem>>, vector<1x1x256xf32>
    %get3A_534 = vector.shape_cast %get3A_533 : vector<1x1x256xf32> to vector<1x256xf32>
    %get3A_535 = arith.constant 0 : index
    %get3A_536 = arith.constant 0 : index
    %get3A_537 = vector.load %arg5[%get3A_535, %get3A_536] : memref<256x64xf32, #tpu.memory_space<vmem>>, vector<256x64xf32>
    %dot_general3A_538 = arith.constant dense<0.000000e+00> : vector<1x64xf32>
    %dot_general3A_539 = tpu.matmul %get3A_534, %get3A_537, %dot_general3A_538 {dimension_numbers = #tpu.dot_dimension_numbers<[1], [0], [0], [1], [0, 0, 1, 1], [], []>, transpose_lhs_hint = false} : vector<1x256xf32>, vector<256x64xf32>, vector<1x64xf32> -> vector<1x64xf32>
    %get3A_540 = arith.constant 0 : index
    %get3A_541 = arith.constant 0 : index
    %get3A_542 = vector.load %arg6[%get3A_540, %get3A_541] : memref<1x64xf32, #tpu.memory_space<vmem>>, vector<1x64xf32>
    %add3A_543 = arith.addf %dot_general3A_539, %get3A_542 : vector<1x64xf32>
    %slice3A_544 = vector.extract_strided_slice %add3A_10 {offsets = [4096, 0], sizes = [2048, 64], strides = [1, 1]} : vector<8192x64xf32> to vector<2048x64xf32>
    %add3A_545 = vector.broadcast %add3A_543 : vector<1x64xf32> to vector<2048x64xf32>
    %add3A_546 = arith.addf %slice3A_544, %add3A_545 : vector<2048x64xf32>
    %tanh3A_547 = math.tanh %add3A_546 : vector<2048x64xf32>
    %get3A_548 = arith.constant 0 : index
    %get3A_549 = arith.constant 0 : index
    %get3A_550 = vector.load %arg7[%get3A_548, %get3A_549] : memref<64x1xf32, #tpu.memory_space<vmem>>, vector<64x1xf32>
    %dot_general3A_551 = arith.constant dense<0.000000e+00> : vector<2048x1xf32>
    %dot_general3A_552 = tpu.matmul %tanh3A_547, %get3A_550, %dot_general3A_551 {dimension_numbers = #tpu.dot_dimension_numbers<[1], [0], [0], [1], [0, 0, 1, 1], [], []>, transpose_lhs_hint = false} : vector<2048x64xf32>, vector<64x1xf32>, vector<2048x1xf32> -> vector<2048x1xf32>
    %exp3A_553 = math.exp %dot_general3A_552 : vector<2048x1xf32>
    %get3A_554 = arith.constant 256 : index
    %get3A_555 = arith.constant 0 : index
    %get3A_556 = vector.load %arg8[%get3A_554, %get3A_555] : memref<512x1xf32, #tpu.memory_space<vmem>>, vector<128x1xf32>
    %slice3A_557 = vector.extract_strided_slice %exp3A_553 {offsets = [0, 0], sizes = [128, 1], strides = [1, 1]} : vector<2048x1xf32> to vector<128x1xf32>
    %gt3A_558 = arith.constant 0.000000e+00 : f32
    %gt3A_559 = vector.broadcast %gt3A_558 : f32 to vector<128x1xf32>
    %gt3A_560 = arith.cmpf ogt, %get3A_556, %gt3A_559 : vector<128x1xf32>
    %convert_element_type3A_561 = arith.extui %gt3A_560 : vector<128x1xi1> to vector<128x1xi32>
    %convert_element_type3A_562 = arith.sitofp %convert_element_type3A_561 : vector<128x1xi32> to vector<128x1xf32>
    %mul3A_563 = arith.mulf %slice3A_557, %convert_element_type3A_562 : vector<128x1xf32>
    %slice3A_564 = vector.extract_strided_slice %exp3A_553 {offsets = [128, 0], sizes = [128, 1], strides = [1, 1]} : vector<2048x1xf32> to vector<128x1xf32>
    %gt3A_565 = arith.constant 1.000000e+00 : f32
    %gt3A_566 = vector.broadcast %gt3A_565 : f32 to vector<128x1xf32>
    %gt3A_567 = arith.cmpf ogt, %get3A_556, %gt3A_566 : vector<128x1xf32>
    %convert_element_type3A_568 = arith.extui %gt3A_567 : vector<128x1xi1> to vector<128x1xi32>
    %convert_element_type3A_569 = arith.sitofp %convert_element_type3A_568 : vector<128x1xi32> to vector<128x1xf32>
    %mul3A_570 = arith.mulf %slice3A_564, %convert_element_type3A_569 : vector<128x1xf32>
    %add3A_571 = arith.addf %mul3A_563, %mul3A_570 : vector<128x1xf32>
    %slice3A_572 = vector.extract_strided_slice %exp3A_553 {offsets = [256, 0], sizes = [128, 1], strides = [1, 1]} : vector<2048x1xf32> to vector<128x1xf32>
    %gt3A_573 = arith.constant 2.000000e+00 : f32
    %gt3A_574 = vector.broadcast %gt3A_573 : f32 to vector<128x1xf32>
    %gt3A_575 = arith.cmpf ogt, %get3A_556, %gt3A_574 : vector<128x1xf32>
    %convert_element_type3A_576 = arith.extui %gt3A_575 : vector<128x1xi1> to vector<128x1xi32>
    %convert_element_type3A_577 = arith.sitofp %convert_element_type3A_576 : vector<128x1xi32> to vector<128x1xf32>
    %mul3A_578 = arith.mulf %slice3A_572, %convert_element_type3A_577 : vector<128x1xf32>
    %add3A_579 = arith.addf %add3A_571, %mul3A_578 : vector<128x1xf32>
    %slice3A_580 = vector.extract_strided_slice %exp3A_553 {offsets = [384, 0], sizes = [128, 1], strides = [1, 1]} : vector<2048x1xf32> to vector<128x1xf32>
    %gt3A_581 = arith.constant 3.000000e+00 : f32
    %gt3A_582 = vector.broadcast %gt3A_581 : f32 to vector<128x1xf32>
    %gt3A_583 = arith.cmpf ogt, %get3A_556, %gt3A_582 : vector<128x1xf32>
    %convert_element_type3A_584 = arith.extui %gt3A_583 : vector<128x1xi1> to vector<128x1xi32>
    %convert_element_type3A_585 = arith.sitofp %convert_element_type3A_584 : vector<128x1xi32> to vector<128x1xf32>
    %mul3A_586 = arith.mulf %slice3A_580, %convert_element_type3A_585 : vector<128x1xf32>
    %add3A_587 = arith.addf %add3A_579, %mul3A_586 : vector<128x1xf32>
    %slice3A_588 = vector.extract_strided_slice %exp3A_553 {offsets = [512, 0], sizes = [128, 1], strides = [1, 1]} : vector<2048x1xf32> to vector<128x1xf32>
    %gt3A_589 = arith.constant 4.000000e+00 : f32
    %gt3A_590 = vector.broadcast %gt3A_589 : f32 to vector<128x1xf32>
    %gt3A_591 = arith.cmpf ogt, %get3A_556, %gt3A_590 : vector<128x1xf32>
    %convert_element_type3A_592 = arith.extui %gt3A_591 : vector<128x1xi1> to vector<128x1xi32>
    %convert_element_type3A_593 = arith.sitofp %convert_element_type3A_592 : vector<128x1xi32> to vector<128x1xf32>
    %mul3A_594 = arith.mulf %slice3A_588, %convert_element_type3A_593 : vector<128x1xf32>
    %add3A_595 = arith.addf %add3A_587, %mul3A_594 : vector<128x1xf32>
    %slice3A_596 = vector.extract_strided_slice %exp3A_553 {offsets = [640, 0], sizes = [128, 1], strides = [1, 1]} : vector<2048x1xf32> to vector<128x1xf32>
    %gt3A_597 = arith.constant 5.000000e+00 : f32
    %gt3A_598 = vector.broadcast %gt3A_597 : f32 to vector<128x1xf32>
    %gt3A_599 = arith.cmpf ogt, %get3A_556, %gt3A_598 : vector<128x1xf32>
    %convert_element_type3A_600 = arith.extui %gt3A_599 : vector<128x1xi1> to vector<128x1xi32>
    %convert_element_type3A_601 = arith.sitofp %convert_element_type3A_600 : vector<128x1xi32> to vector<128x1xf32>
    %mul3A_602 = arith.mulf %slice3A_596, %convert_element_type3A_601 : vector<128x1xf32>
    %add3A_603 = arith.addf %add3A_595, %mul3A_602 : vector<128x1xf32>
    %slice3A_604 = vector.extract_strided_slice %exp3A_553 {offsets = [768, 0], sizes = [128, 1], strides = [1, 1]} : vector<2048x1xf32> to vector<128x1xf32>
    %gt3A_605 = arith.constant 6.000000e+00 : f32
    %gt3A_606 = vector.broadcast %gt3A_605 : f32 to vector<128x1xf32>
    %gt3A_607 = arith.cmpf ogt, %get3A_556, %gt3A_606 : vector<128x1xf32>
    %convert_element_type3A_608 = arith.extui %gt3A_607 : vector<128x1xi1> to vector<128x1xi32>
    %convert_element_type3A_609 = arith.sitofp %convert_element_type3A_608 : vector<128x1xi32> to vector<128x1xf32>
    %mul3A_610 = arith.mulf %slice3A_604, %convert_element_type3A_609 : vector<128x1xf32>
    %add3A_611 = arith.addf %add3A_603, %mul3A_610 : vector<128x1xf32>
    %slice3A_612 = vector.extract_strided_slice %exp3A_553 {offsets = [896, 0], sizes = [128, 1], strides = [1, 1]} : vector<2048x1xf32> to vector<128x1xf32>
    %gt3A_613 = arith.constant 7.000000e+00 : f32
    %gt3A_614 = vector.broadcast %gt3A_613 : f32 to vector<128x1xf32>
    %gt3A_615 = arith.cmpf ogt, %get3A_556, %gt3A_614 : vector<128x1xf32>
    %convert_element_type3A_616 = arith.extui %gt3A_615 : vector<128x1xi1> to vector<128x1xi32>
    %convert_element_type3A_617 = arith.sitofp %convert_element_type3A_616 : vector<128x1xi32> to vector<128x1xf32>
    %mul3A_618 = arith.mulf %slice3A_612, %convert_element_type3A_617 : vector<128x1xf32>
    %add3A_619 = arith.addf %add3A_611, %mul3A_618 : vector<128x1xf32>
    %slice3A_620 = vector.extract_strided_slice %exp3A_553 {offsets = [1024, 0], sizes = [128, 1], strides = [1, 1]} : vector<2048x1xf32> to vector<128x1xf32>
    %gt3A_621 = arith.constant 8.000000e+00 : f32
    %gt3A_622 = vector.broadcast %gt3A_621 : f32 to vector<128x1xf32>
    %gt3A_623 = arith.cmpf ogt, %get3A_556, %gt3A_622 : vector<128x1xf32>
    %convert_element_type3A_624 = arith.extui %gt3A_623 : vector<128x1xi1> to vector<128x1xi32>
    %convert_element_type3A_625 = arith.sitofp %convert_element_type3A_624 : vector<128x1xi32> to vector<128x1xf32>
    %mul3A_626 = arith.mulf %slice3A_620, %convert_element_type3A_625 : vector<128x1xf32>
    %add3A_627 = arith.addf %add3A_619, %mul3A_626 : vector<128x1xf32>
    %slice3A_628 = vector.extract_strided_slice %exp3A_553 {offsets = [1152, 0], sizes = [128, 1], strides = [1, 1]} : vector<2048x1xf32> to vector<128x1xf32>
    %gt3A_629 = arith.constant 9.000000e+00 : f32
    %gt3A_630 = vector.broadcast %gt3A_629 : f32 to vector<128x1xf32>
    %gt3A_631 = arith.cmpf ogt, %get3A_556, %gt3A_630 : vector<128x1xf32>
    %convert_element_type3A_632 = arith.extui %gt3A_631 : vector<128x1xi1> to vector<128x1xi32>
    %convert_element_type3A_633 = arith.sitofp %convert_element_type3A_632 : vector<128x1xi32> to vector<128x1xf32>
    %mul3A_634 = arith.mulf %slice3A_628, %convert_element_type3A_633 : vector<128x1xf32>
    %add3A_635 = arith.addf %add3A_627, %mul3A_634 : vector<128x1xf32>
    %slice3A_636 = vector.extract_strided_slice %exp3A_553 {offsets = [1280, 0], sizes = [128, 1], strides = [1, 1]} : vector<2048x1xf32> to vector<128x1xf32>
    %gt3A_637 = arith.constant 1.000000e+01 : f32
    %gt3A_638 = vector.broadcast %gt3A_637 : f32 to vector<128x1xf32>
    %gt3A_639 = arith.cmpf ogt, %get3A_556, %gt3A_638 : vector<128x1xf32>
    %convert_element_type3A_640 = arith.extui %gt3A_639 : vector<128x1xi1> to vector<128x1xi32>
    %convert_element_type3A_641 = arith.sitofp %convert_element_type3A_640 : vector<128x1xi32> to vector<128x1xf32>
    %mul3A_642 = arith.mulf %slice3A_636, %convert_element_type3A_641 : vector<128x1xf32>
    %add3A_643 = arith.addf %add3A_635, %mul3A_642 : vector<128x1xf32>
    %slice3A_644 = vector.extract_strided_slice %exp3A_553 {offsets = [1408, 0], sizes = [128, 1], strides = [1, 1]} : vector<2048x1xf32> to vector<128x1xf32>
    %gt3A_645 = arith.constant 1.100000e+01 : f32
    %gt3A_646 = vector.broadcast %gt3A_645 : f32 to vector<128x1xf32>
    %gt3A_647 = arith.cmpf ogt, %get3A_556, %gt3A_646 : vector<128x1xf32>
    %convert_element_type3A_648 = arith.extui %gt3A_647 : vector<128x1xi1> to vector<128x1xi32>
    %convert_element_type3A_649 = arith.sitofp %convert_element_type3A_648 : vector<128x1xi32> to vector<128x1xf32>
    %mul3A_650 = arith.mulf %slice3A_644, %convert_element_type3A_649 : vector<128x1xf32>
    %add3A_651 = arith.addf %add3A_643, %mul3A_650 : vector<128x1xf32>
    %slice3A_652 = vector.extract_strided_slice %exp3A_553 {offsets = [1536, 0], sizes = [128, 1], strides = [1, 1]} : vector<2048x1xf32> to vector<128x1xf32>
    %gt3A_653 = arith.constant 1.200000e+01 : f32
    %gt3A_654 = vector.broadcast %gt3A_653 : f32 to vector<128x1xf32>
    %gt3A_655 = arith.cmpf ogt, %get3A_556, %gt3A_654 : vector<128x1xf32>
    %convert_element_type3A_656 = arith.extui %gt3A_655 : vector<128x1xi1> to vector<128x1xi32>
    %convert_element_type3A_657 = arith.sitofp %convert_element_type3A_656 : vector<128x1xi32> to vector<128x1xf32>
    %mul3A_658 = arith.mulf %slice3A_652, %convert_element_type3A_657 : vector<128x1xf32>
    %add3A_659 = arith.addf %add3A_651, %mul3A_658 : vector<128x1xf32>
    %slice3A_660 = vector.extract_strided_slice %exp3A_553 {offsets = [1664, 0], sizes = [128, 1], strides = [1, 1]} : vector<2048x1xf32> to vector<128x1xf32>
    %gt3A_661 = arith.constant 1.300000e+01 : f32
    %gt3A_662 = vector.broadcast %gt3A_661 : f32 to vector<128x1xf32>
    %gt3A_663 = arith.cmpf ogt, %get3A_556, %gt3A_662 : vector<128x1xf32>
    %convert_element_type3A_664 = arith.extui %gt3A_663 : vector<128x1xi1> to vector<128x1xi32>
    %convert_element_type3A_665 = arith.sitofp %convert_element_type3A_664 : vector<128x1xi32> to vector<128x1xf32>
    %mul3A_666 = arith.mulf %slice3A_660, %convert_element_type3A_665 : vector<128x1xf32>
    %add3A_667 = arith.addf %add3A_659, %mul3A_666 : vector<128x1xf32>
    %slice3A_668 = vector.extract_strided_slice %exp3A_553 {offsets = [1792, 0], sizes = [128, 1], strides = [1, 1]} : vector<2048x1xf32> to vector<128x1xf32>
    %gt3A_669 = arith.constant 1.400000e+01 : f32
    %gt3A_670 = vector.broadcast %gt3A_669 : f32 to vector<128x1xf32>
    %gt3A_671 = arith.cmpf ogt, %get3A_556, %gt3A_670 : vector<128x1xf32>
    %convert_element_type3A_672 = arith.extui %gt3A_671 : vector<128x1xi1> to vector<128x1xi32>
    %convert_element_type3A_673 = arith.sitofp %convert_element_type3A_672 : vector<128x1xi32> to vector<128x1xf32>
    %mul3A_674 = arith.mulf %slice3A_668, %convert_element_type3A_673 : vector<128x1xf32>
    %add3A_675 = arith.addf %add3A_667, %mul3A_674 : vector<128x1xf32>
    %slice3A_676 = vector.extract_strided_slice %exp3A_553 {offsets = [1920, 0], sizes = [128, 1], strides = [1, 1]} : vector<2048x1xf32> to vector<128x1xf32>
    %gt3A_677 = arith.constant 1.500000e+01 : f32
    %gt3A_678 = vector.broadcast %gt3A_677 : f32 to vector<128x1xf32>
    %gt3A_679 = arith.cmpf ogt, %get3A_556, %gt3A_678 : vector<128x1xf32>
    %convert_element_type3A_680 = arith.extui %gt3A_679 : vector<128x1xi1> to vector<128x1xi32>
    %convert_element_type3A_681 = arith.sitofp %convert_element_type3A_680 : vector<128x1xi32> to vector<128x1xf32>
    %mul3A_682 = arith.mulf %slice3A_676, %convert_element_type3A_681 : vector<128x1xf32>
    %add3A_683 = arith.addf %add3A_675, %mul3A_682 : vector<128x1xf32>
    %iota3A_684 = tpu.iota {dimensions = array<i32: 0>} : vector<128x1xi32>
    %jit3A_685 = arith.constant 32 : i32
    %eq3A_686 = arith.constant 0 : i32
    %eq3A_687 = arith.cmpi eq, %jit3A_685, %eq3A_686 : i32
    %jit3A_688 = arith.constant 1 : i32
    %select_n3A_689 = arith.select %eq3A_687, %jit3A_688, %jit3A_685 : i32
    %rem3A_690 = vector.broadcast %select_n3A_689 : i32 to vector<128x1xi32>
    %rem3A_691 = arith.remsi %iota3A_684, %rem3A_690 : vector<128x1xi32>
    %ne3A_692 = arith.constant 0 : i32
    %ne3A_693 = vector.broadcast %ne3A_692 : i32 to vector<128x1xi32>
    %ne3A_694 = arith.cmpi ne, %rem3A_691, %ne3A_693 : vector<128x1xi32>
    %lt3A_695 = arith.constant 0 : i32
    %lt3A_696 = vector.broadcast %lt3A_695 : i32 to vector<128x1xi32>
    %lt3A_697 = arith.cmpi slt, %rem3A_691, %lt3A_696 : vector<128x1xi32>
    %lt3A_698 = arith.constant 0 : i32
    %lt3A_699 = arith.cmpi slt, %select_n3A_689, %lt3A_698 : i32
    %ne3A_700 = vector.broadcast %lt3A_699 : i1 to vector<128x1xi1>
    %ne3A_701 = vector.broadcast %ne3A_700 : vector<128x1xi1> to vector<128x1xi1>
    %ne3A_702 = arith.xori %lt3A_697, %ne3A_701 : vector<128x1xi1>
    %and3A_703 = arith.andi %ne3A_702, %ne3A_694 : vector<128x1xi1>
    %add3A_704 = vector.broadcast %select_n3A_689 : i32 to vector<128x1xi32>
    %add3A_705 = arith.addi %rem3A_691, %add3A_704 : vector<128x1xi32>
    %select_n3A_706 = arith.select %and3A_703, %add3A_705, %rem3A_691 : vector<128x1xi1>, vector<128x1xi32>
    %convert_element_type3A_707 = arith.sitofp %select_n3A_706 : vector<128x1xi32> to vector<128x1xf32>
    %get3A_708 = arith.constant 256 : index
    %get3A_709 = arith.constant 0 : index
    %get3A_710 = vector.load %arg9[%get3A_708, %get3A_709] : memref<512x1xf32, #tpu.memory_space<vmem>>, vector<128x1xf32>
    %lt3A_711 = arith.cmpf olt, %convert_element_type3A_707, %get3A_710 : vector<128x1xf32>
    %convert_element_type3A_712 = arith.extui %lt3A_711 : vector<128x1xi1> to vector<128x1xi32>
    %convert_element_type3A_713 = arith.sitofp %convert_element_type3A_712 : vector<128x1xi32> to vector<128x1xf32>
    %div3A_714 = arith.divf %convert_element_type3A_713, %add3A_683 : vector<128x1xf32>
    %mul3A_715 = arith.mulf %mul3A_563, %div3A_714 : vector<128x1xf32>
    %slice3A_716 = vector.extract_strided_slice %get3A_1 {offsets = [4096, 0], sizes = [128, 256], strides = [1, 1]} : vector<8192x256xf32> to vector<128x256xf32>
    %mul3A_717 = vector.broadcast %mul3A_715 : vector<128x1xf32> to vector<128x256xf32>
    %mul3A_718 = arith.mulf %mul3A_717, %slice3A_716 : vector<128x256xf32>
    %mul3A_719 = arith.mulf %mul3A_570, %div3A_714 : vector<128x1xf32>
    %slice3A_720 = vector.extract_strided_slice %get3A_1 {offsets = [4224, 0], sizes = [128, 256], strides = [1, 1]} : vector<8192x256xf32> to vector<128x256xf32>
    %mul3A_721 = vector.broadcast %mul3A_719 : vector<128x1xf32> to vector<128x256xf32>
    %mul3A_722 = arith.mulf %mul3A_721, %slice3A_720 : vector<128x256xf32>
    %add3A_723 = arith.addf %mul3A_718, %mul3A_722 : vector<128x256xf32>
    %mul3A_724 = arith.mulf %mul3A_578, %div3A_714 : vector<128x1xf32>
    %slice3A_725 = vector.extract_strided_slice %get3A_1 {offsets = [4352, 0], sizes = [128, 256], strides = [1, 1]} : vector<8192x256xf32> to vector<128x256xf32>
    %mul3A_726 = vector.broadcast %mul3A_724 : vector<128x1xf32> to vector<128x256xf32>
    %mul3A_727 = arith.mulf %mul3A_726, %slice3A_725 : vector<128x256xf32>
    %add3A_728 = arith.addf %add3A_723, %mul3A_727 : vector<128x256xf32>
    %mul3A_729 = arith.mulf %mul3A_586, %div3A_714 : vector<128x1xf32>
    %slice3A_730 = vector.extract_strided_slice %get3A_1 {offsets = [4480, 0], sizes = [128, 256], strides = [1, 1]} : vector<8192x256xf32> to vector<128x256xf32>
    %mul3A_731 = vector.broadcast %mul3A_729 : vector<128x1xf32> to vector<128x256xf32>
    %mul3A_732 = arith.mulf %mul3A_731, %slice3A_730 : vector<128x256xf32>
    %add3A_733 = arith.addf %add3A_728, %mul3A_732 : vector<128x256xf32>
    %mul3A_734 = arith.mulf %mul3A_594, %div3A_714 : vector<128x1xf32>
    %slice3A_735 = vector.extract_strided_slice %get3A_1 {offsets = [4608, 0], sizes = [128, 256], strides = [1, 1]} : vector<8192x256xf32> to vector<128x256xf32>
    %mul3A_736 = vector.broadcast %mul3A_734 : vector<128x1xf32> to vector<128x256xf32>
    %mul3A_737 = arith.mulf %mul3A_736, %slice3A_735 : vector<128x256xf32>
    %add3A_738 = arith.addf %add3A_733, %mul3A_737 : vector<128x256xf32>
    %mul3A_739 = arith.mulf %mul3A_602, %div3A_714 : vector<128x1xf32>
    %slice3A_740 = vector.extract_strided_slice %get3A_1 {offsets = [4736, 0], sizes = [128, 256], strides = [1, 1]} : vector<8192x256xf32> to vector<128x256xf32>
    %mul3A_741 = vector.broadcast %mul3A_739 : vector<128x1xf32> to vector<128x256xf32>
    %mul3A_742 = arith.mulf %mul3A_741, %slice3A_740 : vector<128x256xf32>
    %add3A_743 = arith.addf %add3A_738, %mul3A_742 : vector<128x256xf32>
    %mul3A_744 = arith.mulf %mul3A_610, %div3A_714 : vector<128x1xf32>
    %slice3A_745 = vector.extract_strided_slice %get3A_1 {offsets = [4864, 0], sizes = [128, 256], strides = [1, 1]} : vector<8192x256xf32> to vector<128x256xf32>
    %mul3A_746 = vector.broadcast %mul3A_744 : vector<128x1xf32> to vector<128x256xf32>
    %mul3A_747 = arith.mulf %mul3A_746, %slice3A_745 : vector<128x256xf32>
    %add3A_748 = arith.addf %add3A_743, %mul3A_747 : vector<128x256xf32>
    %mul3A_749 = arith.mulf %mul3A_618, %div3A_714 : vector<128x1xf32>
    %slice3A_750 = vector.extract_strided_slice %get3A_1 {offsets = [4992, 0], sizes = [128, 256], strides = [1, 1]} : vector<8192x256xf32> to vector<128x256xf32>
    %mul3A_751 = vector.broadcast %mul3A_749 : vector<128x1xf32> to vector<128x256xf32>
    %mul3A_752 = arith.mulf %mul3A_751, %slice3A_750 : vector<128x256xf32>
    %add3A_753 = arith.addf %add3A_748, %mul3A_752 : vector<128x256xf32>
    %mul3A_754 = arith.mulf %mul3A_626, %div3A_714 : vector<128x1xf32>
    %slice3A_755 = vector.extract_strided_slice %get3A_1 {offsets = [5120, 0], sizes = [128, 256], strides = [1, 1]} : vector<8192x256xf32> to vector<128x256xf32>
    %mul3A_756 = vector.broadcast %mul3A_754 : vector<128x1xf32> to vector<128x256xf32>
    %mul3A_757 = arith.mulf %mul3A_756, %slice3A_755 : vector<128x256xf32>
    %add3A_758 = arith.addf %add3A_753, %mul3A_757 : vector<128x256xf32>
    %mul3A_759 = arith.mulf %mul3A_634, %div3A_714 : vector<128x1xf32>
    %slice3A_760 = vector.extract_strided_slice %get3A_1 {offsets = [5248, 0], sizes = [128, 256], strides = [1, 1]} : vector<8192x256xf32> to vector<128x256xf32>
    %mul3A_761 = vector.broadcast %mul3A_759 : vector<128x1xf32> to vector<128x256xf32>
    %mul3A_762 = arith.mulf %mul3A_761, %slice3A_760 : vector<128x256xf32>
    %add3A_763 = arith.addf %add3A_758, %mul3A_762 : vector<128x256xf32>
    %mul3A_764 = arith.mulf %mul3A_642, %div3A_714 : vector<128x1xf32>
    %slice3A_765 = vector.extract_strided_slice %get3A_1 {offsets = [5376, 0], sizes = [128, 256], strides = [1, 1]} : vector<8192x256xf32> to vector<128x256xf32>
    %mul3A_766 = vector.broadcast %mul3A_764 : vector<128x1xf32> to vector<128x256xf32>
    %mul3A_767 = arith.mulf %mul3A_766, %slice3A_765 : vector<128x256xf32>
    %add3A_768 = arith.addf %add3A_763, %mul3A_767 : vector<128x256xf32>
    %mul3A_769 = arith.mulf %mul3A_650, %div3A_714 : vector<128x1xf32>
    %slice3A_770 = vector.extract_strided_slice %get3A_1 {offsets = [5504, 0], sizes = [128, 256], strides = [1, 1]} : vector<8192x256xf32> to vector<128x256xf32>
    %mul3A_771 = vector.broadcast %mul3A_769 : vector<128x1xf32> to vector<128x256xf32>
    %mul3A_772 = arith.mulf %mul3A_771, %slice3A_770 : vector<128x256xf32>
    %add3A_773 = arith.addf %add3A_768, %mul3A_772 : vector<128x256xf32>
    %mul3A_774 = arith.mulf %mul3A_658, %div3A_714 : vector<128x1xf32>
    %slice3A_775 = vector.extract_strided_slice %get3A_1 {offsets = [5632, 0], sizes = [128, 256], strides = [1, 1]} : vector<8192x256xf32> to vector<128x256xf32>
    %mul3A_776 = vector.broadcast %mul3A_774 : vector<128x1xf32> to vector<128x256xf32>
    %mul3A_777 = arith.mulf %mul3A_776, %slice3A_775 : vector<128x256xf32>
    %add3A_778 = arith.addf %add3A_773, %mul3A_777 : vector<128x256xf32>
    %mul3A_779 = arith.mulf %mul3A_666, %div3A_714 : vector<128x1xf32>
    %slice3A_780 = vector.extract_strided_slice %get3A_1 {offsets = [5760, 0], sizes = [128, 256], strides = [1, 1]} : vector<8192x256xf32> to vector<128x256xf32>
    %mul3A_781 = vector.broadcast %mul3A_779 : vector<128x1xf32> to vector<128x256xf32>
    %mul3A_782 = arith.mulf %mul3A_781, %slice3A_780 : vector<128x256xf32>
    %add3A_783 = arith.addf %add3A_778, %mul3A_782 : vector<128x256xf32>
    %mul3A_784 = arith.mulf %mul3A_674, %div3A_714 : vector<128x1xf32>
    %slice3A_785 = vector.extract_strided_slice %get3A_1 {offsets = [5888, 0], sizes = [128, 256], strides = [1, 1]} : vector<8192x256xf32> to vector<128x256xf32>
    %mul3A_786 = vector.broadcast %mul3A_784 : vector<128x1xf32> to vector<128x256xf32>
    %mul3A_787 = arith.mulf %mul3A_786, %slice3A_785 : vector<128x256xf32>
    %add3A_788 = arith.addf %add3A_783, %mul3A_787 : vector<128x256xf32>
    %mul3A_789 = arith.mulf %mul3A_682, %div3A_714 : vector<128x1xf32>
    %slice3A_790 = vector.extract_strided_slice %get3A_1 {offsets = [6016, 0], sizes = [128, 256], strides = [1, 1]} : vector<8192x256xf32> to vector<128x256xf32>
    %mul3A_791 = vector.broadcast %mul3A_789 : vector<128x1xf32> to vector<128x256xf32>
    %mul3A_792 = arith.mulf %mul3A_791, %slice3A_790 : vector<128x256xf32>
    %add3A_793 = arith.addf %add3A_788, %mul3A_792 : vector<128x256xf32>
    %swap3A_794 = arith.constant 256 : index
    %swap3A_795 = arith.constant 0 : index
    %swap3A_796 = vector.load %arg10[%swap3A_794, %swap3A_795] : memref<512x256xf32, #tpu.memory_space<vmem>>, vector<128x256xf32>
    tpu.vector_store %arg10[%swap3A_794, %swap3A_795], %add3A_793 {strides = array<i32>} : memref<512x256xf32, #tpu.memory_space<vmem>>, vector<128x256xf32>,
    %get3A_797 = arith.constant 3 : index
    %get3A_798 = arith.constant 0 : index
    %get3A_799 = arith.constant 0 : index
    %get3A_800 = vector.load %arg2[%get3A_797, %get3A_798, %get3A_799] : memref<4x1x256xf32, #tpu.memory_space<vmem>>, vector<1x1x256xf32>
    %get3A_801 = vector.shape_cast %get3A_800 : vector<1x1x256xf32> to vector<1x256xf32>
    %get3A_802 = arith.constant 0 : index
    %get3A_803 = arith.constant 0 : index
    %get3A_804 = vector.load %arg5[%get3A_802, %get3A_803] : memref<256x64xf32, #tpu.memory_space<vmem>>, vector<256x64xf32>
    %dot_general3A_805 = arith.constant dense<0.000000e+00> : vector<1x64xf32>
    %dot_general3A_806 = tpu.matmul %get3A_801, %get3A_804, %dot_general3A_805 {dimension_numbers = #tpu.dot_dimension_numbers<[1], [0], [0], [1], [0, 0, 1, 1], [], []>, transpose_lhs_hint = false} : vector<1x256xf32>, vector<256x64xf32>, vector<1x64xf32> -> vector<1x64xf32>
    %get3A_807 = arith.constant 0 : index
    %get3A_808 = arith.constant 0 : index
    %get3A_809 = vector.load %arg6[%get3A_807, %get3A_808] : memref<1x64xf32, #tpu.memory_space<vmem>>, vector<1x64xf32>
    %add3A_810 = arith.addf %dot_general3A_806, %get3A_809 : vector<1x64xf32>
    %slice3A_811 = vector.extract_strided_slice %add3A_10 {offsets = [6144, 0], sizes = [2048, 64], strides = [1, 1]} : vector<8192x64xf32> to vector<2048x64xf32>
    %add3A_812 = vector.broadcast %add3A_810 : vector<1x64xf32> to vector<2048x64xf32>
    %add3A_813 = arith.addf %slice3A_811, %add3A_812 : vector<2048x64xf32>
    %tanh3A_814 = math.tanh %add3A_813 : vector<2048x64xf32>
    %get3A_815 = arith.constant 0 : index
    %get3A_816 = arith.constant 0 : index
    %get3A_817 = vector.load %arg7[%get3A_815, %get3A_816] : memref<64x1xf32, #tpu.memory_space<vmem>>, vector<64x1xf32>
    %dot_general3A_818 = arith.constant dense<0.000000e+00> : vector<2048x1xf32>
    %dot_general3A_819 = tpu.matmul %tanh3A_814, %get3A_817, %dot_general3A_818 {dimension_numbers = #tpu.dot_dimension_numbers<[1], [0], [0], [1], [0, 0, 1, 1], [], []>, transpose_lhs_hint = false} : vector<2048x64xf32>, vector<64x1xf32>, vector<2048x1xf32> -> vector<2048x1xf32>
    %exp3A_820 = math.exp %dot_general3A_819 : vector<2048x1xf32>
    %get3A_821 = arith.constant 384 : index
    %get3A_822 = arith.constant 0 : index
    %get3A_823 = vector.load %arg8[%get3A_821, %get3A_822] : memref<512x1xf32, #tpu.memory_space<vmem>>, vector<128x1xf32>
    %slice3A_824 = vector.extract_strided_slice %exp3A_820 {offsets = [0, 0], sizes = [128, 1], strides = [1, 1]} : vector<2048x1xf32> to vector<128x1xf32>
    %gt3A_825 = arith.constant 0.000000e+00 : f32
    %gt3A_826 = vector.broadcast %gt3A_825 : f32 to vector<128x1xf32>
    %gt3A_827 = arith.cmpf ogt, %get3A_823, %gt3A_826 : vector<128x1xf32>
    %convert_element_type3A_828 = arith.extui %gt3A_827 : vector<128x1xi1> to vector<128x1xi32>
    %convert_element_type3A_829 = arith.sitofp %convert_element_type3A_828 : vector<128x1xi32> to vector<128x1xf32>
    %mul3A_830 = arith.mulf %slice3A_824, %convert_element_type3A_829 : vector<128x1xf32>
    %slice3A_831 = vector.extract_strided_slice %exp3A_820 {offsets = [128, 0], sizes = [128, 1], strides = [1, 1]} : vector<2048x1xf32> to vector<128x1xf32>
    %gt3A_832 = arith.constant 1.000000e+00 : f32
    %gt3A_833 = vector.broadcast %gt3A_832 : f32 to vector<128x1xf32>
    %gt3A_834 = arith.cmpf ogt, %get3A_823, %gt3A_833 : vector<128x1xf32>
    %convert_element_type3A_835 = arith.extui %gt3A_834 : vector<128x1xi1> to vector<128x1xi32>
    %convert_element_type3A_836 = arith.sitofp %convert_element_type3A_835 : vector<128x1xi32> to vector<128x1xf32>
    %mul3A_837 = arith.mulf %slice3A_831, %convert_element_type3A_836 : vector<128x1xf32>
    %add3A_838 = arith.addf %mul3A_830, %mul3A_837 : vector<128x1xf32>
    %slice3A_839 = vector.extract_strided_slice %exp3A_820 {offsets = [256, 0], sizes = [128, 1], strides = [1, 1]} : vector<2048x1xf32> to vector<128x1xf32>
    %gt3A_840 = arith.constant 2.000000e+00 : f32
    %gt3A_841 = vector.broadcast %gt3A_840 : f32 to vector<128x1xf32>
    %gt3A_842 = arith.cmpf ogt, %get3A_823, %gt3A_841 : vector<128x1xf32>
    %convert_element_type3A_843 = arith.extui %gt3A_842 : vector<128x1xi1> to vector<128x1xi32>
    %convert_element_type3A_844 = arith.sitofp %convert_element_type3A_843 : vector<128x1xi32> to vector<128x1xf32>
    %mul3A_845 = arith.mulf %slice3A_839, %convert_element_type3A_844 : vector<128x1xf32>
    %add3A_846 = arith.addf %add3A_838, %mul3A_845 : vector<128x1xf32>
    %slice3A_847 = vector.extract_strided_slice %exp3A_820 {offsets = [384, 0], sizes = [128, 1], strides = [1, 1]} : vector<2048x1xf32> to vector<128x1xf32>
    %gt3A_848 = arith.constant 3.000000e+00 : f32
    %gt3A_849 = vector.broadcast %gt3A_848 : f32 to vector<128x1xf32>
    %gt3A_850 = arith.cmpf ogt, %get3A_823, %gt3A_849 : vector<128x1xf32>
    %convert_element_type3A_851 = arith.extui %gt3A_850 : vector<128x1xi1> to vector<128x1xi32>
    %convert_element_type3A_852 = arith.sitofp %convert_element_type3A_851 : vector<128x1xi32> to vector<128x1xf32>
    %mul3A_853 = arith.mulf %slice3A_847, %convert_element_type3A_852 : vector<128x1xf32>
    %add3A_854 = arith.addf %add3A_846, %mul3A_853 : vector<128x1xf32>
    %slice3A_855 = vector.extract_strided_slice %exp3A_820 {offsets = [512, 0], sizes = [128, 1], strides = [1, 1]} : vector<2048x1xf32> to vector<128x1xf32>
    %gt3A_856 = arith.constant 4.000000e+00 : f32
    %gt3A_857 = vector.broadcast %gt3A_856 : f32 to vector<128x1xf32>
    %gt3A_858 = arith.cmpf ogt, %get3A_823, %gt3A_857 : vector<128x1xf32>
    %convert_element_type3A_859 = arith.extui %gt3A_858 : vector<128x1xi1> to vector<128x1xi32>
    %convert_element_type3A_860 = arith.sitofp %convert_element_type3A_859 : vector<128x1xi32> to vector<128x1xf32>
    %mul3A_861 = arith.mulf %slice3A_855, %convert_element_type3A_860 : vector<128x1xf32>
    %add3A_862 = arith.addf %add3A_854, %mul3A_861 : vector<128x1xf32>
    %slice3A_863 = vector.extract_strided_slice %exp3A_820 {offsets = [640, 0], sizes = [128, 1], strides = [1, 1]} : vector<2048x1xf32> to vector<128x1xf32>
    %gt3A_864 = arith.constant 5.000000e+00 : f32
    %gt3A_865 = vector.broadcast %gt3A_864 : f32 to vector<128x1xf32>
    %gt3A_866 = arith.cmpf ogt, %get3A_823, %gt3A_865 : vector<128x1xf32>
    %convert_element_type3A_867 = arith.extui %gt3A_866 : vector<128x1xi1> to vector<128x1xi32>
    %convert_element_type3A_868 = arith.sitofp %convert_element_type3A_867 : vector<128x1xi32> to vector<128x1xf32>
    %mul3A_869 = arith.mulf %slice3A_863, %convert_element_type3A_868 : vector<128x1xf32>
    %add3A_870 = arith.addf %add3A_862, %mul3A_869 : vector<128x1xf32>
    %slice3A_871 = vector.extract_strided_slice %exp3A_820 {offsets = [768, 0], sizes = [128, 1], strides = [1, 1]} : vector<2048x1xf32> to vector<128x1xf32>
    %gt3A_872 = arith.constant 6.000000e+00 : f32
    %gt3A_873 = vector.broadcast %gt3A_872 : f32 to vector<128x1xf32>
    %gt3A_874 = arith.cmpf ogt, %get3A_823, %gt3A_873 : vector<128x1xf32>
    %convert_element_type3A_875 = arith.extui %gt3A_874 : vector<128x1xi1> to vector<128x1xi32>
    %convert_element_type3A_876 = arith.sitofp %convert_element_type3A_875 : vector<128x1xi32> to vector<128x1xf32>
    %mul3A_877 = arith.mulf %slice3A_871, %convert_element_type3A_876 : vector<128x1xf32>
    %add3A_878 = arith.addf %add3A_870, %mul3A_877 : vector<128x1xf32>
    %slice3A_879 = vector.extract_strided_slice %exp3A_820 {offsets = [896, 0], sizes = [128, 1], strides = [1, 1]} : vector<2048x1xf32> to vector<128x1xf32>
    %gt3A_880 = arith.constant 7.000000e+00 : f32
    %gt3A_881 = vector.broadcast %gt3A_880 : f32 to vector<128x1xf32>
    %gt3A_882 = arith.cmpf ogt, %get3A_823, %gt3A_881 : vector<128x1xf32>
    %convert_element_type3A_883 = arith.extui %gt3A_882 : vector<128x1xi1> to vector<128x1xi32>
    %convert_element_type3A_884 = arith.sitofp %convert_element_type3A_883 : vector<128x1xi32> to vector<128x1xf32>
    %mul3A_885 = arith.mulf %slice3A_879, %convert_element_type3A_884 : vector<128x1xf32>
    %add3A_886 = arith.addf %add3A_878, %mul3A_885 : vector<128x1xf32>
    %slice3A_887 = vector.extract_strided_slice %exp3A_820 {offsets = [1024, 0], sizes = [128, 1], strides = [1, 1]} : vector<2048x1xf32> to vector<128x1xf32>
    %gt3A_888 = arith.constant 8.000000e+00 : f32
    %gt3A_889 = vector.broadcast %gt3A_888 : f32 to vector<128x1xf32>
    %gt3A_890 = arith.cmpf ogt, %get3A_823, %gt3A_889 : vector<128x1xf32>
    %convert_element_type3A_891 = arith.extui %gt3A_890 : vector<128x1xi1> to vector<128x1xi32>
    %convert_element_type3A_892 = arith.sitofp %convert_element_type3A_891 : vector<128x1xi32> to vector<128x1xf32>
    %mul3A_893 = arith.mulf %slice3A_887, %convert_element_type3A_892 : vector<128x1xf32>
    %add3A_894 = arith.addf %add3A_886, %mul3A_893 : vector<128x1xf32>
    %slice3A_895 = vector.extract_strided_slice %exp3A_820 {offsets = [1152, 0], sizes = [128, 1], strides = [1, 1]} : vector<2048x1xf32> to vector<128x1xf32>
    %gt3A_896 = arith.constant 9.000000e+00 : f32
    %gt3A_897 = vector.broadcast %gt3A_896 : f32 to vector<128x1xf32>
    %gt3A_898 = arith.cmpf ogt, %get3A_823, %gt3A_897 : vector<128x1xf32>
    %convert_element_type3A_899 = arith.extui %gt3A_898 : vector<128x1xi1> to vector<128x1xi32>
    %convert_element_type3A_900 = arith.sitofp %convert_element_type3A_899 : vector<128x1xi32> to vector<128x1xf32>
    %mul3A_901 = arith.mulf %slice3A_895, %convert_element_type3A_900 : vector<128x1xf32>
    %add3A_902 = arith.addf %add3A_894, %mul3A_901 : vector<128x1xf32>
    %slice3A_903 = vector.extract_strided_slice %exp3A_820 {offsets = [1280, 0], sizes = [128, 1], strides = [1, 1]} : vector<2048x1xf32> to vector<128x1xf32>
    %gt3A_904 = arith.constant 1.000000e+01 : f32
    %gt3A_905 = vector.broadcast %gt3A_904 : f32 to vector<128x1xf32>
    %gt3A_906 = arith.cmpf ogt, %get3A_823, %gt3A_905 : vector<128x1xf32>
    %convert_element_type3A_907 = arith.extui %gt3A_906 : vector<128x1xi1> to vector<128x1xi32>
    %convert_element_type3A_908 = arith.sitofp %convert_element_type3A_907 : vector<128x1xi32> to vector<128x1xf32>
    %mul3A_909 = arith.mulf %slice3A_903, %convert_element_type3A_908 : vector<128x1xf32>
    %add3A_910 = arith.addf %add3A_902, %mul3A_909 : vector<128x1xf32>
    %slice3A_911 = vector.extract_strided_slice %exp3A_820 {offsets = [1408, 0], sizes = [128, 1], strides = [1, 1]} : vector<2048x1xf32> to vector<128x1xf32>
    %gt3A_912 = arith.constant 1.100000e+01 : f32
    %gt3A_913 = vector.broadcast %gt3A_912 : f32 to vector<128x1xf32>
    %gt3A_914 = arith.cmpf ogt, %get3A_823, %gt3A_913 : vector<128x1xf32>
    %convert_element_type3A_915 = arith.extui %gt3A_914 : vector<128x1xi1> to vector<128x1xi32>
    %convert_element_type3A_916 = arith.sitofp %convert_element_type3A_915 : vector<128x1xi32> to vector<128x1xf32>
    %mul3A_917 = arith.mulf %slice3A_911, %convert_element_type3A_916 : vector<128x1xf32>
    %add3A_918 = arith.addf %add3A_910, %mul3A_917 : vector<128x1xf32>
    %slice3A_919 = vector.extract_strided_slice %exp3A_820 {offsets = [1536, 0], sizes = [128, 1], strides = [1, 1]} : vector<2048x1xf32> to vector<128x1xf32>
    %gt3A_920 = arith.constant 1.200000e+01 : f32
    %gt3A_921 = vector.broadcast %gt3A_920 : f32 to vector<128x1xf32>
    %gt3A_922 = arith.cmpf ogt, %get3A_823, %gt3A_921 : vector<128x1xf32>
    %convert_element_type3A_923 = arith.extui %gt3A_922 : vector<128x1xi1> to vector<128x1xi32>
    %convert_element_type3A_924 = arith.sitofp %convert_element_type3A_923 : vector<128x1xi32> to vector<128x1xf32>
    %mul3A_925 = arith.mulf %slice3A_919, %convert_element_type3A_924 : vector<128x1xf32>
    %add3A_926 = arith.addf %add3A_918, %mul3A_925 : vector<128x1xf32>
    %slice3A_927 = vector.extract_strided_slice %exp3A_820 {offsets = [1664, 0], sizes = [128, 1], strides = [1, 1]} : vector<2048x1xf32> to vector<128x1xf32>
    %gt3A_928 = arith.constant 1.300000e+01 : f32
    %gt3A_929 = vector.broadcast %gt3A_928 : f32 to vector<128x1xf32>
    %gt3A_930 = arith.cmpf ogt, %get3A_823, %gt3A_929 : vector<128x1xf32>
    %convert_element_type3A_931 = arith.extui %gt3A_930 : vector<128x1xi1> to vector<128x1xi32>
    %convert_element_type3A_932 = arith.sitofp %convert_element_type3A_931 : vector<128x1xi32> to vector<128x1xf32>
    %mul3A_933 = arith.mulf %slice3A_927, %convert_element_type3A_932 : vector<128x1xf32>
    %add3A_934 = arith.addf %add3A_926, %mul3A_933 : vector<128x1xf32>
    %slice3A_935 = vector.extract_strided_slice %exp3A_820 {offsets = [1792, 0], sizes = [128, 1], strides = [1, 1]} : vector<2048x1xf32> to vector<128x1xf32>
    %gt3A_936 = arith.constant 1.400000e+01 : f32
    %gt3A_937 = vector.broadcast %gt3A_936 : f32 to vector<128x1xf32>
    %gt3A_938 = arith.cmpf ogt, %get3A_823, %gt3A_937 : vector<128x1xf32>
    %convert_element_type3A_939 = arith.extui %gt3A_938 : vector<128x1xi1> to vector<128x1xi32>
    %convert_element_type3A_940 = arith.sitofp %convert_element_type3A_939 : vector<128x1xi32> to vector<128x1xf32>
    %mul3A_941 = arith.mulf %slice3A_935, %convert_element_type3A_940 : vector<128x1xf32>
    %add3A_942 = arith.addf %add3A_934, %mul3A_941 : vector<128x1xf32>
    %slice3A_943 = vector.extract_strided_slice %exp3A_820 {offsets = [1920, 0], sizes = [128, 1], strides = [1, 1]} : vector<2048x1xf32> to vector<128x1xf32>
    %gt3A_944 = arith.constant 1.500000e+01 : f32
    %gt3A_945 = vector.broadcast %gt3A_944 : f32 to vector<128x1xf32>
    %gt3A_946 = arith.cmpf ogt, %get3A_823, %gt3A_945 : vector<128x1xf32>
    %convert_element_type3A_947 = arith.extui %gt3A_946 : vector<128x1xi1> to vector<128x1xi32>
    %convert_element_type3A_948 = arith.sitofp %convert_element_type3A_947 : vector<128x1xi32> to vector<128x1xf32>
    %mul3A_949 = arith.mulf %slice3A_943, %convert_element_type3A_948 : vector<128x1xf32>
    %add3A_950 = arith.addf %add3A_942, %mul3A_949 : vector<128x1xf32>
    %iota3A_951 = tpu.iota {dimensions = array<i32: 0>} : vector<128x1xi32>
    %jit3A_952 = arith.constant 32 : i32
    %eq3A_953 = arith.constant 0 : i32
    %eq3A_954 = arith.cmpi eq, %jit3A_952, %eq3A_953 : i32
    %jit3A_955 = arith.constant 1 : i32
    %select_n3A_956 = arith.select %eq3A_954, %jit3A_955, %jit3A_952 : i32
    %rem3A_957 = vector.broadcast %select_n3A_956 : i32 to vector<128x1xi32>
    %rem3A_958 = arith.remsi %iota3A_951, %rem3A_957 : vector<128x1xi32>
    %ne3A_959 = arith.constant 0 : i32
    %ne3A_960 = vector.broadcast %ne3A_959 : i32 to vector<128x1xi32>
    %ne3A_961 = arith.cmpi ne, %rem3A_958, %ne3A_960 : vector<128x1xi32>
    %lt3A_962 = arith.constant 0 : i32
    %lt3A_963 = vector.broadcast %lt3A_962 : i32 to vector<128x1xi32>
    %lt3A_964 = arith.cmpi slt, %rem3A_958, %lt3A_963 : vector<128x1xi32>
    %lt3A_965 = arith.constant 0 : i32
    %lt3A_966 = arith.cmpi slt, %select_n3A_956, %lt3A_965 : i32
    %ne3A_967 = vector.broadcast %lt3A_966 : i1 to vector<128x1xi1>
    %ne3A_968 = vector.broadcast %ne3A_967 : vector<128x1xi1> to vector<128x1xi1>
    %ne3A_969 = arith.xori %lt3A_964, %ne3A_968 : vector<128x1xi1>
    %and3A_970 = arith.andi %ne3A_969, %ne3A_961 : vector<128x1xi1>
    %add3A_971 = vector.broadcast %select_n3A_956 : i32 to vector<128x1xi32>
    %add3A_972 = arith.addi %rem3A_958, %add3A_971 : vector<128x1xi32>
    %select_n3A_973 = arith.select %and3A_970, %add3A_972, %rem3A_958 : vector<128x1xi1>, vector<128x1xi32>
    %convert_element_type3A_974 = arith.sitofp %select_n3A_973 : vector<128x1xi32> to vector<128x1xf32>
    %get3A_975 = arith.constant 384 : index
    %get3A_976 = arith.constant 0 : index
    %get3A_977 = vector.load %arg9[%get3A_975, %get3A_976] : memref<512x1xf32, #tpu.memory_space<vmem>>, vector<128x1xf32>
    %lt3A_978 = arith.cmpf olt, %convert_element_type3A_974, %get3A_977 : vector<128x1xf32>
    %convert_element_type3A_979 = arith.extui %lt3A_978 : vector<128x1xi1> to vector<128x1xi32>
    %convert_element_type3A_980 = arith.sitofp %convert_element_type3A_979 : vector<128x1xi32> to vector<128x1xf32>
    %div3A_981 = arith.divf %convert_element_type3A_980, %add3A_950 : vector<128x1xf32>
    %mul3A_982 = arith.mulf %mul3A_830, %div3A_981 : vector<128x1xf32>
    %slice3A_983 = vector.extract_strided_slice %get3A_1 {offsets = [6144, 0], sizes = [128, 256], strides = [1, 1]} : vector<8192x256xf32> to vector<128x256xf32>
    %mul3A_984 = vector.broadcast %mul3A_982 : vector<128x1xf32> to vector<128x256xf32>
    %mul3A_985 = arith.mulf %mul3A_984, %slice3A_983 : vector<128x256xf32>
    %mul3A_986 = arith.mulf %mul3A_837, %div3A_981 : vector<128x1xf32>
    %slice3A_987 = vector.extract_strided_slice %get3A_1 {offsets = [6272, 0], sizes = [128, 256], strides = [1, 1]} : vector<8192x256xf32> to vector<128x256xf32>
    %mul3A_988 = vector.broadcast %mul3A_986 : vector<128x1xf32> to vector<128x256xf32>
    %mul3A_989 = arith.mulf %mul3A_988, %slice3A_987 : vector<128x256xf32>
    %add3A_990 = arith.addf %mul3A_985, %mul3A_989 : vector<128x256xf32>
    %mul3A_991 = arith.mulf %mul3A_845, %div3A_981 : vector<128x1xf32>
    %slice3A_992 = vector.extract_strided_slice %get3A_1 {offsets = [6400, 0], sizes = [128, 256], strides = [1, 1]} : vector<8192x256xf32> to vector<128x256xf32>
    %mul3A_993 = vector.broadcast %mul3A_991 : vector<128x1xf32> to vector<128x256xf32>
    %mul3A_994 = arith.mulf %mul3A_993, %slice3A_992 : vector<128x256xf32>
    %add3A_995 = arith.addf %add3A_990, %mul3A_994 : vector<128x256xf32>
    %mul3A_996 = arith.mulf %mul3A_853, %div3A_981 : vector<128x1xf32>
    %slice3A_997 = vector.extract_strided_slice %get3A_1 {offsets = [6528, 0], sizes = [128, 256], strides = [1, 1]} : vector<8192x256xf32> to vector<128x256xf32>
    %mul3A_998 = vector.broadcast %mul3A_996 : vector<128x1xf32> to vector<128x256xf32>
    %mul3A_999 = arith.mulf %mul3A_998, %slice3A_997 : vector<128x256xf32>
    %add3A_1000 = arith.addf %add3A_995, %mul3A_999 : vector<128x256xf32>
    %mul3A_1001 = arith.mulf %mul3A_861, %div3A_981 : vector<128x1xf32>
    %slice3A_1002 = vector.extract_strided_slice %get3A_1 {offsets = [6656, 0], sizes = [128, 256], strides = [1, 1]} : vector<8192x256xf32> to vector<128x256xf32>
    %mul3A_1003 = vector.broadcast %mul3A_1001 : vector<128x1xf32> to vector<128x256xf32>
    %mul3A_1004 = arith.mulf %mul3A_1003, %slice3A_1002 : vector<128x256xf32>
    %add3A_1005 = arith.addf %add3A_1000, %mul3A_1004 : vector<128x256xf32>
    %mul3A_1006 = arith.mulf %mul3A_869, %div3A_981 : vector<128x1xf32>
    %slice3A_1007 = vector.extract_strided_slice %get3A_1 {offsets = [6784, 0], sizes = [128, 256], strides = [1, 1]} : vector<8192x256xf32> to vector<128x256xf32>
    %mul3A_1008 = vector.broadcast %mul3A_1006 : vector<128x1xf32> to vector<128x256xf32>
    %mul3A_1009 = arith.mulf %mul3A_1008, %slice3A_1007 : vector<128x256xf32>
    %add3A_1010 = arith.addf %add3A_1005, %mul3A_1009 : vector<128x256xf32>
    %mul3A_1011 = arith.mulf %mul3A_877, %div3A_981 : vector<128x1xf32>
    %slice3A_1012 = vector.extract_strided_slice %get3A_1 {offsets = [6912, 0], sizes = [128, 256], strides = [1, 1]} : vector<8192x256xf32> to vector<128x256xf32>
    %mul3A_1013 = vector.broadcast %mul3A_1011 : vector<128x1xf32> to vector<128x256xf32>
    %mul3A_1014 = arith.mulf %mul3A_1013, %slice3A_1012 : vector<128x256xf32>
    %add3A_1015 = arith.addf %add3A_1010, %mul3A_1014 : vector<128x256xf32>
    %mul3A_1016 = arith.mulf %mul3A_885, %div3A_981 : vector<128x1xf32>
    %slice3A_1017 = vector.extract_strided_slice %get3A_1 {offsets = [7040, 0], sizes = [128, 256], strides = [1, 1]} : vector<8192x256xf32> to vector<128x256xf32>
    %mul3A_1018 = vector.broadcast %mul3A_1016 : vector<128x1xf32> to vector<128x256xf32>
    %mul3A_1019 = arith.mulf %mul3A_1018, %slice3A_1017 : vector<128x256xf32>
    %add3A_1020 = arith.addf %add3A_1015, %mul3A_1019 : vector<128x256xf32>
    %mul3A_1021 = arith.mulf %mul3A_893, %div3A_981 : vector<128x1xf32>
    %slice3A_1022 = vector.extract_strided_slice %get3A_1 {offsets = [7168, 0], sizes = [128, 256], strides = [1, 1]} : vector<8192x256xf32> to vector<128x256xf32>
    %mul3A_1023 = vector.broadcast %mul3A_1021 : vector<128x1xf32> to vector<128x256xf32>
    %mul3A_1024 = arith.mulf %mul3A_1023, %slice3A_1022 : vector<128x256xf32>
    %add3A_1025 = arith.addf %add3A_1020, %mul3A_1024 : vector<128x256xf32>
    %mul3A_1026 = arith.mulf %mul3A_901, %div3A_981 : vector<128x1xf32>
    %slice3A_1027 = vector.extract_strided_slice %get3A_1 {offsets = [7296, 0], sizes = [128, 256], strides = [1, 1]} : vector<8192x256xf32> to vector<128x256xf32>
    %mul3A_1028 = vector.broadcast %mul3A_1026 : vector<128x1xf32> to vector<128x256xf32>
    %mul3A_1029 = arith.mulf %mul3A_1028, %slice3A_1027 : vector<128x256xf32>
    %add3A_1030 = arith.addf %add3A_1025, %mul3A_1029 : vector<128x256xf32>
    %mul3A_1031 = arith.mulf %mul3A_909, %div3A_981 : vector<128x1xf32>
    %slice3A_1032 = vector.extract_strided_slice %get3A_1 {offsets = [7424, 0], sizes = [128, 256], strides = [1, 1]} : vector<8192x256xf32> to vector<128x256xf32>
    %mul3A_1033 = vector.broadcast %mul3A_1031 : vector<128x1xf32> to vector<128x256xf32>
    %mul3A_1034 = arith.mulf %mul3A_1033, %slice3A_1032 : vector<128x256xf32>
    %add3A_1035 = arith.addf %add3A_1030, %mul3A_1034 : vector<128x256xf32>
    %mul3A_1036 = arith.mulf %mul3A_917, %div3A_981 : vector<128x1xf32>
    %slice3A_1037 = vector.extract_strided_slice %get3A_1 {offsets = [7552, 0], sizes = [128, 256], strides = [1, 1]} : vector<8192x256xf32> to vector<128x256xf32>
    %mul3A_1038 = vector.broadcast %mul3A_1036 : vector<128x1xf32> to vector<128x256xf32>
    %mul3A_1039 = arith.mulf %mul3A_1038, %slice3A_1037 : vector<128x256xf32>
    %add3A_1040 = arith.addf %add3A_1035, %mul3A_1039 : vector<128x256xf32>
    %mul3A_1041 = arith.mulf %mul3A_925, %div3A_981 : vector<128x1xf32>
    %slice3A_1042 = vector.extract_strided_slice %get3A_1 {offsets = [7680, 0], sizes = [128, 256], strides = [1, 1]} : vector<8192x256xf32> to vector<128x256xf32>
    %mul3A_1043 = vector.broadcast %mul3A_1041 : vector<128x1xf32> to vector<128x256xf32>
    %mul3A_1044 = arith.mulf %mul3A_1043, %slice3A_1042 : vector<128x256xf32>
    %add3A_1045 = arith.addf %add3A_1040, %mul3A_1044 : vector<128x256xf32>
    %mul3A_1046 = arith.mulf %mul3A_933, %div3A_981 : vector<128x1xf32>
    %slice3A_1047 = vector.extract_strided_slice %get3A_1 {offsets = [7808, 0], sizes = [128, 256], strides = [1, 1]} : vector<8192x256xf32> to vector<128x256xf32>
    %mul3A_1048 = vector.broadcast %mul3A_1046 : vector<128x1xf32> to vector<128x256xf32>
    %mul3A_1049 = arith.mulf %mul3A_1048, %slice3A_1047 : vector<128x256xf32>
    %add3A_1050 = arith.addf %add3A_1045, %mul3A_1049 : vector<128x256xf32>
    %mul3A_1051 = arith.mulf %mul3A_941, %div3A_981 : vector<128x1xf32>
    %slice3A_1052 = vector.extract_strided_slice %get3A_1 {offsets = [7936, 0], sizes = [128, 256], strides = [1, 1]} : vector<8192x256xf32> to vector<128x256xf32>
    %mul3A_1053 = vector.broadcast %mul3A_1051 : vector<128x1xf32> to vector<128x256xf32>
    %mul3A_1054 = arith.mulf %mul3A_1053, %slice3A_1052 : vector<128x256xf32>
    %add3A_1055 = arith.addf %add3A_1050, %mul3A_1054 : vector<128x256xf32>
    %mul3A_1056 = arith.mulf %mul3A_949, %div3A_981 : vector<128x1xf32>
    %slice3A_1057 = vector.extract_strided_slice %get3A_1 {offsets = [8064, 0], sizes = [128, 256], strides = [1, 1]} : vector<8192x256xf32> to vector<128x256xf32>
    %mul3A_1058 = vector.broadcast %mul3A_1056 : vector<128x1xf32> to vector<128x256xf32>
    %mul3A_1059 = arith.mulf %mul3A_1058, %slice3A_1057 : vector<128x256xf32>
    %add3A_1060 = arith.addf %add3A_1055, %mul3A_1059 : vector<128x256xf32>
    %swap3A_1061 = arith.constant 384 : index
    %swap3A_1062 = arith.constant 0 : index
    %swap3A_1063 = vector.load %arg10[%swap3A_1061, %swap3A_1062] : memref<512x256xf32, #tpu.memory_space<vmem>>, vector<128x256xf32>
    tpu.vector_store %arg10[%swap3A_1061, %swap3A_1062], %add3A_1060 {strides = array<i32>} : memref<512x256xf32, #tpu.memory_space<vmem>>, vector<128x256xf32>,
    return
  }
  func.func @transform_0(%arg0: i32) -> (i32, i32) {
    %c0_i32 = arith.constant 0 : i32
    %c0_i32_0 = arith.constant 0 : i32
    return %arg0, %c0_i32 : i32, i32
  }
  func.func @transform_1(%arg0: i32) -> (i32, i32, i32) {
    %add3A = arith.constant 0 : i32
    %add3A_0 = arith.addi %arg0, %add3A : i32
    %c0_i32 = arith.constant 0 : i32
    %c0_i32_1 = arith.constant 0 : i32
    %c0_i32_2 = arith.constant 0 : i32
    return %add3A_0, %c0_i32, %c0_i32_1 : i32, i32, i32
  }
  func.func @transform_2(%arg0: i32) -> (i32, i32) {
    %c0_i32 = arith.constant 0 : i32
    %c0_i32_0 = arith.constant 0 : i32
    %c0_i32_1 = arith.constant 0 : i32
    return %c0_i32, %c0_i32_0 : i32, i32
  }
  func.func @transform_3(%arg0: i32) -> (i32, i32) {
    %c0_i32 = arith.constant 0 : i32
    %c0_i32_0 = arith.constant 0 : i32
    %c0_i32_1 = arith.constant 0 : i32
    return %c0_i32, %c0_i32_0 : i32, i32
  }
  func.func @transform_4(%arg0: i32) -> (i32, i32) {
    %c0_i32 = arith.constant 0 : i32
    %c0_i32_0 = arith.constant 0 : i32
    %c0_i32_1 = arith.constant 0 : i32
    return %c0_i32, %c0_i32_0 : i32, i32
  }
  func.func @transform_5(%arg0: i32) -> (i32, i32) {
    %c0_i32 = arith.constant 0 : i32
    %c0_i32_0 = arith.constant 0 : i32
    %c0_i32_1 = arith.constant 0 : i32
    return %c0_i32, %c0_i32_0 : i32, i32
  }
  func.func @transform_6(%arg0: i32) -> (i32, i32) {
    %c0_i32 = arith.constant 0 : i32
    %c0_i32_0 = arith.constant 0 : i32
    %c0_i32_1 = arith.constant 0 : i32
    return %c0_i32, %c0_i32_0 : i32, i32
  }
  func.func @transform_7(%arg0: i32) -> (i32, i32) {
    %add3A = arith.constant 0 : i32
    %add3A_0 = arith.addi %arg0, %add3A : i32
    %c0_i32 = arith.constant 0 : i32
    %c0_i32_1 = arith.constant 0 : i32
    return %add3A_0, %c0_i32 : i32, i32
  }
  func.func @transform_8(%arg0: i32) -> (i32, i32) {
    %add3A = arith.constant 0 : i32
    %add3A_0 = arith.addi %arg0, %add3A : i32
    %c0_i32 = arith.constant 0 : i32
    %c0_i32_1 = arith.constant 0 : i32
    return %add3A_0, %c0_i32 : i32, i32
  }
  func.func @transform_9(%arg0: i32) -> (i32, i32) {
    %add3A = arith.constant 0 : i32
    %add3A_0 = arith.addi %arg0, %add3A : i32
    %c0_i32 = arith.constant 0 : i32
    %c0_i32_1 = arith.constant 0 : i32
    return %add3A_0, %c0_i32 : i32, i32
  }
}

module attributes {stable_mosaic.version = 14 : i64} {
  func.func @_lambda_(%arg0: i32, %arg1: memref<8192x256xf32, #tpu.memory_space<vmem>>, %arg2: memref<4x1x256xf32, #tpu.memory_space<vmem>>, %arg3: memref<256x64xf32, #tpu.memory_space<vmem>>, %arg4: memref<1x64xf32, #tpu.memory_space<vmem>>, %arg5: memref<256x64xf32, #tpu.memory_space<vmem>>, %arg6: memref<1x64xf32, #tpu.memory_space<vmem>>, %arg7: memref<64x1xf32, #tpu.memory_space<vmem>>, %arg8: memref<512x1xf32, #tpu.memory_space<vmem>>, %arg9: memref<512x1xf32, #tpu.memory_space<vmem>>, %arg10: memref<2048x256xf32, #tpu.memory_space<hbm>>, %arg11: memref<512x256xf32, #tpu.memory_space<vmem>>) attributes {dimension_semantics = [#tpu.dimension_semantics<arbitrary>], iteration_bounds = array<i64: 2>, scalar_prefetch = 0 : i64, scratch_operands = 0 : i64, tpu.core_type = #tpu.core_type<tc>, window_params = [{transform_indices = @transform_0, window_bounds = array<i64: 8192, 256>}, {transform_indices = @transform_1, window_bounds = array<i64: 4, 1, 256>}, {pipeline_mode = #tpu.pipeline_mode<synchronous>, transform_indices = @transform_2, window_bounds = array<i64: 256, 64>}, {pipeline_mode = #tpu.pipeline_mode<synchronous>, transform_indices = @transform_3, window_bounds = array<i64: 1, 64>}, {pipeline_mode = #tpu.pipeline_mode<synchronous>, transform_indices = @transform_4, window_bounds = array<i64: 256, 64>}, {pipeline_mode = #tpu.pipeline_mode<synchronous>, transform_indices = @transform_5, window_bounds = array<i64: 1, 64>}, {pipeline_mode = #tpu.pipeline_mode<synchronous>, transform_indices = @transform_6, window_bounds = array<i64: 64, 1>}, {transform_indices = @transform_7, window_bounds = array<i64: 512, 1>}, {transform_indices = @transform_8, window_bounds = array<i64: 512, 1>}, {}, {transform_indices = @transform_10, window_bounds = array<i64: 512, 256>}]} {
    %get3A = arith.constant 0 : index
    %get3A_0 = arith.constant 0 : index
    %get3A_1 = vector.load %arg1[%get3A, %get3A_0] : memref<8192x256xf32, #tpu.memory_space<vmem>>, vector<8192x256xf32>
    %convert_element_type3A = arith.truncf %get3A_1 : vector<8192x256xf32> to vector<8192x256xbf16>
    %get3A_2 = arith.constant 0 : index
    %get3A_3 = arith.constant 0 : index
    %get3A_4 = vector.load %arg3[%get3A_2, %get3A_3] : memref<256x64xf32, #tpu.memory_space<vmem>>, vector<256x64xf32>
    %convert_element_type3A_5 = arith.truncf %get3A_4 : vector<256x64xf32> to vector<256x64xbf16>
    %dot_general3A = arith.constant dense<0.000000e+00> : vector<8192x64xf32>
    %dot_general3A_6 = tpu.matmul %convert_element_type3A, %convert_element_type3A_5, %dot_general3A {dimension_numbers = #tpu.dot_dimension_numbers<[1], [0], [0], [1], [0, 0, 1, 1], [], []>, transpose_lhs_hint = false} : vector<8192x256xbf16>, vector<256x64xbf16>, vector<8192x64xf32> -> vector<8192x64xf32>
    %get3A_7 = arith.constant 0 : index
    %get3A_8 = arith.constant 0 : index
    %get3A_9 = vector.load %arg4[%get3A_7, %get3A_8] : memref<1x64xf32, #tpu.memory_space<vmem>>, vector<1x64xf32>
    %add3A = vector.broadcast %get3A_9 : vector<1x64xf32> to vector<8192x64xf32>
    %add3A_10 = arith.addf %dot_general3A_6, %add3A : vector<8192x64xf32>
    %get3A_11 = arith.constant 0 : index
    %get3A_12 = arith.constant 0 : index
    %get3A_13 = arith.constant 0 : index
    %get3A_14 = vector.load %arg2[%get3A_11, %get3A_12, %get3A_13] : memref<4x1x256xf32, #tpu.memory_space<vmem>>, vector<1x1x256xf32>
    %get3A_15 = vector.shape_cast %get3A_14 : vector<1x1x256xf32> to vector<1x256xf32>
    %get3A_16 = arith.constant 0 : index
    %get3A_17 = arith.constant 0 : index
    %get3A_18 = vector.load %arg5[%get3A_16, %get3A_17] : memref<256x64xf32, #tpu.memory_space<vmem>>, vector<256x64xf32>
    %dot_general3A_19 = arith.constant dense<0.000000e+00> : vector<1x64xf32>
    %dot_general3A_20 = tpu.matmul %get3A_15, %get3A_18, %dot_general3A_19 {dimension_numbers = #tpu.dot_dimension_numbers<[1], [0], [0], [1], [0, 0, 1, 1], [], []>, transpose_lhs_hint = false} : vector<1x256xf32>, vector<256x64xf32>, vector<1x64xf32> -> vector<1x64xf32>
    %get3A_21 = arith.constant 0 : index
    %get3A_22 = arith.constant 0 : index
    %get3A_23 = vector.load %arg6[%get3A_21, %get3A_22] : memref<1x64xf32, #tpu.memory_space<vmem>>, vector<1x64xf32>
    %add3A_24 = arith.addf %dot_general3A_20, %get3A_23 : vector<1x64xf32>
    %slice3A = vector.extract_strided_slice %add3A_10 {offsets = [0, 0], sizes = [2048, 64], strides = [1, 1]} : vector<8192x64xf32> to vector<2048x64xf32>
    %add3A_25 = vector.broadcast %add3A_24 : vector<1x64xf32> to vector<2048x64xf32>
    %add3A_26 = arith.addf %slice3A, %add3A_25 : vector<2048x64xf32>
    %tanh3A = math.tanh %add3A_26 : vector<2048x64xf32>
    %get3A_27 = arith.constant 0 : index
    %get3A_28 = arith.constant 0 : index
    %get3A_29 = vector.load %arg7[%get3A_27, %get3A_28] : memref<64x1xf32, #tpu.memory_space<vmem>>, vector<64x1xf32>
    %dot_general3A_30 = arith.constant dense<0.000000e+00> : vector<2048x1xf32>
    %dot_general3A_31 = tpu.matmul %tanh3A, %get3A_29, %dot_general3A_30 {dimension_numbers = #tpu.dot_dimension_numbers<[1], [0], [0], [1], [0, 0, 1, 1], [], []>, transpose_lhs_hint = false} : vector<2048x64xf32>, vector<64x1xf32>, vector<2048x1xf32> -> vector<2048x1xf32>
    %exp3A = math.exp %dot_general3A_31 : vector<2048x1xf32>
    %get3A_32 = arith.constant 0 : index
    %get3A_33 = arith.constant 0 : index
    %get3A_34 = vector.load %arg8[%get3A_32, %get3A_33] : memref<512x1xf32, #tpu.memory_space<vmem>>, vector<128x1xf32>
    %slice3A_35 = vector.extract_strided_slice %exp3A {offsets = [0, 0], sizes = [128, 1], strides = [1, 1]} : vector<2048x1xf32> to vector<128x1xf32>
    %gt3A = arith.constant 0.000000e+00 : f32
    %gt3A_36 = vector.broadcast %gt3A : f32 to vector<128x1xf32>
    %gt3A_37 = arith.cmpf ogt, %get3A_34, %gt3A_36 : vector<128x1xf32>
    %convert_element_type3A_38 = arith.extui %gt3A_37 : vector<128x1xi1> to vector<128x1xi32>
    %convert_element_type3A_39 = arith.sitofp %convert_element_type3A_38 : vector<128x1xi32> to vector<128x1xf32>
    %mul3A = arith.mulf %slice3A_35, %convert_element_type3A_39 : vector<128x1xf32>
    %slice3A_40 = vector.extract_strided_slice %exp3A {offsets = [128, 0], sizes = [128, 1], strides = [1, 1]} : vector<2048x1xf32> to vector<128x1xf32>
    %gt3A_41 = arith.constant 1.000000e+00 : f32
    %gt3A_42 = vector.broadcast %gt3A_41 : f32 to vector<128x1xf32>
    %gt3A_43 = arith.cmpf ogt, %get3A_34, %gt3A_42 : vector<128x1xf32>
    %convert_element_type3A_44 = arith.extui %gt3A_43 : vector<128x1xi1> to vector<128x1xi32>
    %convert_element_type3A_45 = arith.sitofp %convert_element_type3A_44 : vector<128x1xi32> to vector<128x1xf32>
    %mul3A_46 = arith.mulf %slice3A_40, %convert_element_type3A_45 : vector<128x1xf32>
    %add3A_47 = arith.addf %mul3A, %mul3A_46 : vector<128x1xf32>
    %slice3A_48 = vector.extract_strided_slice %exp3A {offsets = [256, 0], sizes = [128, 1], strides = [1, 1]} : vector<2048x1xf32> to vector<128x1xf32>
    %gt3A_49 = arith.constant 2.000000e+00 : f32
    %gt3A_50 = vector.broadcast %gt3A_49 : f32 to vector<128x1xf32>
    %gt3A_51 = arith.cmpf ogt, %get3A_34, %gt3A_50 : vector<128x1xf32>
    %convert_element_type3A_52 = arith.extui %gt3A_51 : vector<128x1xi1> to vector<128x1xi32>
    %convert_element_type3A_53 = arith.sitofp %convert_element_type3A_52 : vector<128x1xi32> to vector<128x1xf32>
    %mul3A_54 = arith.mulf %slice3A_48, %convert_element_type3A_53 : vector<128x1xf32>
    %add3A_55 = arith.addf %add3A_47, %mul3A_54 : vector<128x1xf32>
    %slice3A_56 = vector.extract_strided_slice %exp3A {offsets = [384, 0], sizes = [128, 1], strides = [1, 1]} : vector<2048x1xf32> to vector<128x1xf32>
    %gt3A_57 = arith.constant 3.000000e+00 : f32
    %gt3A_58 = vector.broadcast %gt3A_57 : f32 to vector<128x1xf32>
    %gt3A_59 = arith.cmpf ogt, %get3A_34, %gt3A_58 : vector<128x1xf32>
    %convert_element_type3A_60 = arith.extui %gt3A_59 : vector<128x1xi1> to vector<128x1xi32>
    %convert_element_type3A_61 = arith.sitofp %convert_element_type3A_60 : vector<128x1xi32> to vector<128x1xf32>
    %mul3A_62 = arith.mulf %slice3A_56, %convert_element_type3A_61 : vector<128x1xf32>
    %add3A_63 = arith.addf %add3A_55, %mul3A_62 : vector<128x1xf32>
    %slice3A_64 = vector.extract_strided_slice %exp3A {offsets = [512, 0], sizes = [128, 1], strides = [1, 1]} : vector<2048x1xf32> to vector<128x1xf32>
    %gt3A_65 = arith.constant 4.000000e+00 : f32
    %gt3A_66 = vector.broadcast %gt3A_65 : f32 to vector<128x1xf32>
    %gt3A_67 = arith.cmpf ogt, %get3A_34, %gt3A_66 : vector<128x1xf32>
    %convert_element_type3A_68 = arith.extui %gt3A_67 : vector<128x1xi1> to vector<128x1xi32>
    %convert_element_type3A_69 = arith.sitofp %convert_element_type3A_68 : vector<128x1xi32> to vector<128x1xf32>
    %mul3A_70 = arith.mulf %slice3A_64, %convert_element_type3A_69 : vector<128x1xf32>
    %add3A_71 = arith.addf %add3A_63, %mul3A_70 : vector<128x1xf32>
    %slice3A_72 = vector.extract_strided_slice %exp3A {offsets = [640, 0], sizes = [128, 1], strides = [1, 1]} : vector<2048x1xf32> to vector<128x1xf32>
    %gt3A_73 = arith.constant 5.000000e+00 : f32
    %gt3A_74 = vector.broadcast %gt3A_73 : f32 to vector<128x1xf32>
    %gt3A_75 = arith.cmpf ogt, %get3A_34, %gt3A_74 : vector<128x1xf32>
    %convert_element_type3A_76 = arith.extui %gt3A_75 : vector<128x1xi1> to vector<128x1xi32>
    %convert_element_type3A_77 = arith.sitofp %convert_element_type3A_76 : vector<128x1xi32> to vector<128x1xf32>
    %mul3A_78 = arith.mulf %slice3A_72, %convert_element_type3A_77 : vector<128x1xf32>
    %add3A_79 = arith.addf %add3A_71, %mul3A_78 : vector<128x1xf32>
    %slice3A_80 = vector.extract_strided_slice %exp3A {offsets = [768, 0], sizes = [128, 1], strides = [1, 1]} : vector<2048x1xf32> to vector<128x1xf32>
    %gt3A_81 = arith.constant 6.000000e+00 : f32
    %gt3A_82 = vector.broadcast %gt3A_81 : f32 to vector<128x1xf32>
    %gt3A_83 = arith.cmpf ogt, %get3A_34, %gt3A_82 : vector<128x1xf32>
    %convert_element_type3A_84 = arith.extui %gt3A_83 : vector<128x1xi1> to vector<128x1xi32>
    %convert_element_type3A_85 = arith.sitofp %convert_element_type3A_84 : vector<128x1xi32> to vector<128x1xf32>
    %mul3A_86 = arith.mulf %slice3A_80, %convert_element_type3A_85 : vector<128x1xf32>
    %add3A_87 = arith.addf %add3A_79, %mul3A_86 : vector<128x1xf32>
    %slice3A_88 = vector.extract_strided_slice %exp3A {offsets = [896, 0], sizes = [128, 1], strides = [1, 1]} : vector<2048x1xf32> to vector<128x1xf32>
    %gt3A_89 = arith.constant 7.000000e+00 : f32
    %gt3A_90 = vector.broadcast %gt3A_89 : f32 to vector<128x1xf32>
    %gt3A_91 = arith.cmpf ogt, %get3A_34, %gt3A_90 : vector<128x1xf32>
    %convert_element_type3A_92 = arith.extui %gt3A_91 : vector<128x1xi1> to vector<128x1xi32>
    %convert_element_type3A_93 = arith.sitofp %convert_element_type3A_92 : vector<128x1xi32> to vector<128x1xf32>
    %mul3A_94 = arith.mulf %slice3A_88, %convert_element_type3A_93 : vector<128x1xf32>
    %add3A_95 = arith.addf %add3A_87, %mul3A_94 : vector<128x1xf32>
    %slice3A_96 = vector.extract_strided_slice %exp3A {offsets = [1024, 0], sizes = [128, 1], strides = [1, 1]} : vector<2048x1xf32> to vector<128x1xf32>
    %gt3A_97 = arith.constant 8.000000e+00 : f32
    %gt3A_98 = vector.broadcast %gt3A_97 : f32 to vector<128x1xf32>
    %gt3A_99 = arith.cmpf ogt, %get3A_34, %gt3A_98 : vector<128x1xf32>
    %convert_element_type3A_100 = arith.extui %gt3A_99 : vector<128x1xi1> to vector<128x1xi32>
    %convert_element_type3A_101 = arith.sitofp %convert_element_type3A_100 : vector<128x1xi32> to vector<128x1xf32>
    %mul3A_102 = arith.mulf %slice3A_96, %convert_element_type3A_101 : vector<128x1xf32>
    %add3A_103 = arith.addf %add3A_95, %mul3A_102 : vector<128x1xf32>
    %slice3A_104 = vector.extract_strided_slice %exp3A {offsets = [1152, 0], sizes = [128, 1], strides = [1, 1]} : vector<2048x1xf32> to vector<128x1xf32>
    %gt3A_105 = arith.constant 9.000000e+00 : f32
    %gt3A_106 = vector.broadcast %gt3A_105 : f32 to vector<128x1xf32>
    %gt3A_107 = arith.cmpf ogt, %get3A_34, %gt3A_106 : vector<128x1xf32>
    %convert_element_type3A_108 = arith.extui %gt3A_107 : vector<128x1xi1> to vector<128x1xi32>
    %convert_element_type3A_109 = arith.sitofp %convert_element_type3A_108 : vector<128x1xi32> to vector<128x1xf32>
    %mul3A_110 = arith.mulf %slice3A_104, %convert_element_type3A_109 : vector<128x1xf32>
    %add3A_111 = arith.addf %add3A_103, %mul3A_110 : vector<128x1xf32>
    %slice3A_112 = vector.extract_strided_slice %exp3A {offsets = [1280, 0], sizes = [128, 1], strides = [1, 1]} : vector<2048x1xf32> to vector<128x1xf32>
    %gt3A_113 = arith.constant 1.000000e+01 : f32
    %gt3A_114 = vector.broadcast %gt3A_113 : f32 to vector<128x1xf32>
    %gt3A_115 = arith.cmpf ogt, %get3A_34, %gt3A_114 : vector<128x1xf32>
    %convert_element_type3A_116 = arith.extui %gt3A_115 : vector<128x1xi1> to vector<128x1xi32>
    %convert_element_type3A_117 = arith.sitofp %convert_element_type3A_116 : vector<128x1xi32> to vector<128x1xf32>
    %mul3A_118 = arith.mulf %slice3A_112, %convert_element_type3A_117 : vector<128x1xf32>
    %add3A_119 = arith.addf %add3A_111, %mul3A_118 : vector<128x1xf32>
    %slice3A_120 = vector.extract_strided_slice %exp3A {offsets = [1408, 0], sizes = [128, 1], strides = [1, 1]} : vector<2048x1xf32> to vector<128x1xf32>
    %gt3A_121 = arith.constant 1.100000e+01 : f32
    %gt3A_122 = vector.broadcast %gt3A_121 : f32 to vector<128x1xf32>
    %gt3A_123 = arith.cmpf ogt, %get3A_34, %gt3A_122 : vector<128x1xf32>
    %convert_element_type3A_124 = arith.extui %gt3A_123 : vector<128x1xi1> to vector<128x1xi32>
    %convert_element_type3A_125 = arith.sitofp %convert_element_type3A_124 : vector<128x1xi32> to vector<128x1xf32>
    %mul3A_126 = arith.mulf %slice3A_120, %convert_element_type3A_125 : vector<128x1xf32>
    %add3A_127 = arith.addf %add3A_119, %mul3A_126 : vector<128x1xf32>
    %slice3A_128 = vector.extract_strided_slice %exp3A {offsets = [1536, 0], sizes = [128, 1], strides = [1, 1]} : vector<2048x1xf32> to vector<128x1xf32>
    %gt3A_129 = arith.constant 1.200000e+01 : f32
    %gt3A_130 = vector.broadcast %gt3A_129 : f32 to vector<128x1xf32>
    %gt3A_131 = arith.cmpf ogt, %get3A_34, %gt3A_130 : vector<128x1xf32>
    %convert_element_type3A_132 = arith.extui %gt3A_131 : vector<128x1xi1> to vector<128x1xi32>
    %convert_element_type3A_133 = arith.sitofp %convert_element_type3A_132 : vector<128x1xi32> to vector<128x1xf32>
    %mul3A_134 = arith.mulf %slice3A_128, %convert_element_type3A_133 : vector<128x1xf32>
    %add3A_135 = arith.addf %add3A_127, %mul3A_134 : vector<128x1xf32>
    %slice3A_136 = vector.extract_strided_slice %exp3A {offsets = [1664, 0], sizes = [128, 1], strides = [1, 1]} : vector<2048x1xf32> to vector<128x1xf32>
    %gt3A_137 = arith.constant 1.300000e+01 : f32
    %gt3A_138 = vector.broadcast %gt3A_137 : f32 to vector<128x1xf32>
    %gt3A_139 = arith.cmpf ogt, %get3A_34, %gt3A_138 : vector<128x1xf32>
    %convert_element_type3A_140 = arith.extui %gt3A_139 : vector<128x1xi1> to vector<128x1xi32>
    %convert_element_type3A_141 = arith.sitofp %convert_element_type3A_140 : vector<128x1xi32> to vector<128x1xf32>
    %mul3A_142 = arith.mulf %slice3A_136, %convert_element_type3A_141 : vector<128x1xf32>
    %add3A_143 = arith.addf %add3A_135, %mul3A_142 : vector<128x1xf32>
    %slice3A_144 = vector.extract_strided_slice %exp3A {offsets = [1792, 0], sizes = [128, 1], strides = [1, 1]} : vector<2048x1xf32> to vector<128x1xf32>
    %gt3A_145 = arith.constant 1.400000e+01 : f32
    %gt3A_146 = vector.broadcast %gt3A_145 : f32 to vector<128x1xf32>
    %gt3A_147 = arith.cmpf ogt, %get3A_34, %gt3A_146 : vector<128x1xf32>
    %convert_element_type3A_148 = arith.extui %gt3A_147 : vector<128x1xi1> to vector<128x1xi32>
    %convert_element_type3A_149 = arith.sitofp %convert_element_type3A_148 : vector<128x1xi32> to vector<128x1xf32>
    %mul3A_150 = arith.mulf %slice3A_144, %convert_element_type3A_149 : vector<128x1xf32>
    %add3A_151 = arith.addf %add3A_143, %mul3A_150 : vector<128x1xf32>
    %slice3A_152 = vector.extract_strided_slice %exp3A {offsets = [1920, 0], sizes = [128, 1], strides = [1, 1]} : vector<2048x1xf32> to vector<128x1xf32>
    %gt3A_153 = arith.constant 1.500000e+01 : f32
    %gt3A_154 = vector.broadcast %gt3A_153 : f32 to vector<128x1xf32>
    %gt3A_155 = arith.cmpf ogt, %get3A_34, %gt3A_154 : vector<128x1xf32>
    %convert_element_type3A_156 = arith.extui %gt3A_155 : vector<128x1xi1> to vector<128x1xi32>
    %convert_element_type3A_157 = arith.sitofp %convert_element_type3A_156 : vector<128x1xi32> to vector<128x1xf32>
    %mul3A_158 = arith.mulf %slice3A_152, %convert_element_type3A_157 : vector<128x1xf32>
    %add3A_159 = arith.addf %add3A_151, %mul3A_158 : vector<128x1xf32>
    %iota3A = tpu.iota {dimensions = array<i32: 0>} : vector<128x1xi32>
    %jit3A = arith.constant 32 : i32
    %eq3A = arith.constant 0 : i32
    %eq3A_160 = arith.cmpi eq, %jit3A, %eq3A : i32
    %jit3A_161 = arith.constant 1 : i32
    %select_n3A = arith.select %eq3A_160, %jit3A_161, %jit3A : i32
    %rem3A = vector.broadcast %select_n3A : i32 to vector<128x1xi32>
    %rem3A_162 = arith.remsi %iota3A, %rem3A : vector<128x1xi32>
    %ne3A = arith.constant 0 : i32
    %ne3A_163 = vector.broadcast %ne3A : i32 to vector<128x1xi32>
    %ne3A_164 = arith.cmpi ne, %rem3A_162, %ne3A_163 : vector<128x1xi32>
    %lt3A = arith.constant 0 : i32
    %lt3A_165 = vector.broadcast %lt3A : i32 to vector<128x1xi32>
    %lt3A_166 = arith.cmpi slt, %rem3A_162, %lt3A_165 : vector<128x1xi32>
    %lt3A_167 = arith.constant 0 : i32
    %lt3A_168 = arith.cmpi slt, %select_n3A, %lt3A_167 : i32
    %ne3A_169 = vector.broadcast %lt3A_168 : i1 to vector<128x1xi1>
    %ne3A_170 = vector.broadcast %ne3A_169 : vector<128x1xi1> to vector<128x1xi1>
    %ne3A_171 = arith.xori %lt3A_166, %ne3A_170 : vector<128x1xi1>
    %and3A = arith.andi %ne3A_171, %ne3A_164 : vector<128x1xi1>
    %add3A_172 = vector.broadcast %select_n3A : i32 to vector<128x1xi32>
    %add3A_173 = arith.addi %rem3A_162, %add3A_172 : vector<128x1xi32>
    %select_n3A_174 = arith.select %and3A, %add3A_173, %rem3A_162 : vector<128x1xi1>, vector<128x1xi32>
    %convert_element_type3A_175 = arith.sitofp %select_n3A_174 : vector<128x1xi32> to vector<128x1xf32>
    %get3A_176 = arith.constant 0 : index
    %get3A_177 = arith.constant 0 : index
    %get3A_178 = vector.load %arg9[%get3A_176, %get3A_177] : memref<512x1xf32, #tpu.memory_space<vmem>>, vector<128x1xf32>
    %lt3A_179 = arith.cmpf olt, %convert_element_type3A_175, %get3A_178 : vector<128x1xf32>
    %convert_element_type3A_180 = arith.extui %lt3A_179 : vector<128x1xi1> to vector<128x1xi32>
    %convert_element_type3A_181 = arith.sitofp %convert_element_type3A_180 : vector<128x1xi32> to vector<128x1xf32>
    %div3A = arith.divf %convert_element_type3A_181, %add3A_159 : vector<128x1xf32>
    %mul3A_182 = arith.mulf %mul3A, %div3A : vector<128x1xf32>
    %slice3A_183 = vector.extract_strided_slice %get3A_1 {offsets = [0, 0], sizes = [128, 256], strides = [1, 1]} : vector<8192x256xf32> to vector<128x256xf32>
    %mul3A_184 = vector.broadcast %mul3A_182 : vector<128x1xf32> to vector<128x256xf32>
    %mul3A_185 = arith.mulf %mul3A_184, %slice3A_183 : vector<128x256xf32>
    %mul3A_186 = arith.mulf %mul3A_46, %div3A : vector<128x1xf32>
    %slice3A_187 = vector.extract_strided_slice %get3A_1 {offsets = [128, 0], sizes = [128, 256], strides = [1, 1]} : vector<8192x256xf32> to vector<128x256xf32>
    %mul3A_188 = vector.broadcast %mul3A_186 : vector<128x1xf32> to vector<128x256xf32>
    %mul3A_189 = arith.mulf %mul3A_188, %slice3A_187 : vector<128x256xf32>
    %add3A_190 = arith.addf %mul3A_185, %mul3A_189 : vector<128x256xf32>
    %mul3A_191 = arith.mulf %mul3A_54, %div3A : vector<128x1xf32>
    %slice3A_192 = vector.extract_strided_slice %get3A_1 {offsets = [256, 0], sizes = [128, 256], strides = [1, 1]} : vector<8192x256xf32> to vector<128x256xf32>
    %mul3A_193 = vector.broadcast %mul3A_191 : vector<128x1xf32> to vector<128x256xf32>
    %mul3A_194 = arith.mulf %mul3A_193, %slice3A_192 : vector<128x256xf32>
    %add3A_195 = arith.addf %add3A_190, %mul3A_194 : vector<128x256xf32>
    %mul3A_196 = arith.mulf %mul3A_62, %div3A : vector<128x1xf32>
    %slice3A_197 = vector.extract_strided_slice %get3A_1 {offsets = [384, 0], sizes = [128, 256], strides = [1, 1]} : vector<8192x256xf32> to vector<128x256xf32>
    %mul3A_198 = vector.broadcast %mul3A_196 : vector<128x1xf32> to vector<128x256xf32>
    %mul3A_199 = arith.mulf %mul3A_198, %slice3A_197 : vector<128x256xf32>
    %add3A_200 = arith.addf %add3A_195, %mul3A_199 : vector<128x256xf32>
    %mul3A_201 = arith.mulf %mul3A_70, %div3A : vector<128x1xf32>
    %slice3A_202 = vector.extract_strided_slice %get3A_1 {offsets = [512, 0], sizes = [128, 256], strides = [1, 1]} : vector<8192x256xf32> to vector<128x256xf32>
    %mul3A_203 = vector.broadcast %mul3A_201 : vector<128x1xf32> to vector<128x256xf32>
    %mul3A_204 = arith.mulf %mul3A_203, %slice3A_202 : vector<128x256xf32>
    %add3A_205 = arith.addf %add3A_200, %mul3A_204 : vector<128x256xf32>
    %mul3A_206 = arith.mulf %mul3A_78, %div3A : vector<128x1xf32>
    %slice3A_207 = vector.extract_strided_slice %get3A_1 {offsets = [640, 0], sizes = [128, 256], strides = [1, 1]} : vector<8192x256xf32> to vector<128x256xf32>
    %mul3A_208 = vector.broadcast %mul3A_206 : vector<128x1xf32> to vector<128x256xf32>
    %mul3A_209 = arith.mulf %mul3A_208, %slice3A_207 : vector<128x256xf32>
    %add3A_210 = arith.addf %add3A_205, %mul3A_209 : vector<128x256xf32>
    %mul3A_211 = arith.mulf %mul3A_86, %div3A : vector<128x1xf32>
    %slice3A_212 = vector.extract_strided_slice %get3A_1 {offsets = [768, 0], sizes = [128, 256], strides = [1, 1]} : vector<8192x256xf32> to vector<128x256xf32>
    %mul3A_213 = vector.broadcast %mul3A_211 : vector<128x1xf32> to vector<128x256xf32>
    %mul3A_214 = arith.mulf %mul3A_213, %slice3A_212 : vector<128x256xf32>
    %add3A_215 = arith.addf %add3A_210, %mul3A_214 : vector<128x256xf32>
    %mul3A_216 = arith.mulf %mul3A_94, %div3A : vector<128x1xf32>
    %slice3A_217 = vector.extract_strided_slice %get3A_1 {offsets = [896, 0], sizes = [128, 256], strides = [1, 1]} : vector<8192x256xf32> to vector<128x256xf32>
    %mul3A_218 = vector.broadcast %mul3A_216 : vector<128x1xf32> to vector<128x256xf32>
    %mul3A_219 = arith.mulf %mul3A_218, %slice3A_217 : vector<128x256xf32>
    %add3A_220 = arith.addf %add3A_215, %mul3A_219 : vector<128x256xf32>
    %mul3A_221 = arith.mulf %mul3A_102, %div3A : vector<128x1xf32>
    %slice3A_222 = vector.extract_strided_slice %get3A_1 {offsets = [1024, 0], sizes = [128, 256], strides = [1, 1]} : vector<8192x256xf32> to vector<128x256xf32>
    %mul3A_223 = vector.broadcast %mul3A_221 : vector<128x1xf32> to vector<128x256xf32>
    %mul3A_224 = arith.mulf %mul3A_223, %slice3A_222 : vector<128x256xf32>
    %add3A_225 = arith.addf %add3A_220, %mul3A_224 : vector<128x256xf32>
    %mul3A_226 = arith.mulf %mul3A_110, %div3A : vector<128x1xf32>
    %slice3A_227 = vector.extract_strided_slice %get3A_1 {offsets = [1152, 0], sizes = [128, 256], strides = [1, 1]} : vector<8192x256xf32> to vector<128x256xf32>
    %mul3A_228 = vector.broadcast %mul3A_226 : vector<128x1xf32> to vector<128x256xf32>
    %mul3A_229 = arith.mulf %mul3A_228, %slice3A_227 : vector<128x256xf32>
    %add3A_230 = arith.addf %add3A_225, %mul3A_229 : vector<128x256xf32>
    %mul3A_231 = arith.mulf %mul3A_118, %div3A : vector<128x1xf32>
    %slice3A_232 = vector.extract_strided_slice %get3A_1 {offsets = [1280, 0], sizes = [128, 256], strides = [1, 1]} : vector<8192x256xf32> to vector<128x256xf32>
    %mul3A_233 = vector.broadcast %mul3A_231 : vector<128x1xf32> to vector<128x256xf32>
    %mul3A_234 = arith.mulf %mul3A_233, %slice3A_232 : vector<128x256xf32>
    %add3A_235 = arith.addf %add3A_230, %mul3A_234 : vector<128x256xf32>
    %mul3A_236 = arith.mulf %mul3A_126, %div3A : vector<128x1xf32>
    %slice3A_237 = vector.extract_strided_slice %get3A_1 {offsets = [1408, 0], sizes = [128, 256], strides = [1, 1]} : vector<8192x256xf32> to vector<128x256xf32>
    %mul3A_238 = vector.broadcast %mul3A_236 : vector<128x1xf32> to vector<128x256xf32>
    %mul3A_239 = arith.mulf %mul3A_238, %slice3A_237 : vector<128x256xf32>
    %add3A_240 = arith.addf %add3A_235, %mul3A_239 : vector<128x256xf32>
    %mul3A_241 = arith.mulf %mul3A_134, %div3A : vector<128x1xf32>
    %slice3A_242 = vector.extract_strided_slice %get3A_1 {offsets = [1536, 0], sizes = [128, 256], strides = [1, 1]} : vector<8192x256xf32> to vector<128x256xf32>
    %mul3A_243 = vector.broadcast %mul3A_241 : vector<128x1xf32> to vector<128x256xf32>
    %mul3A_244 = arith.mulf %mul3A_243, %slice3A_242 : vector<128x256xf32>
    %add3A_245 = arith.addf %add3A_240, %mul3A_244 : vector<128x256xf32>
    %mul3A_246 = arith.mulf %mul3A_142, %div3A : vector<128x1xf32>
    %slice3A_247 = vector.extract_strided_slice %get3A_1 {offsets = [1664, 0], sizes = [128, 256], strides = [1, 1]} : vector<8192x256xf32> to vector<128x256xf32>
    %mul3A_248 = vector.broadcast %mul3A_246 : vector<128x1xf32> to vector<128x256xf32>
    %mul3A_249 = arith.mulf %mul3A_248, %slice3A_247 : vector<128x256xf32>
    %add3A_250 = arith.addf %add3A_245, %mul3A_249 : vector<128x256xf32>
    %mul3A_251 = arith.mulf %mul3A_150, %div3A : vector<128x1xf32>
    %slice3A_252 = vector.extract_strided_slice %get3A_1 {offsets = [1792, 0], sizes = [128, 256], strides = [1, 1]} : vector<8192x256xf32> to vector<128x256xf32>
    %mul3A_253 = vector.broadcast %mul3A_251 : vector<128x1xf32> to vector<128x256xf32>
    %mul3A_254 = arith.mulf %mul3A_253, %slice3A_252 : vector<128x256xf32>
    %add3A_255 = arith.addf %add3A_250, %mul3A_254 : vector<128x256xf32>
    %mul3A_256 = arith.mulf %mul3A_158, %div3A : vector<128x1xf32>
    %slice3A_257 = vector.extract_strided_slice %get3A_1 {offsets = [1920, 0], sizes = [128, 256], strides = [1, 1]} : vector<8192x256xf32> to vector<128x256xf32>
    %mul3A_258 = vector.broadcast %mul3A_256 : vector<128x1xf32> to vector<128x256xf32>
    %mul3A_259 = arith.mulf %mul3A_258, %slice3A_257 : vector<128x256xf32>
    %add3A_260 = arith.addf %add3A_255, %mul3A_259 : vector<128x256xf32>
    %swap3A = arith.constant 0 : index
    %swap3A_261 = arith.constant 0 : index
    %swap3A_262 = vector.load %arg11[%swap3A, %swap3A_261] : memref<512x256xf32, #tpu.memory_space<vmem>>, vector<128x256xf32>
    tpu.vector_store %arg11[%swap3A, %swap3A_261], %add3A_260 {strides = array<i32>} : memref<512x256xf32, #tpu.memory_space<vmem>>, vector<128x256xf32>,
    %get3A_263 = arith.constant 1 : index
    %get3A_264 = arith.constant 0 : index
    %get3A_265 = arith.constant 0 : index
    %get3A_266 = vector.load %arg2[%get3A_263, %get3A_264, %get3A_265] : memref<4x1x256xf32, #tpu.memory_space<vmem>>, vector<1x1x256xf32>
    %get3A_267 = vector.shape_cast %get3A_266 : vector<1x1x256xf32> to vector<1x256xf32>
    %get3A_268 = arith.constant 0 : index
    %get3A_269 = arith.constant 0 : index
    %get3A_270 = vector.load %arg5[%get3A_268, %get3A_269] : memref<256x64xf32, #tpu.memory_space<vmem>>, vector<256x64xf32>
    %dot_general3A_271 = arith.constant dense<0.000000e+00> : vector<1x64xf32>
    %dot_general3A_272 = tpu.matmul %get3A_267, %get3A_270, %dot_general3A_271 {dimension_numbers = #tpu.dot_dimension_numbers<[1], [0], [0], [1], [0, 0, 1, 1], [], []>, transpose_lhs_hint = false} : vector<1x256xf32>, vector<256x64xf32>, vector<1x64xf32> -> vector<1x64xf32>
    %get3A_273 = arith.constant 0 : index
    %get3A_274 = arith.constant 0 : index
    %get3A_275 = vector.load %arg6[%get3A_273, %get3A_274] : memref<1x64xf32, #tpu.memory_space<vmem>>, vector<1x64xf32>
    %add3A_276 = arith.addf %dot_general3A_272, %get3A_275 : vector<1x64xf32>
    %slice3A_277 = vector.extract_strided_slice %add3A_10 {offsets = [2048, 0], sizes = [2048, 64], strides = [1, 1]} : vector<8192x64xf32> to vector<2048x64xf32>
    %add3A_278 = vector.broadcast %add3A_276 : vector<1x64xf32> to vector<2048x64xf32>
    %add3A_279 = arith.addf %slice3A_277, %add3A_278 : vector<2048x64xf32>
    %tanh3A_280 = math.tanh %add3A_279 : vector<2048x64xf32>
    %get3A_281 = arith.constant 0 : index
    %get3A_282 = arith.constant 0 : index
    %get3A_283 = vector.load %arg7[%get3A_281, %get3A_282] : memref<64x1xf32, #tpu.memory_space<vmem>>, vector<64x1xf32>
    %dot_general3A_284 = arith.constant dense<0.000000e+00> : vector<2048x1xf32>
    %dot_general3A_285 = tpu.matmul %tanh3A_280, %get3A_283, %dot_general3A_284 {dimension_numbers = #tpu.dot_dimension_numbers<[1], [0], [0], [1], [0, 0, 1, 1], [], []>, transpose_lhs_hint = false} : vector<2048x64xf32>, vector<64x1xf32>, vector<2048x1xf32> -> vector<2048x1xf32>
    %exp3A_286 = math.exp %dot_general3A_285 : vector<2048x1xf32>
    %get3A_287 = arith.constant 128 : index
    %get3A_288 = arith.constant 0 : index
    %get3A_289 = vector.load %arg8[%get3A_287, %get3A_288] : memref<512x1xf32, #tpu.memory_space<vmem>>, vector<128x1xf32>
    %slice3A_290 = vector.extract_strided_slice %exp3A_286 {offsets = [0, 0], sizes = [128, 1], strides = [1, 1]} : vector<2048x1xf32> to vector<128x1xf32>
    %gt3A_291 = arith.constant 0.000000e+00 : f32
    %gt3A_292 = vector.broadcast %gt3A_291 : f32 to vector<128x1xf32>
    %gt3A_293 = arith.cmpf ogt, %get3A_289, %gt3A_292 : vector<128x1xf32>
    %convert_element_type3A_294 = arith.extui %gt3A_293 : vector<128x1xi1> to vector<128x1xi32>
    %convert_element_type3A_295 = arith.sitofp %convert_element_type3A_294 : vector<128x1xi32> to vector<128x1xf32>
    %mul3A_296 = arith.mulf %slice3A_290, %convert_element_type3A_295 : vector<128x1xf32>
    %slice3A_297 = vector.extract_strided_slice %exp3A_286 {offsets = [128, 0], sizes = [128, 1], strides = [1, 1]} : vector<2048x1xf32> to vector<128x1xf32>
    %gt3A_298 = arith.constant 1.000000e+00 : f32
    %gt3A_299 = vector.broadcast %gt3A_298 : f32 to vector<128x1xf32>
    %gt3A_300 = arith.cmpf ogt, %get3A_289, %gt3A_299 : vector<128x1xf32>
    %convert_element_type3A_301 = arith.extui %gt3A_300 : vector<128x1xi1> to vector<128x1xi32>
    %convert_element_type3A_302 = arith.sitofp %convert_element_type3A_301 : vector<128x1xi32> to vector<128x1xf32>
    %mul3A_303 = arith.mulf %slice3A_297, %convert_element_type3A_302 : vector<128x1xf32>
    %add3A_304 = arith.addf %mul3A_296, %mul3A_303 : vector<128x1xf32>
    %slice3A_305 = vector.extract_strided_slice %exp3A_286 {offsets = [256, 0], sizes = [128, 1], strides = [1, 1]} : vector<2048x1xf32> to vector<128x1xf32>
    %gt3A_306 = arith.constant 2.000000e+00 : f32
    %gt3A_307 = vector.broadcast %gt3A_306 : f32 to vector<128x1xf32>
    %gt3A_308 = arith.cmpf ogt, %get3A_289, %gt3A_307 : vector<128x1xf32>
    %convert_element_type3A_309 = arith.extui %gt3A_308 : vector<128x1xi1> to vector<128x1xi32>
    %convert_element_type3A_310 = arith.sitofp %convert_element_type3A_309 : vector<128x1xi32> to vector<128x1xf32>
    %mul3A_311 = arith.mulf %slice3A_305, %convert_element_type3A_310 : vector<128x1xf32>
    %add3A_312 = arith.addf %add3A_304, %mul3A_311 : vector<128x1xf32>
    %slice3A_313 = vector.extract_strided_slice %exp3A_286 {offsets = [384, 0], sizes = [128, 1], strides = [1, 1]} : vector<2048x1xf32> to vector<128x1xf32>
    %gt3A_314 = arith.constant 3.000000e+00 : f32
    %gt3A_315 = vector.broadcast %gt3A_314 : f32 to vector<128x1xf32>
    %gt3A_316 = arith.cmpf ogt, %get3A_289, %gt3A_315 : vector<128x1xf32>
    %convert_element_type3A_317 = arith.extui %gt3A_316 : vector<128x1xi1> to vector<128x1xi32>
    %convert_element_type3A_318 = arith.sitofp %convert_element_type3A_317 : vector<128x1xi32> to vector<128x1xf32>
    %mul3A_319 = arith.mulf %slice3A_313, %convert_element_type3A_318 : vector<128x1xf32>
    %add3A_320 = arith.addf %add3A_312, %mul3A_319 : vector<128x1xf32>
    %slice3A_321 = vector.extract_strided_slice %exp3A_286 {offsets = [512, 0], sizes = [128, 1], strides = [1, 1]} : vector<2048x1xf32> to vector<128x1xf32>
    %gt3A_322 = arith.constant 4.000000e+00 : f32
    %gt3A_323 = vector.broadcast %gt3A_322 : f32 to vector<128x1xf32>
    %gt3A_324 = arith.cmpf ogt, %get3A_289, %gt3A_323 : vector<128x1xf32>
    %convert_element_type3A_325 = arith.extui %gt3A_324 : vector<128x1xi1> to vector<128x1xi32>
    %convert_element_type3A_326 = arith.sitofp %convert_element_type3A_325 : vector<128x1xi32> to vector<128x1xf32>
    %mul3A_327 = arith.mulf %slice3A_321, %convert_element_type3A_326 : vector<128x1xf32>
    %add3A_328 = arith.addf %add3A_320, %mul3A_327 : vector<128x1xf32>
    %slice3A_329 = vector.extract_strided_slice %exp3A_286 {offsets = [640, 0], sizes = [128, 1], strides = [1, 1]} : vector<2048x1xf32> to vector<128x1xf32>
    %gt3A_330 = arith.constant 5.000000e+00 : f32
    %gt3A_331 = vector.broadcast %gt3A_330 : f32 to vector<128x1xf32>
    %gt3A_332 = arith.cmpf ogt, %get3A_289, %gt3A_331 : vector<128x1xf32>
    %convert_element_type3A_333 = arith.extui %gt3A_332 : vector<128x1xi1> to vector<128x1xi32>
    %convert_element_type3A_334 = arith.sitofp %convert_element_type3A_333 : vector<128x1xi32> to vector<128x1xf32>
    %mul3A_335 = arith.mulf %slice3A_329, %convert_element_type3A_334 : vector<128x1xf32>
    %add3A_336 = arith.addf %add3A_328, %mul3A_335 : vector<128x1xf32>
    %slice3A_337 = vector.extract_strided_slice %exp3A_286 {offsets = [768, 0], sizes = [128, 1], strides = [1, 1]} : vector<2048x1xf32> to vector<128x1xf32>
    %gt3A_338 = arith.constant 6.000000e+00 : f32
    %gt3A_339 = vector.broadcast %gt3A_338 : f32 to vector<128x1xf32>
    %gt3A_340 = arith.cmpf ogt, %get3A_289, %gt3A_339 : vector<128x1xf32>
    %convert_element_type3A_341 = arith.extui %gt3A_340 : vector<128x1xi1> to vector<128x1xi32>
    %convert_element_type3A_342 = arith.sitofp %convert_element_type3A_341 : vector<128x1xi32> to vector<128x1xf32>
    %mul3A_343 = arith.mulf %slice3A_337, %convert_element_type3A_342 : vector<128x1xf32>
    %add3A_344 = arith.addf %add3A_336, %mul3A_343 : vector<128x1xf32>
    %slice3A_345 = vector.extract_strided_slice %exp3A_286 {offsets = [896, 0], sizes = [128, 1], strides = [1, 1]} : vector<2048x1xf32> to vector<128x1xf32>
    %gt3A_346 = arith.constant 7.000000e+00 : f32
    %gt3A_347 = vector.broadcast %gt3A_346 : f32 to vector<128x1xf32>
    %gt3A_348 = arith.cmpf ogt, %get3A_289, %gt3A_347 : vector<128x1xf32>
    %convert_element_type3A_349 = arith.extui %gt3A_348 : vector<128x1xi1> to vector<128x1xi32>
    %convert_element_type3A_350 = arith.sitofp %convert_element_type3A_349 : vector<128x1xi32> to vector<128x1xf32>
    %mul3A_351 = arith.mulf %slice3A_345, %convert_element_type3A_350 : vector<128x1xf32>
    %add3A_352 = arith.addf %add3A_344, %mul3A_351 : vector<128x1xf32>
    %slice3A_353 = vector.extract_strided_slice %exp3A_286 {offsets = [1024, 0], sizes = [128, 1], strides = [1, 1]} : vector<2048x1xf32> to vector<128x1xf32>
    %gt3A_354 = arith.constant 8.000000e+00 : f32
    %gt3A_355 = vector.broadcast %gt3A_354 : f32 to vector<128x1xf32>
    %gt3A_356 = arith.cmpf ogt, %get3A_289, %gt3A_355 : vector<128x1xf32>
    %convert_element_type3A_357 = arith.extui %gt3A_356 : vector<128x1xi1> to vector<128x1xi32>
    %convert_element_type3A_358 = arith.sitofp %convert_element_type3A_357 : vector<128x1xi32> to vector<128x1xf32>
    %mul3A_359 = arith.mulf %slice3A_353, %convert_element_type3A_358 : vector<128x1xf32>
    %add3A_360 = arith.addf %add3A_352, %mul3A_359 : vector<128x1xf32>
    %slice3A_361 = vector.extract_strided_slice %exp3A_286 {offsets = [1152, 0], sizes = [128, 1], strides = [1, 1]} : vector<2048x1xf32> to vector<128x1xf32>
    %gt3A_362 = arith.constant 9.000000e+00 : f32
    %gt3A_363 = vector.broadcast %gt3A_362 : f32 to vector<128x1xf32>
    %gt3A_364 = arith.cmpf ogt, %get3A_289, %gt3A_363 : vector<128x1xf32>
    %convert_element_type3A_365 = arith.extui %gt3A_364 : vector<128x1xi1> to vector<128x1xi32>
    %convert_element_type3A_366 = arith.sitofp %convert_element_type3A_365 : vector<128x1xi32> to vector<128x1xf32>
    %mul3A_367 = arith.mulf %slice3A_361, %convert_element_type3A_366 : vector<128x1xf32>
    %add3A_368 = arith.addf %add3A_360, %mul3A_367 : vector<128x1xf32>
    %slice3A_369 = vector.extract_strided_slice %exp3A_286 {offsets = [1280, 0], sizes = [128, 1], strides = [1, 1]} : vector<2048x1xf32> to vector<128x1xf32>
    %gt3A_370 = arith.constant 1.000000e+01 : f32
    %gt3A_371 = vector.broadcast %gt3A_370 : f32 to vector<128x1xf32>
    %gt3A_372 = arith.cmpf ogt, %get3A_289, %gt3A_371 : vector<128x1xf32>
    %convert_element_type3A_373 = arith.extui %gt3A_372 : vector<128x1xi1> to vector<128x1xi32>
    %convert_element_type3A_374 = arith.sitofp %convert_element_type3A_373 : vector<128x1xi32> to vector<128x1xf32>
    %mul3A_375 = arith.mulf %slice3A_369, %convert_element_type3A_374 : vector<128x1xf32>
    %add3A_376 = arith.addf %add3A_368, %mul3A_375 : vector<128x1xf32>
    %slice3A_377 = vector.extract_strided_slice %exp3A_286 {offsets = [1408, 0], sizes = [128, 1], strides = [1, 1]} : vector<2048x1xf32> to vector<128x1xf32>
    %gt3A_378 = arith.constant 1.100000e+01 : f32
    %gt3A_379 = vector.broadcast %gt3A_378 : f32 to vector<128x1xf32>
    %gt3A_380 = arith.cmpf ogt, %get3A_289, %gt3A_379 : vector<128x1xf32>
    %convert_element_type3A_381 = arith.extui %gt3A_380 : vector<128x1xi1> to vector<128x1xi32>
    %convert_element_type3A_382 = arith.sitofp %convert_element_type3A_381 : vector<128x1xi32> to vector<128x1xf32>
    %mul3A_383 = arith.mulf %slice3A_377, %convert_element_type3A_382 : vector<128x1xf32>
    %add3A_384 = arith.addf %add3A_376, %mul3A_383 : vector<128x1xf32>
    %slice3A_385 = vector.extract_strided_slice %exp3A_286 {offsets = [1536, 0], sizes = [128, 1], strides = [1, 1]} : vector<2048x1xf32> to vector<128x1xf32>
    %gt3A_386 = arith.constant 1.200000e+01 : f32
    %gt3A_387 = vector.broadcast %gt3A_386 : f32 to vector<128x1xf32>
    %gt3A_388 = arith.cmpf ogt, %get3A_289, %gt3A_387 : vector<128x1xf32>
    %convert_element_type3A_389 = arith.extui %gt3A_388 : vector<128x1xi1> to vector<128x1xi32>
    %convert_element_type3A_390 = arith.sitofp %convert_element_type3A_389 : vector<128x1xi32> to vector<128x1xf32>
    %mul3A_391 = arith.mulf %slice3A_385, %convert_element_type3A_390 : vector<128x1xf32>
    %add3A_392 = arith.addf %add3A_384, %mul3A_391 : vector<128x1xf32>
    %slice3A_393 = vector.extract_strided_slice %exp3A_286 {offsets = [1664, 0], sizes = [128, 1], strides = [1, 1]} : vector<2048x1xf32> to vector<128x1xf32>
    %gt3A_394 = arith.constant 1.300000e+01 : f32
    %gt3A_395 = vector.broadcast %gt3A_394 : f32 to vector<128x1xf32>
    %gt3A_396 = arith.cmpf ogt, %get3A_289, %gt3A_395 : vector<128x1xf32>
    %convert_element_type3A_397 = arith.extui %gt3A_396 : vector<128x1xi1> to vector<128x1xi32>
    %convert_element_type3A_398 = arith.sitofp %convert_element_type3A_397 : vector<128x1xi32> to vector<128x1xf32>
    %mul3A_399 = arith.mulf %slice3A_393, %convert_element_type3A_398 : vector<128x1xf32>
    %add3A_400 = arith.addf %add3A_392, %mul3A_399 : vector<128x1xf32>
    %slice3A_401 = vector.extract_strided_slice %exp3A_286 {offsets = [1792, 0], sizes = [128, 1], strides = [1, 1]} : vector<2048x1xf32> to vector<128x1xf32>
    %gt3A_402 = arith.constant 1.400000e+01 : f32
    %gt3A_403 = vector.broadcast %gt3A_402 : f32 to vector<128x1xf32>
    %gt3A_404 = arith.cmpf ogt, %get3A_289, %gt3A_403 : vector<128x1xf32>
    %convert_element_type3A_405 = arith.extui %gt3A_404 : vector<128x1xi1> to vector<128x1xi32>
    %convert_element_type3A_406 = arith.sitofp %convert_element_type3A_405 : vector<128x1xi32> to vector<128x1xf32>
    %mul3A_407 = arith.mulf %slice3A_401, %convert_element_type3A_406 : vector<128x1xf32>
    %add3A_408 = arith.addf %add3A_400, %mul3A_407 : vector<128x1xf32>
    %slice3A_409 = vector.extract_strided_slice %exp3A_286 {offsets = [1920, 0], sizes = [128, 1], strides = [1, 1]} : vector<2048x1xf32> to vector<128x1xf32>
    %gt3A_410 = arith.constant 1.500000e+01 : f32
    %gt3A_411 = vector.broadcast %gt3A_410 : f32 to vector<128x1xf32>
    %gt3A_412 = arith.cmpf ogt, %get3A_289, %gt3A_411 : vector<128x1xf32>
    %convert_element_type3A_413 = arith.extui %gt3A_412 : vector<128x1xi1> to vector<128x1xi32>
    %convert_element_type3A_414 = arith.sitofp %convert_element_type3A_413 : vector<128x1xi32> to vector<128x1xf32>
    %mul3A_415 = arith.mulf %slice3A_409, %convert_element_type3A_414 : vector<128x1xf32>
    %add3A_416 = arith.addf %add3A_408, %mul3A_415 : vector<128x1xf32>
    %iota3A_417 = tpu.iota {dimensions = array<i32: 0>} : vector<128x1xi32>
    %jit3A_418 = arith.constant 32 : i32
    %eq3A_419 = arith.constant 0 : i32
    %eq3A_420 = arith.cmpi eq, %jit3A_418, %eq3A_419 : i32
    %jit3A_421 = arith.constant 1 : i32
    %select_n3A_422 = arith.select %eq3A_420, %jit3A_421, %jit3A_418 : i32
    %rem3A_423 = vector.broadcast %select_n3A_422 : i32 to vector<128x1xi32>
    %rem3A_424 = arith.remsi %iota3A_417, %rem3A_423 : vector<128x1xi32>
    %ne3A_425 = arith.constant 0 : i32
    %ne3A_426 = vector.broadcast %ne3A_425 : i32 to vector<128x1xi32>
    %ne3A_427 = arith.cmpi ne, %rem3A_424, %ne3A_426 : vector<128x1xi32>
    %lt3A_428 = arith.constant 0 : i32
    %lt3A_429 = vector.broadcast %lt3A_428 : i32 to vector<128x1xi32>
    %lt3A_430 = arith.cmpi slt, %rem3A_424, %lt3A_429 : vector<128x1xi32>
    %lt3A_431 = arith.constant 0 : i32
    %lt3A_432 = arith.cmpi slt, %select_n3A_422, %lt3A_431 : i32
    %ne3A_433 = vector.broadcast %lt3A_432 : i1 to vector<128x1xi1>
    %ne3A_434 = vector.broadcast %ne3A_433 : vector<128x1xi1> to vector<128x1xi1>
    %ne3A_435 = arith.xori %lt3A_430, %ne3A_434 : vector<128x1xi1>
    %and3A_436 = arith.andi %ne3A_435, %ne3A_427 : vector<128x1xi1>
    %add3A_437 = vector.broadcast %select_n3A_422 : i32 to vector<128x1xi32>
    %add3A_438 = arith.addi %rem3A_424, %add3A_437 : vector<128x1xi32>
    %select_n3A_439 = arith.select %and3A_436, %add3A_438, %rem3A_424 : vector<128x1xi1>, vector<128x1xi32>
    %convert_element_type3A_440 = arith.sitofp %select_n3A_439 : vector<128x1xi32> to vector<128x1xf32>
    %get3A_441 = arith.constant 128 : index
    %get3A_442 = arith.constant 0 : index
    %get3A_443 = vector.load %arg9[%get3A_441, %get3A_442] : memref<512x1xf32, #tpu.memory_space<vmem>>, vector<128x1xf32>
    %lt3A_444 = arith.cmpf olt, %convert_element_type3A_440, %get3A_443 : vector<128x1xf32>
    %convert_element_type3A_445 = arith.extui %lt3A_444 : vector<128x1xi1> to vector<128x1xi32>
    %convert_element_type3A_446 = arith.sitofp %convert_element_type3A_445 : vector<128x1xi32> to vector<128x1xf32>
    %div3A_447 = arith.divf %convert_element_type3A_446, %add3A_416 : vector<128x1xf32>
    %mul3A_448 = arith.mulf %mul3A_296, %div3A_447 : vector<128x1xf32>
    %slice3A_449 = vector.extract_strided_slice %get3A_1 {offsets = [2048, 0], sizes = [128, 256], strides = [1, 1]} : vector<8192x256xf32> to vector<128x256xf32>
    %mul3A_450 = vector.broadcast %mul3A_448 : vector<128x1xf32> to vector<128x256xf32>
    %mul3A_451 = arith.mulf %mul3A_450, %slice3A_449 : vector<128x256xf32>
    %mul3A_452 = arith.mulf %mul3A_303, %div3A_447 : vector<128x1xf32>
    %slice3A_453 = vector.extract_strided_slice %get3A_1 {offsets = [2176, 0], sizes = [128, 256], strides = [1, 1]} : vector<8192x256xf32> to vector<128x256xf32>
    %mul3A_454 = vector.broadcast %mul3A_452 : vector<128x1xf32> to vector<128x256xf32>
    %mul3A_455 = arith.mulf %mul3A_454, %slice3A_453 : vector<128x256xf32>
    %add3A_456 = arith.addf %mul3A_451, %mul3A_455 : vector<128x256xf32>
    %mul3A_457 = arith.mulf %mul3A_311, %div3A_447 : vector<128x1xf32>
    %slice3A_458 = vector.extract_strided_slice %get3A_1 {offsets = [2304, 0], sizes = [128, 256], strides = [1, 1]} : vector<8192x256xf32> to vector<128x256xf32>
    %mul3A_459 = vector.broadcast %mul3A_457 : vector<128x1xf32> to vector<128x256xf32>
    %mul3A_460 = arith.mulf %mul3A_459, %slice3A_458 : vector<128x256xf32>
    %add3A_461 = arith.addf %add3A_456, %mul3A_460 : vector<128x256xf32>
    %mul3A_462 = arith.mulf %mul3A_319, %div3A_447 : vector<128x1xf32>
    %slice3A_463 = vector.extract_strided_slice %get3A_1 {offsets = [2432, 0], sizes = [128, 256], strides = [1, 1]} : vector<8192x256xf32> to vector<128x256xf32>
    %mul3A_464 = vector.broadcast %mul3A_462 : vector<128x1xf32> to vector<128x256xf32>
    %mul3A_465 = arith.mulf %mul3A_464, %slice3A_463 : vector<128x256xf32>
    %add3A_466 = arith.addf %add3A_461, %mul3A_465 : vector<128x256xf32>
    %mul3A_467 = arith.mulf %mul3A_327, %div3A_447 : vector<128x1xf32>
    %slice3A_468 = vector.extract_strided_slice %get3A_1 {offsets = [2560, 0], sizes = [128, 256], strides = [1, 1]} : vector<8192x256xf32> to vector<128x256xf32>
    %mul3A_469 = vector.broadcast %mul3A_467 : vector<128x1xf32> to vector<128x256xf32>
    %mul3A_470 = arith.mulf %mul3A_469, %slice3A_468 : vector<128x256xf32>
    %add3A_471 = arith.addf %add3A_466, %mul3A_470 : vector<128x256xf32>
    %mul3A_472 = arith.mulf %mul3A_335, %div3A_447 : vector<128x1xf32>
    %slice3A_473 = vector.extract_strided_slice %get3A_1 {offsets = [2688, 0], sizes = [128, 256], strides = [1, 1]} : vector<8192x256xf32> to vector<128x256xf32>
    %mul3A_474 = vector.broadcast %mul3A_472 : vector<128x1xf32> to vector<128x256xf32>
    %mul3A_475 = arith.mulf %mul3A_474, %slice3A_473 : vector<128x256xf32>
    %add3A_476 = arith.addf %add3A_471, %mul3A_475 : vector<128x256xf32>
    %mul3A_477 = arith.mulf %mul3A_343, %div3A_447 : vector<128x1xf32>
    %slice3A_478 = vector.extract_strided_slice %get3A_1 {offsets = [2816, 0], sizes = [128, 256], strides = [1, 1]} : vector<8192x256xf32> to vector<128x256xf32>
    %mul3A_479 = vector.broadcast %mul3A_477 : vector<128x1xf32> to vector<128x256xf32>
    %mul3A_480 = arith.mulf %mul3A_479, %slice3A_478 : vector<128x256xf32>
    %add3A_481 = arith.addf %add3A_476, %mul3A_480 : vector<128x256xf32>
    %mul3A_482 = arith.mulf %mul3A_351, %div3A_447 : vector<128x1xf32>
    %slice3A_483 = vector.extract_strided_slice %get3A_1 {offsets = [2944, 0], sizes = [128, 256], strides = [1, 1]} : vector<8192x256xf32> to vector<128x256xf32>
    %mul3A_484 = vector.broadcast %mul3A_482 : vector<128x1xf32> to vector<128x256xf32>
    %mul3A_485 = arith.mulf %mul3A_484, %slice3A_483 : vector<128x256xf32>
    %add3A_486 = arith.addf %add3A_481, %mul3A_485 : vector<128x256xf32>
    %mul3A_487 = arith.mulf %mul3A_359, %div3A_447 : vector<128x1xf32>
    %slice3A_488 = vector.extract_strided_slice %get3A_1 {offsets = [3072, 0], sizes = [128, 256], strides = [1, 1]} : vector<8192x256xf32> to vector<128x256xf32>
    %mul3A_489 = vector.broadcast %mul3A_487 : vector<128x1xf32> to vector<128x256xf32>
    %mul3A_490 = arith.mulf %mul3A_489, %slice3A_488 : vector<128x256xf32>
    %add3A_491 = arith.addf %add3A_486, %mul3A_490 : vector<128x256xf32>
    %mul3A_492 = arith.mulf %mul3A_367, %div3A_447 : vector<128x1xf32>
    %slice3A_493 = vector.extract_strided_slice %get3A_1 {offsets = [3200, 0], sizes = [128, 256], strides = [1, 1]} : vector<8192x256xf32> to vector<128x256xf32>
    %mul3A_494 = vector.broadcast %mul3A_492 : vector<128x1xf32> to vector<128x256xf32>
    %mul3A_495 = arith.mulf %mul3A_494, %slice3A_493 : vector<128x256xf32>
    %add3A_496 = arith.addf %add3A_491, %mul3A_495 : vector<128x256xf32>
    %mul3A_497 = arith.mulf %mul3A_375, %div3A_447 : vector<128x1xf32>
    %slice3A_498 = vector.extract_strided_slice %get3A_1 {offsets = [3328, 0], sizes = [128, 256], strides = [1, 1]} : vector<8192x256xf32> to vector<128x256xf32>
    %mul3A_499 = vector.broadcast %mul3A_497 : vector<128x1xf32> to vector<128x256xf32>
    %mul3A_500 = arith.mulf %mul3A_499, %slice3A_498 : vector<128x256xf32>
    %add3A_501 = arith.addf %add3A_496, %mul3A_500 : vector<128x256xf32>
    %mul3A_502 = arith.mulf %mul3A_383, %div3A_447 : vector<128x1xf32>
    %slice3A_503 = vector.extract_strided_slice %get3A_1 {offsets = [3456, 0], sizes = [128, 256], strides = [1, 1]} : vector<8192x256xf32> to vector<128x256xf32>
    %mul3A_504 = vector.broadcast %mul3A_502 : vector<128x1xf32> to vector<128x256xf32>
    %mul3A_505 = arith.mulf %mul3A_504, %slice3A_503 : vector<128x256xf32>
    %add3A_506 = arith.addf %add3A_501, %mul3A_505 : vector<128x256xf32>
    %mul3A_507 = arith.mulf %mul3A_391, %div3A_447 : vector<128x1xf32>
    %slice3A_508 = vector.extract_strided_slice %get3A_1 {offsets = [3584, 0], sizes = [128, 256], strides = [1, 1]} : vector<8192x256xf32> to vector<128x256xf32>
    %mul3A_509 = vector.broadcast %mul3A_507 : vector<128x1xf32> to vector<128x256xf32>
    %mul3A_510 = arith.mulf %mul3A_509, %slice3A_508 : vector<128x256xf32>
    %add3A_511 = arith.addf %add3A_506, %mul3A_510 : vector<128x256xf32>
    %mul3A_512 = arith.mulf %mul3A_399, %div3A_447 : vector<128x1xf32>
    %slice3A_513 = vector.extract_strided_slice %get3A_1 {offsets = [3712, 0], sizes = [128, 256], strides = [1, 1]} : vector<8192x256xf32> to vector<128x256xf32>
    %mul3A_514 = vector.broadcast %mul3A_512 : vector<128x1xf32> to vector<128x256xf32>
    %mul3A_515 = arith.mulf %mul3A_514, %slice3A_513 : vector<128x256xf32>
    %add3A_516 = arith.addf %add3A_511, %mul3A_515 : vector<128x256xf32>
    %mul3A_517 = arith.mulf %mul3A_407, %div3A_447 : vector<128x1xf32>
    %slice3A_518 = vector.extract_strided_slice %get3A_1 {offsets = [3840, 0], sizes = [128, 256], strides = [1, 1]} : vector<8192x256xf32> to vector<128x256xf32>
    %mul3A_519 = vector.broadcast %mul3A_517 : vector<128x1xf32> to vector<128x256xf32>
    %mul3A_520 = arith.mulf %mul3A_519, %slice3A_518 : vector<128x256xf32>
    %add3A_521 = arith.addf %add3A_516, %mul3A_520 : vector<128x256xf32>
    %mul3A_522 = arith.mulf %mul3A_415, %div3A_447 : vector<128x1xf32>
    %slice3A_523 = vector.extract_strided_slice %get3A_1 {offsets = [3968, 0], sizes = [128, 256], strides = [1, 1]} : vector<8192x256xf32> to vector<128x256xf32>
    %mul3A_524 = vector.broadcast %mul3A_522 : vector<128x1xf32> to vector<128x256xf32>
    %mul3A_525 = arith.mulf %mul3A_524, %slice3A_523 : vector<128x256xf32>
    %add3A_526 = arith.addf %add3A_521, %mul3A_525 : vector<128x256xf32>
    %swap3A_527 = arith.constant 128 : index
    %swap3A_528 = arith.constant 0 : index
    %swap3A_529 = vector.load %arg11[%swap3A_527, %swap3A_528] : memref<512x256xf32, #tpu.memory_space<vmem>>, vector<128x256xf32>
    tpu.vector_store %arg11[%swap3A_527, %swap3A_528], %add3A_526 {strides = array<i32>} : memref<512x256xf32, #tpu.memory_space<vmem>>, vector<128x256xf32>,
    %get3A_530 = arith.constant 2 : index
    %get3A_531 = arith.constant 0 : index
    %get3A_532 = arith.constant 0 : index
    %get3A_533 = vector.load %arg2[%get3A_530, %get3A_531, %get3A_532] : memref<4x1x256xf32, #tpu.memory_space<vmem>>, vector<1x1x256xf32>
    %get3A_534 = vector.shape_cast %get3A_533 : vector<1x1x256xf32> to vector<1x256xf32>
    %get3A_535 = arith.constant 0 : index
    %get3A_536 = arith.constant 0 : index
    %get3A_537 = vector.load %arg5[%get3A_535, %get3A_536] : memref<256x64xf32, #tpu.memory_space<vmem>>, vector<256x64xf32>
    %dot_general3A_538 = arith.constant dense<0.000000e+00> : vector<1x64xf32>
    %dot_general3A_539 = tpu.matmul %get3A_534, %get3A_537, %dot_general3A_538 {dimension_numbers = #tpu.dot_dimension_numbers<[1], [0], [0], [1], [0, 0, 1, 1], [], []>, transpose_lhs_hint = false} : vector<1x256xf32>, vector<256x64xf32>, vector<1x64xf32> -> vector<1x64xf32>
    %get3A_540 = arith.constant 0 : index
    %get3A_541 = arith.constant 0 : index
    %get3A_542 = vector.load %arg6[%get3A_540, %get3A_541] : memref<1x64xf32, #tpu.memory_space<vmem>>, vector<1x64xf32>
    %add3A_543 = arith.addf %dot_general3A_539, %get3A_542 : vector<1x64xf32>
    %slice3A_544 = vector.extract_strided_slice %add3A_10 {offsets = [4096, 0], sizes = [2048, 64], strides = [1, 1]} : vector<8192x64xf32> to vector<2048x64xf32>
    %add3A_545 = vector.broadcast %add3A_543 : vector<1x64xf32> to vector<2048x64xf32>
    %add3A_546 = arith.addf %slice3A_544, %add3A_545 : vector<2048x64xf32>
    %tanh3A_547 = math.tanh %add3A_546 : vector<2048x64xf32>
    %get3A_548 = arith.constant 0 : index
    %get3A_549 = arith.constant 0 : index
    %get3A_550 = vector.load %arg7[%get3A_548, %get3A_549] : memref<64x1xf32, #tpu.memory_space<vmem>>, vector<64x1xf32>
    %dot_general3A_551 = arith.constant dense<0.000000e+00> : vector<2048x1xf32>
    %dot_general3A_552 = tpu.matmul %tanh3A_547, %get3A_550, %dot_general3A_551 {dimension_numbers = #tpu.dot_dimension_numbers<[1], [0], [0], [1], [0, 0, 1, 1], [], []>, transpose_lhs_hint = false} : vector<2048x64xf32>, vector<64x1xf32>, vector<2048x1xf32> -> vector<2048x1xf32>
    %exp3A_553 = math.exp %dot_general3A_552 : vector<2048x1xf32>
    %get3A_554 = arith.constant 256 : index
    %get3A_555 = arith.constant 0 : index
    %get3A_556 = vector.load %arg8[%get3A_554, %get3A_555] : memref<512x1xf32, #tpu.memory_space<vmem>>, vector<128x1xf32>
    %slice3A_557 = vector.extract_strided_slice %exp3A_553 {offsets = [0, 0], sizes = [128, 1], strides = [1, 1]} : vector<2048x1xf32> to vector<128x1xf32>
    %gt3A_558 = arith.constant 0.000000e+00 : f32
    %gt3A_559 = vector.broadcast %gt3A_558 : f32 to vector<128x1xf32>
    %gt3A_560 = arith.cmpf ogt, %get3A_556, %gt3A_559 : vector<128x1xf32>
    %convert_element_type3A_561 = arith.extui %gt3A_560 : vector<128x1xi1> to vector<128x1xi32>
    %convert_element_type3A_562 = arith.sitofp %convert_element_type3A_561 : vector<128x1xi32> to vector<128x1xf32>
    %mul3A_563 = arith.mulf %slice3A_557, %convert_element_type3A_562 : vector<128x1xf32>
    %slice3A_564 = vector.extract_strided_slice %exp3A_553 {offsets = [128, 0], sizes = [128, 1], strides = [1, 1]} : vector<2048x1xf32> to vector<128x1xf32>
    %gt3A_565 = arith.constant 1.000000e+00 : f32
    %gt3A_566 = vector.broadcast %gt3A_565 : f32 to vector<128x1xf32>
    %gt3A_567 = arith.cmpf ogt, %get3A_556, %gt3A_566 : vector<128x1xf32>
    %convert_element_type3A_568 = arith.extui %gt3A_567 : vector<128x1xi1> to vector<128x1xi32>
    %convert_element_type3A_569 = arith.sitofp %convert_element_type3A_568 : vector<128x1xi32> to vector<128x1xf32>
    %mul3A_570 = arith.mulf %slice3A_564, %convert_element_type3A_569 : vector<128x1xf32>
    %add3A_571 = arith.addf %mul3A_563, %mul3A_570 : vector<128x1xf32>
    %slice3A_572 = vector.extract_strided_slice %exp3A_553 {offsets = [256, 0], sizes = [128, 1], strides = [1, 1]} : vector<2048x1xf32> to vector<128x1xf32>
    %gt3A_573 = arith.constant 2.000000e+00 : f32
    %gt3A_574 = vector.broadcast %gt3A_573 : f32 to vector<128x1xf32>
    %gt3A_575 = arith.cmpf ogt, %get3A_556, %gt3A_574 : vector<128x1xf32>
    %convert_element_type3A_576 = arith.extui %gt3A_575 : vector<128x1xi1> to vector<128x1xi32>
    %convert_element_type3A_577 = arith.sitofp %convert_element_type3A_576 : vector<128x1xi32> to vector<128x1xf32>
    %mul3A_578 = arith.mulf %slice3A_572, %convert_element_type3A_577 : vector<128x1xf32>
    %add3A_579 = arith.addf %add3A_571, %mul3A_578 : vector<128x1xf32>
    %slice3A_580 = vector.extract_strided_slice %exp3A_553 {offsets = [384, 0], sizes = [128, 1], strides = [1, 1]} : vector<2048x1xf32> to vector<128x1xf32>
    %gt3A_581 = arith.constant 3.000000e+00 : f32
    %gt3A_582 = vector.broadcast %gt3A_581 : f32 to vector<128x1xf32>
    %gt3A_583 = arith.cmpf ogt, %get3A_556, %gt3A_582 : vector<128x1xf32>
    %convert_element_type3A_584 = arith.extui %gt3A_583 : vector<128x1xi1> to vector<128x1xi32>
    %convert_element_type3A_585 = arith.sitofp %convert_element_type3A_584 : vector<128x1xi32> to vector<128x1xf32>
    %mul3A_586 = arith.mulf %slice3A_580, %convert_element_type3A_585 : vector<128x1xf32>
    %add3A_587 = arith.addf %add3A_579, %mul3A_586 : vector<128x1xf32>
    %slice3A_588 = vector.extract_strided_slice %exp3A_553 {offsets = [512, 0], sizes = [128, 1], strides = [1, 1]} : vector<2048x1xf32> to vector<128x1xf32>
    %gt3A_589 = arith.constant 4.000000e+00 : f32
    %gt3A_590 = vector.broadcast %gt3A_589 : f32 to vector<128x1xf32>
    %gt3A_591 = arith.cmpf ogt, %get3A_556, %gt3A_590 : vector<128x1xf32>
    %convert_element_type3A_592 = arith.extui %gt3A_591 : vector<128x1xi1> to vector<128x1xi32>
    %convert_element_type3A_593 = arith.sitofp %convert_element_type3A_592 : vector<128x1xi32> to vector<128x1xf32>
    %mul3A_594 = arith.mulf %slice3A_588, %convert_element_type3A_593 : vector<128x1xf32>
    %add3A_595 = arith.addf %add3A_587, %mul3A_594 : vector<128x1xf32>
    %slice3A_596 = vector.extract_strided_slice %exp3A_553 {offsets = [640, 0], sizes = [128, 1], strides = [1, 1]} : vector<2048x1xf32> to vector<128x1xf32>
    %gt3A_597 = arith.constant 5.000000e+00 : f32
    %gt3A_598 = vector.broadcast %gt3A_597 : f32 to vector<128x1xf32>
    %gt3A_599 = arith.cmpf ogt, %get3A_556, %gt3A_598 : vector<128x1xf32>
    %convert_element_type3A_600 = arith.extui %gt3A_599 : vector<128x1xi1> to vector<128x1xi32>
    %convert_element_type3A_601 = arith.sitofp %convert_element_type3A_600 : vector<128x1xi32> to vector<128x1xf32>
    %mul3A_602 = arith.mulf %slice3A_596, %convert_element_type3A_601 : vector<128x1xf32>
    %add3A_603 = arith.addf %add3A_595, %mul3A_602 : vector<128x1xf32>
    %slice3A_604 = vector.extract_strided_slice %exp3A_553 {offsets = [768, 0], sizes = [128, 1], strides = [1, 1]} : vector<2048x1xf32> to vector<128x1xf32>
    %gt3A_605 = arith.constant 6.000000e+00 : f32
    %gt3A_606 = vector.broadcast %gt3A_605 : f32 to vector<128x1xf32>
    %gt3A_607 = arith.cmpf ogt, %get3A_556, %gt3A_606 : vector<128x1xf32>
    %convert_element_type3A_608 = arith.extui %gt3A_607 : vector<128x1xi1> to vector<128x1xi32>
    %convert_element_type3A_609 = arith.sitofp %convert_element_type3A_608 : vector<128x1xi32> to vector<128x1xf32>
    %mul3A_610 = arith.mulf %slice3A_604, %convert_element_type3A_609 : vector<128x1xf32>
    %add3A_611 = arith.addf %add3A_603, %mul3A_610 : vector<128x1xf32>
    %slice3A_612 = vector.extract_strided_slice %exp3A_553 {offsets = [896, 0], sizes = [128, 1], strides = [1, 1]} : vector<2048x1xf32> to vector<128x1xf32>
    %gt3A_613 = arith.constant 7.000000e+00 : f32
    %gt3A_614 = vector.broadcast %gt3A_613 : f32 to vector<128x1xf32>
    %gt3A_615 = arith.cmpf ogt, %get3A_556, %gt3A_614 : vector<128x1xf32>
    %convert_element_type3A_616 = arith.extui %gt3A_615 : vector<128x1xi1> to vector<128x1xi32>
    %convert_element_type3A_617 = arith.sitofp %convert_element_type3A_616 : vector<128x1xi32> to vector<128x1xf32>
    %mul3A_618 = arith.mulf %slice3A_612, %convert_element_type3A_617 : vector<128x1xf32>
    %add3A_619 = arith.addf %add3A_611, %mul3A_618 : vector<128x1xf32>
    %slice3A_620 = vector.extract_strided_slice %exp3A_553 {offsets = [1024, 0], sizes = [128, 1], strides = [1, 1]} : vector<2048x1xf32> to vector<128x1xf32>
    %gt3A_621 = arith.constant 8.000000e+00 : f32
    %gt3A_622 = vector.broadcast %gt3A_621 : f32 to vector<128x1xf32>
    %gt3A_623 = arith.cmpf ogt, %get3A_556, %gt3A_622 : vector<128x1xf32>
    %convert_element_type3A_624 = arith.extui %gt3A_623 : vector<128x1xi1> to vector<128x1xi32>
    %convert_element_type3A_625 = arith.sitofp %convert_element_type3A_624 : vector<128x1xi32> to vector<128x1xf32>
    %mul3A_626 = arith.mulf %slice3A_620, %convert_element_type3A_625 : vector<128x1xf32>
    %add3A_627 = arith.addf %add3A_619, %mul3A_626 : vector<128x1xf32>
    %slice3A_628 = vector.extract_strided_slice %exp3A_553 {offsets = [1152, 0], sizes = [128, 1], strides = [1, 1]} : vector<2048x1xf32> to vector<128x1xf32>
    %gt3A_629 = arith.constant 9.000000e+00 : f32
    %gt3A_630 = vector.broadcast %gt3A_629 : f32 to vector<128x1xf32>
    %gt3A_631 = arith.cmpf ogt, %get3A_556, %gt3A_630 : vector<128x1xf32>
    %convert_element_type3A_632 = arith.extui %gt3A_631 : vector<128x1xi1> to vector<128x1xi32>
    %convert_element_type3A_633 = arith.sitofp %convert_element_type3A_632 : vector<128x1xi32> to vector<128x1xf32>
    %mul3A_634 = arith.mulf %slice3A_628, %convert_element_type3A_633 : vector<128x1xf32>
    %add3A_635 = arith.addf %add3A_627, %mul3A_634 : vector<128x1xf32>
    %slice3A_636 = vector.extract_strided_slice %exp3A_553 {offsets = [1280, 0], sizes = [128, 1], strides = [1, 1]} : vector<2048x1xf32> to vector<128x1xf32>
    %gt3A_637 = arith.constant 1.000000e+01 : f32
    %gt3A_638 = vector.broadcast %gt3A_637 : f32 to vector<128x1xf32>
    %gt3A_639 = arith.cmpf ogt, %get3A_556, %gt3A_638 : vector<128x1xf32>
    %convert_element_type3A_640 = arith.extui %gt3A_639 : vector<128x1xi1> to vector<128x1xi32>
    %convert_element_type3A_641 = arith.sitofp %convert_element_type3A_640 : vector<128x1xi32> to vector<128x1xf32>
    %mul3A_642 = arith.mulf %slice3A_636, %convert_element_type3A_641 : vector<128x1xf32>
    %add3A_643 = arith.addf %add3A_635, %mul3A_642 : vector<128x1xf32>
    %slice3A_644 = vector.extract_strided_slice %exp3A_553 {offsets = [1408, 0], sizes = [128, 1], strides = [1, 1]} : vector<2048x1xf32> to vector<128x1xf32>
    %gt3A_645 = arith.constant 1.100000e+01 : f32
    %gt3A_646 = vector.broadcast %gt3A_645 : f32 to vector<128x1xf32>
    %gt3A_647 = arith.cmpf ogt, %get3A_556, %gt3A_646 : vector<128x1xf32>
    %convert_element_type3A_648 = arith.extui %gt3A_647 : vector<128x1xi1> to vector<128x1xi32>
    %convert_element_type3A_649 = arith.sitofp %convert_element_type3A_648 : vector<128x1xi32> to vector<128x1xf32>
    %mul3A_650 = arith.mulf %slice3A_644, %convert_element_type3A_649 : vector<128x1xf32>
    %add3A_651 = arith.addf %add3A_643, %mul3A_650 : vector<128x1xf32>
    %slice3A_652 = vector.extract_strided_slice %exp3A_553 {offsets = [1536, 0], sizes = [128, 1], strides = [1, 1]} : vector<2048x1xf32> to vector<128x1xf32>
    %gt3A_653 = arith.constant 1.200000e+01 : f32
    %gt3A_654 = vector.broadcast %gt3A_653 : f32 to vector<128x1xf32>
    %gt3A_655 = arith.cmpf ogt, %get3A_556, %gt3A_654 : vector<128x1xf32>
    %convert_element_type3A_656 = arith.extui %gt3A_655 : vector<128x1xi1> to vector<128x1xi32>
    %convert_element_type3A_657 = arith.sitofp %convert_element_type3A_656 : vector<128x1xi32> to vector<128x1xf32>
    %mul3A_658 = arith.mulf %slice3A_652, %convert_element_type3A_657 : vector<128x1xf32>
    %add3A_659 = arith.addf %add3A_651, %mul3A_658 : vector<128x1xf32>
    %slice3A_660 = vector.extract_strided_slice %exp3A_553 {offsets = [1664, 0], sizes = [128, 1], strides = [1, 1]} : vector<2048x1xf32> to vector<128x1xf32>
    %gt3A_661 = arith.constant 1.300000e+01 : f32
    %gt3A_662 = vector.broadcast %gt3A_661 : f32 to vector<128x1xf32>
    %gt3A_663 = arith.cmpf ogt, %get3A_556, %gt3A_662 : vector<128x1xf32>
    %convert_element_type3A_664 = arith.extui %gt3A_663 : vector<128x1xi1> to vector<128x1xi32>
    %convert_element_type3A_665 = arith.sitofp %convert_element_type3A_664 : vector<128x1xi32> to vector<128x1xf32>
    %mul3A_666 = arith.mulf %slice3A_660, %convert_element_type3A_665 : vector<128x1xf32>
    %add3A_667 = arith.addf %add3A_659, %mul3A_666 : vector<128x1xf32>
    %slice3A_668 = vector.extract_strided_slice %exp3A_553 {offsets = [1792, 0], sizes = [128, 1], strides = [1, 1]} : vector<2048x1xf32> to vector<128x1xf32>
    %gt3A_669 = arith.constant 1.400000e+01 : f32
    %gt3A_670 = vector.broadcast %gt3A_669 : f32 to vector<128x1xf32>
    %gt3A_671 = arith.cmpf ogt, %get3A_556, %gt3A_670 : vector<128x1xf32>
    %convert_element_type3A_672 = arith.extui %gt3A_671 : vector<128x1xi1> to vector<128x1xi32>
    %convert_element_type3A_673 = arith.sitofp %convert_element_type3A_672 : vector<128x1xi32> to vector<128x1xf32>
    %mul3A_674 = arith.mulf %slice3A_668, %convert_element_type3A_673 : vector<128x1xf32>
    %add3A_675 = arith.addf %add3A_667, %mul3A_674 : vector<128x1xf32>
    %slice3A_676 = vector.extract_strided_slice %exp3A_553 {offsets = [1920, 0], sizes = [128, 1], strides = [1, 1]} : vector<2048x1xf32> to vector<128x1xf32>
    %gt3A_677 = arith.constant 1.500000e+01 : f32
    %gt3A_678 = vector.broadcast %gt3A_677 : f32 to vector<128x1xf32>
    %gt3A_679 = arith.cmpf ogt, %get3A_556, %gt3A_678 : vector<128x1xf32>
    %convert_element_type3A_680 = arith.extui %gt3A_679 : vector<128x1xi1> to vector<128x1xi32>
    %convert_element_type3A_681 = arith.sitofp %convert_element_type3A_680 : vector<128x1xi32> to vector<128x1xf32>
    %mul3A_682 = arith.mulf %slice3A_676, %convert_element_type3A_681 : vector<128x1xf32>
    %add3A_683 = arith.addf %add3A_675, %mul3A_682 : vector<128x1xf32>
    %iota3A_684 = tpu.iota {dimensions = array<i32: 0>} : vector<128x1xi32>
    %jit3A_685 = arith.constant 32 : i32
    %eq3A_686 = arith.constant 0 : i32
    %eq3A_687 = arith.cmpi eq, %jit3A_685, %eq3A_686 : i32
    %jit3A_688 = arith.constant 1 : i32
    %select_n3A_689 = arith.select %eq3A_687, %jit3A_688, %jit3A_685 : i32
    %rem3A_690 = vector.broadcast %select_n3A_689 : i32 to vector<128x1xi32>
    %rem3A_691 = arith.remsi %iota3A_684, %rem3A_690 : vector<128x1xi32>
    %ne3A_692 = arith.constant 0 : i32
    %ne3A_693 = vector.broadcast %ne3A_692 : i32 to vector<128x1xi32>
    %ne3A_694 = arith.cmpi ne, %rem3A_691, %ne3A_693 : vector<128x1xi32>
    %lt3A_695 = arith.constant 0 : i32
    %lt3A_696 = vector.broadcast %lt3A_695 : i32 to vector<128x1xi32>
    %lt3A_697 = arith.cmpi slt, %rem3A_691, %lt3A_696 : vector<128x1xi32>
    %lt3A_698 = arith.constant 0 : i32
    %lt3A_699 = arith.cmpi slt, %select_n3A_689, %lt3A_698 : i32
    %ne3A_700 = vector.broadcast %lt3A_699 : i1 to vector<128x1xi1>
    %ne3A_701 = vector.broadcast %ne3A_700 : vector<128x1xi1> to vector<128x1xi1>
    %ne3A_702 = arith.xori %lt3A_697, %ne3A_701 : vector<128x1xi1>
    %and3A_703 = arith.andi %ne3A_702, %ne3A_694 : vector<128x1xi1>
    %add3A_704 = vector.broadcast %select_n3A_689 : i32 to vector<128x1xi32>
    %add3A_705 = arith.addi %rem3A_691, %add3A_704 : vector<128x1xi32>
    %select_n3A_706 = arith.select %and3A_703, %add3A_705, %rem3A_691 : vector<128x1xi1>, vector<128x1xi32>
    %convert_element_type3A_707 = arith.sitofp %select_n3A_706 : vector<128x1xi32> to vector<128x1xf32>
    %get3A_708 = arith.constant 256 : index
    %get3A_709 = arith.constant 0 : index
    %get3A_710 = vector.load %arg9[%get3A_708, %get3A_709] : memref<512x1xf32, #tpu.memory_space<vmem>>, vector<128x1xf32>
    %lt3A_711 = arith.cmpf olt, %convert_element_type3A_707, %get3A_710 : vector<128x1xf32>
    %convert_element_type3A_712 = arith.extui %lt3A_711 : vector<128x1xi1> to vector<128x1xi32>
    %convert_element_type3A_713 = arith.sitofp %convert_element_type3A_712 : vector<128x1xi32> to vector<128x1xf32>
    %div3A_714 = arith.divf %convert_element_type3A_713, %add3A_683 : vector<128x1xf32>
    %mul3A_715 = arith.mulf %mul3A_563, %div3A_714 : vector<128x1xf32>
    %slice3A_716 = vector.extract_strided_slice %get3A_1 {offsets = [4096, 0], sizes = [128, 256], strides = [1, 1]} : vector<8192x256xf32> to vector<128x256xf32>
    %mul3A_717 = vector.broadcast %mul3A_715 : vector<128x1xf32> to vector<128x256xf32>
    %mul3A_718 = arith.mulf %mul3A_717, %slice3A_716 : vector<128x256xf32>
    %mul3A_719 = arith.mulf %mul3A_570, %div3A_714 : vector<128x1xf32>
    %slice3A_720 = vector.extract_strided_slice %get3A_1 {offsets = [4224, 0], sizes = [128, 256], strides = [1, 1]} : vector<8192x256xf32> to vector<128x256xf32>
    %mul3A_721 = vector.broadcast %mul3A_719 : vector<128x1xf32> to vector<128x256xf32>
    %mul3A_722 = arith.mulf %mul3A_721, %slice3A_720 : vector<128x256xf32>
    %add3A_723 = arith.addf %mul3A_718, %mul3A_722 : vector<128x256xf32>
    %mul3A_724 = arith.mulf %mul3A_578, %div3A_714 : vector<128x1xf32>
    %slice3A_725 = vector.extract_strided_slice %get3A_1 {offsets = [4352, 0], sizes = [128, 256], strides = [1, 1]} : vector<8192x256xf32> to vector<128x256xf32>
    %mul3A_726 = vector.broadcast %mul3A_724 : vector<128x1xf32> to vector<128x256xf32>
    %mul3A_727 = arith.mulf %mul3A_726, %slice3A_725 : vector<128x256xf32>
    %add3A_728 = arith.addf %add3A_723, %mul3A_727 : vector<128x256xf32>
    %mul3A_729 = arith.mulf %mul3A_586, %div3A_714 : vector<128x1xf32>
    %slice3A_730 = vector.extract_strided_slice %get3A_1 {offsets = [4480, 0], sizes = [128, 256], strides = [1, 1]} : vector<8192x256xf32> to vector<128x256xf32>
    %mul3A_731 = vector.broadcast %mul3A_729 : vector<128x1xf32> to vector<128x256xf32>
    %mul3A_732 = arith.mulf %mul3A_731, %slice3A_730 : vector<128x256xf32>
    %add3A_733 = arith.addf %add3A_728, %mul3A_732 : vector<128x256xf32>
    %mul3A_734 = arith.mulf %mul3A_594, %div3A_714 : vector<128x1xf32>
    %slice3A_735 = vector.extract_strided_slice %get3A_1 {offsets = [4608, 0], sizes = [128, 256], strides = [1, 1]} : vector<8192x256xf32> to vector<128x256xf32>
    %mul3A_736 = vector.broadcast %mul3A_734 : vector<128x1xf32> to vector<128x256xf32>
    %mul3A_737 = arith.mulf %mul3A_736, %slice3A_735 : vector<128x256xf32>
    %add3A_738 = arith.addf %add3A_733, %mul3A_737 : vector<128x256xf32>
    %mul3A_739 = arith.mulf %mul3A_602, %div3A_714 : vector<128x1xf32>
    %slice3A_740 = vector.extract_strided_slice %get3A_1 {offsets = [4736, 0], sizes = [128, 256], strides = [1, 1]} : vector<8192x256xf32> to vector<128x256xf32>
    %mul3A_741 = vector.broadcast %mul3A_739 : vector<128x1xf32> to vector<128x256xf32>
    %mul3A_742 = arith.mulf %mul3A_741, %slice3A_740 : vector<128x256xf32>
    %add3A_743 = arith.addf %add3A_738, %mul3A_742 : vector<128x256xf32>
    %mul3A_744 = arith.mulf %mul3A_610, %div3A_714 : vector<128x1xf32>
    %slice3A_745 = vector.extract_strided_slice %get3A_1 {offsets = [4864, 0], sizes = [128, 256], strides = [1, 1]} : vector<8192x256xf32> to vector<128x256xf32>
    %mul3A_746 = vector.broadcast %mul3A_744 : vector<128x1xf32> to vector<128x256xf32>
    %mul3A_747 = arith.mulf %mul3A_746, %slice3A_745 : vector<128x256xf32>
    %add3A_748 = arith.addf %add3A_743, %mul3A_747 : vector<128x256xf32>
    %mul3A_749 = arith.mulf %mul3A_618, %div3A_714 : vector<128x1xf32>
    %slice3A_750 = vector.extract_strided_slice %get3A_1 {offsets = [4992, 0], sizes = [128, 256], strides = [1, 1]} : vector<8192x256xf32> to vector<128x256xf32>
    %mul3A_751 = vector.broadcast %mul3A_749 : vector<128x1xf32> to vector<128x256xf32>
    %mul3A_752 = arith.mulf %mul3A_751, %slice3A_750 : vector<128x256xf32>
    %add3A_753 = arith.addf %add3A_748, %mul3A_752 : vector<128x256xf32>
    %mul3A_754 = arith.mulf %mul3A_626, %div3A_714 : vector<128x1xf32>
    %slice3A_755 = vector.extract_strided_slice %get3A_1 {offsets = [5120, 0], sizes = [128, 256], strides = [1, 1]} : vector<8192x256xf32> to vector<128x256xf32>
    %mul3A_756 = vector.broadcast %mul3A_754 : vector<128x1xf32> to vector<128x256xf32>
    %mul3A_757 = arith.mulf %mul3A_756, %slice3A_755 : vector<128x256xf32>
    %add3A_758 = arith.addf %add3A_753, %mul3A_757 : vector<128x256xf32>
    %mul3A_759 = arith.mulf %mul3A_634, %div3A_714 : vector<128x1xf32>
    %slice3A_760 = vector.extract_strided_slice %get3A_1 {offsets = [5248, 0], sizes = [128, 256], strides = [1, 1]} : vector<8192x256xf32> to vector<128x256xf32>
    %mul3A_761 = vector.broadcast %mul3A_759 : vector<128x1xf32> to vector<128x256xf32>
    %mul3A_762 = arith.mulf %mul3A_761, %slice3A_760 : vector<128x256xf32>
    %add3A_763 = arith.addf %add3A_758, %mul3A_762 : vector<128x256xf32>
    %mul3A_764 = arith.mulf %mul3A_642, %div3A_714 : vector<128x1xf32>
    %slice3A_765 = vector.extract_strided_slice %get3A_1 {offsets = [5376, 0], sizes = [128, 256], strides = [1, 1]} : vector<8192x256xf32> to vector<128x256xf32>
    %mul3A_766 = vector.broadcast %mul3A_764 : vector<128x1xf32> to vector<128x256xf32>
    %mul3A_767 = arith.mulf %mul3A_766, %slice3A_765 : vector<128x256xf32>
    %add3A_768 = arith.addf %add3A_763, %mul3A_767 : vector<128x256xf32>
    %mul3A_769 = arith.mulf %mul3A_650, %div3A_714 : vector<128x1xf32>
    %slice3A_770 = vector.extract_strided_slice %get3A_1 {offsets = [5504, 0], sizes = [128, 256], strides = [1, 1]} : vector<8192x256xf32> to vector<128x256xf32>
    %mul3A_771 = vector.broadcast %mul3A_769 : vector<128x1xf32> to vector<128x256xf32>
    %mul3A_772 = arith.mulf %mul3A_771, %slice3A_770 : vector<128x256xf32>
    %add3A_773 = arith.addf %add3A_768, %mul3A_772 : vector<128x256xf32>
    %mul3A_774 = arith.mulf %mul3A_658, %div3A_714 : vector<128x1xf32>
    %slice3A_775 = vector.extract_strided_slice %get3A_1 {offsets = [5632, 0], sizes = [128, 256], strides = [1, 1]} : vector<8192x256xf32> to vector<128x256xf32>
    %mul3A_776 = vector.broadcast %mul3A_774 : vector<128x1xf32> to vector<128x256xf32>
    %mul3A_777 = arith.mulf %mul3A_776, %slice3A_775 : vector<128x256xf32>
    %add3A_778 = arith.addf %add3A_773, %mul3A_777 : vector<128x256xf32>
    %mul3A_779 = arith.mulf %mul3A_666, %div3A_714 : vector<128x1xf32>
    %slice3A_780 = vector.extract_strided_slice %get3A_1 {offsets = [5760, 0], sizes = [128, 256], strides = [1, 1]} : vector<8192x256xf32> to vector<128x256xf32>
    %mul3A_781 = vector.broadcast %mul3A_779 : vector<128x1xf32> to vector<128x256xf32>
    %mul3A_782 = arith.mulf %mul3A_781, %slice3A_780 : vector<128x256xf32>
    %add3A_783 = arith.addf %add3A_778, %mul3A_782 : vector<128x256xf32>
    %mul3A_784 = arith.mulf %mul3A_674, %div3A_714 : vector<128x1xf32>
    %slice3A_785 = vector.extract_strided_slice %get3A_1 {offsets = [5888, 0], sizes = [128, 256], strides = [1, 1]} : vector<8192x256xf32> to vector<128x256xf32>
    %mul3A_786 = vector.broadcast %mul3A_784 : vector<128x1xf32> to vector<128x256xf32>
    %mul3A_787 = arith.mulf %mul3A_786, %slice3A_785 : vector<128x256xf32>
    %add3A_788 = arith.addf %add3A_783, %mul3A_787 : vector<128x256xf32>
    %mul3A_789 = arith.mulf %mul3A_682, %div3A_714 : vector<128x1xf32>
    %slice3A_790 = vector.extract_strided_slice %get3A_1 {offsets = [6016, 0], sizes = [128, 256], strides = [1, 1]} : vector<8192x256xf32> to vector<128x256xf32>
    %mul3A_791 = vector.broadcast %mul3A_789 : vector<128x1xf32> to vector<128x256xf32>
    %mul3A_792 = arith.mulf %mul3A_791, %slice3A_790 : vector<128x256xf32>
    %add3A_793 = arith.addf %add3A_788, %mul3A_792 : vector<128x256xf32>
    %swap3A_794 = arith.constant 256 : index
    %swap3A_795 = arith.constant 0 : index
    %swap3A_796 = vector.load %arg11[%swap3A_794, %swap3A_795] : memref<512x256xf32, #tpu.memory_space<vmem>>, vector<128x256xf32>
    tpu.vector_store %arg11[%swap3A_794, %swap3A_795], %add3A_793 {strides = array<i32>} : memref<512x256xf32, #tpu.memory_space<vmem>>, vector<128x256xf32>,
    %get3A_797 = arith.constant 3 : index
    %get3A_798 = arith.constant 0 : index
    %get3A_799 = arith.constant 0 : index
    %get3A_800 = vector.load %arg2[%get3A_797, %get3A_798, %get3A_799] : memref<4x1x256xf32, #tpu.memory_space<vmem>>, vector<1x1x256xf32>
    %get3A_801 = vector.shape_cast %get3A_800 : vector<1x1x256xf32> to vector<1x256xf32>
    %get3A_802 = arith.constant 0 : index
    %get3A_803 = arith.constant 0 : index
    %get3A_804 = vector.load %arg5[%get3A_802, %get3A_803] : memref<256x64xf32, #tpu.memory_space<vmem>>, vector<256x64xf32>
    %dot_general3A_805 = arith.constant dense<0.000000e+00> : vector<1x64xf32>
    %dot_general3A_806 = tpu.matmul %get3A_801, %get3A_804, %dot_general3A_805 {dimension_numbers = #tpu.dot_dimension_numbers<[1], [0], [0], [1], [0, 0, 1, 1], [], []>, transpose_lhs_hint = false} : vector<1x256xf32>, vector<256x64xf32>, vector<1x64xf32> -> vector<1x64xf32>
    %get3A_807 = arith.constant 0 : index
    %get3A_808 = arith.constant 0 : index
    %get3A_809 = vector.load %arg6[%get3A_807, %get3A_808] : memref<1x64xf32, #tpu.memory_space<vmem>>, vector<1x64xf32>
    %add3A_810 = arith.addf %dot_general3A_806, %get3A_809 : vector<1x64xf32>
    %slice3A_811 = vector.extract_strided_slice %add3A_10 {offsets = [6144, 0], sizes = [2048, 64], strides = [1, 1]} : vector<8192x64xf32> to vector<2048x64xf32>
    %add3A_812 = vector.broadcast %add3A_810 : vector<1x64xf32> to vector<2048x64xf32>
    %add3A_813 = arith.addf %slice3A_811, %add3A_812 : vector<2048x64xf32>
    %tanh3A_814 = math.tanh %add3A_813 : vector<2048x64xf32>
    %get3A_815 = arith.constant 0 : index
    %get3A_816 = arith.constant 0 : index
    %get3A_817 = vector.load %arg7[%get3A_815, %get3A_816] : memref<64x1xf32, #tpu.memory_space<vmem>>, vector<64x1xf32>
    %dot_general3A_818 = arith.constant dense<0.000000e+00> : vector<2048x1xf32>
    %dot_general3A_819 = tpu.matmul %tanh3A_814, %get3A_817, %dot_general3A_818 {dimension_numbers = #tpu.dot_dimension_numbers<[1], [0], [0], [1], [0, 0, 1, 1], [], []>, transpose_lhs_hint = false} : vector<2048x64xf32>, vector<64x1xf32>, vector<2048x1xf32> -> vector<2048x1xf32>
    %exp3A_820 = math.exp %dot_general3A_819 : vector<2048x1xf32>
    %get3A_821 = arith.constant 384 : index
    %get3A_822 = arith.constant 0 : index
    %get3A_823 = vector.load %arg8[%get3A_821, %get3A_822] : memref<512x1xf32, #tpu.memory_space<vmem>>, vector<128x1xf32>
    %slice3A_824 = vector.extract_strided_slice %exp3A_820 {offsets = [0, 0], sizes = [128, 1], strides = [1, 1]} : vector<2048x1xf32> to vector<128x1xf32>
    %gt3A_825 = arith.constant 0.000000e+00 : f32
    %gt3A_826 = vector.broadcast %gt3A_825 : f32 to vector<128x1xf32>
    %gt3A_827 = arith.cmpf ogt, %get3A_823, %gt3A_826 : vector<128x1xf32>
    %convert_element_type3A_828 = arith.extui %gt3A_827 : vector<128x1xi1> to vector<128x1xi32>
    %convert_element_type3A_829 = arith.sitofp %convert_element_type3A_828 : vector<128x1xi32> to vector<128x1xf32>
    %mul3A_830 = arith.mulf %slice3A_824, %convert_element_type3A_829 : vector<128x1xf32>
    %slice3A_831 = vector.extract_strided_slice %exp3A_820 {offsets = [128, 0], sizes = [128, 1], strides = [1, 1]} : vector<2048x1xf32> to vector<128x1xf32>
    %gt3A_832 = arith.constant 1.000000e+00 : f32
    %gt3A_833 = vector.broadcast %gt3A_832 : f32 to vector<128x1xf32>
    %gt3A_834 = arith.cmpf ogt, %get3A_823, %gt3A_833 : vector<128x1xf32>
    %convert_element_type3A_835 = arith.extui %gt3A_834 : vector<128x1xi1> to vector<128x1xi32>
    %convert_element_type3A_836 = arith.sitofp %convert_element_type3A_835 : vector<128x1xi32> to vector<128x1xf32>
    %mul3A_837 = arith.mulf %slice3A_831, %convert_element_type3A_836 : vector<128x1xf32>
    %add3A_838 = arith.addf %mul3A_830, %mul3A_837 : vector<128x1xf32>
    %slice3A_839 = vector.extract_strided_slice %exp3A_820 {offsets = [256, 0], sizes = [128, 1], strides = [1, 1]} : vector<2048x1xf32> to vector<128x1xf32>
    %gt3A_840 = arith.constant 2.000000e+00 : f32
    %gt3A_841 = vector.broadcast %gt3A_840 : f32 to vector<128x1xf32>
    %gt3A_842 = arith.cmpf ogt, %get3A_823, %gt3A_841 : vector<128x1xf32>
    %convert_element_type3A_843 = arith.extui %gt3A_842 : vector<128x1xi1> to vector<128x1xi32>
    %convert_element_type3A_844 = arith.sitofp %convert_element_type3A_843 : vector<128x1xi32> to vector<128x1xf32>
    %mul3A_845 = arith.mulf %slice3A_839, %convert_element_type3A_844 : vector<128x1xf32>
    %add3A_846 = arith.addf %add3A_838, %mul3A_845 : vector<128x1xf32>
    %slice3A_847 = vector.extract_strided_slice %exp3A_820 {offsets = [384, 0], sizes = [128, 1], strides = [1, 1]} : vector<2048x1xf32> to vector<128x1xf32>
    %gt3A_848 = arith.constant 3.000000e+00 : f32
    %gt3A_849 = vector.broadcast %gt3A_848 : f32 to vector<128x1xf32>
    %gt3A_850 = arith.cmpf ogt, %get3A_823, %gt3A_849 : vector<128x1xf32>
    %convert_element_type3A_851 = arith.extui %gt3A_850 : vector<128x1xi1> to vector<128x1xi32>
    %convert_element_type3A_852 = arith.sitofp %convert_element_type3A_851 : vector<128x1xi32> to vector<128x1xf32>
    %mul3A_853 = arith.mulf %slice3A_847, %convert_element_type3A_852 : vector<128x1xf32>
    %add3A_854 = arith.addf %add3A_846, %mul3A_853 : vector<128x1xf32>
    %slice3A_855 = vector.extract_strided_slice %exp3A_820 {offsets = [512, 0], sizes = [128, 1], strides = [1, 1]} : vector<2048x1xf32> to vector<128x1xf32>
    %gt3A_856 = arith.constant 4.000000e+00 : f32
    %gt3A_857 = vector.broadcast %gt3A_856 : f32 to vector<128x1xf32>
    %gt3A_858 = arith.cmpf ogt, %get3A_823, %gt3A_857 : vector<128x1xf32>
    %convert_element_type3A_859 = arith.extui %gt3A_858 : vector<128x1xi1> to vector<128x1xi32>
    %convert_element_type3A_860 = arith.sitofp %convert_element_type3A_859 : vector<128x1xi32> to vector<128x1xf32>
    %mul3A_861 = arith.mulf %slice3A_855, %convert_element_type3A_860 : vector<128x1xf32>
    %add3A_862 = arith.addf %add3A_854, %mul3A_861 : vector<128x1xf32>
    %slice3A_863 = vector.extract_strided_slice %exp3A_820 {offsets = [640, 0], sizes = [128, 1], strides = [1, 1]} : vector<2048x1xf32> to vector<128x1xf32>
    %gt3A_864 = arith.constant 5.000000e+00 : f32
    %gt3A_865 = vector.broadcast %gt3A_864 : f32 to vector<128x1xf32>
    %gt3A_866 = arith.cmpf ogt, %get3A_823, %gt3A_865 : vector<128x1xf32>
    %convert_element_type3A_867 = arith.extui %gt3A_866 : vector<128x1xi1> to vector<128x1xi32>
    %convert_element_type3A_868 = arith.sitofp %convert_element_type3A_867 : vector<128x1xi32> to vector<128x1xf32>
    %mul3A_869 = arith.mulf %slice3A_863, %convert_element_type3A_868 : vector<128x1xf32>
    %add3A_870 = arith.addf %add3A_862, %mul3A_869 : vector<128x1xf32>
    %slice3A_871 = vector.extract_strided_slice %exp3A_820 {offsets = [768, 0], sizes = [128, 1], strides = [1, 1]} : vector<2048x1xf32> to vector<128x1xf32>
    %gt3A_872 = arith.constant 6.000000e+00 : f32
    %gt3A_873 = vector.broadcast %gt3A_872 : f32 to vector<128x1xf32>
    %gt3A_874 = arith.cmpf ogt, %get3A_823, %gt3A_873 : vector<128x1xf32>
    %convert_element_type3A_875 = arith.extui %gt3A_874 : vector<128x1xi1> to vector<128x1xi32>
    %convert_element_type3A_876 = arith.sitofp %convert_element_type3A_875 : vector<128x1xi32> to vector<128x1xf32>
    %mul3A_877 = arith.mulf %slice3A_871, %convert_element_type3A_876 : vector<128x1xf32>
    %add3A_878 = arith.addf %add3A_870, %mul3A_877 : vector<128x1xf32>
    %slice3A_879 = vector.extract_strided_slice %exp3A_820 {offsets = [896, 0], sizes = [128, 1], strides = [1, 1]} : vector<2048x1xf32> to vector<128x1xf32>
    %gt3A_880 = arith.constant 7.000000e+00 : f32
    %gt3A_881 = vector.broadcast %gt3A_880 : f32 to vector<128x1xf32>
    %gt3A_882 = arith.cmpf ogt, %get3A_823, %gt3A_881 : vector<128x1xf32>
    %convert_element_type3A_883 = arith.extui %gt3A_882 : vector<128x1xi1> to vector<128x1xi32>
    %convert_element_type3A_884 = arith.sitofp %convert_element_type3A_883 : vector<128x1xi32> to vector<128x1xf32>
    %mul3A_885 = arith.mulf %slice3A_879, %convert_element_type3A_884 : vector<128x1xf32>
    %add3A_886 = arith.addf %add3A_878, %mul3A_885 : vector<128x1xf32>
    %slice3A_887 = vector.extract_strided_slice %exp3A_820 {offsets = [1024, 0], sizes = [128, 1], strides = [1, 1]} : vector<2048x1xf32> to vector<128x1xf32>
    %gt3A_888 = arith.constant 8.000000e+00 : f32
    %gt3A_889 = vector.broadcast %gt3A_888 : f32 to vector<128x1xf32>
    %gt3A_890 = arith.cmpf ogt, %get3A_823, %gt3A_889 : vector<128x1xf32>
    %convert_element_type3A_891 = arith.extui %gt3A_890 : vector<128x1xi1> to vector<128x1xi32>
    %convert_element_type3A_892 = arith.sitofp %convert_element_type3A_891 : vector<128x1xi32> to vector<128x1xf32>
    %mul3A_893 = arith.mulf %slice3A_887, %convert_element_type3A_892 : vector<128x1xf32>
    %add3A_894 = arith.addf %add3A_886, %mul3A_893 : vector<128x1xf32>
    %slice3A_895 = vector.extract_strided_slice %exp3A_820 {offsets = [1152, 0], sizes = [128, 1], strides = [1, 1]} : vector<2048x1xf32> to vector<128x1xf32>
    %gt3A_896 = arith.constant 9.000000e+00 : f32
    %gt3A_897 = vector.broadcast %gt3A_896 : f32 to vector<128x1xf32>
    %gt3A_898 = arith.cmpf ogt, %get3A_823, %gt3A_897 : vector<128x1xf32>
    %convert_element_type3A_899 = arith.extui %gt3A_898 : vector<128x1xi1> to vector<128x1xi32>
    %convert_element_type3A_900 = arith.sitofp %convert_element_type3A_899 : vector<128x1xi32> to vector<128x1xf32>
    %mul3A_901 = arith.mulf %slice3A_895, %convert_element_type3A_900 : vector<128x1xf32>
    %add3A_902 = arith.addf %add3A_894, %mul3A_901 : vector<128x1xf32>
    %slice3A_903 = vector.extract_strided_slice %exp3A_820 {offsets = [1280, 0], sizes = [128, 1], strides = [1, 1]} : vector<2048x1xf32> to vector<128x1xf32>
    %gt3A_904 = arith.constant 1.000000e+01 : f32
    %gt3A_905 = vector.broadcast %gt3A_904 : f32 to vector<128x1xf32>
    %gt3A_906 = arith.cmpf ogt, %get3A_823, %gt3A_905 : vector<128x1xf32>
    %convert_element_type3A_907 = arith.extui %gt3A_906 : vector<128x1xi1> to vector<128x1xi32>
    %convert_element_type3A_908 = arith.sitofp %convert_element_type3A_907 : vector<128x1xi32> to vector<128x1xf32>
    %mul3A_909 = arith.mulf %slice3A_903, %convert_element_type3A_908 : vector<128x1xf32>
    %add3A_910 = arith.addf %add3A_902, %mul3A_909 : vector<128x1xf32>
    %slice3A_911 = vector.extract_strided_slice %exp3A_820 {offsets = [1408, 0], sizes = [128, 1], strides = [1, 1]} : vector<2048x1xf32> to vector<128x1xf32>
    %gt3A_912 = arith.constant 1.100000e+01 : f32
    %gt3A_913 = vector.broadcast %gt3A_912 : f32 to vector<128x1xf32>
    %gt3A_914 = arith.cmpf ogt, %get3A_823, %gt3A_913 : vector<128x1xf32>
    %convert_element_type3A_915 = arith.extui %gt3A_914 : vector<128x1xi1> to vector<128x1xi32>
    %convert_element_type3A_916 = arith.sitofp %convert_element_type3A_915 : vector<128x1xi32> to vector<128x1xf32>
    %mul3A_917 = arith.mulf %slice3A_911, %convert_element_type3A_916 : vector<128x1xf32>
    %add3A_918 = arith.addf %add3A_910, %mul3A_917 : vector<128x1xf32>
    %slice3A_919 = vector.extract_strided_slice %exp3A_820 {offsets = [1536, 0], sizes = [128, 1], strides = [1, 1]} : vector<2048x1xf32> to vector<128x1xf32>
    %gt3A_920 = arith.constant 1.200000e+01 : f32
    %gt3A_921 = vector.broadcast %gt3A_920 : f32 to vector<128x1xf32>
    %gt3A_922 = arith.cmpf ogt, %get3A_823, %gt3A_921 : vector<128x1xf32>
    %convert_element_type3A_923 = arith.extui %gt3A_922 : vector<128x1xi1> to vector<128x1xi32>
    %convert_element_type3A_924 = arith.sitofp %convert_element_type3A_923 : vector<128x1xi32> to vector<128x1xf32>
    %mul3A_925 = arith.mulf %slice3A_919, %convert_element_type3A_924 : vector<128x1xf32>
    %add3A_926 = arith.addf %add3A_918, %mul3A_925 : vector<128x1xf32>
    %slice3A_927 = vector.extract_strided_slice %exp3A_820 {offsets = [1664, 0], sizes = [128, 1], strides = [1, 1]} : vector<2048x1xf32> to vector<128x1xf32>
    %gt3A_928 = arith.constant 1.300000e+01 : f32
    %gt3A_929 = vector.broadcast %gt3A_928 : f32 to vector<128x1xf32>
    %gt3A_930 = arith.cmpf ogt, %get3A_823, %gt3A_929 : vector<128x1xf32>
    %convert_element_type3A_931 = arith.extui %gt3A_930 : vector<128x1xi1> to vector<128x1xi32>
    %convert_element_type3A_932 = arith.sitofp %convert_element_type3A_931 : vector<128x1xi32> to vector<128x1xf32>
    %mul3A_933 = arith.mulf %slice3A_927, %convert_element_type3A_932 : vector<128x1xf32>
    %add3A_934 = arith.addf %add3A_926, %mul3A_933 : vector<128x1xf32>
    %slice3A_935 = vector.extract_strided_slice %exp3A_820 {offsets = [1792, 0], sizes = [128, 1], strides = [1, 1]} : vector<2048x1xf32> to vector<128x1xf32>
    %gt3A_936 = arith.constant 1.400000e+01 : f32
    %gt3A_937 = vector.broadcast %gt3A_936 : f32 to vector<128x1xf32>
    %gt3A_938 = arith.cmpf ogt, %get3A_823, %gt3A_937 : vector<128x1xf32>
    %convert_element_type3A_939 = arith.extui %gt3A_938 : vector<128x1xi1> to vector<128x1xi32>
    %convert_element_type3A_940 = arith.sitofp %convert_element_type3A_939 : vector<128x1xi32> to vector<128x1xf32>
    %mul3A_941 = arith.mulf %slice3A_935, %convert_element_type3A_940 : vector<128x1xf32>
    %add3A_942 = arith.addf %add3A_934, %mul3A_941 : vector<128x1xf32>
    %slice3A_943 = vector.extract_strided_slice %exp3A_820 {offsets = [1920, 0], sizes = [128, 1], strides = [1, 1]} : vector<2048x1xf32> to vector<128x1xf32>
    %gt3A_944 = arith.constant 1.500000e+01 : f32
    %gt3A_945 = vector.broadcast %gt3A_944 : f32 to vector<128x1xf32>
    %gt3A_946 = arith.cmpf ogt, %get3A_823, %gt3A_945 : vector<128x1xf32>
    %convert_element_type3A_947 = arith.extui %gt3A_946 : vector<128x1xi1> to vector<128x1xi32>
    %convert_element_type3A_948 = arith.sitofp %convert_element_type3A_947 : vector<128x1xi32> to vector<128x1xf32>
    %mul3A_949 = arith.mulf %slice3A_943, %convert_element_type3A_948 : vector<128x1xf32>
    %add3A_950 = arith.addf %add3A_942, %mul3A_949 : vector<128x1xf32>
    %iota3A_951 = tpu.iota {dimensions = array<i32: 0>} : vector<128x1xi32>
    %jit3A_952 = arith.constant 32 : i32
    %eq3A_953 = arith.constant 0 : i32
    %eq3A_954 = arith.cmpi eq, %jit3A_952, %eq3A_953 : i32
    %jit3A_955 = arith.constant 1 : i32
    %select_n3A_956 = arith.select %eq3A_954, %jit3A_955, %jit3A_952 : i32
    %rem3A_957 = vector.broadcast %select_n3A_956 : i32 to vector<128x1xi32>
    %rem3A_958 = arith.remsi %iota3A_951, %rem3A_957 : vector<128x1xi32>
    %ne3A_959 = arith.constant 0 : i32
    %ne3A_960 = vector.broadcast %ne3A_959 : i32 to vector<128x1xi32>
    %ne3A_961 = arith.cmpi ne, %rem3A_958, %ne3A_960 : vector<128x1xi32>
    %lt3A_962 = arith.constant 0 : i32
    %lt3A_963 = vector.broadcast %lt3A_962 : i32 to vector<128x1xi32>
    %lt3A_964 = arith.cmpi slt, %rem3A_958, %lt3A_963 : vector<128x1xi32>
    %lt3A_965 = arith.constant 0 : i32
    %lt3A_966 = arith.cmpi slt, %select_n3A_956, %lt3A_965 : i32
    %ne3A_967 = vector.broadcast %lt3A_966 : i1 to vector<128x1xi1>
    %ne3A_968 = vector.broadcast %ne3A_967 : vector<128x1xi1> to vector<128x1xi1>
    %ne3A_969 = arith.xori %lt3A_964, %ne3A_968 : vector<128x1xi1>
    %and3A_970 = arith.andi %ne3A_969, %ne3A_961 : vector<128x1xi1>
    %add3A_971 = vector.broadcast %select_n3A_956 : i32 to vector<128x1xi32>
    %add3A_972 = arith.addi %rem3A_958, %add3A_971 : vector<128x1xi32>
    %select_n3A_973 = arith.select %and3A_970, %add3A_972, %rem3A_958 : vector<128x1xi1>, vector<128x1xi32>
    %convert_element_type3A_974 = arith.sitofp %select_n3A_973 : vector<128x1xi32> to vector<128x1xf32>
    %get3A_975 = arith.constant 384 : index
    %get3A_976 = arith.constant 0 : index
    %get3A_977 = vector.load %arg9[%get3A_975, %get3A_976] : memref<512x1xf32, #tpu.memory_space<vmem>>, vector<128x1xf32>
    %lt3A_978 = arith.cmpf olt, %convert_element_type3A_974, %get3A_977 : vector<128x1xf32>
    %convert_element_type3A_979 = arith.extui %lt3A_978 : vector<128x1xi1> to vector<128x1xi32>
    %convert_element_type3A_980 = arith.sitofp %convert_element_type3A_979 : vector<128x1xi32> to vector<128x1xf32>
    %div3A_981 = arith.divf %convert_element_type3A_980, %add3A_950 : vector<128x1xf32>
    %mul3A_982 = arith.mulf %mul3A_830, %div3A_981 : vector<128x1xf32>
    %slice3A_983 = vector.extract_strided_slice %get3A_1 {offsets = [6144, 0], sizes = [128, 256], strides = [1, 1]} : vector<8192x256xf32> to vector<128x256xf32>
    %mul3A_984 = vector.broadcast %mul3A_982 : vector<128x1xf32> to vector<128x256xf32>
    %mul3A_985 = arith.mulf %mul3A_984, %slice3A_983 : vector<128x256xf32>
    %mul3A_986 = arith.mulf %mul3A_837, %div3A_981 : vector<128x1xf32>
    %slice3A_987 = vector.extract_strided_slice %get3A_1 {offsets = [6272, 0], sizes = [128, 256], strides = [1, 1]} : vector<8192x256xf32> to vector<128x256xf32>
    %mul3A_988 = vector.broadcast %mul3A_986 : vector<128x1xf32> to vector<128x256xf32>
    %mul3A_989 = arith.mulf %mul3A_988, %slice3A_987 : vector<128x256xf32>
    %add3A_990 = arith.addf %mul3A_985, %mul3A_989 : vector<128x256xf32>
    %mul3A_991 = arith.mulf %mul3A_845, %div3A_981 : vector<128x1xf32>
    %slice3A_992 = vector.extract_strided_slice %get3A_1 {offsets = [6400, 0], sizes = [128, 256], strides = [1, 1]} : vector<8192x256xf32> to vector<128x256xf32>
    %mul3A_993 = vector.broadcast %mul3A_991 : vector<128x1xf32> to vector<128x256xf32>
    %mul3A_994 = arith.mulf %mul3A_993, %slice3A_992 : vector<128x256xf32>
    %add3A_995 = arith.addf %add3A_990, %mul3A_994 : vector<128x256xf32>
    %mul3A_996 = arith.mulf %mul3A_853, %div3A_981 : vector<128x1xf32>
    %slice3A_997 = vector.extract_strided_slice %get3A_1 {offsets = [6528, 0], sizes = [128, 256], strides = [1, 1]} : vector<8192x256xf32> to vector<128x256xf32>
    %mul3A_998 = vector.broadcast %mul3A_996 : vector<128x1xf32> to vector<128x256xf32>
    %mul3A_999 = arith.mulf %mul3A_998, %slice3A_997 : vector<128x256xf32>
    %add3A_1000 = arith.addf %add3A_995, %mul3A_999 : vector<128x256xf32>
    %mul3A_1001 = arith.mulf %mul3A_861, %div3A_981 : vector<128x1xf32>
    %slice3A_1002 = vector.extract_strided_slice %get3A_1 {offsets = [6656, 0], sizes = [128, 256], strides = [1, 1]} : vector<8192x256xf32> to vector<128x256xf32>
    %mul3A_1003 = vector.broadcast %mul3A_1001 : vector<128x1xf32> to vector<128x256xf32>
    %mul3A_1004 = arith.mulf %mul3A_1003, %slice3A_1002 : vector<128x256xf32>
    %add3A_1005 = arith.addf %add3A_1000, %mul3A_1004 : vector<128x256xf32>
    %mul3A_1006 = arith.mulf %mul3A_869, %div3A_981 : vector<128x1xf32>
    %slice3A_1007 = vector.extract_strided_slice %get3A_1 {offsets = [6784, 0], sizes = [128, 256], strides = [1, 1]} : vector<8192x256xf32> to vector<128x256xf32>
    %mul3A_1008 = vector.broadcast %mul3A_1006 : vector<128x1xf32> to vector<128x256xf32>
    %mul3A_1009 = arith.mulf %mul3A_1008, %slice3A_1007 : vector<128x256xf32>
    %add3A_1010 = arith.addf %add3A_1005, %mul3A_1009 : vector<128x256xf32>
    %mul3A_1011 = arith.mulf %mul3A_877, %div3A_981 : vector<128x1xf32>
    %slice3A_1012 = vector.extract_strided_slice %get3A_1 {offsets = [6912, 0], sizes = [128, 256], strides = [1, 1]} : vector<8192x256xf32> to vector<128x256xf32>
    %mul3A_1013 = vector.broadcast %mul3A_1011 : vector<128x1xf32> to vector<128x256xf32>
    %mul3A_1014 = arith.mulf %mul3A_1013, %slice3A_1012 : vector<128x256xf32>
    %add3A_1015 = arith.addf %add3A_1010, %mul3A_1014 : vector<128x256xf32>
    %mul3A_1016 = arith.mulf %mul3A_885, %div3A_981 : vector<128x1xf32>
    %slice3A_1017 = vector.extract_strided_slice %get3A_1 {offsets = [7040, 0], sizes = [128, 256], strides = [1, 1]} : vector<8192x256xf32> to vector<128x256xf32>
    %mul3A_1018 = vector.broadcast %mul3A_1016 : vector<128x1xf32> to vector<128x256xf32>
    %mul3A_1019 = arith.mulf %mul3A_1018, %slice3A_1017 : vector<128x256xf32>
    %add3A_1020 = arith.addf %add3A_1015, %mul3A_1019 : vector<128x256xf32>
    %mul3A_1021 = arith.mulf %mul3A_893, %div3A_981 : vector<128x1xf32>
    %slice3A_1022 = vector.extract_strided_slice %get3A_1 {offsets = [7168, 0], sizes = [128, 256], strides = [1, 1]} : vector<8192x256xf32> to vector<128x256xf32>
    %mul3A_1023 = vector.broadcast %mul3A_1021 : vector<128x1xf32> to vector<128x256xf32>
    %mul3A_1024 = arith.mulf %mul3A_1023, %slice3A_1022 : vector<128x256xf32>
    %add3A_1025 = arith.addf %add3A_1020, %mul3A_1024 : vector<128x256xf32>
    %mul3A_1026 = arith.mulf %mul3A_901, %div3A_981 : vector<128x1xf32>
    %slice3A_1027 = vector.extract_strided_slice %get3A_1 {offsets = [7296, 0], sizes = [128, 256], strides = [1, 1]} : vector<8192x256xf32> to vector<128x256xf32>
    %mul3A_1028 = vector.broadcast %mul3A_1026 : vector<128x1xf32> to vector<128x256xf32>
    %mul3A_1029 = arith.mulf %mul3A_1028, %slice3A_1027 : vector<128x256xf32>
    %add3A_1030 = arith.addf %add3A_1025, %mul3A_1029 : vector<128x256xf32>
    %mul3A_1031 = arith.mulf %mul3A_909, %div3A_981 : vector<128x1xf32>
    %slice3A_1032 = vector.extract_strided_slice %get3A_1 {offsets = [7424, 0], sizes = [128, 256], strides = [1, 1]} : vector<8192x256xf32> to vector<128x256xf32>
    %mul3A_1033 = vector.broadcast %mul3A_1031 : vector<128x1xf32> to vector<128x256xf32>
    %mul3A_1034 = arith.mulf %mul3A_1033, %slice3A_1032 : vector<128x256xf32>
    %add3A_1035 = arith.addf %add3A_1030, %mul3A_1034 : vector<128x256xf32>
    %mul3A_1036 = arith.mulf %mul3A_917, %div3A_981 : vector<128x1xf32>
    %slice3A_1037 = vector.extract_strided_slice %get3A_1 {offsets = [7552, 0], sizes = [128, 256], strides = [1, 1]} : vector<8192x256xf32> to vector<128x256xf32>
    %mul3A_1038 = vector.broadcast %mul3A_1036 : vector<128x1xf32> to vector<128x256xf32>
    %mul3A_1039 = arith.mulf %mul3A_1038, %slice3A_1037 : vector<128x256xf32>
    %add3A_1040 = arith.addf %add3A_1035, %mul3A_1039 : vector<128x256xf32>
    %mul3A_1041 = arith.mulf %mul3A_925, %div3A_981 : vector<128x1xf32>
    %slice3A_1042 = vector.extract_strided_slice %get3A_1 {offsets = [7680, 0], sizes = [128, 256], strides = [1, 1]} : vector<8192x256xf32> to vector<128x256xf32>
    %mul3A_1043 = vector.broadcast %mul3A_1041 : vector<128x1xf32> to vector<128x256xf32>
    %mul3A_1044 = arith.mulf %mul3A_1043, %slice3A_1042 : vector<128x256xf32>
    %add3A_1045 = arith.addf %add3A_1040, %mul3A_1044 : vector<128x256xf32>
    %mul3A_1046 = arith.mulf %mul3A_933, %div3A_981 : vector<128x1xf32>
    %slice3A_1047 = vector.extract_strided_slice %get3A_1 {offsets = [7808, 0], sizes = [128, 256], strides = [1, 1]} : vector<8192x256xf32> to vector<128x256xf32>
    %mul3A_1048 = vector.broadcast %mul3A_1046 : vector<128x1xf32> to vector<128x256xf32>
    %mul3A_1049 = arith.mulf %mul3A_1048, %slice3A_1047 : vector<128x256xf32>
    %add3A_1050 = arith.addf %add3A_1045, %mul3A_1049 : vector<128x256xf32>
    %mul3A_1051 = arith.mulf %mul3A_941, %div3A_981 : vector<128x1xf32>
    %slice3A_1052 = vector.extract_strided_slice %get3A_1 {offsets = [7936, 0], sizes = [128, 256], strides = [1, 1]} : vector<8192x256xf32> to vector<128x256xf32>
    %mul3A_1053 = vector.broadcast %mul3A_1051 : vector<128x1xf32> to vector<128x256xf32>
    %mul3A_1054 = arith.mulf %mul3A_1053, %slice3A_1052 : vector<128x256xf32>
    %add3A_1055 = arith.addf %add3A_1050, %mul3A_1054 : vector<128x256xf32>
    %mul3A_1056 = arith.mulf %mul3A_949, %div3A_981 : vector<128x1xf32>
    %slice3A_1057 = vector.extract_strided_slice %get3A_1 {offsets = [8064, 0], sizes = [128, 256], strides = [1, 1]} : vector<8192x256xf32> to vector<128x256xf32>
    %mul3A_1058 = vector.broadcast %mul3A_1056 : vector<128x1xf32> to vector<128x256xf32>
    %mul3A_1059 = arith.mulf %mul3A_1058, %slice3A_1057 : vector<128x256xf32>
    %add3A_1060 = arith.addf %add3A_1055, %mul3A_1059 : vector<128x256xf32>
    %swap3A_1061 = arith.constant 384 : index
    %swap3A_1062 = arith.constant 0 : index
    %swap3A_1063 = vector.load %arg11[%swap3A_1061, %swap3A_1062] : memref<512x256xf32, #tpu.memory_space<vmem>>, vector<128x256xf32>
    tpu.vector_store %arg11[%swap3A_1061, %swap3A_1062], %add3A_1060 {strides = array<i32>} : memref<512x256xf32, #tpu.memory_space<vmem>>, vector<128x256xf32>,
    return
  }
  func.func @transform_0(%arg0: i32) -> (i32, i32) {
    %c0_i32 = arith.constant 0 : i32
    %c0_i32_0 = arith.constant 0 : i32
    return %arg0, %c0_i32 : i32, i32
  }
  func.func @transform_1(%arg0: i32) -> (i32, i32, i32) {
    %add3A = arith.constant 2 : i32
    %add3A_0 = arith.addi %arg0, %add3A : i32
    %c0_i32 = arith.constant 0 : i32
    %c0_i32_1 = arith.constant 0 : i32
    %c0_i32_2 = arith.constant 0 : i32
    return %add3A_0, %c0_i32, %c0_i32_1 : i32, i32, i32
  }
  func.func @transform_2(%arg0: i32) -> (i32, i32) {
    %c0_i32 = arith.constant 0 : i32
    %c0_i32_0 = arith.constant 0 : i32
    %c0_i32_1 = arith.constant 0 : i32
    return %c0_i32, %c0_i32_0 : i32, i32
  }
  func.func @transform_3(%arg0: i32) -> (i32, i32) {
    %c0_i32 = arith.constant 0 : i32
    %c0_i32_0 = arith.constant 0 : i32
    %c0_i32_1 = arith.constant 0 : i32
    return %c0_i32, %c0_i32_0 : i32, i32
  }
  func.func @transform_4(%arg0: i32) -> (i32, i32) {
    %c0_i32 = arith.constant 0 : i32
    %c0_i32_0 = arith.constant 0 : i32
    %c0_i32_1 = arith.constant 0 : i32
    return %c0_i32, %c0_i32_0 : i32, i32
  }
  func.func @transform_5(%arg0: i32) -> (i32, i32) {
    %c0_i32 = arith.constant 0 : i32
    %c0_i32_0 = arith.constant 0 : i32
    %c0_i32_1 = arith.constant 0 : i32
    return %c0_i32, %c0_i32_0 : i32, i32
  }
  func.func @transform_6(%arg0: i32) -> (i32, i32) {
    %c0_i32 = arith.constant 0 : i32
    %c0_i32_0 = arith.constant 0 : i32
    %c0_i32_1 = arith.constant 0 : i32
    return %c0_i32, %c0_i32_0 : i32, i32
  }
  func.func @transform_7(%arg0: i32) -> (i32, i32) {
    %add3A = arith.constant 2 : i32
    %add3A_0 = arith.addi %arg0, %add3A : i32
    %c0_i32 = arith.constant 0 : i32
    %c0_i32_1 = arith.constant 0 : i32
    return %add3A_0, %c0_i32 : i32, i32
  }
  func.func @transform_8(%arg0: i32) -> (i32, i32) {
    %add3A = arith.constant 2 : i32
    %add3A_0 = arith.addi %arg0, %add3A : i32
    %c0_i32 = arith.constant 0 : i32
    %c0_i32_1 = arith.constant 0 : i32
    return %add3A_0, %c0_i32 : i32, i32
  }
  func.func @transform_10(%arg0: i32) -> (i32, i32) {
    %add3A = arith.constant 2 : i32
    %add3A_0 = arith.addi %arg0, %add3A : i32
    %c0_i32 = arith.constant 0 : i32
    %c0_i32_1 = arith.constant 0 : i32
    return %add3A_0, %c0_i32 : i32, i32
  }
}

</mosaic_0001>

<sc_bundles>
// kernel: kernel.6.cloned.1.call-start
scs
__scs_entry_jumppad:
0x0: {  	(pc) =	sbr.rel $0x88, $3  }
0x1: {  	(tag) =	ssettag $0x0;
	lr =	simm.s32 $0x1  }
0x2: {  	[smem:$0x3F97] =	sst lr;
	_ =	strace $0xD0000000  }
0x3: {  	_ = 	snop  }
0x4: {  	_ = 	snop  }
0x5: {  	_ = 	snop  }
0x6: {  	_ = 	snop  }
0x7: {  	_ = 	snop  }
__scs_overlays_trampoline_lowered:
0x8: {  	[smem:$0x3FA6] =	sst s0  }
0x9: {  	[smem:$0x3FA7] =	sst s1  }
0xa: {  	[smem:$0x3FA8] =	sst s2  }
0xb: {  	[smem:$0x3FA9] =	sst s3  }
0xc: {  	[smem:$0x3FAA] =	sst s4  }
0xd: {  	[smem:$0x3FAB] =	sst s5  }
0xe: {  	[smem:$0x3FAC] =	sst s6  }
0xf: {  	[smem:$0x3FAD] =	sst s7  }
0x10: {  	[smem:$0x3FAE] =	sst s8  }
0x11: {  	[smem:$0x3FAF] =	sst s9;
	s0 =	simm.s32 @!p0 $0x0  }
0x12: {  	s1 =	sld [smem:$0x3F95];
	s0 =	simm.s32 @p0 $0x1  }
0x13: {  	[smem:$0x3FB0] =	sst s0;
	s0 =	simm.s32 @!p1 $0x0  }
0x14: {  	s2 =	sld [smem:$0x3F94];
	s0 =	simm.s32 @p1 $0x1  }
0x15: {  	[smem:$0x3FB1] =	sst s0;
	s0 =	simm.s32 @!p2 $0x0  }
0x16: {  	s3 =	sld [smem:$0x3FDB];
	s0 =	simm.s32 @p2 $0x1  }
0x17: {  	s4 =	simm.s32 $0x1BF5;
	[smem:$0x3FB3] =	sst s0  }
0x18: {  	s0 =	sld [smem:$0x3F96];
	_ =	swait.ge [sflag:s4], $0x0  }
0x19: {  	s7 =	sld [smem:$0x3F97]  }
0x1a: {  	s8 =	sadd.s32 $0xFFFFE003, lr  }
0x1b: {  	s9 =	sadd.s32 $0xFFFFFEF7, lr;
	s5 =	simm.s32 $0xFFFFFFFF;
	p2 =	slt.u32 s8, $0xFFFFF086  }
0x1c: {  	p1 =	slt.u32 s9, $0xF7A;
	s5 =	simm.s32 @!p2 $0x0  }
0x1d: {  	s5 =	simm.s32 @p1 $0x1;
	p0 =	seq.s32 s7, s2  }
0x1e: {  	s7 =	smul.u32 @!p0 $0xF7A, s2;
	p2 =	seq.s32 @!p0 s5, $0x0  }
0x1f: {  	s9 =	smul.u32 $0xF7A, s1;
	s8 =	simm.s32 @!p0 $0x1BF5;
	p2 =	por !p2, p0  }
0x20: {  	[sflag:s8] =	ssyncset.s32 @!p0 $0xFFFFF086;
	s6 =	sadd.s32 @!p0 s3, s7;
	s7 =	simm.s32 @!p0 $0x108  }
0x21: {  	s3 =	sadd.s32 s3, s9;
	s6 =	sadd.s32 @!p0 $0x88, s6;
	s7 =	simm.s32 @p2 $0x1082  }
0x22: {  	[simem:s7], [sflag:s8] =	dma.local @!p0 [hbm:s6], $0xF7A  }
0x23: {  	s9 =	sor.u32 $0xD0000000, s2;
	s6 =	simm.s32 $0x108;
	_ =	swait.ge @!p0 [sflag:s8], $0x0  }
0x24: {  	s3 =	sadd.s32 $0x88, s3;
	s6 =	simm.s32 @!p1 $0x1082;
	[sflag:s4] =	ssyncset.s32 $0xFFFFF086  }
0x25: {  	[simem:s6], [sflag:s4] =	dma.local [hbm:s3], $0xF7A  }
0x26: {  	[smem:$0x3F97] =	sst s1;
	(tag) =	ssettag s2;
	_ =	strace s9  }
0x27: {  	s1 =	sld [smem:$0x3FA7]  }
0x28: {  	s2 =	sld [smem:$0x3FA8]  }
0x29: {  	s4 =	sld [smem:$0x3FAA]  }
0x2a: {  	p0 =	seq.s32 s5, $0x0;
	s5 =	sld [smem:$0x3FAB]  }
0x2b: {  	s6 =	sld [smem:$0x3FAC]  }
0x2c: {  	s7 =	sld [smem:$0x3FAD]  }
0x2d: {  	s3 =	simm.s32 $0x108;
	s8 =	sld [smem:$0x3FAE]  }
0x2e: {  	s3 =	simm.s32 @!p0 $0x1082;
	s9 =	sld [smem:$0x3FAF]  }
0x2f: {  	lr =	sadd.s32 s0, s3;
	s0 =	sld [smem:$0x3FA6]  }
0x30: {  	s3 =	sld [smem:$0x3FA9]  }
0x31: {  	[smem:$0x3FB2] =	sst s10  }
0x32: {  	s10 =	sld [smem:$0x3FB0];
	_ =	sdelay $0x3  }
0x33: {  	p0 =	seq.s32 s10, $0x1;
	s10 =	sld [smem:$0x3FB2];
	_ =	sdelay $0x3  }
0x34: {  	[smem:$0x3FB2] =	sst s10  }
0x35: {  	s10 =	sld [smem:$0x3FB1];
	_ =	sdelay $0x3  }
0x36: {  	p1 =	seq.s32 s10, $0x1;
	s10 =	sld [smem:$0x3FB2];
	_ =	sdelay $0x3  }
0x37: {  	[smem:$0x3FB2] =	sst s10  }
0x38: {  	s10 =	sld [smem:$0x3FB3]  }
0x39: {  	_ = 	snop;
	(pc) =	sbr.ind lr, $3  }
0x3a: {  	_ = 	snop  }
0x3b: {  	_ = 	snop  }
0x3c: {  	p2 =	seq.s32 s10, $0x1;
	s10 =	sld [smem:$0x3FB2]  }
0x3d: {  	_ =	shalt  }
0x3e: {  	_ =	shalt  }
0x3f: {  	_ =	shalt  }
0x40: {  	_ =	shalt  }
0x41: {  	_ =	shalt  }
0x42: {  	_ =	shalt  }
0x43: {  	_ =	shalt  }
0x44: {  	_ =	shalt  }
0x45: {  	_ =	shalt  }
0x46: {  	_ =	shalt  }
0x47: {  	_ =	shalt  }
0x48: {  	_ =	shalt  }
0x49: {  	_ =	shalt  }
0x4a: {  	_ =	shalt  }
0x4b: {  	_ =	shalt  }
0x4c: {  	_ =	shalt  }
0x4d: {  	_ =	shalt  }
0x4e: {  	_ =	shalt  }
0x4f: {  	_ =	shalt  }
0x50: {  	_ =	shalt  }
0x51: {  	_ =	shalt  }
0x52: {  	_ =	shalt  }
0x53: {  	_ =	shalt  }
0x54: {  	_ =	shalt  }
0x55: {  	_ =	shalt  }
0x56: {  	_ =	shalt  }
0x57: {  	_ =	shalt  }
0x58: {  	_ =	shalt  }
0x59: {  	_ =	shalt  }
0x5a: {  	_ =	shalt  }
0x5b: {  	_ =	shalt  }
0x5c: {  	_ =	shalt  }
0x5d: {  	_ =	shalt  }
0x5e: {  	_ =	shalt  }
0x5f: {  	_ =	shalt  }
0x60: {  	_ =	shalt  }
0x61: {  	_ =	shalt  }
0x62: {  	_ =	shalt  }
0x63: {  	_ =	shalt  }
0x64: {  	_ =	shalt  }
0x65: {  	_ =	shalt  }
0x66: {  	_ =	shalt  }
0x67: {  	_ =	shalt  }
0x68: {  	_ =	shalt  }
0x69: {  	_ =	shalt  }
0x6a: {  	_ =	shalt  }
0x6b: {  	_ =	shalt  }
0x6c: {  	_ =	shalt  }
0x6d: {  	_ =	shalt  }
0x6e: {  	_ =	shalt  }
0x6f: {  	_ =	shalt  }
0x70: {  	_ =	shalt  }
0x71: {  	_ =	shalt  }
0x72: {  	_ =	shalt  }
0x73: {  	_ =	shalt  }
0x74: {  	_ =	shalt  }
0x75: {  	_ =	shalt  }
0x76: {  	_ =	shalt  }
0x77: {  	_ =	shalt  }
0x78: {  	_ =	shalt  }
0x79: {  	_ =	shalt  }
0x7a: {  	_ =	shalt  }
0x7b: {  	_ =	shalt  }
0x7c: {  	_ =	shalt  }
0x7d: {  	_ =	shalt  }
0x7e: {  	_ =	shalt  }
0x7f: {  	_ =	shalt  }
0x80: {  	_ =	shalt  }
0x81: {  	_ =	shalt  }
0x82: {  	_ =	shalt  }
0x83: {  	_ =	shalt  }
0x84: {  	_ =	shalt  }
0x85: {  	_ =	shalt  }
0x86: {  	_ =	shalt  }
0x87: {  	_ =	shalt  }
.Lfunc_end0:
.L_simem_size_0:
called_computation_lowered:
.L_overlay_start_0:
0x88: {  	s2 =	sld [smem:$0x3FD9]  }
0x89: {  	s3 =	sld [smem:$0x3FFE];
	_ =	sdelay $0x1  }
0x8a: {  	s1 =	srdreg.scid  }
0x8b: {  	s0 =	sand.u32 $0x1, s1  }
0x8c: {  	s14 =	sshll.u32 s0, $0xA;
	s2 =	sadd.s32 s3, s2  }
0x8d: {  	s2 =	sadd.s32 s2, s14  }
0x8e: {  	[smem:$0x3FBE] =	sst s2  }
0x8f: {  	_ = 	snop  }
0x90: {  	s2 =	sld [smem:$0x3FD0];
	_ =	sdelay $0x2  }
0x91: {  	s4 =	simm.s32 $0xB;
	s5 =	simm.s32 $0x10;
	s15 =	sld [smem:$0x3FC8]  }
0x92: {  	[smem:s5], [sflag:s4] =	dma.local [hbm:s2], $0x1  }
0x93: {  	_ =	swait.eq [sflag:s4], $0x1  }
0x94: {  	[sflag:s4] =	ssyncset.done $0x0  }
0x95: {  	[sflag:s4] =	ssyncadd.s32 $0xFFFFFFFF  }
0x96: {  	s16 =	sld [smem:$0x10];
	(tm) =	ssettm $0x1  }
0x97: {  	s17 =	sld [smem:$0x3FFB];
	_ =	sdelay $0x3  }
0x98: {  	_ =	strace s17  }
0x99: {  	s4 =	sld [smem:$0x3FFC];
	_ =	sdelay $0x3  }
0x9a: {  	_ =	strace s4  }
0x9b: {  	s4 =	sld [smem:$0x3FFD];
	_ =	sdelay $0x3  }
0x9c: {  	_ =	strace s4  }
0x9d: {  	_ =	strace $0x8FFFFFFF  }
0x9e: {  	s18 =	sld [smem:$0x3FDB];
	_ =	sdelay $0x1  }
0x9f: {  	s19 =	simm.s32 $_scs_section_size  }
0xa0: {  	s6 =	simm.s32 $_size__tile_overlayer_lowered;
	s7 =	simm.s32 $_tile_overlayer_lowered  }
0xa1: {  	s22 =	simm.s32 $0x1BFF;
	s21 =	sshll.u32 s7, $0x1;
	s4 =	sadd.s32 s19, s18  }
0xa2: {  	s8 =	simm.s32 $0x0;
	s20 =	sshll.u32 s6, $0x1;
	s6 =	sadd.s32 s21, s4  }
0xa3: {  	[timem:s8], [sflag:s22] =	dma.local [hbm:s6], s20  }
0xa4: {  	_ =	swait.ge [sflag:s22], s20  }
0xa5: {  	s5 =	ssub.s32 $0x0, s20;
	[sflag:s22] =	ssyncset.done $0x0  }
0xa6: {  	[sflag:s22] =	ssyncadd.s32 s5;
	_ =	sdelay $0x1  }
0xa7: {  	s23 =	simm.s32 $0x1B8B  }
0xa8: {  	_ =	swait.ge [sflag:s23], $0x1  }
0xa9: {  	[sflag:s23] =	ssyncset.done $0x0  }
0xaa: {  	s25 =	simm.s32 $0x1B8E;
	s24 =	sld [smem:$0x3FFE];
	[sflag:s23] =	ssyncadd.s32 $0xFFFFFFFF  }
0xab: {  	s26 =	simm.s32 $execute0_lowered;
	[smem:$0x3FD2] =	sst s25  }
0xac: {  	s6 =	sshll.u32 s26, $0x1;
	_ =	strace $0x80000046;
	[dreg:$0x1] =	wrdreg $0xFFFFFFFF  }
0xad: {  	s28 =	simm.s32 $_size_execute0_lowered;
	s4 =	sadd.s32 s4, s6;
	[dreg:$0x0] =	wrdreg $0x0  }
0xae: {  	s6 =	sshll.u32 s28, $0x1;
	[dreg:$0x2] =	wrdreg s4  }
0xaf: {  	[dreg:$0x3] =	wrdreg s6  }
0xb0: {  	[dreg:$0x4] =	wrdreg $0xC0  }
0xb1: {  	_ =	task [dreg:s8], $0x5FFFF  }
0xb2: {  	[dreg:$0x1] =	wrdreg $0xFFFFFFFF  }
0xb3: {  	[dreg:$0x0] =	wrdreg $0x60  }
0xb4: {  	[dreg:$0x2] =	wrdreg s15  }
0xb5: {  	[dreg:$0x3] =	wrdreg s16  }
0xb6: {  	[dreg:$0x4] =	wrdreg s24  }
0xb7: {  	[dreg:$0x5] =	wrdreg $0x9  }
0xb8: {  	_ =	task.clear_ibuf [dreg:s8], $0x6FFFF;
	_ =	strace $0x90000046  }
0xb9: {  	s29 =	simm.s32 $0x9;
	_ =	strace $0x80000048  }
0xba: {  	_ =	swait.ge [sflag:s29], $0x1  }
0xbb: {  	[sflag:s29] =	ssyncadd.s32 $0xFFFFFFFF  }
0xbc: {  	_ =	strace $0x90000048  }
0xbd: {  	_ =	sfence  }
0xbe: {  	s30 =	sld [smem:$0x0];
	_ =	sdelay $0x2  }
0xbf: {  	s31 =	sshll.u32 s1, $0xD;
	s1 =	sshrl.u32 s1, $0x2  }
0xc0: {  	s3 =	sand.u32 $0x4000, s31;
	s1 =	sadd.s32 s1, s30  }
0xc1: {  	s0 =	sor.u32 s3, s0;
	s1 =	sshll.u32 s1, $0x11  }
0xc2: {  	s0 =	sor.u32 s1, s0  }
0xc3: {  	s0 =	sadd.s32 $0x8F2B, s0  }
0xc4: {  	[sflag:s0] =	ssyncadd.remote.s32 $0x1  }
0xc5: {  	_ =	sfence.sel $0xFFFF  }
0xc6: {  	[dreg:$0x0] =	wrdreg $0xFFFFFFFF;
	(pc) =	sbr.abs _section_cstart, $3  }
0xc7: {  	[dreg:$0x1] =	wrdreg $0xFFFFFFFF  }
0xc8: {  	_ =	task.clear_ibuf [dreg:s8], $0x2FFFF;
	_ =	strace $0x9FFFFFFF  }
0xc9: {  	(tm) =	ssettm $0x7FFFFFFF  }
tec
execute0_lowered:
.L_overlay_start_1:
0x0: {  	(tag) =	ssettag $0x1  }
0x1: {  	s1 =	rddreg [dreg:$0x0]  }
0x2: {  	s2 =	rddreg [dreg:$0x1];
	s3 =	stileid.u32  }
0x3: {  	s4 =	rddreg [dreg:$0x2];
	s5 =	sshll.u32 s3, $0xA;
	s3 =	simm.s32 $0x0  }
0x4: {  	s13 =	simm.s32 $0xCA00;
	[smem:$0x7FF] =	sst s3  }
0x5: {  	s14 =	simm.s32 $0xD200;
	_ =	strace $0x80000047;
	[dreg:$0xd] =	wrdreg s13  }
0x6: {  	s15 =	simm.s32 $0xDA00;
	[dreg:$0xe] =	wrdreg s14  }
0x7: {  	s0 =	srdreg.scid;
	s16 =	simm.s32 $0xE200;
	[dreg:$0xf] =	wrdreg s15  }
0x8: {  	s17 =	simm.s32 $0xEA00;
	s18 =	simm.s32 $0xF200;
	[dreg:$0x10] =	wrdreg s16  }
0x9: {  	s19 =	simm.s32 $0xFA00;
	s20 =	simm.s32 $0x10A00;
	[dreg:$0x11] =	wrdreg s17  }
0xa: {  	s21 =	simm.s32 $0x11200;
	s22 =	simm.s32 $0x11A00;
	[dreg:$0x12] =	wrdreg s18  }
0xb: {  	s23 =	simm.s32 $0x12200;
	s24 =	simm.s32 $0x12A00;
	[dreg:$0x13] =	wrdreg s19  }
0xc: {  	s25 =	simm.s32 $0x13200;
	s28 =	simm.s32 $0x4A00;
	[dreg:$0x14] =	wrdreg s20  }
0xd: {  	s29 =	simm.s32 $0x5200;
	s30 =	simm.s32 $0x5A00;
	[dreg:$0x15] =	wrdreg s21  }
0xe: {  	s31 =	simm.s32 $0x6200;
	s0 =	sand.u32 $0x1, s0;
	[dreg:$0x16] =	wrdreg s22  }
0xf: {  	s6 =	sshll.u32 s0, $0x9;
	s0 =	ssub.s32 $0x2, s0;
	[dreg:$0x17] =	wrdreg s23  }
0x10: {  	s5 =	sor.u32 s6, s5;
	s11 =	sshrl.u32 s0, $0x1;
	[dreg:$0x18] =	wrdreg s24  }
0x11: {  	[dreg:$0x19] =	wrdreg s25;
	s14 =	simm.s32 $0x200;
	s19 =	simm.s32 $0xA00  }
0x12: {  	s20 =	simm.s32 $0x1200;
	s6 =	sshll.u32 s5, $0x5;
	s5 =	sshrl.u32 s5, $0x3  }
0x13: {  	s21 =	simm.s32 $0x1A00;
	s4 =	sadd.s32 s6, s4;
	s2 =	sadd.s32 s2, s5  }
0x14: {  	s23 =	simm.s32 $0x2200;
	[dreg:$0x4] =	wrdreg s2;
	s26 =	sadd.s32 $0x2A00, s4  }
0x15: {  	s24 =	simm.s32 $0x2A00;
	s5 =	sadd.s32 $0x3200, s4;
	[dreg:$0x5] =	wrdreg s26  }
0x16: {  	s25 =	simm.s32 $0x3200;
	s6 =	sadd.s32 $0x3A00, s4;
	[dreg:$0x6] =	wrdreg s5  }
0x17: {  	s22 =	simm.s32 $0x4200;
	s7 =	sadd.s32 $0x4200, s4;
	[dreg:$0x7] =	wrdreg s6  }
0x18: {  	s13 =	simm.s32 $0x6A00;
	s8 =	sadd.s32 $0x4A00, s4;
	[dreg:$0x8] =	wrdreg s7  }
0x19: {  	s16 =	simm.s32 $0x9A00;
	s9 =	sadd.s32 $0x5200, s4;
	[dreg:$0x9] =	wrdreg s8  }
0x1a: {  	s15 =	simm.s32 $0xC200;
	s10 =	sadd.s32 $0x5A00, s4;
	[dreg:$0xa] =	wrdreg s9  }
0x1b: {  	s0 =	ssub.s32 s0, s11;
	s12 =	sadd.s32 $0x6200, s4;
	[dreg:$0xb] =	wrdreg s10  }
0x1c: {  	s11 =	simm.s32 $0x8;
	s4 =	smax.u32 s0, $0x1;
	[dreg:$0xc] =	wrdreg s12  }
0x1d: {  	v2 =	vlaneseq.u32;
	s26 =	simm.s32 $0x13A00;
	s6 =	simm.s32 $0x1;
	s7 =	simm.s32 $0x6  }
0x1e: {  	vm0 =	vmmov $0xffff;
	v1 =	vshrl.u32 v2, $0x3;
	s8 =	simm.s32 $0x2;
	s9 =	simm.s32 $0x7;
	s10 =	simm.s32 $0x3  }
0x1f: {  	v0 =	vand.u32 $0x7, v2;
	v2 =	vor.u32 $0x8, v2;
	v1 =	vmul.u32 $0x8, v1;
	s12 =	simm.s32 $0x7A00;
	[dreg:$0x1a] =	wrdreg s26;
	s26 =	simm.s32 $0x3A00  }
.LBB2_1:
0x20: {  	s17 =	rddreg [dreg:$0x4];
	s2 =	simm.s32 $0xB  }
0x21: {  	[tilespmem:s3], [sflag:$0xB] =	stream.linear.gather [hbm4b:s17+s3], $0x200, $0x38;
	[tilespmem:$0x14200] =	vst v63  }
0x22: {  	_ =	swait.ge [sflag:s2], $0x200  }
0x23: {  	[sflag:s2] =	ssyncset.done $0x0  }
0x24: {  	[sflag:s2] =	ssyncadd.s32 $0xFFFFFE00  }
0x25: {  	v3 =	vld [tilespmem:$0x0];
	_ =	sdelay $0x4  }
0x26: {  	v4 =	vshll.u32 v3, $0x1  }
0x27: {  	v3 =	vand.u32 $0x7, v3;
	v4 =	vand.u32 $0xFFFFFFF0, v4  }
0x28: {  	v3 =	vor.u32 v3, v4  }
0x29: {  	v4 =	vperm.xlane v3, v0;
	_ =	sdelay $0x1  }
0x2a: {  	v3 =	vperm.xlane v3, v2;
	v4 =	vadd.s32 v1, v4;
	_ =	sdelay $0x1  }
0x2b: {  	v3 =	vadd.s32 v1, v3;
	_ =	sdelay $0x2  }
0x2c: {  	[tilespmem:s14], [sflag:$0x1] =	stream.indirect_vreg.gather [hbm4b:s1+s3], $0x80, v4, vm0, $0xb8;
	[tilespmem:$0x14200] =	vst v63  }
0x2d: {  	_ = 	snop  }
0x2e: {  	[tilespmem:s19], [sflag:$0x1] =	stream.indirect_vreg.gather [hbm4b:s1+s3], $0x80, v3, vm0, $0xb8;
	[tilespmem:$0x14200] =	vst v63  }
0x2f: {  	v3 =	vld [tilespmem:$0x10];
	_ =	sdelay $0x4  }
0x30: {  	v33 =	vshll.u32 v3, $0x1  }
0x31: {  	v3 =	vand.u32 $0x7, v3;
	v4 =	vand.u32 $0xFFFFFFF0, v33  }
0x32: {  	v3 =	vor.u32 v3, v4  }
0x33: {  	v4 =	vperm.xlane v3, v0;
	_ =	sdelay $0x1  }
0x34: {  	v3 =	vperm.xlane v3, v2;
	v4 =	vadd.s32 v1, v4;
	_ =	sdelay $0x1  }
0x35: {  	v3 =	vadd.s32 v1, v3;
	_ =	sdelay $0x2  }
0x36: {  	[tilespmem:s20], [sflag:$0x1] =	stream.indirect_vreg.gather [hbm4b:s1+s3], $0x80, v4, vm0, $0xb8;
	[tilespmem:$0x14200] =	vst v63  }
0x37: {  	_ = 	snop  }
0x38: {  	[tilespmem:s21], [sflag:$0x1] =	stream.indirect_vreg.gather [hbm4b:s1+s3], $0x80, v3, vm0, $0xb8;
	[tilespmem:$0x14200] =	vst v63  }
0x39: {  	v3 =	vld [tilespmem:$0x20];
	_ =	sdelay $0x4  }
0x3a: {  	v34 =	vshll.u32 v3, $0x1  }
0x3b: {  	v3 =	vand.u32 $0x7, v3;
	v4 =	vand.u32 $0xFFFFFFF0, v34  }
0x3c: {  	v3 =	vor.u32 v3, v4  }
0x3d: {  	v4 =	vperm.xlane v3, v0;
	_ =	sdelay $0x1  }
0x3e: {  	v3 =	vperm.xlane v3, v2;
	v4 =	vadd.s32 v1, v4;
	_ =	sdelay $0x1  }
0x3f: {  	v3 =	vadd.s32 v1, v3;
	_ =	sdelay $0x2  }
0x40: {  	[tilespmem:s23], [sflag:$0x1] =	stream.indirect_vreg.gather [hbm4b:s1+s3], $0x80, v4, vm0, $0xb8;
	[tilespmem:$0x14200] =	vst v63  }
0x41: {  	_ = 	snop  }
0x42: {  	[tilespmem:s24], [sflag:$0x1] =	stream.indirect_vreg.gather [hbm4b:s1+s3], $0x80, v3, vm0, $0xb8;
	[tilespmem:$0x14200] =	vst v63  }
0x43: {  	v3 =	vld [tilespmem:$0x30];
	_ =	sdelay $0x4  }
0x44: {  	v35 =	vshll.u32 v3, $0x1  }
0x45: {  	v3 =	vand.u32 $0x7, v3;
	v4 =	vand.u32 $0xFFFFFFF0, v35  }
0x46: {  	v3 =	vor.u32 v3, v4  }
0x47: {  	v4 =	vperm.xlane v3, v0;
	_ =	sdelay $0x1  }
0x48: {  	v3 =	vperm.xlane v3, v2;
	v4 =	vadd.s32 v1, v4;
	_ =	sdelay $0x1  }
0x49: {  	v3 =	vadd.s32 v1, v3;
	_ =	sdelay $0x2  }
0x4a: {  	[tilespmem:s25], [sflag:$0x1] =	stream.indirect_vreg.gather [hbm4b:s1+s3], $0x80, v4, vm0, $0xb8;
	[tilespmem:$0x14200] =	vst v63  }
0x4b: {  	_ = 	snop  }
0x4c: {  	[tilespmem:s26], [sflag:$0x1] =	stream.indirect_vreg.gather [hbm4b:s1+s3], $0x80, v3, vm0, $0xb8;
	[tilespmem:$0x14200] =	vst v63  }
0x4d: {  	v3 =	vld [tilespmem:$0x40];
	_ =	sdelay $0x4  }
0x4e: {  	v36 =	vshll.u32 v3, $0x1  }
0x4f: {  	v3 =	vand.u32 $0x7, v3;
	v4 =	vand.u32 $0xFFFFFFF0, v36  }
0x50: {  	v3 =	vor.u32 v3, v4  }
0x51: {  	v4 =	vperm.xlane v3, v0;
	_ =	sdelay $0x1  }
0x52: {  	v3 =	vperm.xlane v3, v2;
	v4 =	vadd.s32 v1, v4;
	_ =	sdelay $0x1  }
0x53: {  	v3 =	vadd.s32 v1, v3;
	_ =	sdelay $0x2  }
0x54: {  	[tilespmem:s22], [sflag:$0x2] =	stream.indirect_vreg.gather [hbm4b:s1+s3], $0x80, v4, vm0, $0xb8;
	[tilespmem:$0x14200] =	vst v63  }
0x55: {  	_ = 	snop  }
0x56: {  	[tilespmem:s28], [sflag:$0x2] =	stream.indirect_vreg.gather [hbm4b:s1+s3], $0x80, v3, vm0, $0xb8;
	[tilespmem:$0x14200] =	vst v63  }
0x57: {  	v3 =	vld [tilespmem:$0x50];
	_ =	sdelay $0x4  }
0x58: {  	v37 =	vshll.u32 v3, $0x1  }
0x59: {  	v3 =	vand.u32 $0x7, v3;
	v4 =	vand.u32 $0xFFFFFFF0, v37  }
0x5a: {  	v3 =	vor.u32 v3, v4  }
0x5b: {  	v4 =	vperm.xlane v3, v0;
	_ =	sdelay $0x1  }
0x5c: {  	v3 =	vperm.xlane v3, v2;
	v4 =	vadd.s32 v1, v4;
	_ =	sdelay $0x1  }
0x5d: {  	v3 =	vadd.s32 v1, v3;
	_ =	sdelay $0x2  }
0x5e: {  	[tilespmem:s29], [sflag:$0x2] =	stream.indirect_vreg.gather [hbm4b:s1+s3], $0x80, v4, vm0, $0xb8;
	[tilespmem:$0x14200] =	vst v63  }
0x5f: {  	_ = 	snop  }
0x60: {  	[tilespmem:s30], [sflag:$0x2] =	stream.indirect_vreg.gather [hbm4b:s1+s3], $0x80, v3, vm0, $0xb8;
	[tilespmem:$0x14200] =	vst v63  }
0x61: {  	v3 =	vld [tilespmem:$0x60];
	_ =	sdelay $0x4  }
0x62: {  	v38 =	vshll.u32 v3, $0x1  }
0x63: {  	v3 =	vand.u32 $0x7, v3;
	v4 =	vand.u32 $0xFFFFFFF0, v38  }
0x64: {  	v3 =	vor.u32 v3, v4  }
0x65: {  	v4 =	vperm.xlane v3, v0;
	_ =	sdelay $0x1  }
0x66: {  	v3 =	vperm.xlane v3, v2;
	v4 =	vadd.s32 v1, v4;
	_ =	sdelay $0x1  }
0x67: {  	v3 =	vadd.s32 v1, v3;
	_ =	sdelay $0x2  }
0x68: {  	[tilespmem:s31], [sflag:$0x2] =	stream.indirect_vreg.gather [hbm4b:s1+s3], $0x80, v4, vm0, $0xb8;
	[tilespmem:$0x14200] =	vst v63  }
0x69: {  	_ = 	snop  }
0x6a: {  	[tilespmem:s13], [sflag:$0x2] =	stream.indirect_vreg.gather [hbm4b:s1+s3], $0x80, v3, vm0, $0xb8;
	[tilespmem:$0x14200] =	vst v63  }
0x6b: {  	v3 =	vld [tilespmem:$0x70];
	_ =	sdelay $0x4  }
0x6c: {  	v39 =	vshll.u32 v3, $0x1  }
0x6d: {  	v3 =	vand.u32 $0x7, v3;
	v4 =	vand.u32 $0xFFFFFFF0, v39  }
0x6e: {  	v3 =	vor.u32 v3, v4  }
0x6f: {  	v4 =	vperm.xlane v3, v0;
	_ =	sdelay $0x1  }
0x70: {  	v3 =	vperm.xlane v3, v2;
	v4 =	vadd.s32 v1, v4;
	_ =	sdelay $0x1  }
0x71: {  	v3 =	vadd.s32 v1, v3;
	_ =	sdelay $0x1  }
0x72: {  	s5 =	simm.s32 $0x7200  }
0x73: {  	[tilespmem:s5], [sflag:$0x2] =	stream.indirect_vreg.gather [hbm4b:s1+s3], $0x80, v4, vm0, $0xb8;
	[tilespmem:$0x14200] =	vst v63  }
0x74: {  	_ = 	snop  }
0x75: {  	[tilespmem:s12], [sflag:$0x2] =	stream.indirect_vreg.gather [hbm4b:s1+s3], $0x80, v3, vm0, $0xb8;
	[tilespmem:$0x14200] =	vst v63  }
0x76: {  	v3 =	vld [tilespmem:$0x80];
	_ =	sdelay $0x4  }
0x77: {  	v40 =	vshll.u32 v3, $0x1  }
0x78: {  	v3 =	vand.u32 $0x7, v3;
	v4 =	vand.u32 $0xFFFFFFF0, v40  }
0x79: {  	v3 =	vor.u32 v3, v4  }
0x7a: {  	v4 =	vperm.xlane v3, v0;
	_ =	sdelay $0x1  }
0x7b: {  	v3 =	vperm.xlane v3, v2;
	v4 =	vadd.s32 v1, v4;
	_ =	sdelay $0x1  }
0x7c: {  	v3 =	vadd.s32 v1, v3;
	_ =	sdelay $0x1  }
0x7d: {  	s0 =	simm.s32 $0x8200  }
0x7e: {  	[tilespmem:s0], [sflag:$0x3] =	stream.indirect_vreg.gather [hbm4b:s1+s3], $0x80, v4, vm0, $0xb8;
	[tilespmem:$0x14200] =	vst v63  }
0x7f: {  	s18 =	simm.s32 $0x8A00  }
0x80: {  	[tilespmem:s18], [sflag:$0x3] =	stream.indirect_vreg.gather [hbm4b:s1+s3], $0x80, v3, vm0, $0xb8;
	[tilespmem:$0x14200] =	vst v63  }
0x81: {  	v3 =	vld [tilespmem:$0x90];
	_ =	sdelay $0x4  }
0x82: {  	v41 =	vshll.u32 v3, $0x1  }
0x83: {  	v3 =	vand.u32 $0x7, v3;
	v4 =	vand.u32 $0xFFFFFFF0, v41  }
0x84: {  	v3 =	vor.u32 v3, v4  }
0x85: {  	v4 =	vperm.xlane v3, v0;
	_ =	sdelay $0x1  }
0x86: {  	v3 =	vperm.xlane v3, v2;
	v4 =	vadd.s32 v1, v4;
	_ =	sdelay $0x1  }
0x87: {  	v3 =	vadd.s32 v1, v3;
	_ =	sdelay $0x1  }
0x88: {  	s17 =	simm.s32 $0x9200  }
0x89: {  	[tilespmem:s17], [sflag:$0x3] =	stream.indirect_vreg.gather [hbm4b:s1+s3], $0x80, v4, vm0, $0xb8;
	[tilespmem:$0x14200] =	vst v63  }
0x8a: {  	_ = 	snop  }
0x8b: {  	[tilespmem:s16], [sflag:$0x3] =	stream.indirect_vreg.gather [hbm4b:s1+s3], $0x80, v3, vm0, $0xb8;
	[tilespmem:$0x14200] =	vst v63  }
0x8c: {  	v3 =	vld [tilespmem:$0xA0];
	_ =	sdelay $0x4  }
0x8d: {  	v42 =	vshll.u32 v3, $0x1  }
0x8e: {  	v3 =	vand.u32 $0x7, v3;
	v4 =	vand.u32 $0xFFFFFFF0, v42  }
0x8f: {  	v3 =	vor.u32 v3, v4  }
0x90: {  	v4 =	vperm.xlane v3, v0;
	_ =	sdelay $0x1  }
0x91: {  	v3 =	vperm.xlane v3, v2;
	v4 =	vadd.s32 v1, v4;
	_ =	sdelay $0x1  }
0x92: {  	v3 =	vadd.s32 v1, v3;
	_ =	sdelay $0x1  }
0x93: {  	s18 =	simm.s32 $0xA200  }
0x94: {  	[tilespmem:s18], [sflag:$0x3] =	stream.indirect_vreg.gather [hbm4b:s1+s3], $0x80, v4, vm0, $0xb8;
	[tilespmem:$0x14200] =	vst v63  }
0x95: {  	s17 =	simm.s32 $0xAA00  }
0x96: {  	[tilespmem:s17], [sflag:$0x3] =	stream.indirect_vreg.gather [hbm4b:s1+s3], $0x80, v3, vm0, $0xb8;
	[tilespmem:$0x14200] =	vst v63  }
0x97: {  	v3 =	vld [tilespmem:$0xB0];
	_ =	sdelay $0x4  }
0x98: {  	v43 =	vshll.u32 v3, $0x1  }
0x99: {  	v3 =	vand.u32 $0x7, v3;
	v4 =	vand.u32 $0xFFFFFFF0, v43  }
0x9a: {  	v3 =	vor.u32 v3, v4  }
0x9b: {  	v4 =	vperm.xlane v3, v0;
	_ =	sdelay $0x1  }
0x9c: {  	v3 =	vperm.xlane v3, v2;
	v4 =	vadd.s32 v1, v4;
	_ =	sdelay $0x1  }
0x9d: {  	v3 =	vadd.s32 v1, v3;
	_ =	sdelay $0x1  }
0x9e: {  	s18 =	simm.s32 $0xB200  }
0x9f: {  	[tilespmem:s18], [sflag:$0x3] =	stream.indirect_vreg.gather [hbm4b:s1+s3], $0x80, v4, vm0, $0xb8;
	[tilespmem:$0x14200] =	vst v63  }
0xa0: {  	s17 =	simm.s32 $0xBA00  }
0xa1: {  	[tilespmem:s17], [sflag:$0x3] =	stream.indirect_vreg.gather [hbm4b:s1+s3], $0x80, v3, vm0, $0xb8;
	[tilespmem:$0x14200] =	vst v63  }
0xa2: {  	v3 =	vld [tilespmem:$0xC0];
	_ =	sdelay $0x4  }
0xa3: {  	v44 =	vshll.u32 v3, $0x1  }
0xa4: {  	v3 =	vand.u32 $0x7, v3;
	v4 =	vand.u32 $0xFFFFFFF0, v44  }
0xa5: {  	v3 =	vor.u32 v3, v4  }
0xa6: {  	v4 =	vperm.xlane v3, v0;
	_ =	sdelay $0x1  }
0xa7: {  	v3 =	vperm.xlane v3, v2;
	v4 =	vadd.s32 v1, v4;
	_ =	sdelay $0x1  }
0xa8: {  	v3 =	vadd.s32 v1, v3;
	_ =	sdelay $0x2  }
0xa9: {  	[tilespmem:s15], [sflag:$0x4] =	stream.indirect_vreg.gather [hbm4b:s1+s3], $0x80, v4, vm0, $0xb8;
	[tilespmem:$0x14200] =	vst v63  }
0xaa: {  	s18 =	rddreg [dreg:$0xd]  }
0xab: {  	[tilespmem:s18], [sflag:$0x4] =	stream.indirect_vreg.gather [hbm4b:s1+s3], $0x80, v3, vm0, $0xb8;
	[tilespmem:$0x14200] =	vst v63  }
0xac: {  	v3 =	vld [tilespmem:$0xD0];
	_ =	sdelay $0x4  }
0xad: {  	v45 =	vshll.u32 v3, $0x1  }
0xae: {  	v3 =	vand.u32 $0x7, v3;
	v4 =	vand.u32 $0xFFFFFFF0, v45  }
0xaf: {  	v3 =	vor.u32 v3, v4  }
0xb0: {  	v4 =	vperm.xlane v3, v0;
	_ =	sdelay $0x1  }
0xb1: {  	v3 =	vperm.xlane v3, v2;
	v4 =	vadd.s32 v1, v4;
	_ =	sdelay $0x1  }
0xb2: {  	v3 =	vadd.s32 v1, v3;
	_ =	sdelay $0x1  }
0xb3: {  	s2 =	rddreg [dreg:$0xe]  }
0xb4: {  	[tilespmem:s2], [sflag:$0x4] =	stream.indirect_vreg.gather [hbm4b:s1+s3], $0x80, v4, vm0, $0xb8;
	[tilespmem:$0x14200] =	vst v63  }
0xb5: {  	s18 =	rddreg [dreg:$0xf]  }
0xb6: {  	[tilespmem:s18], [sflag:$0x4] =	stream.indirect_vreg.gather [hbm4b:s1+s3], $0x80, v3, vm0, $0xb8;
	[tilespmem:$0x14200] =	vst v63  }
0xb7: {  	v3 =	vld [tilespmem:$0xE0];
	_ =	sdelay $0x4  }
0xb8: {  	v46 =	vshll.u32 v3, $0x1  }
0xb9: {  	v3 =	vand.u32 $0x7, v3;
	v4 =	vand.u32 $0xFFFFFFF0, v46  }
0xba: {  	v3 =	vor.u32 v3, v4  }
0xbb: {  	v4 =	vperm.xlane v3, v0;
	_ =	sdelay $0x1  }
0xbc: {  	v3 =	vperm.xlane v3, v2;
	v4 =	vadd.s32 v1, v4;
	_ =	sdelay $0x1  }
0xbd: {  	v3 =	vadd.s32 v1, v3;
	_ =	sdelay $0x1  }
0xbe: {  	s18 =	rddreg [dreg:$0x10]  }
0xbf: {  	[tilespmem:s18], [sflag:$0x4] =	stream.indirect_vreg.gather [hbm4b:s1+s3], $0x80, v4, vm0, $0xb8;
	[tilespmem:$0x14200] =	vst v63  }
0xc0: {  	s2 =	rddreg [dreg:$0x11]  }
0xc1: {  	[tilespmem:s2], [sflag:$0x4] =	stream.indirect_vreg.gather [hbm4b:s1+s3], $0x80, v3, vm0, $0xb8;
	[tilespmem:$0x14200] =	vst v63  }
0xc2: {  	v3 =	vld [tilespmem:$0xF0];
	_ =	sdelay $0x4  }
0xc3: {  	v47 =	vshll.u32 v3, $0x1  }
0xc4: {  	v3 =	vand.u32 $0x7, v3;
	v4 =	vand.u32 $0xFFFFFFF0, v47  }
0xc5: {  	v3 =	vor.u32 v3, v4  }
0xc6: {  	v4 =	vperm.xlane v3, v0;
	_ =	sdelay $0x1  }
0xc7: {  	v3 =	vperm.xlane v3, v2;
	v4 =	vadd.s32 v1, v4;
	_ =	sdelay $0x1  }
0xc8: {  	v3 =	vadd.s32 v1, v3;
	_ =	sdelay $0x1  }
0xc9: {  	s18 =	rddreg [dreg:$0x12]  }
0xca: {  	[tilespmem:s18], [sflag:$0x4] =	stream.indirect_vreg.gather [hbm4b:s1+s3], $0x80, v4, vm0, $0xb8;
	[tilespmem:$0x14200] =	vst v63  }
0xcb: {  	s2 =	rddreg [dreg:$0x13]  }
0xcc: {  	[tilespmem:s2], [sflag:$0x4] =	stream.indirect_vreg.gather [hbm4b:s1+s3], $0x80, v3, vm0, $0xb8;
	[tilespmem:$0x14200] =	vst v63  }
0xcd: {  	v3 =	vld [tilespmem:$0x100];
	_ =	sdelay $0x4  }
0xce: {  	v48 =	vshll.u32 v3, $0x1  }
0xcf: {  	v3 =	vand.u32 $0x7, v3;
	v4 =	vand.u32 $0xFFFFFFF0, v48  }
0xd0: {  	v3 =	vor.u32 v3, v4  }
0xd1: {  	v4 =	vperm.xlane v3, v0;
	_ =	sdelay $0x1  }
0xd2: {  	v3 =	vperm.xlane v3, v2;
	v4 =	vadd.s32 v1, v4;
	_ =	sdelay $0x1  }
0xd3: {  	v3 =	vadd.s32 v1, v3;
	_ =	sdelay $0x1  }
0xd4: {  	s2 =	simm.s32 $0x10200  }
0xd5: {  	[tilespmem:s2], [sflag:$0x5] =	stream.indirect_vreg.gather [hbm4b:s1+s3], $0x80, v4, vm0, $0xb8;
	[tilespmem:$0x14200] =	vst v63  }
0xd6: {  	s18 =	rddreg [dreg:$0x14]  }
0xd7: {  	[tilespmem:s18], [sflag:$0x5] =	stream.indirect_vreg.gather [hbm4b:s1+s3], $0x80, v3, vm0, $0xb8;
	[tilespmem:$0x14200] =	vst v63  }
0xd8: {  	v3 =	vld [tilespmem:$0x110];
	_ =	sdelay $0x4  }
0xd9: {  	v49 =	vshll.u32 v3, $0x1  }
0xda: {  	v3 =	vand.u32 $0x7, v3;
	v4 =	vand.u32 $0xFFFFFFF0, v49  }
0xdb: {  	v3 =	vor.u32 v3, v4  }
0xdc: {  	v4 =	vperm.xlane v3, v0;
	_ =	sdelay $0x1  }
0xdd: {  	v3 =	vperm.xlane v3, v2;
	v4 =	vadd.s32 v1, v4;
	_ =	sdelay $0x1  }
0xde: {  	v3 =	vadd.s32 v1, v3;
	_ =	sdelay $0x1  }
0xdf: {  	s17 =	rddreg [dreg:$0x15]  }
0xe0: {  	[tilespmem:s17], [sflag:$0x5] =	stream.indirect_vreg.gather [hbm4b:s1+s3], $0x80, v4, vm0, $0xb8;
	[tilespmem:$0x14200] =	vst v63  }
0xe1: {  	s18 =	rddreg [dreg:$0x16]  }
0xe2: {  	[tilespmem:s18], [sflag:$0x5] =	stream.indirect_vreg.gather [hbm4b:s1+s3], $0x80, v3, vm0, $0xb8;
	[tilespmem:$0x14200] =	vst v63  }
0xe3: {  	v3 =	vld [tilespmem:$0x120];
	_ =	sdelay $0x4  }
0xe4: {  	v50 =	vshll.u32 v3, $0x1  }
0xe5: {  	v3 =	vand.u32 $0x7, v3;
	v4 =	vand.u32 $0xFFFFFFF0, v50  }
0xe6: {  	v3 =	vor.u32 v3, v4  }
0xe7: {  	v4 =	vperm.xlane v3, v0;
	_ =	sdelay $0x1  }
0xe8: {  	v3 =	vperm.xlane v3, v2;
	v4 =	vadd.s32 v1, v4;
	_ =	sdelay $0x1  }
0xe9: {  	v3 =	vadd.s32 v1, v3;
	_ =	sdelay $0x1  }
0xea: {  	s17 =	rddreg [dreg:$0x17]  }
0xeb: {  	[tilespmem:s17], [sflag:$0x5] =	stream.indirect_vreg.gather [hbm4b:s1+s3], $0x80, v4, vm0, $0xb8;
	[tilespmem:$0x14200] =	vst v63  }
0xec: {  	s18 =	rddreg [dreg:$0x18]  }
0xed: {  	[tilespmem:s18], [sflag:$0x5] =	stream.indirect_vreg.gather [hbm4b:s1+s3], $0x80, v3, vm0, $0xb8;
	[tilespmem:$0x14200] =	vst v63  }
0xee: {  	v3 =	vld [tilespmem:$0x130];
	_ =	sdelay $0x4  }
0xef: {  	v51 =	vshll.u32 v3, $0x1  }
0xf0: {  	v3 =	vand.u32 $0x7, v3;
	v4 =	vand.u32 $0xFFFFFFF0, v51  }
0xf1: {  	v3 =	vor.u32 v3, v4  }
0xf2: {  	v4 =	vperm.xlane v3, v0;
	_ =	sdelay $0x1  }
0xf3: {  	v3 =	vperm.xlane v3, v2;
	v4 =	vadd.s32 v1, v4;
	_ =	sdelay $0x1  }
0xf4: {  	v3 =	vadd.s32 v1, v3;
	_ =	sdelay $0x1  }
0xf5: {  	s17 =	rddreg [dreg:$0x19]  }
0xf6: {  	[tilespmem:s17], [sflag:$0x5] =	stream.indirect_vreg.gather [hbm4b:s1+s3], $0x80, v4, vm0, $0xb8;
	[tilespmem:$0x14200] =	vst v63  }
0xf7: {  	s18 =	rddreg [dreg:$0x1a]  }
0xf8: {  	[tilespmem:s18], [sflag:$0x5] =	stream.indirect_vreg.gather [hbm4b:s1+s3], $0x80, v3, vm0, $0xb8;
	[tilespmem:$0x14200] =	vst v63  }
0xf9: {  	_ =	swait.ge [sflag:s6], $0x4000  }
0xfa: {  	[sflag:s6] =	ssyncset.done $0x0  }
0xfb: {  	s18 =	rddreg [dreg:$0x5];
	[sflag:s6] =	ssyncadd.s32 $0xFFFFC000  }
0xfc: {  	[hbm4b:s18+s3] =	stream.linear.scatter [tilespmem:s14], [sflag:$0x6], $0x4000, $0x38;
	[tilespmem:$0x14200] =	vst v63  }
0xfd: {  	_ =	swait.ge [sflag:s7], $0x4000  }
0xfe: {  	[sflag:s7] =	ssyncset.done $0x0  }
0xff: {  	[sflag:s7] =	ssyncadd.s32 $0xFFFFC000  }
0x100: {  	v3 =	vld [tilespmem:$0x140];
	_ =	sdelay $0x4  }
0x101: {  	v52 =	vshll.u32 v3, $0x1  }
0x102: {  	v3 =	vand.u32 $0x7, v3;
	v4 =	vand.u32 $0xFFFFFFF0, v52  }
0x103: {  	v3 =	vor.u32 v3, v4  }
0x104: {  	v4 =	vperm.xlane v3, v0;
	_ =	sdelay $0x1  }
0x105: {  	v3 =	vperm.xlane v3, v2;
	v4 =	vadd.s32 v1, v4;
	_ =	sdelay $0x1  }
0x106: {  	v3 =	vadd.s32 v1, v3;
	_ =	sdelay $0x2  }
0x107: {  	[tilespmem:s14], [sflag:$0x1] =	stream.indirect_vreg.gather [hbm4b:s1+s3], $0x80, v4, vm0, $0xb8;
	[tilespmem:$0x14200] =	vst v63  }
0x108: {  	_ = 	snop  }
0x109: {  	[tilespmem:s19], [sflag:$0x1] =	stream.indirect_vreg.gather [hbm4b:s1+s3], $0x80, v3, vm0, $0xb8;
	[tilespmem:$0x14200] =	vst v63  }
0x10a: {  	v3 =	vld [tilespmem:$0x150];
	_ =	sdelay $0x4  }
0x10b: {  	v53 =	vshll.u32 v3, $0x1  }
0x10c: {  	v3 =	vand.u32 $0x7, v3;
	v4 =	vand.u32 $0xFFFFFFF0, v53  }
0x10d: {  	v3 =	vor.u32 v3, v4  }
0x10e: {  	v4 =	vperm.xlane v3, v0;
	_ =	sdelay $0x1  }
0x10f: {  	v3 =	vperm.xlane v3, v2;
	v4 =	vadd.s32 v1, v4;
	_ =	sdelay $0x1  }
0x110: {  	v3 =	vadd.s32 v1, v3;
	_ =	sdelay $0x2  }
0x111: {  	[tilespmem:s20], [sflag:$0x1] =	stream.indirect_vreg.gather [hbm4b:s1+s3], $0x80, v4, vm0, $0xb8;
	[tilespmem:$0x14200] =	vst v63  }
0x112: {  	_ = 	snop  }
0x113: {  	[tilespmem:s21], [sflag:$0x1] =	stream.indirect_vreg.gather [hbm4b:s1+s3], $0x80, v3, vm0, $0xb8;
	[tilespmem:$0x14200] =	vst v63  }
0x114: {  	v3 =	vld [tilespmem:$0x160];
	_ =	sdelay $0x4  }
0x115: {  	v54 =	vshll.u32 v3, $0x1  }
0x116: {  	v3 =	vand.u32 $0x7, v3;
	v4 =	vand.u32 $0xFFFFFFF0, v54  }
0x117: {  	v3 =	vor.u32 v3, v4  }
0x118: {  	v4 =	vperm.xlane v3, v0;
	_ =	sdelay $0x1  }
0x119: {  	v3 =	vperm.xlane v3, v2;
	v4 =	vadd.s32 v1, v4;
	_ =	sdelay $0x1  }
0x11a: {  	v3 =	vadd.s32 v1, v3;
	_ =	sdelay $0x2  }
0x11b: {  	[tilespmem:s23], [sflag:$0x1] =	stream.indirect_vreg.gather [hbm4b:s1+s3], $0x80, v4, vm0, $0xb8;
	[tilespmem:$0x14200] =	vst v63  }
0x11c: {  	_ = 	snop  }
0x11d: {  	[tilespmem:s24], [sflag:$0x1] =	stream.indirect_vreg.gather [hbm4b:s1+s3], $0x80, v3, vm0, $0xb8;
	[tilespmem:$0x14200] =	vst v63  }
0x11e: {  	v3 =	vld [tilespmem:$0x170];
	_ =	sdelay $0x4  }
0x11f: {  	v55 =	vshll.u32 v3, $0x1  }
0x120: {  	v3 =	vand.u32 $0x7, v3;
	v4 =	vand.u32 $0xFFFFFFF0, v55  }
0x121: {  	v3 =	vor.u32 v3, v4  }
0x122: {  	v4 =	vperm.xlane v3, v0;
	_ =	sdelay $0x1  }
0x123: {  	v3 =	vperm.xlane v3, v2;
	v4 =	vadd.s32 v1, v4;
	_ =	sdelay $0x1  }
0x124: {  	v3 =	vadd.s32 v1, v3;
	_ =	sdelay $0x2  }
0x125: {  	[tilespmem:s25], [sflag:$0x1] =	stream.indirect_vreg.gather [hbm4b:s1+s3], $0x80, v4, vm0, $0xb8;
	[tilespmem:$0x14200] =	vst v63  }
0x126: {  	_ = 	snop  }
0x127: {  	[tilespmem:s26], [sflag:$0x1] =	stream.indirect_vreg.gather [hbm4b:s1+s3], $0x80, v3, vm0, $0xb8;
	[tilespmem:$0x14200] =	vst v63  }
0x128: {  	_ =	swait.ge [sflag:s8], $0x4000  }
0x129: {  	[sflag:s8] =	ssyncset.done $0x0  }
0x12a: {  	s18 =	rddreg [dreg:$0x6];
	[sflag:s8] =	ssyncadd.s32 $0xFFFFC000  }
0x12b: {  	[hbm4b:s18+s3] =	stream.linear.scatter [tilespmem:s22], [sflag:$0x7], $0x4000, $0x38;
	[tilespmem:$0x14200] =	vst v63  }
0x12c: {  	_ =	swait.ge [sflag:s9], $0x4000  }
0x12d: {  	[sflag:s9] =	ssyncset.done $0x0  }
0x12e: {  	[sflag:s9] =	ssyncadd.s32 $0xFFFFC000  }
0x12f: {  	v3 =	vld [tilespmem:$0x180];
	_ =	sdelay $0x4  }
0x130: {  	v56 =	vshll.u32 v3, $0x1  }
0x131: {  	v3 =	vand.u32 $0x7, v3;
	v4 =	vand.u32 $0xFFFFFFF0, v56  }
0x132: {  	v3 =	vor.u32 v3, v4  }
0x133: {  	v4 =	vperm.xlane v3, v0;
	_ =	sdelay $0x1  }
0x134: {  	v3 =	vperm.xlane v3, v2;
	v4 =	vadd.s32 v1, v4;
	_ =	sdelay $0x1  }
0x135: {  	v3 =	vadd.s32 v1, v3;
	_ =	sdelay $0x2  }
0x136: {  	[tilespmem:s22], [sflag:$0x2] =	stream.indirect_vreg.gather [hbm4b:s1+s3], $0x80, v4, vm0, $0xb8;
	[tilespmem:$0x14200] =	vst v63  }
0x137: {  	_ = 	snop  }
0x138: {  	[tilespmem:s28], [sflag:$0x2] =	stream.indirect_vreg.gather [hbm4b:s1+s3], $0x80, v3, vm0, $0xb8;
	[tilespmem:$0x14200] =	vst v63  }
0x139: {  	v3 =	vld [tilespmem:$0x190];
	_ =	sdelay $0x4  }
0x13a: {  	v57 =	vshll.u32 v3, $0x1  }
0x13b: {  	v3 =	vand.u32 $0x7, v3;
	v4 =	vand.u32 $0xFFFFFFF0, v57  }
0x13c: {  	v3 =	vor.u32 v3, v4  }
0x13d: {  	v4 =	vperm.xlane v3, v0;
	_ =	sdelay $0x1  }
0x13e: {  	v3 =	vperm.xlane v3, v2;
	v4 =	vadd.s32 v1, v4;
	_ =	sdelay $0x1  }
0x13f: {  	v3 =	vadd.s32 v1, v3;
	_ =	sdelay $0x2  }
0x140: {  	[tilespmem:s29], [sflag:$0x2] =	stream.indirect_vreg.gather [hbm4b:s1+s3], $0x80, v4, vm0, $0xb8;
	[tilespmem:$0x14200] =	vst v63  }
0x141: {  	_ = 	snop  }
0x142: {  	[tilespmem:s30], [sflag:$0x2] =	stream.indirect_vreg.gather [hbm4b:s1+s3], $0x80, v3, vm0, $0xb8;
	[tilespmem:$0x14200] =	vst v63  }
0x143: {  	v3 =	vld [tilespmem:$0x1A0];
	_ =	sdelay $0x4  }
0x144: {  	v58 =	vshll.u32 v3, $0x1  }
0x145: {  	v3 =	vand.u32 $0x7, v3;
	v4 =	vand.u32 $0xFFFFFFF0, v58  }
0x146: {  	v3 =	vor.u32 v3, v4  }
0x147: {  	v4 =	vperm.xlane v3, v0;
	_ =	sdelay $0x1  }
0x148: {  	v3 =	vperm.xlane v3, v2;
	v4 =	vadd.s32 v1, v4;
	_ =	sdelay $0x1  }
0x149: {  	v3 =	vadd.s32 v1, v3;
	_ =	sdelay $0x2  }
0x14a: {  	[tilespmem:s31], [sflag:$0x2] =	stream.indirect_vreg.gather [hbm4b:s1+s3], $0x80, v4, vm0, $0xb8;
	[tilespmem:$0x14200] =	vst v63  }
0x14b: {  	_ = 	snop  }
0x14c: {  	[tilespmem:s13], [sflag:$0x2] =	stream.indirect_vreg.gather [hbm4b:s1+s3], $0x80, v3, vm0, $0xb8;
	[tilespmem:$0x14200] =	vst v63  }
0x14d: {  	v3 =	vld [tilespmem:$0x1B0];
	_ =	sdelay $0x4  }
0x14e: {  	v59 =	vshll.u32 v3, $0x1  }
0x14f: {  	v3 =	vand.u32 $0x7, v3;
	v4 =	vand.u32 $0xFFFFFFF0, v59  }
0x150: {  	v3 =	vor.u32 v3, v4  }
0x151: {  	v4 =	vperm.xlane v3, v0;
	_ =	sdelay $0x1  }
0x152: {  	v3 =	vperm.xlane v3, v2;
	v4 =	vadd.s32 v1, v4;
	_ =	sdelay $0x1  }
0x153: {  	v3 =	vadd.s32 v1, v3;
	_ =	sdelay $0x2  }
0x154: {  	[tilespmem:s5], [sflag:$0x2] =	stream.indirect_vreg.gather [hbm4b:s1+s3], $0x80, v4, vm0, $0xb8;
	[tilespmem:$0x14200] =	vst v63  }
0x155: {  	_ = 	snop  }
0x156: {  	[tilespmem:s12], [sflag:$0x2] =	stream.indirect_vreg.gather [hbm4b:s1+s3], $0x80, v3, vm0, $0xb8;
	[tilespmem:$0x14200] =	vst v63  }
0x157: {  	_ =	swait.ge [sflag:s10], $0x4000  }
0x158: {  	[sflag:s10] =	ssyncset.done $0x0  }
0x159: {  	s5 =	rddreg [dreg:$0x7];
	[sflag:s10] =	ssyncadd.s32 $0xFFFFC000  }
0x15a: {  	[hbm4b:s5+s3] =	stream.linear.scatter [tilespmem:s0], [sflag:$0x8], $0x4000, $0x38;
	[tilespmem:$0x14200] =	vst v63  }
0x15b: {  	_ =	swait.ge [sflag:s11], $0x4000  }
0x15c: {  	[sflag:s11] =	ssyncset.done $0x0  }
0x15d: {  	[sflag:s11] =	ssyncadd.s32 $0xFFFFC000  }
0x15e: {  	v3 =	vld [tilespmem:$0x1C0];
	_ =	sdelay $0x4  }
0x15f: {  	v60 =	vshll.u32 v3, $0x1  }
0x160: {  	v3 =	vand.u32 $0x7, v3;
	v4 =	vand.u32 $0xFFFFFFF0, v60  }
0x161: {  	v3 =	vor.u32 v3, v4  }
0x162: {  	v4 =	vperm.xlane v3, v0;
	_ =	sdelay $0x1  }
0x163: {  	v3 =	vperm.xlane v3, v2;
	v4 =	vadd.s32 v1, v4;
	_ =	sdelay $0x1  }
0x164: {  	v3 =	vadd.s32 v1, v3;
	_ =	sdelay $0x2  }
0x165: {  	[tilespmem:s0], [sflag:$0x3] =	stream.indirect_vreg.gather [hbm4b:s1+s3], $0x80, v4, vm0, $0xb8;
	[tilespmem:$0x14200] =	vst v63  }
0x166: {  	s17 =	simm.s32 $0x8A00  }
0x167: {  	[tilespmem:s17], [sflag:$0x3] =	stream.indirect_vreg.gather [hbm4b:s1+s3], $0x80, v3, vm0, $0xb8;
	[tilespmem:$0x14200] =	vst v63  }
0x168: {  	v3 =	vld [tilespmem:$0x1D0];
	_ =	sdelay $0x4  }
0x169: {  	v61 =	vshll.u32 v3, $0x1  }
0x16a: {  	v3 =	vand.u32 $0x7, v3;
	v4 =	vand.u32 $0xFFFFFFF0, v61  }
0x16b: {  	v3 =	vor.u32 v3, v4  }
0x16c: {  	v4 =	vperm.xlane v3, v0;
	_ =	sdelay $0x1  }
0x16d: {  	v3 =	vperm.xlane v3, v2;
	v4 =	vadd.s32 v1, v4;
	_ =	sdelay $0x1  }
0x16e: {  	v3 =	vadd.s32 v1, v3;
	_ =	sdelay $0x1  }
0x16f: {  	s18 =	simm.s32 $0x9200  }
0x170: {  	[tilespmem:s18], [sflag:$0x3] =	stream.indirect_vreg.gather [hbm4b:s1+s3], $0x80, v4, vm0, $0xb8;
	[tilespmem:$0x14200] =	vst v63  }
0x171: {  	_ = 	snop  }
0x172: {  	[tilespmem:s16], [sflag:$0x3] =	stream.indirect_vreg.gather [hbm4b:s1+s3], $0x80, v3, vm0, $0xb8;
	[tilespmem:$0x14200] =	vst v63  }
0x173: {  	v3 =	vld [tilespmem:$0x1E0];
	_ =	sdelay $0x4  }
0x174: {  	v62 =	vshll.u32 v3, $0x1  }
0x175: {  	v3 =	vand.u32 $0x7, v3;
	v4 =	vand.u32 $0xFFFFFFF0, v62  }
0x176: {  	v3 =	vor.u32 v3, v4  }
0x177: {  	v4 =	vperm.xlane v3, v0;
	_ =	sdelay $0x1  }
0x178: {  	v3 =	vperm.xlane v3, v2;
	v4 =	vadd.s32 v1, v4;
	_ =	sdelay $0x1  }
0x179: {  	v3 =	vadd.s32 v1, v3;
	_ =	sdelay $0x1  }
0x17a: {  	s17 =	simm.s32 $0xA200  }
0x17b: {  	[tilespmem:s17], [sflag:$0x3] =	stream.indirect_vreg.gather [hbm4b:s1+s3], $0x80, v4, vm0, $0xb8;
	[tilespmem:$0x14200] =	vst v63  }
0x17c: {  	s18 =	simm.s32 $0xAA00  }
0x17d: {  	[tilespmem:s18], [sflag:$0x3] =	stream.indirect_vreg.gather [hbm4b:s1+s3], $0x80, v3, vm0, $0xb8;
	[tilespmem:$0x14200] =	vst v63  }
0x17e: {  	v3 =	vld [tilespmem:$0x1F0];
	_ =	sdelay $0x4  }
0x17f: {  	v63 =	vshll.u32 v3, $0x1  }
0x180: {  	v3 =	vand.u32 $0x7, v3;
	v4 =	vand.u32 $0xFFFFFFF0, v63  }
0x181: {  	v3 =	vor.u32 v3, v4  }
0x182: {  	v4 =	vperm.xlane v3, v0;
	_ =	sdelay $0x1  }
0x183: {  	v3 =	vperm.xlane v3, v2;
	v4 =	vadd.s32 v1, v4;
	_ =	sdelay $0x1  }
0x184: {  	v3 =	vadd.s32 v1, v3;
	_ =	sdelay $0x1  }
0x185: {  	s17 =	simm.s32 $0xB200  }
0x186: {  	[tilespmem:s17], [sflag:$0x3] =	stream.indirect_vreg.gather [hbm4b:s1+s3], $0x80, v4, vm0, $0xb8;
	[tilespmem:$0x14200] =	vst v63  }
0x187: {  	s18 =	simm.s32 $0xBA00;
	s17 =	simm.s32 $0x4  }
0x188: {  	[tilespmem:s18], [sflag:$0x3] =	stream.indirect_vreg.gather [hbm4b:s1+s3], $0x80, v3, vm0, $0xb8;
	[tilespmem:$0x14200] =	vst v63  }
0x189: {  	_ =	swait.ge [sflag:s17], $0x4000  }
0x18a: {  	[sflag:s17] =	ssyncset.done $0x0  }
0x18b: {  	s18 =	rddreg [dreg:$0x8];
	[sflag:s17] =	ssyncadd.s32 $0xFFFFC000;
	s17 =	simm.s32 $0x5  }
0x18c: {  	[hbm4b:s18+s3] =	stream.linear.scatter [tilespmem:s15], [sflag:$0x9], $0x4000, $0x38;
	[tilespmem:$0x14200] =	vst v63  }
0x18d: {  	_ =	swait.ge [sflag:s17], $0x4000  }
0x18e: {  	[sflag:s17] =	ssyncset.done $0x0  }
0x18f: {  	s18 =	rddreg [dreg:$0x9];
	[sflag:s17] =	ssyncadd.s32 $0xFFFFC000  }
0x190: {  	[hbm4b:s18+s3] =	stream.linear.scatter [tilespmem:s2], [sflag:$0xA], $0x4000, $0x38;
	[tilespmem:$0x14200] =	vst v63  }
0x191: {  	_ =	swait.ge [sflag:s6], $0x4000  }
0x192: {  	[sflag:s6] =	ssyncset.done $0x0  }
0x193: {  	s18 =	rddreg [dreg:$0xa];
	[sflag:s6] =	ssyncadd.s32 $0xFFFFC000  }
0x194: {  	[hbm4b:s18+s3] =	stream.linear.scatter [tilespmem:s14], [sflag:$0x6], $0x4000, $0x38;
	[tilespmem:$0x14200] =	vst v63  }
0x195: {  	_ =	swait.ge [sflag:s8], $0x4000  }
0x196: {  	[sflag:s8] =	ssyncset.done $0x0  }
0x197: {  	s2 =	rddreg [dreg:$0xb];
	[sflag:s8] =	ssyncadd.s32 $0xFFFFC000  }
0x198: {  	[hbm4b:s2+s3] =	stream.linear.scatter [tilespmem:s22], [sflag:$0x7], $0x4000, $0x38;
	[tilespmem:$0x14200] =	vst v63  }
0x199: {  	_ =	swait.ge [sflag:s10], $0x4000  }
0x19a: {  	[sflag:s10] =	ssyncset.done $0x0  }
0x19b: {  	s17 =	simm.s32 $0x9;
	s5 =	rddreg [dreg:$0xc];
	[sflag:s10] =	ssyncadd.s32 $0xFFFFC000  }
0x19c: {  	[hbm4b:s5+s3] =	stream.linear.scatter [tilespmem:s0], [sflag:$0x8], $0x4000, $0x38;
	[tilespmem:$0x14200] =	vst v63  }
0x19d: {  	_ =	swait.ge [sflag:s17], $0x4000  }
0x19e: {  	[sflag:s17] =	ssyncset.done $0x0  }
0x19f: {  	s18 =	simm.s32 $0xA;
	[sflag:s17] =	ssyncadd.s32 $0xFFFFC000  }
0x1a0: {  	_ =	swait.ge [sflag:s18], $0x4000  }
0x1a1: {  	[sflag:s18] =	ssyncset.done $0x0  }
0x1a2: {  	[sflag:s18] =	ssyncadd.s32 $0xFFFFC000  }
0x1a3: {  	_ =	swait.ge [sflag:s7], $0x4000  }
0x1a4: {  	[sflag:s7] =	ssyncset.done $0x0  }
0x1a5: {  	[sflag:s7] =	ssyncadd.s32 $0xFFFFC000  }
0x1a6: {  	p0 =	sne.s32 s4, $0x1;
	_ =	swait.ge [sflag:s9], $0x4000  }
.Ltmp0:
0x1a7: {  	[sflag:s9] =	ssyncset.done $0x0;
	(pc) =	sbr.rel @p0 .LBB2_1-.Ltmp0, $4  }
0x1a8: {  	[sflag:s9] =	ssyncadd.s32 $0xFFFFC000  }
0x1a9: {  	_ =	swait.ge [sflag:s11], $0x4000  }
0x1aa: {  	[sflag:s11] =	ssyncset.done $0x0  }
0x1ab: {  	s4 =	sadd.s32 $0xFFFFFFFF, s4;
	[sflag:s11] =	ssyncadd.s32 $0xFFFFC000  }
0x1ac: {  	_ =	sfence.sel $0x180000  }
0x1ad: {  	[bflag:$0x0] =	sbarrier.arrive $0xFFFF  }
0x1ae: {  	_ =	strace $0x90000047  }
0x1af: {  	s0 =	stileid.u32;
	[bflag:$0x2] =	sbarrier.arrive $0xFFFF  }
0x1b0: {  	p0 =	sne.s32 s0, $0x0;
	s0 =	rddreg [dreg:$0x3]  }
0x1b1: {  	s0 =	sadd.s32 @!p0 $0x100000, s0  }
0x1b2: {  	[sflag:s0] =	ssyncadd.tile.s32 @!p0 $0x1;
	_ =	shalt  }
.Lfunc_end2:
_tile_overlayer_lowered:
.L_overlay_start_2:
0x1b3: {  	(tag) =	ssettag $0x2  }
0x1b4: {  	s0 =	rddreg [dreg:$0x0];
	s2 =	stileid.u32  }
0x1b5: {  	s1 =	rddreg [dreg:$0x1];
	p0 =	sne.s32 s2, $0x0  }
0x1b6: {  	s3 =	rddreg [dreg:$0x2];
	[bflag:$0x3] =	sbarrier.arrive $0xFFFF;
	s2 =	simm.s32 @!p0 $0x1C0B  }
0x1b7: {  	[timem:s3], [sflag:s2] =	dma.local @!p0 [hbm:s0], s1  }
0x1b8: {  	s0 =	simm.s32 @!p0 $0xB  }
0x1b9: {  	_ =	swait.ge @!p0 [sflag:s0], s1  }
0x1ba: {  	s1 =	ssub.s32 @!p0 $0x0, s1;
	[sflag:s0] =	ssyncset.done @!p0 $0x0  }
0x1bb: {  	[sflag:s0] =	ssyncadd.s32 @!p0 s1  }
0x1bc: {  	[bflag:$0x3] =	sbarrier.arrive $0xFFFF  }
0x1bd: {  	_ =	shalt  }

// kernel: kernel.9.cloned.1.call-start
scs
__scs_entry_jumppad:
0x0: {  	(pc) =	sbr.rel $0x88, $3  }
0x1: {  	(tag) =	ssettag $0x0;
	lr =	simm.s32 $0x1  }
0x2: {  	[smem:$0x3F97] =	sst lr;
	_ =	strace $0xD0000000  }
0x3: {  	_ = 	snop  }
0x4: {  	_ = 	snop  }
0x5: {  	_ = 	snop  }
0x6: {  	_ = 	snop  }
0x7: {  	_ = 	snop  }
__scs_overlays_trampoline_lowered:
0x8: {  	[smem:$0x3FA6] =	sst s0  }
0x9: {  	[smem:$0x3FA7] =	sst s1  }
0xa: {  	[smem:$0x3FA8] =	sst s2  }
0xb: {  	[smem:$0x3FA9] =	sst s3  }
0xc: {  	[smem:$0x3FAA] =	sst s4  }
0xd: {  	[smem:$0x3FAB] =	sst s5  }
0xe: {  	[smem:$0x3FAC] =	sst s6  }
0xf: {  	[smem:$0x3FAD] =	sst s7  }
0x10: {  	[smem:$0x3FAE] =	sst s8  }
0x11: {  	[smem:$0x3FAF] =	sst s9;
	s0 =	simm.s32 @!p0 $0x0  }
0x12: {  	s1 =	sld [smem:$0x3F95];
	s0 =	simm.s32 @p0 $0x1  }
0x13: {  	[smem:$0x3FB0] =	sst s0;
	s0 =	simm.s32 @!p1 $0x0  }
0x14: {  	s2 =	sld [smem:$0x3F94];
	s0 =	simm.s32 @p1 $0x1  }
0x15: {  	[smem:$0x3FB1] =	sst s0;
	s0 =	simm.s32 @!p2 $0x0  }
0x16: {  	s3 =	sld [smem:$0x3FDB];
	s0 =	simm.s32 @p2 $0x1  }
0x17: {  	s4 =	simm.s32 $0x1BF5;
	[smem:$0x3FB3] =	sst s0  }
0x18: {  	s0 =	sld [smem:$0x3F96];
	_ =	swait.ge [sflag:s4], $0x0  }
0x19: {  	s7 =	sld [smem:$0x3F97]  }
0x1a: {  	s8 =	sadd.s32 $0xFFFFE003, lr  }
0x1b: {  	s9 =	sadd.s32 $0xFFFFFEF7, lr;
	s5 =	simm.s32 $0xFFFFFFFF;
	p2 =	slt.u32 s8, $0xFFFFF086  }
0x1c: {  	p1 =	slt.u32 s9, $0xF7A;
	s5 =	simm.s32 @!p2 $0x0  }
0x1d: {  	s5 =	simm.s32 @p1 $0x1;
	p0 =	seq.s32 s7, s2  }
0x1e: {  	s7 =	smul.u32 @!p0 $0xF7A, s2;
	p2 =	seq.s32 @!p0 s5, $0x0  }
0x1f: {  	s9 =	smul.u32 $0xF7A, s1;
	s8 =	simm.s32 @!p0 $0x1BF5;
	p2 =	por !p2, p0  }
0x20: {  	[sflag:s8] =	ssyncset.s32 @!p0 $0xFFFFF086;
	s6 =	sadd.s32 @!p0 s3, s7;
	s7 =	simm.s32 @!p0 $0x108  }
0x21: {  	s3 =	sadd.s32 s3, s9;
	s6 =	sadd.s32 @!p0 $0x88, s6;
	s7 =	simm.s32 @p2 $0x1082  }
0x22: {  	[simem:s7], [sflag:s8] =	dma.local @!p0 [hbm:s6], $0xF7A  }
0x23: {  	s9 =	sor.u32 $0xD0000000, s2;
	s6 =	simm.s32 $0x108;
	_ =	swait.ge @!p0 [sflag:s8], $0x0  }
0x24: {  	s3 =	sadd.s32 $0x88, s3;
	s6 =	simm.s32 @!p1 $0x1082;
	[sflag:s4] =	ssyncset.s32 $0xFFFFF086  }
0x25: {  	[simem:s6], [sflag:s4] =	dma.local [hbm:s3], $0xF7A  }
0x26: {  	[smem:$0x3F97] =	sst s1;
	(tag) =	ssettag s2;
	_ =	strace s9  }
0x27: {  	s1 =	sld [smem:$0x3FA7]  }
0x28: {  	s2 =	sld [smem:$0x3FA8]  }
0x29: {  	s4 =	sld [smem:$0x3FAA]  }
0x2a: {  	p0 =	seq.s32 s5, $0x0;
	s5 =	sld [smem:$0x3FAB]  }
0x2b: {  	s6 =	sld [smem:$0x3FAC]  }
0x2c: {  	s7 =	sld [smem:$0x3FAD]  }
0x2d: {  	s3 =	simm.s32 $0x108;
	s8 =	sld [smem:$0x3FAE]  }
0x2e: {  	s3 =	simm.s32 @!p0 $0x1082;
	s9 =	sld [smem:$0x3FAF]  }
0x2f: {  	lr =	sadd.s32 s0, s3;
	s0 =	sld [smem:$0x3FA6]  }
0x30: {  	s3 =	sld [smem:$0x3FA9]  }
0x31: {  	[smem:$0x3FB2] =	sst s10  }
0x32: {  	s10 =	sld [smem:$0x3FB0];
	_ =	sdelay $0x3  }
0x33: {  	p0 =	seq.s32 s10, $0x1;
	s10 =	sld [smem:$0x3FB2];
	_ =	sdelay $0x3  }
0x34: {  	[smem:$0x3FB2] =	sst s10  }
0x35: {  	s10 =	sld [smem:$0x3FB1];
	_ =	sdelay $0x3  }
0x36: {  	p1 =	seq.s32 s10, $0x1;
	s10 =	sld [smem:$0x3FB2];
	_ =	sdelay $0x3  }
0x37: {  	[smem:$0x3FB2] =	sst s10  }
0x38: {  	s10 =	sld [smem:$0x3FB3]  }
0x39: {  	_ = 	snop;
	(pc) =	sbr.ind lr, $3  }
0x3a: {  	_ = 	snop  }
0x3b: {  	_ = 	snop  }
0x3c: {  	p2 =	seq.s32 s10, $0x1;
	s10 =	sld [smem:$0x3FB2]  }
0x3d: {  	_ =	shalt  }
0x3e: {  	_ =	shalt  }
0x3f: {  	_ =	shalt  }
0x40: {  	_ =	shalt  }
0x41: {  	_ =	shalt  }
0x42: {  	_ =	shalt  }
0x43: {  	_ =	shalt  }
0x44: {  	_ =	shalt  }
0x45: {  	_ =	shalt  }
0x46: {  	_ =	shalt  }
0x47: {  	_ =	shalt  }
0x48: {  	_ =	shalt  }
0x49: {  	_ =	shalt  }
0x4a: {  	_ =	shalt  }
0x4b: {  	_ =	shalt  }
0x4c: {  	_ =	shalt  }
0x4d: {  	_ =	shalt  }
0x4e: {  	_ =	shalt  }
0x4f: {  	_ =	shalt  }
0x50: {  	_ =	shalt  }
0x51: {  	_ =	shalt  }
0x52: {  	_ =	shalt  }
0x53: {  	_ =	shalt  }
0x54: {  	_ =	shalt  }
0x55: {  	_ =	shalt  }
0x56: {  	_ =	shalt  }
0x57: {  	_ =	shalt  }
0x58: {  	_ =	shalt  }
0x59: {  	_ =	shalt  }
0x5a: {  	_ =	shalt  }
0x5b: {  	_ =	shalt  }
0x5c: {  	_ =	shalt  }
0x5d: {  	_ =	shalt  }
0x5e: {  	_ =	shalt  }
0x5f: {  	_ =	shalt  }
0x60: {  	_ =	shalt  }
0x61: {  	_ =	shalt  }
0x62: {  	_ =	shalt  }
0x63: {  	_ =	shalt  }
0x64: {  	_ =	shalt  }
0x65: {  	_ =	shalt  }
0x66: {  	_ =	shalt  }
0x67: {  	_ =	shalt  }
0x68: {  	_ =	shalt  }
0x69: {  	_ =	shalt  }
0x6a: {  	_ =	shalt  }
0x6b: {  	_ =	shalt  }
0x6c: {  	_ =	shalt  }
0x6d: {  	_ =	shalt  }
0x6e: {  	_ =	shalt  }
0x6f: {  	_ =	shalt  }
0x70: {  	_ =	shalt  }
0x71: {  	_ =	shalt  }
0x72: {  	_ =	shalt  }
0x73: {  	_ =	shalt  }
0x74: {  	_ =	shalt  }
0x75: {  	_ =	shalt  }
0x76: {  	_ =	shalt  }
0x77: {  	_ =	shalt  }
0x78: {  	_ =	shalt  }
0x79: {  	_ =	shalt  }
0x7a: {  	_ =	shalt  }
0x7b: {  	_ =	shalt  }
0x7c: {  	_ =	shalt  }
0x7d: {  	_ =	shalt  }
0x7e: {  	_ =	shalt  }
0x7f: {  	_ =	shalt  }
0x80: {  	_ =	shalt  }
0x81: {  	_ =	shalt  }
0x82: {  	_ =	shalt  }
0x83: {  	_ =	shalt  }
0x84: {  	_ =	shalt  }
0x85: {  	_ =	shalt  }
0x86: {  	_ =	shalt  }
0x87: {  	_ =	shalt  }
.Lfunc_end0:
.L_simem_size_0:
called_computation.1_lowered:
.L_overlay_start_0:
0x88: {  	s2 =	sld [smem:$0x3FD9]  }
0x89: {  	s3 =	sld [smem:$0x3FFE];
	_ =	sdelay $0x1  }
0x8a: {  	s1 =	srdreg.scid  }
0x8b: {  	s0 =	sand.u32 $0x1, s1  }
0x8c: {  	s17 =	sshll.u32 s0, $0xA;
	s2 =	sadd.s32 s3, s2  }
0x8d: {  	s2 =	sadd.s32 s2, s17  }
0x8e: {  	[smem:$0x3FBE] =	sst s2  }
0x8f: {  	_ = 	snop  }
0x90: {  	s18 =	sld [smem:$0x3FC8];
	(tm) =	ssettm $0x1  }
0x91: {  	s19 =	sld [smem:$0x3FFB];
	_ =	sdelay $0x3  }
0x92: {  	_ =	strace s19  }
0x93: {  	s2 =	sld [smem:$0x3FFC];
	_ =	sdelay $0x3  }
0x94: {  	_ =	strace s2  }
0x95: {  	s2 =	sld [smem:$0x3FFD];
	_ =	sdelay $0x3  }
0x96: {  	_ =	strace s2  }
0x97: {  	_ =	strace $0x8FFFFFFF  }
0x98: {  	s20 =	sld [smem:$0x3FDB];
	_ =	sdelay $0x1  }
0x99: {  	s4 =	simm.s32 $_scs_section_size  }
0x9a: {  	s5 =	simm.s32 $_size__tile_overlayer_lowered;
	s6 =	simm.s32 $_tile_overlayer_lowered  }
0x9b: {  	s7 =	simm.s32 $0x1BFF;
	s21 =	sshll.u32 s6, $0x1;
	s4 =	sadd.s32 s4, s20  }
0x9c: {  	s22 =	simm.s32 $0x0;
	s5 =	sshll.u32 s5, $0x1;
	s6 =	sadd.s32 s21, s4  }
0x9d: {  	[timem:s22], [sflag:s7] =	dma.local [hbm:s6], s5  }
0x9e: {  	_ =	swait.ge [sflag:s7], s5  }
0x9f: {  	s5 =	ssub.s32 $0x0, s5;
	[sflag:s7] =	ssyncset.done $0x0  }
0xa0: {  	[sflag:s7] =	ssyncadd.s32 s5;
	_ =	sdelay $0x1  }
0xa1: {  	s23 =	simm.s32 $0x1B8B  }
0xa2: {  	_ =	swait.ge [sflag:s23], $0x1  }
0xa3: {  	[sflag:s23] =	ssyncset.done $0x0  }
0xa4: {  	[sflag:s23] =	ssyncadd.s32 $0xFFFFFFFF  }
0xa5: {  	s5 =	sld [smem:$0x0]  }
0xa6: {  	s6 =	sand.u32 $0xFFFFFFFE, s1  }
0xa7: {  	p0 =	sne.s32 s1, s6  }
0xa8: {  	s6 =	sshll.u32 @p0 s6, $0xE  }
0xa9: {  	s6 =	sadd.s32 @p0 $0x11B8D, s6;
	s7 =	sshll.u32 @p0 s5, $0x11  }
0xaa: {  	s6 =	sor.u32 @p0 s7, s6  }
0xab: {  	[sflag:s6] =	ssyncadd.remote.s32 @p0 $0x1;
	_ =	sdelay $0x1  }
0xac: {  	s6 =	simm.s32 @p0 $0x1B8D  }
0xad: {  	_ =	swait.eq @p0 [sflag:s6], $0x1  }
0xae: {  	[sflag:s6] =	ssyncadd.s32 @p0 $0xFFFFFFFF  }
0xaf: {  	s7 =	sshll.u32 @!p0 s1, $0xE  }
0xb0: {  	s7 =	sor.u32 @!p0 $0x4000, s7;
	s6 =	simm.s32 @!p0 $0x1B8D  }
0xb1: {  	s5 =	sshll.u32 @!p0 s5, $0x11;
	s7 =	sadd.s32 @!p0 $0x11B8D, s7;
	_ =	swait.eq @!p0 [sflag:s6], $0x1  }
0xb2: {  	s5 =	sor.u32 @!p0 s5, s7;
	[sflag:s6] =	ssyncadd.s32 @!p0 $0xFFFFFFFF  }
0xb3: {  	s25 =	simm.s32 $0x1B8E;
	s24 =	sld [smem:$0x3FFE];
	[sflag:s5] =	ssyncadd.remote.s32 @!p0 $0x1  }
0xb4: {  	s26 =	simm.s32 $execute0_lowered;
	[smem:$0x3FD2] =	sst s25  }
0xb5: {  	s6 =	sshll.u32 s26, $0x1;
	_ =	strace $0x80000049;
	[dreg:$0x1] =	wrdreg $0xFFFFFFFF  }
0xb6: {  	s28 =	simm.s32 $_size_execute0_lowered;
	s4 =	sadd.s32 s4, s6;
	[dreg:$0x0] =	wrdreg $0x0  }
0xb7: {  	s6 =	sshll.u32 s28, $0x1;
	[dreg:$0x2] =	wrdreg s4  }
0xb8: {  	[dreg:$0x3] =	wrdreg s6  }
0xb9: {  	[dreg:$0x4] =	wrdreg $0xC0  }
0xba: {  	_ =	task [dreg:s22], $0x5FFFF  }
0xbb: {  	[dreg:$0x1] =	wrdreg $0xFFFFFFFF  }
0xbc: {  	[dreg:$0x0] =	wrdreg $0x60  }
0xbd: {  	[dreg:$0x2] =	wrdreg s18  }
0xbe: {  	[dreg:$0x3] =	wrdreg s24  }
0xbf: {  	[dreg:$0x4] =	wrdreg $0xA  }
0xc0: {  	_ =	task.clear_ibuf [dreg:s22], $0x5FFFF;
	_ =	strace $0x90000049  }
0xc1: {  	s29 =	simm.s32 $0xA;
	_ =	strace $0x8000004B  }
0xc2: {  	_ =	swait.ge [sflag:s29], $0x1  }
0xc3: {  	[sflag:s29] =	ssyncadd.s32 $0xFFFFFFFF  }
0xc4: {  	_ =	strace $0x9000004B  }
0xc5: {  	_ =	sfence  }
0xc6: {  	s30 =	sld [smem:$0x0];
	_ =	sdelay $0x2  }
0xc7: {  	s31 =	sshll.u32 s1, $0xD;
	s1 =	sshrl.u32 s1, $0x2  }
0xc8: {  	s4 =	sand.u32 $0x4000, s31;
	s1 =	sadd.s32 s1, s30  }
0xc9: {  	s0 =	sor.u32 s4, s0;
	s1 =	sshll.u32 s1, $0x11  }
0xca: {  	s0 =	sor.u32 s1, s0  }
0xcb: {  	s0 =	sadd.s32 $0x8F2B, s0  }
0xcc: {  	[sflag:s0] =	ssyncadd.remote.s32 $0x1  }
0xcd: {  	_ =	sfence.sel $0xFFFF  }
0xce: {  	[dreg:$0x0] =	wrdreg $0xFFFFFFFF;
	(pc) =	sbr.abs _section_cstart, $3  }
0xcf: {  	[dreg:$0x1] =	wrdreg $0xFFFFFFFF  }
0xd0: {  	_ =	task.clear_ibuf [dreg:s22], $0x2FFFF;
	_ =	strace $0x9FFFFFFF  }
0xd1: {  	(tm) =	ssettm $0x7FFFFFFF  }
tec
execute0_lowered:
.L_overlay_start_1:
0x0: {  	(tag) =	ssettag $0x1  }
0x1: {  	s0 =	srdreg.scid  }
0x2: {  	s1 =	stileid.u32;
	s2 =	rddreg [dreg:$0x0];
	s0 =	sand.u32 $0x1, s0  }
0x3: {  	s4 =	rddreg [dreg:$0x1];
	s1 =	sshll.u32 s1, $0xA;
	s3 =	sshll.u32 s0, $0x9  }
0x4: {  	s13 =	simm.s32 $0xCA00;
	s1 =	sor.u32 s3, s1;
	s3 =	simm.s32 $0x0  }
0x5: {  	s14 =	simm.s32 $0xD200;
	s15 =	simm.s32 $0xDA00;
	[smem:$0x7FF] =	sst s3  }
0x6: {  	s16 =	simm.s32 $0xE200;
	_ =	strace $0x8000004A;
	[dreg:$0xc] =	wrdreg s13  }
0x7: {  	s17 =	simm.s32 $0xEA00;
	s18 =	simm.s32 $0xF200;
	[dreg:$0xd] =	wrdreg s14  }
0x8: {  	s19 =	simm.s32 $0xFA00;
	s20 =	simm.s32 $0x10A00;
	[dreg:$0xe] =	wrdreg s15  }
0x9: {  	s21 =	simm.s32 $0x11200;
	s22 =	simm.s32 $0x11A00;
	[dreg:$0xf] =	wrdreg s16  }
0xa: {  	s23 =	simm.s32 $0x12200;
	s24 =	simm.s32 $0x12A00;
	[dreg:$0x10] =	wrdreg s17  }
0xb: {  	s25 =	simm.s32 $0x13200;
	s28 =	simm.s32 $0x4A00;
	[dreg:$0x11] =	wrdreg s18  }
0xc: {  	s29 =	simm.s32 $0x5200;
	s30 =	simm.s32 $0x5A00;
	[dreg:$0x12] =	wrdreg s19  }
0xd: {  	s31 =	simm.s32 $0x6200;
	s0 =	ssub.s32 $0x2, s0;
	[dreg:$0x13] =	wrdreg s20  }
0xe: {  	s12 =	sshrl.u32 s0, $0x1;
	s5 =	sshrl.u32 s1, $0x3;
	[dreg:$0x14] =	wrdreg s21  }
0xf: {  	s1 =	sshll.u32 s1, $0x5;
	s0 =	ssub.s32 s0, s12;
	[dreg:$0x15] =	wrdreg s22  }
0x10: {  	s12 =	simm.s32 $0x7A00;
	s5 =	sadd.s32 s5, s4;
	[dreg:$0x16] =	wrdreg s23  }
0x11: {  	s1 =	sadd.s32 s1, s4;
	s4 =	smax.u32 s0, $0x1;
	[dreg:$0x17] =	wrdreg s24  }
0x12: {  	[dreg:$0x18] =	wrdreg s25;
	s14 =	simm.s32 $0x200;
	s26 =	sadd.s32 $0x2200, s5  }
0x13: {  	s19 =	simm.s32 $0xA00;
	s5 =	sadd.s32 $0x82A00, s1;
	[dreg:$0x3] =	wrdreg s26  }
0x14: {  	s20 =	simm.s32 $0x1200;
	s6 =	sadd.s32 $0x83200, s1;
	[dreg:$0x4] =	wrdreg s5  }
0x15: {  	s21 =	simm.s32 $0x1A00;
	s7 =	sadd.s32 $0x83A00, s1;
	[dreg:$0x5] =	wrdreg s6  }
0x16: {  	s23 =	simm.s32 $0x2200;
	s8 =	sadd.s32 $0x84200, s1;
	[dreg:$0x6] =	wrdreg s7  }
0x17: {  	s24 =	simm.s32 $0x2A00;
	s9 =	sadd.s32 $0x84A00, s1;
	[dreg:$0x7] =	wrdreg s8  }
0x18: {  	s25 =	simm.s32 $0x3200;
	s10 =	sadd.s32 $0x85200, s1;
	[dreg:$0x8] =	wrdreg s9  }
0x19: {  	s22 =	simm.s32 $0x4200;
	s11 =	sadd.s32 $0x85A00, s1;
	[dreg:$0x9] =	wrdreg s10  }
0x1a: {  	s13 =	simm.s32 $0x6A00;
	s1 =	sadd.s32 $0x86200, s1;
	[dreg:$0xa] =	wrdreg s11  }
0x1b: {  	s16 =	simm.s32 $0x9A00;
	s15 =	simm.s32 $0xC200;
	[dreg:$0xb] =	wrdreg s1  }
0x1c: {  	v2 =	vlaneseq.u32;
	s26 =	simm.s32 $0x13A00;
	s6 =	simm.s32 $0x1;
	s7 =	simm.s32 $0x6  }
0x1d: {  	vm0 =	vmmov $0xffff;
	v1 =	vshrl.u32 v2, $0x3;
	s8 =	simm.s32 $0x2;
	s9 =	simm.s32 $0x7;
	s10 =	simm.s32 $0x3  }
0x1e: {  	v0 =	vand.u32 $0x7, v2;
	v2 =	vor.u32 $0x8, v2;
	v1 =	vmul.u32 $0x8, v1;
	s11 =	simm.s32 $0x8;
	[dreg:$0x19] =	wrdreg s26;
	s26 =	simm.s32 $0x3A00  }
.LBB2_1:
0x1f: {  	s17 =	rddreg [dreg:$0x3];
	s1 =	simm.s32 $0xB  }
0x20: {  	[tilespmem:s3], [sflag:$0xB] =	stream.linear.gather [hbm4b:s17+s3], $0x200, $0x38;
	[tilespmem:$0x14200] =	vst v63  }
0x21: {  	_ =	swait.ge [sflag:s1], $0x200  }
0x22: {  	[sflag:s1] =	ssyncset.done $0x0  }
0x23: {  	[sflag:s1] =	ssyncadd.s32 $0xFFFFFE00  }
0x24: {  	v3 =	vld [tilespmem:$0x0];
	_ =	sdelay $0x4  }
0x25: {  	v4 =	vshll.u32 v3, $0x1  }
0x26: {  	v3 =	vand.u32 $0x7, v3;
	v4 =	vand.u32 $0xFFFFFFF0, v4  }
0x27: {  	v3 =	vor.u32 v3, v4  }
0x28: {  	v4 =	vperm.xlane v3, v0;
	_ =	sdelay $0x1  }
0x29: {  	v3 =	vperm.xlane v3, v2;
	v4 =	vadd.s32 v1, v4;
	_ =	sdelay $0x1  }
0x2a: {  	v3 =	vadd.s32 v1, v3;
	_ =	sdelay $0x2  }
0x2b: {  	[tilespmem:s14], [sflag:$0x1] =	stream.indirect_vreg.gather [hbm4b:s2+s3], $0x80, v4, vm0, $0xb8;
	[tilespmem:$0x14200] =	vst v63  }
0x2c: {  	_ = 	snop  }
0x2d: {  	[tilespmem:s19], [sflag:$0x1] =	stream.indirect_vreg.gather [hbm4b:s2+s3], $0x80, v3, vm0, $0xb8;
	[tilespmem:$0x14200] =	vst v63  }
0x2e: {  	v3 =	vld [tilespmem:$0x10];
	_ =	sdelay $0x4  }
0x2f: {  	v33 =	vshll.u32 v3, $0x1  }
0x30: {  	v3 =	vand.u32 $0x7, v3;
	v4 =	vand.u32 $0xFFFFFFF0, v33  }
0x31: {  	v3 =	vor.u32 v3, v4  }
0x32: {  	v4 =	vperm.xlane v3, v0;
	_ =	sdelay $0x1  }
0x33: {  	v3 =	vperm.xlane v3, v2;
	v4 =	vadd.s32 v1, v4;
	_ =	sdelay $0x1  }
0x34: {  	v3 =	vadd.s32 v1, v3;
	_ =	sdelay $0x2  }
0x35: {  	[tilespmem:s20], [sflag:$0x1] =	stream.indirect_vreg.gather [hbm4b:s2+s3], $0x80, v4, vm0, $0xb8;
	[tilespmem:$0x14200] =	vst v63  }
0x36: {  	_ = 	snop  }
0x37: {  	[tilespmem:s21], [sflag:$0x1] =	stream.indirect_vreg.gather [hbm4b:s2+s3], $0x80, v3, vm0, $0xb8;
	[tilespmem:$0x14200] =	vst v63  }
0x38: {  	v3 =	vld [tilespmem:$0x20];
	_ =	sdelay $0x4  }
0x39: {  	v34 =	vshll.u32 v3, $0x1  }
0x3a: {  	v3 =	vand.u32 $0x7, v3;
	v4 =	vand.u32 $0xFFFFFFF0, v34  }
0x3b: {  	v3 =	vor.u32 v3, v4  }
0x3c: {  	v4 =	vperm.xlane v3, v0;
	_ =	sdelay $0x1  }
0x3d: {  	v3 =	vperm.xlane v3, v2;
	v4 =	vadd.s32 v1, v4;
	_ =	sdelay $0x1  }
0x3e: {  	v3 =	vadd.s32 v1, v3;
	_ =	sdelay $0x2  }
0x3f: {  	[tilespmem:s23], [sflag:$0x1] =	stream.indirect_vreg.gather [hbm4b:s2+s3], $0x80, v4, vm0, $0xb8;
	[tilespmem:$0x14200] =	vst v63  }
0x40: {  	_ = 	snop  }
0x41: {  	[tilespmem:s24], [sflag:$0x1] =	stream.indirect_vreg.gather [hbm4b:s2+s3], $0x80, v3, vm0, $0xb8;
	[tilespmem:$0x14200] =	vst v63  }
0x42: {  	v3 =	vld [tilespmem:$0x30];
	_ =	sdelay $0x4  }
0x43: {  	v35 =	vshll.u32 v3, $0x1  }
0x44: {  	v3 =	vand.u32 $0x7, v3;
	v4 =	vand.u32 $0xFFFFFFF0, v35  }
0x45: {  	v3 =	vor.u32 v3, v4  }
0x46: {  	v4 =	vperm.xlane v3, v0;
	_ =	sdelay $0x1  }
0x47: {  	v3 =	vperm.xlane v3, v2;
	v4 =	vadd.s32 v1, v4;
	_ =	sdelay $0x1  }
0x48: {  	v3 =	vadd.s32 v1, v3;
	_ =	sdelay $0x2  }
0x49: {  	[tilespmem:s25], [sflag:$0x1] =	stream.indirect_vreg.gather [hbm4b:s2+s3], $0x80, v4, vm0, $0xb8;
	[tilespmem:$0x14200] =	vst v63  }
0x4a: {  	_ = 	snop  }
0x4b: {  	[tilespmem:s26], [sflag:$0x1] =	stream.indirect_vreg.gather [hbm4b:s2+s3], $0x80, v3, vm0, $0xb8;
	[tilespmem:$0x14200] =	vst v63  }
0x4c: {  	v3 =	vld [tilespmem:$0x40];
	_ =	sdelay $0x4  }
0x4d: {  	v36 =	vshll.u32 v3, $0x1  }
0x4e: {  	v3 =	vand.u32 $0x7, v3;
	v4 =	vand.u32 $0xFFFFFFF0, v36  }
0x4f: {  	v3 =	vor.u32 v3, v4  }
0x50: {  	v4 =	vperm.xlane v3, v0;
	_ =	sdelay $0x1  }
0x51: {  	v3 =	vperm.xlane v3, v2;
	v4 =	vadd.s32 v1, v4;
	_ =	sdelay $0x1  }
0x52: {  	v3 =	vadd.s32 v1, v3;
	_ =	sdelay $0x2  }
0x53: {  	[tilespmem:s22], [sflag:$0x2] =	stream.indirect_vreg.gather [hbm4b:s2+s3], $0x80, v4, vm0, $0xb8;
	[tilespmem:$0x14200] =	vst v63  }
0x54: {  	_ = 	snop  }
0x55: {  	[tilespmem:s28], [sflag:$0x2] =	stream.indirect_vreg.gather [hbm4b:s2+s3], $0x80, v3, vm0, $0xb8;
	[tilespmem:$0x14200] =	vst v63  }
0x56: {  	v3 =	vld [tilespmem:$0x50];
	_ =	sdelay $0x4  }
0x57: {  	v37 =	vshll.u32 v3, $0x1  }
0x58: {  	v3 =	vand.u32 $0x7, v3;
	v4 =	vand.u32 $0xFFFFFFF0, v37  }
0x59: {  	v3 =	vor.u32 v3, v4  }
0x5a: {  	v4 =	vperm.xlane v3, v0;
	_ =	sdelay $0x1  }
0x5b: {  	v3 =	vperm.xlane v3, v2;
	v4 =	vadd.s32 v1, v4;
	_ =	sdelay $0x1  }
0x5c: {  	v3 =	vadd.s32 v1, v3;
	_ =	sdelay $0x2  }
0x5d: {  	[tilespmem:s29], [sflag:$0x2] =	stream.indirect_vreg.gather [hbm4b:s2+s3], $0x80, v4, vm0, $0xb8;
	[tilespmem:$0x14200] =	vst v63  }
0x5e: {  	_ = 	snop  }
0x5f: {  	[tilespmem:s30], [sflag:$0x2] =	stream.indirect_vreg.gather [hbm4b:s2+s3], $0x80, v3, vm0, $0xb8;
	[tilespmem:$0x14200] =	vst v63  }
0x60: {  	v3 =	vld [tilespmem:$0x60];
	_ =	sdelay $0x4  }
0x61: {  	v38 =	vshll.u32 v3, $0x1  }
0x62: {  	v3 =	vand.u32 $0x7, v3;
	v4 =	vand.u32 $0xFFFFFFF0, v38  }
0x63: {  	v3 =	vor.u32 v3, v4  }
0x64: {  	v4 =	vperm.xlane v3, v0;
	_ =	sdelay $0x1  }
0x65: {  	v3 =	vperm.xlane v3, v2;
	v4 =	vadd.s32 v1, v4;
	_ =	sdelay $0x1  }
0x66: {  	v3 =	vadd.s32 v1, v3;
	_ =	sdelay $0x2  }
0x67: {  	[tilespmem:s31], [sflag:$0x2] =	stream.indirect_vreg.gather [hbm4b:s2+s3], $0x80, v4, vm0, $0xb8;
	[tilespmem:$0x14200] =	vst v63  }
0x68: {  	_ = 	snop  }
0x69: {  	[tilespmem:s13], [sflag:$0x2] =	stream.indirect_vreg.gather [hbm4b:s2+s3], $0x80, v3, vm0, $0xb8;
	[tilespmem:$0x14200] =	vst v63  }
0x6a: {  	v3 =	vld [tilespmem:$0x70];
	_ =	sdelay $0x4  }
0x6b: {  	v39 =	vshll.u32 v3, $0x1  }
0x6c: {  	v3 =	vand.u32 $0x7, v3;
	v4 =	vand.u32 $0xFFFFFFF0, v39  }
0x6d: {  	v3 =	vor.u32 v3, v4  }
0x6e: {  	v4 =	vperm.xlane v3, v0;
	_ =	sdelay $0x1  }
0x6f: {  	v3 =	vperm.xlane v3, v2;
	v4 =	vadd.s32 v1, v4;
	_ =	sdelay $0x1  }
0x70: {  	v3 =	vadd.s32 v1, v3;
	_ =	sdelay $0x1  }
0x71: {  	s5 =	simm.s32 $0x7200  }
0x72: {  	[tilespmem:s5], [sflag:$0x2] =	stream.indirect_vreg.gather [hbm4b:s2+s3], $0x80, v4, vm0, $0xb8;
	[tilespmem:$0x14200] =	vst v63  }
0x73: {  	_ = 	snop  }
0x74: {  	[tilespmem:s12], [sflag:$0x2] =	stream.indirect_vreg.gather [hbm4b:s2+s3], $0x80, v3, vm0, $0xb8;
	[tilespmem:$0x14200] =	vst v63  }
0x75: {  	v3 =	vld [tilespmem:$0x80];
	_ =	sdelay $0x4  }
0x76: {  	v40 =	vshll.u32 v3, $0x1  }
0x77: {  	v3 =	vand.u32 $0x7, v3;
	v4 =	vand.u32 $0xFFFFFFF0, v40  }
0x78: {  	v3 =	vor.u32 v3, v4  }
0x79: {  	v4 =	vperm.xlane v3, v0;
	_ =	sdelay $0x1  }
0x7a: {  	v3 =	vperm.xlane v3, v2;
	v4 =	vadd.s32 v1, v4;
	_ =	sdelay $0x1  }
0x7b: {  	v3 =	vadd.s32 v1, v3;
	_ =	sdelay $0x1  }
0x7c: {  	s0 =	simm.s32 $0x8200  }
0x7d: {  	[tilespmem:s0], [sflag:$0x3] =	stream.indirect_vreg.gather [hbm4b:s2+s3], $0x80, v4, vm0, $0xb8;
	[tilespmem:$0x14200] =	vst v63  }
0x7e: {  	s18 =	simm.s32 $0x8A00  }
0x7f: {  	[tilespmem:s18], [sflag:$0x3] =	stream.indirect_vreg.gather [hbm4b:s2+s3], $0x80, v3, vm0, $0xb8;
	[tilespmem:$0x14200] =	vst v63  }
0x80: {  	v3 =	vld [tilespmem:$0x90];
	_ =	sdelay $0x4  }
0x81: {  	v41 =	vshll.u32 v3, $0x1  }
0x82: {  	v3 =	vand.u32 $0x7, v3;
	v4 =	vand.u32 $0xFFFFFFF0, v41  }
0x83: {  	v3 =	vor.u32 v3, v4  }
0x84: {  	v4 =	vperm.xlane v3, v0;
	_ =	sdelay $0x1  }
0x85: {  	v3 =	vperm.xlane v3, v2;
	v4 =	vadd.s32 v1, v4;
	_ =	sdelay $0x1  }
0x86: {  	v3 =	vadd.s32 v1, v3;
	_ =	sdelay $0x1  }
0x87: {  	s17 =	simm.s32 $0x9200  }
0x88: {  	[tilespmem:s17], [sflag:$0x3] =	stream.indirect_vreg.gather [hbm4b:s2+s3], $0x80, v4, vm0, $0xb8;
	[tilespmem:$0x14200] =	vst v63  }
0x89: {  	_ = 	snop  }
0x8a: {  	[tilespmem:s16], [sflag:$0x3] =	stream.indirect_vreg.gather [hbm4b:s2+s3], $0x80, v3, vm0, $0xb8;
	[tilespmem:$0x14200] =	vst v63  }
0x8b: {  	v3 =	vld [tilespmem:$0xA0];
	_ =	sdelay $0x4  }
0x8c: {  	v42 =	vshll.u32 v3, $0x1  }
0x8d: {  	v3 =	vand.u32 $0x7, v3;
	v4 =	vand.u32 $0xFFFFFFF0, v42  }
0x8e: {  	v3 =	vor.u32 v3, v4  }
0x8f: {  	v4 =	vperm.xlane v3, v0;
	_ =	sdelay $0x1  }
0x90: {  	v3 =	vperm.xlane v3, v2;
	v4 =	vadd.s32 v1, v4;
	_ =	sdelay $0x1  }
0x91: {  	v3 =	vadd.s32 v1, v3;
	_ =	sdelay $0x1  }
0x92: {  	s18 =	simm.s32 $0xA200  }
0x93: {  	[tilespmem:s18], [sflag:$0x3] =	stream.indirect_vreg.gather [hbm4b:s2+s3], $0x80, v4, vm0, $0xb8;
	[tilespmem:$0x14200] =	vst v63  }
0x94: {  	s17 =	simm.s32 $0xAA00  }
0x95: {  	[tilespmem:s17], [sflag:$0x3] =	stream.indirect_vreg.gather [hbm4b:s2+s3], $0x80, v3, vm0, $0xb8;
	[tilespmem:$0x14200] =	vst v63  }
0x96: {  	v3 =	vld [tilespmem:$0xB0];
	_ =	sdelay $0x4  }
0x97: {  	v43 =	vshll.u32 v3, $0x1  }
0x98: {  	v3 =	vand.u32 $0x7, v3;
	v4 =	vand.u32 $0xFFFFFFF0, v43  }
0x99: {  	v3 =	vor.u32 v3, v4  }
0x9a: {  	v4 =	vperm.xlane v3, v0;
	_ =	sdelay $0x1  }
0x9b: {  	v3 =	vperm.xlane v3, v2;
	v4 =	vadd.s32 v1, v4;
	_ =	sdelay $0x1  }
0x9c: {  	v3 =	vadd.s32 v1, v3;
	_ =	sdelay $0x1  }
0x9d: {  	s18 =	simm.s32 $0xB200  }
0x9e: {  	[tilespmem:s18], [sflag:$0x3] =	stream.indirect_vreg.gather [hbm4b:s2+s3], $0x80, v4, vm0, $0xb8;
	[tilespmem:$0x14200] =	vst v63  }
0x9f: {  	s17 =	simm.s32 $0xBA00  }
0xa0: {  	[tilespmem:s17], [sflag:$0x3] =	stream.indirect_vreg.gather [hbm4b:s2+s3], $0x80, v3, vm0, $0xb8;
	[tilespmem:$0x14200] =	vst v63  }
0xa1: {  	v3 =	vld [tilespmem:$0xC0];
	_ =	sdelay $0x4  }
0xa2: {  	v44 =	vshll.u32 v3, $0x1  }
0xa3: {  	v3 =	vand.u32 $0x7, v3;
	v4 =	vand.u32 $0xFFFFFFF0, v44  }
0xa4: {  	v3 =	vor.u32 v3, v4  }
0xa5: {  	v4 =	vperm.xlane v3, v0;
	_ =	sdelay $0x1  }
0xa6: {  	v3 =	vperm.xlane v3, v2;
	v4 =	vadd.s32 v1, v4;
	_ =	sdelay $0x1  }
0xa7: {  	v3 =	vadd.s32 v1, v3;
	_ =	sdelay $0x2  }
0xa8: {  	[tilespmem:s15], [sflag:$0x4] =	stream.indirect_vreg.gather [hbm4b:s2+s3], $0x80, v4, vm0, $0xb8;
	[tilespmem:$0x14200] =	vst v63  }
0xa9: {  	s18 =	rddreg [dreg:$0xc]  }
0xaa: {  	[tilespmem:s18], [sflag:$0x4] =	stream.indirect_vreg.gather [hbm4b:s2+s3], $0x80, v3, vm0, $0xb8;
	[tilespmem:$0x14200] =	vst v63  }
0xab: {  	v3 =	vld [tilespmem:$0xD0];
	_ =	sdelay $0x4  }
0xac: {  	v45 =	vshll.u32 v3, $0x1  }
0xad: {  	v3 =	vand.u32 $0x7, v3;
	v4 =	vand.u32 $0xFFFFFFF0, v45  }
0xae: {  	v3 =	vor.u32 v3, v4  }
0xaf: {  	v4 =	vperm.xlane v3, v0;
	_ =	sdelay $0x1  }
0xb0: {  	v3 =	vperm.xlane v3, v2;
	v4 =	vadd.s32 v1, v4;
	_ =	sdelay $0x1  }
0xb1: {  	v3 =	vadd.s32 v1, v3;
	_ =	sdelay $0x1  }
0xb2: {  	s1 =	rddreg [dreg:$0xd]  }
0xb3: {  	[tilespmem:s1], [sflag:$0x4] =	stream.indirect_vreg.gather [hbm4b:s2+s3], $0x80, v4, vm0, $0xb8;
	[tilespmem:$0x14200] =	vst v63  }
0xb4: {  	s18 =	rddreg [dreg:$0xe]  }
0xb5: {  	[tilespmem:s18], [sflag:$0x4] =	stream.indirect_vreg.gather [hbm4b:s2+s3], $0x80, v3, vm0, $0xb8;
	[tilespmem:$0x14200] =	vst v63  }
0xb6: {  	v3 =	vld [tilespmem:$0xE0];
	_ =	sdelay $0x4  }
0xb7: {  	v46 =	vshll.u32 v3, $0x1  }
0xb8: {  	v3 =	vand.u32 $0x7, v3;
	v4 =	vand.u32 $0xFFFFFFF0, v46  }
0xb9: {  	v3 =	vor.u32 v3, v4  }
0xba: {  	v4 =	vperm.xlane v3, v0;
	_ =	sdelay $0x1  }
0xbb: {  	v3 =	vperm.xlane v3, v2;
	v4 =	vadd.s32 v1, v4;
	_ =	sdelay $0x1  }
0xbc: {  	v3 =	vadd.s32 v1, v3;
	_ =	sdelay $0x1  }
0xbd: {  	s18 =	rddreg [dreg:$0xf]  }
0xbe: {  	[tilespmem:s18], [sflag:$0x4] =	stream.indirect_vreg.gather [hbm4b:s2+s3], $0x80, v4, vm0, $0xb8;
	[tilespmem:$0x14200] =	vst v63  }
0xbf: {  	s1 =	rddreg [dreg:$0x10]  }
0xc0: {  	[tilespmem:s1], [sflag:$0x4] =	stream.indirect_vreg.gather [hbm4b:s2+s3], $0x80, v3, vm0, $0xb8;
	[tilespmem:$0x14200] =	vst v63  }
0xc1: {  	v3 =	vld [tilespmem:$0xF0];
	_ =	sdelay $0x4  }
0xc2: {  	v47 =	vshll.u32 v3, $0x1  }
0xc3: {  	v3 =	vand.u32 $0x7, v3;
	v4 =	vand.u32 $0xFFFFFFF0, v47  }
0xc4: {  	v3 =	vor.u32 v3, v4  }
0xc5: {  	v4 =	vperm.xlane v3, v0;
	_ =	sdelay $0x1  }
0xc6: {  	v3 =	vperm.xlane v3, v2;
	v4 =	vadd.s32 v1, v4;
	_ =	sdelay $0x1  }
0xc7: {  	v3 =	vadd.s32 v1, v3;
	_ =	sdelay $0x1  }
0xc8: {  	s18 =	rddreg [dreg:$0x11]  }
0xc9: {  	[tilespmem:s18], [sflag:$0x4] =	stream.indirect_vreg.gather [hbm4b:s2+s3], $0x80, v4, vm0, $0xb8;
	[tilespmem:$0x14200] =	vst v63  }
0xca: {  	s1 =	rddreg [dreg:$0x12]  }
0xcb: {  	[tilespmem:s1], [sflag:$0x4] =	stream.indirect_vreg.gather [hbm4b:s2+s3], $0x80, v3, vm0, $0xb8;
	[tilespmem:$0x14200] =	vst v63  }
0xcc: {  	v3 =	vld [tilespmem:$0x100];
	_ =	sdelay $0x4  }
0xcd: {  	v48 =	vshll.u32 v3, $0x1  }
0xce: {  	v3 =	vand.u32 $0x7, v3;
	v4 =	vand.u32 $0xFFFFFFF0, v48  }
0xcf: {  	v3 =	vor.u32 v3, v4  }
0xd0: {  	v4 =	vperm.xlane v3, v0;
	_ =	sdelay $0x1  }
0xd1: {  	v3 =	vperm.xlane v3, v2;
	v4 =	vadd.s32 v1, v4;
	_ =	sdelay $0x1  }
0xd2: {  	v3 =	vadd.s32 v1, v3;
	_ =	sdelay $0x1  }
0xd3: {  	s1 =	simm.s32 $0x10200  }
0xd4: {  	[tilespmem:s1], [sflag:$0x5] =	stream.indirect_vreg.gather [hbm4b:s2+s3], $0x80, v4, vm0, $0xb8;
	[tilespmem:$0x14200] =	vst v63  }
0xd5: {  	s18 =	rddreg [dreg:$0x13]  }
0xd6: {  	[tilespmem:s18], [sflag:$0x5] =	stream.indirect_vreg.gather [hbm4b:s2+s3], $0x80, v3, vm0, $0xb8;
	[tilespmem:$0x14200] =	vst v63  }
0xd7: {  	v3 =	vld [tilespmem:$0x110];
	_ =	sdelay $0x4  }
0xd8: {  	v49 =	vshll.u32 v3, $0x1  }
0xd9: {  	v3 =	vand.u32 $0x7, v3;
	v4 =	vand.u32 $0xFFFFFFF0, v49  }
0xda: {  	v3 =	vor.u32 v3, v4  }
0xdb: {  	v4 =	vperm.xlane v3, v0;
	_ =	sdelay $0x1  }
0xdc: {  	v3 =	vperm.xlane v3, v2;
	v4 =	vadd.s32 v1, v4;
	_ =	sdelay $0x1  }
0xdd: {  	v3 =	vadd.s32 v1, v3;
	_ =	sdelay $0x1  }
0xde: {  	s17 =	rddreg [dreg:$0x14]  }
0xdf: {  	[tilespmem:s17], [sflag:$0x5] =	stream.indirect_vreg.gather [hbm4b:s2+s3], $0x80, v4, vm0, $0xb8;
	[tilespmem:$0x14200] =	vst v63  }
0xe0: {  	s18 =	rddreg [dreg:$0x15]  }
0xe1: {  	[tilespmem:s18], [sflag:$0x5] =	stream.indirect_vreg.gather [hbm4b:s2+s3], $0x80, v3, vm0, $0xb8;
	[tilespmem:$0x14200] =	vst v63  }
0xe2: {  	v3 =	vld [tilespmem:$0x120];
	_ =	sdelay $0x4  }
0xe3: {  	v50 =	vshll.u32 v3, $0x1  }
0xe4: {  	v3 =	vand.u32 $0x7, v3;
	v4 =	vand.u32 $0xFFFFFFF0, v50  }
0xe5: {  	v3 =	vor.u32 v3, v4  }
0xe6: {  	v4 =	vperm.xlane v3, v0;
	_ =	sdelay $0x1  }
0xe7: {  	v3 =	vperm.xlane v3, v2;
	v4 =	vadd.s32 v1, v4;
	_ =	sdelay $0x1  }
0xe8: {  	v3 =	vadd.s32 v1, v3;
	_ =	sdelay $0x1  }
0xe9: {  	s17 =	rddreg [dreg:$0x16]  }
0xea: {  	[tilespmem:s17], [sflag:$0x5] =	stream.indirect_vreg.gather [hbm4b:s2+s3], $0x80, v4, vm0, $0xb8;
	[tilespmem:$0x14200] =	vst v63  }
0xeb: {  	s18 =	rddreg [dreg:$0x17]  }
0xec: {  	[tilespmem:s18], [sflag:$0x5] =	stream.indirect_vreg.gather [hbm4b:s2+s3], $0x80, v3, vm0, $0xb8;
	[tilespmem:$0x14200] =	vst v63  }
0xed: {  	v3 =	vld [tilespmem:$0x130];
	_ =	sdelay $0x4  }
0xee: {  	v51 =	vshll.u32 v3, $0x1  }
0xef: {  	v3 =	vand.u32 $0x7, v3;
	v4 =	vand.u32 $0xFFFFFFF0, v51  }
0xf0: {  	v3 =	vor.u32 v3, v4  }
0xf1: {  	v4 =	vperm.xlane v3, v0;
	_ =	sdelay $0x1  }
0xf2: {  	v3 =	vperm.xlane v3, v2;
	v4 =	vadd.s32 v1, v4;
	_ =	sdelay $0x1  }
0xf3: {  	v3 =	vadd.s32 v1, v3;
	_ =	sdelay $0x1  }
0xf4: {  	s17 =	rddreg [dreg:$0x18]  }
0xf5: {  	[tilespmem:s17], [sflag:$0x5] =	stream.indirect_vreg.gather [hbm4b:s2+s3], $0x80, v4, vm0, $0xb8;
	[tilespmem:$0x14200] =	vst v63  }
0xf6: {  	s18 =	rddreg [dreg:$0x19]  }
0xf7: {  	[tilespmem:s18], [sflag:$0x5] =	stream.indirect_vreg.gather [hbm4b:s2+s3], $0x80, v3, vm0, $0xb8;
	[tilespmem:$0x14200] =	vst v63  }
0xf8: {  	_ =	swait.ge [sflag:s6], $0x4000  }
0xf9: {  	[sflag:s6] =	ssyncset.done $0x0  }
0xfa: {  	s18 =	rddreg [dreg:$0x4];
	[sflag:s6] =	ssyncadd.s32 $0xFFFFC000  }
0xfb: {  	[hbm4b:s18+s3] =	stream.linear.scatter [tilespmem:s14], [sflag:$0x6], $0x4000, $0x38;
	[tilespmem:$0x14200] =	vst v63  }
0xfc: {  	_ =	swait.ge [sflag:s7], $0x4000  }
0xfd: {  	[sflag:s7] =	ssyncset.done $0x0  }
0xfe: {  	[sflag:s7] =	ssyncadd.s32 $0xFFFFC000  }
0xff: {  	v3 =	vld [tilespmem:$0x140];
	_ =	sdelay $0x4  }
0x100: {  	v52 =	vshll.u32 v3, $0x1  }
0x101: {  	v3 =	vand.u32 $0x7, v3;
	v4 =	vand.u32 $0xFFFFFFF0, v52  }
0x102: {  	v3 =	vor.u32 v3, v4  }
0x103: {  	v4 =	vperm.xlane v3, v0;
	_ =	sdelay $0x1  }
0x104: {  	v3 =	vperm.xlane v3, v2;
	v4 =	vadd.s32 v1, v4;
	_ =	sdelay $0x1  }
0x105: {  	v3 =	vadd.s32 v1, v3;
	_ =	sdelay $0x2  }
0x106: {  	[tilespmem:s14], [sflag:$0x1] =	stream.indirect_vreg.gather [hbm4b:s2+s3], $0x80, v4, vm0, $0xb8;
	[tilespmem:$0x14200] =	vst v63  }
0x107: {  	_ = 	snop  }
0x108: {  	[tilespmem:s19], [sflag:$0x1] =	stream.indirect_vreg.gather [hbm4b:s2+s3], $0x80, v3, vm0, $0xb8;
	[tilespmem:$0x14200] =	vst v63  }
0x109: {  	v3 =	vld [tilespmem:$0x150];
	_ =	sdelay $0x4  }
0x10a: {  	v53 =	vshll.u32 v3, $0x1  }
0x10b: {  	v3 =	vand.u32 $0x7, v3;
	v4 =	vand.u32 $0xFFFFFFF0, v53  }
0x10c: {  	v3 =	vor.u32 v3, v4  }
0x10d: {  	v4 =	vperm.xlane v3, v0;
	_ =	sdelay $0x1  }
0x10e: {  	v3 =	vperm.xlane v3, v2;
	v4 =	vadd.s32 v1, v4;
	_ =	sdelay $0x1  }
0x10f: {  	v3 =	vadd.s32 v1, v3;
	_ =	sdelay $0x2  }
0x110: {  	[tilespmem:s20], [sflag:$0x1] =	stream.indirect_vreg.gather [hbm4b:s2+s3], $0x80, v4, vm0, $0xb8;
	[tilespmem:$0x14200] =	vst v63  }
0x111: {  	_ = 	snop  }
0x112: {  	[tilespmem:s21], [sflag:$0x1] =	stream.indirect_vreg.gather [hbm4b:s2+s3], $0x80, v3, vm0, $0xb8;
	[tilespmem:$0x14200] =	vst v63  }
0x113: {  	v3 =	vld [tilespmem:$0x160];
	_ =	sdelay $0x4  }
0x114: {  	v54 =	vshll.u32 v3, $0x1  }
0x115: {  	v3 =	vand.u32 $0x7, v3;
	v4 =	vand.u32 $0xFFFFFFF0, v54  }
0x116: {  	v3 =	vor.u32 v3, v4  }
0x117: {  	v4 =	vperm.xlane v3, v0;
	_ =	sdelay $0x1  }
0x118: {  	v3 =	vperm.xlane v3, v2;
	v4 =	vadd.s32 v1, v4;
	_ =	sdelay $0x1  }
0x119: {  	v3 =	vadd.s32 v1, v3;
	_ =	sdelay $0x2  }
0x11a: {  	[tilespmem:s23], [sflag:$0x1] =	stream.indirect_vreg.gather [hbm4b:s2+s3], $0x80, v4, vm0, $0xb8;
	[tilespmem:$0x14200] =	vst v63  }
0x11b: {  	_ = 	snop  }
0x11c: {  	[tilespmem:s24], [sflag:$0x1] =	stream.indirect_vreg.gather [hbm4b:s2+s3], $0x80, v3, vm0, $0xb8;
	[tilespmem:$0x14200] =	vst v63  }
0x11d: {  	v3 =	vld [tilespmem:$0x170];
	_ =	sdelay $0x4  }
0x11e: {  	v55 =	vshll.u32 v3, $0x1  }
0x11f: {  	v3 =	vand.u32 $0x7, v3;
	v4 =	vand.u32 $0xFFFFFFF0, v55  }
0x120: {  	v3 =	vor.u32 v3, v4  }
0x121: {  	v4 =	vperm.xlane v3, v0;
	_ =	sdelay $0x1  }
0x122: {  	v3 =	vperm.xlane v3, v2;
	v4 =	vadd.s32 v1, v4;
	_ =	sdelay $0x1  }
0x123: {  	v3 =	vadd.s32 v1, v3;
	_ =	sdelay $0x2  }
0x124: {  	[tilespmem:s25], [sflag:$0x1] =	stream.indirect_vreg.gather [hbm4b:s2+s3], $0x80, v4, vm0, $0xb8;
	[tilespmem:$0x14200] =	vst v63  }
0x125: {  	_ = 	snop  }
0x126: {  	[tilespmem:s26], [sflag:$0x1] =	stream.indirect_vreg.gather [hbm4b:s2+s3], $0x80, v3, vm0, $0xb8;
	[tilespmem:$0x14200] =	vst v63  }
0x127: {  	_ =	swait.ge [sflag:s8], $0x4000  }
0x128: {  	[sflag:s8] =	ssyncset.done $0x0  }
0x129: {  	s18 =	rddreg [dreg:$0x5];
	[sflag:s8] =	ssyncadd.s32 $0xFFFFC000  }
0x12a: {  	[hbm4b:s18+s3] =	stream.linear.scatter [tilespmem:s22], [sflag:$0x7], $0x4000, $0x38;
	[tilespmem:$0x14200] =	vst v63  }
0x12b: {  	_ =	swait.ge [sflag:s9], $0x4000  }
0x12c: {  	[sflag:s9] =	ssyncset.done $0x0  }
0x12d: {  	[sflag:s9] =	ssyncadd.s32 $0xFFFFC000  }
0x12e: {  	v3 =	vld [tilespmem:$0x180];
	_ =	sdelay $0x4  }
0x12f: {  	v56 =	vshll.u32 v3, $0x1  }
0x130: {  	v3 =	vand.u32 $0x7, v3;
	v4 =	vand.u32 $0xFFFFFFF0, v56  }
0x131: {  	v3 =	vor.u32 v3, v4  }
0x132: {  	v4 =	vperm.xlane v3, v0;
	_ =	sdelay $0x1  }
0x133: {  	v3 =	vperm.xlane v3, v2;
	v4 =	vadd.s32 v1, v4;
	_ =	sdelay $0x1  }
0x134: {  	v3 =	vadd.s32 v1, v3;
	_ =	sdelay $0x2  }
0x135: {  	[tilespmem:s22], [sflag:$0x2] =	stream.indirect_vreg.gather [hbm4b:s2+s3], $0x80, v4, vm0, $0xb8;
	[tilespmem:$0x14200] =	vst v63  }
0x136: {  	_ = 	snop  }
0x137: {  	[tilespmem:s28], [sflag:$0x2] =	stream.indirect_vreg.gather [hbm4b:s2+s3], $0x80, v3, vm0, $0xb8;
	[tilespmem:$0x14200] =	vst v63  }
0x138: {  	v3 =	vld [tilespmem:$0x190];
	_ =	sdelay $0x4  }
0x139: {  	v57 =	vshll.u32 v3, $0x1  }
0x13a: {  	v3 =	vand.u32 $0x7, v3;
	v4 =	vand.u32 $0xFFFFFFF0, v57  }
0x13b: {  	v3 =	vor.u32 v3, v4  }
0x13c: {  	v4 =	vperm.xlane v3, v0;
	_ =	sdelay $0x1  }
0x13d: {  	v3 =	vperm.xlane v3, v2;
	v4 =	vadd.s32 v1, v4;
	_ =	sdelay $0x1  }
0x13e: {  	v3 =	vadd.s32 v1, v3;
	_ =	sdelay $0x2  }
0x13f: {  	[tilespmem:s29], [sflag:$0x2] =	stream.indirect_vreg.gather [hbm4b:s2+s3], $0x80, v4, vm0, $0xb8;
	[tilespmem:$0x14200] =	vst v63  }
0x140: {  	_ = 	snop  }
0x141: {  	[tilespmem:s30], [sflag:$0x2] =	stream.indirect_vreg.gather [hbm4b:s2+s3], $0x80, v3, vm0, $0xb8;
	[tilespmem:$0x14200] =	vst v63  }
0x142: {  	v3 =	vld [tilespmem:$0x1A0];
	_ =	sdelay $0x4  }
0x143: {  	v58 =	vshll.u32 v3, $0x1  }
0x144: {  	v3 =	vand.u32 $0x7, v3;
	v4 =	vand.u32 $0xFFFFFFF0, v58  }
0x145: {  	v3 =	vor.u32 v3, v4  }
0x146: {  	v4 =	vperm.xlane v3, v0;
	_ =	sdelay $0x1  }
0x147: {  	v3 =	vperm.xlane v3, v2;
	v4 =	vadd.s32 v1, v4;
	_ =	sdelay $0x1  }
0x148: {  	v3 =	vadd.s32 v1, v3;
	_ =	sdelay $0x2  }
0x149: {  	[tilespmem:s31], [sflag:$0x2] =	stream.indirect_vreg.gather [hbm4b:s2+s3], $0x80, v4, vm0, $0xb8;
	[tilespmem:$0x14200] =	vst v63  }
0x14a: {  	_ = 	snop  }
0x14b: {  	[tilespmem:s13], [sflag:$0x2] =	stream.indirect_vreg.gather [hbm4b:s2+s3], $0x80, v3, vm0, $0xb8;
	[tilespmem:$0x14200] =	vst v63  }
0x14c: {  	v3 =	vld [tilespmem:$0x1B0];
	_ =	sdelay $0x4  }
0x14d: {  	v59 =	vshll.u32 v3, $0x1  }
0x14e: {  	v3 =	vand.u32 $0x7, v3;
	v4 =	vand.u32 $0xFFFFFFF0, v59  }
0x14f: {  	v3 =	vor.u32 v3, v4  }
0x150: {  	v4 =	vperm.xlane v3, v0;
	_ =	sdelay $0x1  }
0x151: {  	v3 =	vperm.xlane v3, v2;
	v4 =	vadd.s32 v1, v4;
	_ =	sdelay $0x1  }
0x152: {  	v3 =	vadd.s32 v1, v3;
	_ =	sdelay $0x2  }
0x153: {  	[tilespmem:s5], [sflag:$0x2] =	stream.indirect_vreg.gather [hbm4b:s2+s3], $0x80, v4, vm0, $0xb8;
	[tilespmem:$0x14200] =	vst v63  }
0x154: {  	_ = 	snop  }
0x155: {  	[tilespmem:s12], [sflag:$0x2] =	stream.indirect_vreg.gather [hbm4b:s2+s3], $0x80, v3, vm0, $0xb8;
	[tilespmem:$0x14200] =	vst v63  }
0x156: {  	_ =	swait.ge [sflag:s10], $0x4000  }
0x157: {  	[sflag:s10] =	ssyncset.done $0x0  }
0x158: {  	s5 =	rddreg [dreg:$0x6];
	[sflag:s10] =	ssyncadd.s32 $0xFFFFC000  }
0x159: {  	[hbm4b:s5+s3] =	stream.linear.scatter [tilespmem:s0], [sflag:$0x8], $0x4000, $0x38;
	[tilespmem:$0x14200] =	vst v63  }
0x15a: {  	_ =	swait.ge [sflag:s11], $0x4000  }
0x15b: {  	[sflag:s11] =	ssyncset.done $0x0  }
0x15c: {  	[sflag:s11] =	ssyncadd.s32 $0xFFFFC000  }
0x15d: {  	v3 =	vld [tilespmem:$0x1C0];
	_ =	sdelay $0x4  }
0x15e: {  	v60 =	vshll.u32 v3, $0x1  }
0x15f: {  	v3 =	vand.u32 $0x7, v3;
	v4 =	vand.u32 $0xFFFFFFF0, v60  }
0x160: {  	v3 =	vor.u32 v3, v4  }
0x161: {  	v4 =	vperm.xlane v3, v0;
	_ =	sdelay $0x1  }
0x162: {  	v3 =	vperm.xlane v3, v2;
	v4 =	vadd.s32 v1, v4;
	_ =	sdelay $0x1  }
0x163: {  	v3 =	vadd.s32 v1, v3;
	_ =	sdelay $0x2  }
0x164: {  	[tilespmem:s0], [sflag:$0x3] =	stream.indirect_vreg.gather [hbm4b:s2+s3], $0x80, v4, vm0, $0xb8;
	[tilespmem:$0x14200] =	vst v63  }
0x165: {  	s17 =	simm.s32 $0x8A00  }
0x166: {  	[tilespmem:s17], [sflag:$0x3] =	stream.indirect_vreg.gather [hbm4b:s2+s3], $0x80, v3, vm0, $0xb8;
	[tilespmem:$0x14200] =	vst v63  }
0x167: {  	v3 =	vld [tilespmem:$0x1D0];
	_ =	sdelay $0x4  }
0x168: {  	v61 =	vshll.u32 v3, $0x1  }
0x169: {  	v3 =	vand.u32 $0x7, v3;
	v4 =	vand.u32 $0xFFFFFFF0, v61  }
0x16a: {  	v3 =	vor.u32 v3, v4  }
0x16b: {  	v4 =	vperm.xlane v3, v0;
	_ =	sdelay $0x1  }
0x16c: {  	v3 =	vperm.xlane v3, v2;
	v4 =	vadd.s32 v1, v4;
	_ =	sdelay $0x1  }
0x16d: {  	v3 =	vadd.s32 v1, v3;
	_ =	sdelay $0x1  }
0x16e: {  	s18 =	simm.s32 $0x9200  }
0x16f: {  	[tilespmem:s18], [sflag:$0x3] =	stream.indirect_vreg.gather [hbm4b:s2+s3], $0x80, v4, vm0, $0xb8;
	[tilespmem:$0x14200] =	vst v63  }
0x170: {  	_ = 	snop  }
0x171: {  	[tilespmem:s16], [sflag:$0x3] =	stream.indirect_vreg.gather [hbm4b:s2+s3], $0x80, v3, vm0, $0xb8;
	[tilespmem:$0x14200] =	vst v63  }
0x172: {  	v3 =	vld [tilespmem:$0x1E0];
	_ =	sdelay $0x4  }
0x173: {  	v62 =	vshll.u32 v3, $0x1  }
0x174: {  	v3 =	vand.u32 $0x7, v3;
	v4 =	vand.u32 $0xFFFFFFF0, v62  }
0x175: {  	v3 =	vor.u32 v3, v4  }
0x176: {  	v4 =	vperm.xlane v3, v0;
	_ =	sdelay $0x1  }
0x177: {  	v3 =	vperm.xlane v3, v2;
	v4 =	vadd.s32 v1, v4;
	_ =	sdelay $0x1  }
0x178: {  	v3 =	vadd.s32 v1, v3;
	_ =	sdelay $0x1  }
0x179: {  	s17 =	simm.s32 $0xA200  }
0x17a: {  	[tilespmem:s17], [sflag:$0x3] =	stream.indirect_vreg.gather [hbm4b:s2+s3], $0x80, v4, vm0, $0xb8;
	[tilespmem:$0x14200] =	vst v63  }
0x17b: {  	s18 =	simm.s32 $0xAA00  }
0x17c: {  	[tilespmem:s18], [sflag:$0x3] =	stream.indirect_vreg.gather [hbm4b:s2+s3], $0x80, v3, vm0, $0xb8;
	[tilespmem:$0x14200] =	vst v63  }
0x17d: {  	v3 =	vld [tilespmem:$0x1F0];
	_ =	sdelay $0x4  }
0x17e: {  	v63 =	vshll.u32 v3, $0x1  }
0x17f: {  	v3 =	vand.u32 $0x7, v3;
	v4 =	vand.u32 $0xFFFFFFF0, v63  }
0x180: {  	v3 =	vor.u32 v3, v4  }
0x181: {  	v4 =	vperm.xlane v3, v0;
	_ =	sdelay $0x1  }
0x182: {  	v3 =	vperm.xlane v3, v2;
	v4 =	vadd.s32 v1, v4;
	_ =	sdelay $0x1  }
0x183: {  	v3 =	vadd.s32 v1, v3;
	_ =	sdelay $0x1  }
0x184: {  	s17 =	simm.s32 $0xB200  }
0x185: {  	[tilespmem:s17], [sflag:$0x3] =	stream.indirect_vreg.gather [hbm4b:s2+s3], $0x80, v4, vm0, $0xb8;
	[tilespmem:$0x14200] =	vst v63  }
0x186: {  	s18 =	simm.s32 $0xBA00;
	s17 =	simm.s32 $0x4  }
0x187: {  	[tilespmem:s18], [sflag:$0x3] =	stream.indirect_vreg.gather [hbm4b:s2+s3], $0x80, v3, vm0, $0xb8;
	[tilespmem:$0x14200] =	vst v63  }
0x188: {  	_ =	swait.ge [sflag:s17], $0x4000  }
0x189: {  	[sflag:s17] =	ssyncset.done $0x0  }
0x18a: {  	s18 =	rddreg [dreg:$0x7];
	[sflag:s17] =	ssyncadd.s32 $0xFFFFC000;
	s17 =	simm.s32 $0x5  }
0x18b: {  	[hbm4b:s18+s3] =	stream.linear.scatter [tilespmem:s15], [sflag:$0x9], $0x4000, $0x38;
	[tilespmem:$0x14200] =	vst v63  }
0x18c: {  	_ =	swait.ge [sflag:s17], $0x4000  }
0x18d: {  	[sflag:s17] =	ssyncset.done $0x0  }
0x18e: {  	s18 =	rddreg [dreg:$0x8];
	[sflag:s17] =	ssyncadd.s32 $0xFFFFC000  }
0x18f: {  	[hbm4b:s18+s3] =	stream.linear.scatter [tilespmem:s1], [sflag:$0xA], $0x4000, $0x38;
	[tilespmem:$0x14200] =	vst v63  }
0x190: {  	_ =	swait.ge [sflag:s6], $0x4000  }
0x191: {  	[sflag:s6] =	ssyncset.done $0x0  }
0x192: {  	s18 =	rddreg [dreg:$0x9];
	[sflag:s6] =	ssyncadd.s32 $0xFFFFC000  }
0x193: {  	[hbm4b:s18+s3] =	stream.linear.scatter [tilespmem:s14], [sflag:$0x6], $0x4000, $0x38;
	[tilespmem:$0x14200] =	vst v63  }
0x194: {  	_ =	swait.ge [sflag:s8], $0x4000  }
0x195: {  	[sflag:s8] =	ssyncset.done $0x0  }
0x196: {  	s1 =	rddreg [dreg:$0xa];
	[sflag:s8] =	ssyncadd.s32 $0xFFFFC000  }
0x197: {  	[hbm4b:s1+s3] =	stream.linear.scatter [tilespmem:s22], [sflag:$0x7], $0x4000, $0x38;
	[tilespmem:$0x14200] =	vst v63  }
0x198: {  	_ =	swait.ge [sflag:s10], $0x4000  }
0x199: {  	[sflag:s10] =	ssyncset.done $0x0  }
0x19a: {  	s17 =	simm.s32 $0x9;
	s5 =	rddreg [dreg:$0xb];
	[sflag:s10] =	ssyncadd.s32 $0xFFFFC000  }
0x19b: {  	[hbm4b:s5+s3] =	stream.linear.scatter [tilespmem:s0], [sflag:$0x8], $0x4000, $0x38;
	[tilespmem:$0x14200] =	vst v63  }
0x19c: {  	_ =	swait.ge [sflag:s17], $0x4000  }
0x19d: {  	[sflag:s17] =	ssyncset.done $0x0  }
0x19e: {  	s18 =	simm.s32 $0xA;
	[sflag:s17] =	ssyncadd.s32 $0xFFFFC000  }
0x19f: {  	_ =	swait.ge [sflag:s18], $0x4000  }
0x1a0: {  	[sflag:s18] =	ssyncset.done $0x0  }
0x1a1: {  	[sflag:s18] =	ssyncadd.s32 $0xFFFFC000  }
0x1a2: {  	_ =	swait.ge [sflag:s7], $0x4000  }
0x1a3: {  	[sflag:s7] =	ssyncset.done $0x0  }
0x1a4: {  	[sflag:s7] =	ssyncadd.s32 $0xFFFFC000  }
0x1a5: {  	p0 =	sne.s32 s4, $0x1;
	_ =	swait.ge [sflag:s9], $0x4000  }
.Ltmp0:
0x1a6: {  	[sflag:s9] =	ssyncset.done $0x0;
	(pc) =	sbr.rel @p0 .LBB2_1-.Ltmp0, $4  }
0x1a7: {  	[sflag:s9] =	ssyncadd.s32 $0xFFFFC000  }
0x1a8: {  	_ =	swait.ge [sflag:s11], $0x4000  }
0x1a9: {  	[sflag:s11] =	ssyncset.done $0x0  }
0x1aa: {  	s4 =	sadd.s32 $0xFFFFFFFF, s4;
	[sflag:s11] =	ssyncadd.s32 $0xFFFFC000  }
0x1ab: {  	_ =	sfence.sel $0x180000  }
0x1ac: {  	[bflag:$0x0] =	sbarrier.arrive $0xFFFF  }
0x1ad: {  	_ =	strace $0x9000004A  }
0x1ae: {  	s0 =	stileid.u32;
	[bflag:$0x2] =	sbarrier.arrive $0xFFFF  }
0x1af: {  	p0 =	sne.s32 s0, $0x0;
	s0 =	rddreg [dreg:$0x2]  }
0x1b0: {  	s0 =	sadd.s32 @!p0 $0x100000, s0  }
0x1b1: {  	[sflag:s0] =	ssyncadd.tile.s32 @!p0 $0x1;
	_ =	shalt  }
.Lfunc_end2:
_tile_overlayer_lowered:
.L_overlay_start_2:
0x1b2: {  	(tag) =	ssettag $0x2  }
0x1b3: {  	s0 =	rddreg [dreg:$0x0];
	s2 =	stileid.u32  }
0x1b4: {  	s1 =	rddreg [dreg:$0x1];
	p0 =	sne.s32 s2, $0x0  }
0x1b5: {  	s3 =	rddreg [dreg:$0x2];
	[bflag:$0x3] =	sbarrier.arrive $0xFFFF;
	s2 =	simm.s32 @!p0 $0x1C0B  }
0x1b6: {  	[timem:s3], [sflag:s2] =	dma.local @!p0 [hbm:s0], s1  }
0x1b7: {  	s0 =	simm.s32 @!p0 $0xB  }
0x1b8: {  	_ =	swait.ge @!p0 [sflag:s0], s1  }
0x1b9: {  	s1 =	ssub.s32 @!p0 $0x0, s1;
	[sflag:s0] =	ssyncset.done @!p0 $0x0  }
0x1ba: {  	[sflag:s0] =	ssyncadd.s32 @!p0 s1  }
0x1bb: {  	[bflag:$0x3] =	sbarrier.arrive $0xFFFF  }
0x1bc: {  	_ =	shalt  }

</sc_bundles>
